<compile_context>
chip_gen: v7x
topology: tpu7x:2x2x1
jax: 0.10.2.dev20260603
libtpu: 0.0.44.dev20260713+nightly
codegen_flags: <defaults>
</compile_context>

<pallas_src>
import functools

import jax
import jax.numpy as jnp
from jax import lax
from jax.experimental import pallas as pl
from jax.experimental.pallas import tpu as pltpu
from jax.experimental.pallas import tpu_sc as plsc

NUM_CLASSES = 80
PRE_NMS_TOP_N = 1000
POST_NMS_TOP_N = 100
IOU_THR = 0.6
SCORE_THR = 0.05
CLASS_OFFSET = 4096.0

B = 2
K = 20000
KP = 20480
ROWS = 160
LANES = 128
BLK = 2000
BLKP = 2048
KB = K // BLK

NSUB = 16
NSCAT = 10
CHUNK = KP // NSCAT
NV = CHUNK // 16
SLOTS = 1024
SV = SLOTS // 16
SUBSLOTS = SLOTS // NSUB
CROWS = SLOTS // LANES


def _map_kernel(cls_ref, loc_ref, ctr_ref, locs_ref, score_ref, label_ref,
                box_ref):
  cls = cls_ref[0]
  ctr = ctr_ref[0]
  prob = jax.nn.sigmoid(cls) * jax.nn.sigmoid(ctr)
  m = jnp.max(prob, axis=1)
  lane = jax.lax.broadcasted_iota(jnp.int32, prob.shape, 1)
  amax = jnp.min(jnp.where(prob == m[:, None], lane, NUM_CLASSES), axis=1)
  zpad = jnp.zeros((BLKP - BLK,), jnp.float32)
  score_ref[0] = jnp.concatenate([m, zpad]).reshape(BLKP // LANES, LANES)
  label_ref[0] = jnp.concatenate([amax.astype(jnp.float32), zpad]).reshape(
      BLKP // LANES, LANES)
  off = loc_ref[0]
  lx = locs_ref[:, 0]
  ly = locs_ref[:, 1]
  x1 = lx - off[:, 0]
  y1 = ly - off[:, 1]
  x2 = lx + off[:, 2]
  y2 = ly + off[:, 3]
  bx = jnp.stack([x1, y1, x2, y2], axis=0)
  box_ref[0] = jnp.pad(bx, ((0, 0), (0, BLKP - BLK))).reshape(
      4, BLKP // LANES, LANES)


def _select_kernel(score_ref, pos_ref):
  scores = score_ref[0]
  u = jax.lax.bitcast_convert_type(scores, jnp.int32)

  def bit_body(i, lo):
    t = lo + jnp.left_shift(jnp.int32(1), 30 - i)
    c = jnp.sum((u >= t).astype(jnp.int32))
    return jnp.where(c >= PRE_NMS_TOP_N, t, lo)

  thr = jax.lax.fori_loop(0, 31, bit_body, jnp.int32(0))
  gt = (u > thr)
  n_gt = jnp.sum(gt.astype(jnp.int32))
  need = PRE_NMS_TOP_N - n_gt
  tie = (u == thr)
  r_iota = jax.lax.broadcasted_iota(jnp.int32, (ROWS, ROWS), 0)
  c_iota = jax.lax.broadcasted_iota(jnp.int32, (ROWS, ROWS), 1)
  strict_l = (c_iota < r_iota).astype(jnp.float32)
  r2 = jax.lax.broadcasted_iota(jnp.int32, (LANES, LANES), 0)
  c2 = jax.lax.broadcasted_iota(jnp.int32, (LANES, LANES), 1)
  strict_u = (r2 < c2).astype(jnp.float32)

  def rank_of(mask):
    mf = mask.astype(jnp.float32)
    row_cnt = jnp.dot(mf, jnp.ones((LANES, 1), jnp.float32),
                      preferred_element_type=jnp.float32)
    row_pref = jnp.dot(strict_l, row_cnt,
                       preferred_element_type=jnp.float32)
    lane_pref = jnp.dot(mf, strict_u,
                        preferred_element_type=jnp.float32)
    return row_pref + lane_pref

  tie_rank = rank_of(tie)
  sel = gt | (tie & (tie_rank < need.astype(jnp.float32)))
  pos = rank_of(sel).astype(jnp.int32)
  pos_ref[0] = jnp.where(sel, pos, -1)


CROWS_PER_SUB = ROWS // NSCAT


def _sc_compact_body(pos_hbm, score_hbm, label_hbm, box_hbm, out_hbm,
                     pos_v, buf_v, rows_v, comb_v, idx2_v, plane_v, gout_v,
                     sh1):
  cid = lax.axis_index("c")
  sid = lax.axis_index("s")
  base = pl.multiple_of(sid * CHUNK, 8)

  def zero_body(i, carry):
    buf_v[pl.ds(pl.multiple_of(i * 16, 16), 16)] = jnp.zeros((16,), jnp.int32)
    return carry

  lax.fori_loop(0, SV, zero_body, 0)
  lane16 = lax.iota(jnp.int32, 16)

  @pl.when(sid < NSCAT)
  def _scatter():
    roff = pl.multiple_of(sid * CROWS_PER_SUB, 8)
    pltpu.sync_copy(pos_hbm.at[cid, pl.ds(roff, CROWS_PER_SUB), :], pos_v)
    for j in range(NV):
      p = pos_v[j // 8, pl.ds((j % 8) * 16, 16)]
      e = base + j * 16 + lane16
      plsc.store_scatter(buf_v, [p], e, mask=p >= 0)

  pltpu.sync_copy(buf_v, sh1.at[sid])
  plsc.subcore_barrier()

  soff = pl.multiple_of(sid * SUBSLOTS, 8)
  for r in range(NSUB):
    pltpu.sync_copy(sh1.at[r, pl.ds(soff, SUBSLOTS)], rows_v.at[r])
  for v in range(SUBSLOTS // 16):
    acc = jnp.zeros((16,), jnp.int32)
    for r in range(NSUB):
      acc = acc + rows_v[r, pl.ds(v * 16, 16)]
    comb_v[pl.ds(v * 16, 16)] = acc
  for v in range(SUBSLOTS // 16, 128 // 16):
    comb_v[pl.ds(v * 16, 16)] = jnp.zeros((16,), jnp.int32)
  plsc.subcore_barrier()
  pltpu.sync_copy(comb_v, sh1.at[sid, pl.ds(0, 128)])
  plsc.subcore_barrier()

  @pl.when(sid < 6)
  def _gather():
    for r in range(NSUB):
      pltpu.sync_copy(sh1.at[r, pl.ds(0, SUBSLOTS)], idx2_v.at[r])
    for ch in range(4):
      @pl.when(sid == ch)
      def _load_box(ch=ch):
        pltpu.sync_copy(box_hbm.at[cid, ch], plane_v)
    @pl.when(sid == 4)
    def _load_score():
      pltpu.sync_copy(score_hbm.at[cid], plane_v)
    @pl.when(sid == 5)
    def _load_label():
      pltpu.sync_copy(label_hbm.at[cid], plane_v)
    for g in range(SV):
      iv = idx2_v[g // 4, pl.ds((g % 4) * 16, 16)]
      gout_v[g // 8, pl.ds((g % 8) * 16, 16)] = plsc.load_gather(
          plane_v, [jnp.right_shift(iv, 7), jnp.bitwise_and(iv, LANES - 1)])
    pltpu.sync_copy(gout_v, out_hbm.at[cid, sid])


@functools.cache
def _sc_compact():
  return pl.kernel(
      _sc_compact_body,
      mesh=plsc.VectorSubcoreMesh(core_axis_name="c", subcore_axis_name="s"),
      compiler_params=pltpu.CompilerParams(needs_layout_passes=False),
      out_type=jax.ShapeDtypeStruct((B, 6, CROWS, LANES), jnp.float32),
      scratch_types=[
          pltpu.VMEM((CROWS_PER_SUB, LANES), jnp.int32),
          pltpu.VMEM((SLOTS,), jnp.int32),
          pltpu.VMEM((NSUB, SUBSLOTS), jnp.int32),
          pltpu.VMEM((128,), jnp.int32),
          pltpu.VMEM((NSUB, SUBSLOTS), jnp.int32),
          pltpu.VMEM((ROWS, LANES), jnp.float32),
          pltpu.VMEM((CROWS, LANES), jnp.float32),
          pltpu.VMEM_SHARED((NSUB, SLOTS), jnp.int32),
      ],
  )


def _nms_kernel(cpt_ref, out_ref):
  x1 = cpt_ref[0, 0]
  y1 = cpt_ref[0, 1]
  x2 = cpt_ref[0, 2]
  y2 = cpt_ref[0, 3]
  scores = cpt_ref[0, 4]
  labels = cpt_ref[0, 5]
  lin = (jax.lax.broadcasted_iota(jnp.int32, (CROWS, LANES), 0) * LANES
         + jax.lax.broadcasted_iota(jnp.int32, (CROWS, LANES), 1))
  valid = lin < PRE_NMS_TOP_N
  s0 = jnp.where(valid & (scores > SCORE_THR), scores, -1e9)
  offs = labels * CLASS_OFFSET
  x1o = x1 + offs
  y1o = y1 + offs
  x2o = x2 + offs
  y2o = y2 + offs
  areas = jnp.maximum(x2o - x1o, 0.0) * jnp.maximum(y2o - y1o, 0.0)
  lane_i = jax.lax.broadcasted_iota(jnp.int32, (1, LANES), 1)

  def body(i, s):
    sc = jnp.max(s)
    il = jnp.min(jnp.where(s == sc, lin, jnp.int32(2**30)))
    r = il // LANES
    c = il % LANES

    def pick(row):
      return jnp.sum(jnp.where(lane_i == c, row, 0.0))

    bx1 = pick(cpt_ref[0, 0, pl.ds(r, 1), :])
    by1 = pick(cpt_ref[0, 1, pl.ds(r, 1), :])
    bx2 = pick(cpt_ref[0, 2, pl.ds(r, 1), :])
    by2 = pick(cpt_ref[0, 3, pl.ds(r, 1), :])
    lab = pick(cpt_ref[0, 5, pl.ds(r, 1), :])
    det = jnp.concatenate([
        jnp.full((1, 1), v, jnp.float32)
        for v in (bx1, by1, bx2, by2, sc, lab)
    ], axis=1)
    det = jnp.where(sc > -1e8, det, jnp.zeros_like(det))
    out_ref[0, pl.ds(i, 1), :] = det
    o = lab * CLASS_OFFSET
    b0 = bx1 + o
    b1 = by1 + o
    b2 = bx2 + o
    b3 = by2 + o
    xx1 = jnp.maximum(b0, x1o)
    yy1 = jnp.maximum(b1, y1o)
    xx2 = jnp.minimum(b2, x2o)
    yy2 = jnp.minimum(b3, y2o)
    inter = jnp.maximum(xx2 - xx1, 0.0) * jnp.maximum(yy2 - yy1, 0.0)
    a = jnp.maximum(b2 - b0, 0.0) * jnp.maximum(b3 - b1, 0.0)
    iou = inter / (a + areas - inter + 1e-9)
    s = jnp.where(iou > IOU_THR, -1e9, s)
    s = jnp.where(lin == il, -1e9, s)
    return s

  jax.lax.fori_loop(0, POST_NMS_TOP_N, body, s0)


@jax.jit
def kernel(cls_pred, loc_pred, ctr_pred, locations):
  scores, labels, boxes = pl.pallas_call(
      _map_kernel,
      grid=(B, KB),
      in_specs=[
          pl.BlockSpec((1, BLK, NUM_CLASSES), lambda b, k: (b, k, 0)),
          pl.BlockSpec((1, BLK, 4), lambda b, k: (b, k, 0)),
          pl.BlockSpec((1, BLK, 1), lambda b, k: (b, k, 0)),
          pl.BlockSpec((BLK, 2), lambda b, k: (k, 0)),
      ],
      out_specs=[
          pl.BlockSpec((1, BLKP // LANES, LANES), lambda b, k: (b, k, 0)),
          pl.BlockSpec((1, BLKP // LANES, LANES), lambda b, k: (b, k, 0)),
          pl.BlockSpec((1, 4, BLKP // LANES, LANES),
                       lambda b, k: (b, 0, k, 0)),
      ],
      out_shape=[
          jax.ShapeDtypeStruct((B, ROWS, LANES), jnp.float32),
          jax.ShapeDtypeStruct((B, ROWS, LANES), jnp.float32),
          jax.ShapeDtypeStruct((B, 4, ROWS, LANES), jnp.float32),
      ],
  )(cls_pred, loc_pred, ctr_pred, locations)

  pos = pl.pallas_call(
      _select_kernel,
      grid=(B,),
      in_specs=[pl.BlockSpec((1, ROWS, LANES), lambda b: (b, 0, 0))],
      out_specs=pl.BlockSpec((1, ROWS, LANES), lambda b: (b, 0, 0)),
      out_shape=jax.ShapeDtypeStruct((B, ROWS, LANES), jnp.int32),
  )(scores)

  compact = _sc_compact()(pos, scores, labels, boxes)

  dets = pl.pallas_call(
      _nms_kernel,
      grid=(B,),
      in_specs=[pl.BlockSpec((1, 6, CROWS, LANES), lambda b: (b, 0, 0, 0))],
      out_specs=pl.BlockSpec((1, POST_NMS_TOP_N, 6), lambda b: (b, 0, 0)),
      out_shape=jax.ShapeDtypeStruct((B, POST_NMS_TOP_N, 6), jnp.float32),
  )(compact)
  return dets

# --- scband reference (transcript-rebuilt; emitter-appended) ---
"""Pipeline reference for scband-fcos-post-process-24257975288271 (READ-ONLY COPY).

The authoritative reference and input builder live on the scoring server;
editing this copy changes nothing except your own understanding.
"""

import jax, jax.numpy as jnp
import numpy as np

NUM_CLASSES = 80
PRE_NMS_TOP_N = 1000
POST_NMS_TOP_N = 100
IOU_THR = 0.6
SCORE_THR = 0.05
CLASS_OFFSET = 4096.0


def setup_inputs(seed: int = 0):
    key = jax.random.key(seed)
    k1, k2, k3, k4 = jax.random.split(key, 4)
    B, K, C = 2, 20000, NUM_CLASSES
    cls_pred = jax.random.normal(k1, (B, K, C), dtype=jnp.float32)
    loc_pred = jax.random.uniform(k2, (B, K, 4), dtype=jnp.float32) * 64.0
    ctr_pred = jax.random.normal(k3, (B, K, 1), dtype=jnp.float32)
    locations = jax.random.uniform(k4, (K, 2), dtype=jnp.float32) * 512.0
    return {"cls_pred": cls_pred, "loc_pred": loc_pred, "ctr_pred": ctr_pred, "locations": locations}


def _fcos_offset2bbox(locations, offset):
    # locations: [K, 2]; offset: [B, K, 4] (l, t, r, b)
    x1 = locations[:, 0][None, :] - offset[..., 0]
    y1 = locations[:, 1][None, :] - offset[..., 1]
    x2 = locations[:, 0][None, :] + offset[..., 2]
    y2 = locations[:, 1][None, :] + offset[..., 3]
    return jnp.stack([x1, y1, x2, y2], axis=-1)


def _nms_single(boxes_off, boxes, scores, labels):
    # boxes_off: [N, 4] class-offset boxes for IoU; boxes: [N, 4] original; scores/labels: [N]
    areas = jnp.maximum(boxes_off[:, 2] - boxes_off[:, 0], 0.0) * jnp.maximum(boxes_off[:, 3] - boxes_off[:, 1], 0.0)

    def body(i, carry):
        s, out = carry
        idx = jnp.argmax(s)
        sc = s[idx]
        b = boxes_off[idx]
        det = jnp.concatenate([boxes[idx], sc[None], labels[idx][None]])
        det = jnp.where(sc > -1e8, det, jnp.zeros_like(det))
        out = out.at[i].set(det)
        xx1 = jnp.maximum(b[0], boxes_off[:, 0])
        yy1 = jnp.maximum(b[1], boxes_off[:, 1])
        xx2 = jnp.minimum(b[2], boxes_off[:, 2])
        yy2 = jnp.minimum(b[3], boxes_off[:, 3])
        inter = jnp.maximum(xx2 - xx1, 0.0) * jnp.maximum(yy2 - yy1, 0.0)
        a = jnp.maximum(b[2] - b[0], 0.0) * jnp.maximum(b[3] - b[1], 0.0)
        iou = inter / (a + areas - inter + 1e-9)
        s = jnp.where(iou > IOU_THR, -1e9, s)
        s = s.at[idx].set(-1e9)
        return (s, out)

    out0 = jnp.zeros((POST_NMS_TOP_N, 6), dtype=boxes.dtype)
    _, out = jax.lax.fori_loop(0, POST_NMS_TOP_N, body, (scores, out0))
    return out


def reference(cls_pred, loc_pred, ctr_pred, locations):
    # apply_activation_and_centerness: sigmoid class activation * sigmoid centerness
    cls_prob = jax.nn.sigmoid(cls_pred) * jax.nn.sigmoid(ctr_pred)  # [B, K, C]
    # decode FCOS offsets to boxes (fcos_offset2bbox)
    boxes = _fcos_offset2bbox(locations, loc_pred)  # [B, K, 4]
    # predictor: per-location best class, pre-NMS top-k, score threshold, class-aware NMS
    scores_all = jnp.max(cls_prob, axis=-1)  # [B, K]
    labels_all = jnp.argmax(cls_prob, axis=-1).astype(jnp.float32)  # [B, K]
    top_scores, top_idx = jax.lax.top_k(scores_all, PRE_NMS_TOP_N)  # [B, 1000]
    top_boxes = jnp.take_along_axis(boxes, top_idx[..., None], axis=1)  # [B, 1000, 4]
    top_labels = jnp.take_along_axis(labels_all, top_idx, axis=1)  # [B, 1000]
    top_scores = jnp.where(top_scores > SCORE_THR, top_scores, -1e9)
    boxes_off = top_boxes + top_labels[..., None] * CLASS_OFFSET
    dets = jax.vmap(_nms_single)(boxes_off, top_boxes, top_scores, top_labels)  # [B, 100, 6]
    return dets


if False:  # reference __main__ guard neutralized (emitter)
    out = reference(**setup_inputs())
    print(out.shape)

if __name__ == "__main__":
    import jax
    _d = setup_inputs()
    print(jax.jit(kernel)(*tuple(_d.values())))

</pallas_src>

<mosaic_0001>
#map = affine_map<(d0, d1) -> (0, 0, 0)>
#map1 = affine_map<(d0, d1) -> (0, 0, 0, 0)>
module attributes {stable_mosaic.version = 14 : i64} {
  func.func @_sc_compact_body(%arg0: i32, %arg1: i32, %arg2: memref<2x160x128xi32, #tpu.memory_space<hbm>>, %arg3: memref<2x160x128xf32, #tpu.memory_space<hbm>>, %arg4: memref<2x160x128xf32, #tpu.memory_space<hbm>>, %arg5: memref<2x4x160x128xf32, #tpu.memory_space<hbm>>, %arg6: memref<2x6x8x128xf32, #tpu.memory_space<hbm>>, %arg7: memref<16x128xi32, #tpu.memory_space<vmem>>, %arg8: memref<1024xi32, #tpu.memory_space<vmem>>, %arg9: memref<16x64xi32, #tpu.memory_space<vmem>>, %arg10: memref<128xi32, #tpu.memory_space<vmem>>, %arg11: memref<16x64xi32, #tpu.memory_space<vmem>>, %arg12: memref<160x128xf32, #tpu.memory_space<vmem>>, %arg13: memref<8x128xf32, #tpu.memory_space<vmem>>, %arg14: memref<16x1024xi32, #tpu.memory_space<vmem_shared>>) attributes {dimension_semantics = [#tpu.dimension_semantics<core_parallel>, #tpu.dimension_semantics<subcore_parallel>], iteration_bounds = array<i64: 2, 16>, scalar_prefetch = 0 : i64, scratch_operands = 8 : i64, tpu.core_type = #tpu.core_type<sc_vector_subcore>, window_params = [{transform_indices = #map}, {transform_indices = #map}, {transform_indices = #map}, {transform_indices = #map1}, {transform_indices = #map1}]} {
    %mul3A = arith.constant 2048 : i32
    %mul3A_0 = arith.muli %arg1, %mul3A : i32
    %multiple_of3A = tpu.assume_multiple %mul3A_0, 8 : i32
    %scan3A = arith.constant 0 : i32
    %scan3A_1 = arith.constant 0 : i32
    %scan3A_2 = arith.constant 64 : i32
    %scan3A_3 = arith.addi %scan3A_1, %scan3A_2 : i32
    %scan3A_4 = arith.constant 1 : i32
    scf.for %scan3A_397 = %scan3A_1 to %scan3A_3 step %scan3A_4  : i32 {
      %broadcast_in_dim3A_398 = arith.constant 0 : i32
      %broadcast_in_dim3A_399 = vector.broadcast %broadcast_in_dim3A_398 : i32 to vector<16xi32>
      %mul3A_400 = arith.constant 16 : i32
      %mul3A_401 = arith.muli %scan3A_397, %mul3A_400 : i32
      %multiple_of3A_402 = tpu.assume_multiple %mul3A_401, 16 : i32
      %swap3A_403 = arith.index_cast %multiple_of3A_402 : i32 to index
      %swap3A_404 = tpu.vector_load %arg8[%swap3A_403] {strides = array<i32>} : memref<1024xi32, #tpu.memory_space<vmem>>, vector<16xi32>,
      tpu.vector_store %arg8[%swap3A_403], %broadcast_in_dim3A_399 {strides = array<i32>} : memref<1024xi32, #tpu.memory_space<vmem>>, vector<16xi32>,
    }
    %scan3A_5 = arith.constant 64 : i32
    %iota3A = tpu.iota {dimensions = array<i32: 0>} : vector<16xi32>
    %lt3A = arith.constant 10 : i32
    %lt3A_6 = arith.cmpi slt, %arg1, %lt3A : i32
    %convert_element_type3A = arith.extui %lt3A_6 : i1 to i32
    %cond3A = arith.constant 0 : i32
    %cond3A_7 = arith.cmpi ne, %convert_element_type3A, %cond3A : i32
    scf.if %cond3A_7 {
      %mul3A_397 = arith.constant 16 : i32
      %mul3A_398 = arith.muli %arg1, %mul3A_397 : i32
      %multiple_of3A_399 = tpu.assume_multiple %mul3A_398, 8 : i32
      "tpu.region"() ({
        %run_scoped3A_1807 = tpu.sem_alloc : memref<!tpu.dma_semaphore, #tpu.memory_space<semaphore_mem>>
        %dma_start3A = arith.constant 0 : i32
        %dma_start3A_1808 = tpu.memref_slice %arg2[%arg0, %multiple_of3A_399, %dma_start3A] : memref<2x160x128xi32, #tpu.memory_space<hbm>> -> memref<1x16x128xi32, #tpu.memory_space<hbm>>
        %dma_start3A_1809 = tpu.memref_squeeze %dma_start3A_1808 : memref<1x16x128xi32, #tpu.memory_space<hbm>> -> memref<16x128xi32, #tpu.memory_space<hbm>>
        %dma_start3A_1810 = arith.constant 0 : i32
        %dma_start3A_1811 = tpu.memref_slice %arg2[%arg0, %multiple_of3A_399, %dma_start3A_1810] : memref<2x160x128xi32, #tpu.memory_space<hbm>> -> memref<1x16x128xi32, #tpu.memory_space<hbm>>
        %dma_start3A_1812 = tpu.memref_squeeze %dma_start3A_1811 : memref<1x16x128xi32, #tpu.memory_space<hbm>> -> memref<16x128xi32, #tpu.memory_space<hbm>>
        tpu.enqueue_dma source(%dma_start3A_1812 : memref<16x128xi32, #tpu.memory_space<hbm>>) target(%arg7 : memref<16x128xi32, #tpu.memory_space<vmem>>) target_semaphore(%run_scoped3A_1807 : memref<!tpu.dma_semaphore, #tpu.memory_space<semaphore_mem>>)
        %dma_wait3A = arith.constant 0 : i32
        %dma_wait3A_1813 = tpu.memref_slice %arg2[%arg0, %multiple_of3A_399, %dma_wait3A] : memref<2x160x128xi32, #tpu.memory_space<hbm>> -> memref<1x16x128xi32, #tpu.memory_space<hbm>>
        %dma_wait3A_1814 = tpu.memref_squeeze %dma_wait3A_1813 : memref<1x16x128xi32, #tpu.memory_space<hbm>> -> memref<16x128xi32, #tpu.memory_space<hbm>>
        %dma_wait3A_1815 = arith.constant 0 : i32
        %dma_wait3A_1816 = tpu.memref_slice %arg2[%arg0, %multiple_of3A_399, %dma_wait3A_1815] : memref<2x160x128xi32, #tpu.memory_space<hbm>> -> memref<1x16x128xi32, #tpu.memory_space<hbm>>
        %dma_wait3A_1817 = tpu.memref_squeeze %dma_wait3A_1816 : memref<1x16x128xi32, #tpu.memory_space<hbm>> -> memref<16x128xi32, #tpu.memory_space<hbm>>
        tpu.wait_dma2 semaphore(%run_scoped3A_1807 : memref<!tpu.dma_semaphore, #tpu.memory_space<semaphore_mem>>) src(%dma_wait3A_1817 : memref<16x128xi32, #tpu.memory_space<hbm>>) dst(%arg7 : memref<16x128xi32, #tpu.memory_space<vmem>>)
        tpu.yield
      }) : () -> ()
      %get3A_400 = arith.constant 0 : i32
      %get3A_401 = arith.index_cast %get3A_400 : i32 to index
      %get3A_402 = arith.constant 0 : index
      %get3A_403 = tpu.vector_load %arg7[%get3A_401, %get3A_402] {strides = array<i32>} : memref<16x128xi32, #tpu.memory_space<vmem>>, vector<16xi32>,
      %add3A_404 = arith.constant 0 : i32
      %add3A_405 = arith.addi %multiple_of3A, %add3A_404 : i32
      %add3A_406 = vector.broadcast %add3A_405 : i32 to vector<16xi32>
      %add3A_407 = arith.addi %add3A_406, %iota3A : vector<16xi32>
      %ge3A = arith.constant 0 : i32
      %ge3A_408 = vector.broadcast %ge3A : i32 to vector<16xi32>
      %ge3A_409 = arith.cmpi sge, %get3A_403, %ge3A_408 : vector<16xi32>
      tpu.vector_store_idx %arg8[%get3A_403], %add3A_407 masked %ge3A_409 : memref<1024xi32, #tpu.memory_space<vmem>>[vector<16xi32>], vector<16xi32>, vector<16xi1>
      %get3A_410 = arith.constant 0 : i32
      %get3A_411 = arith.index_cast %get3A_410 : i32 to index
      %get3A_412 = arith.constant 16 : index
      %get3A_413 = tpu.vector_load %arg7[%get3A_411, %get3A_412] {strides = array<i32>} : memref<16x128xi32, #tpu.memory_space<vmem>>, vector<16xi32>,
      %add3A_414 = arith.constant 16 : i32
      %add3A_415 = arith.addi %multiple_of3A, %add3A_414 : i32
      %add3A_416 = vector.broadcast %add3A_415 : i32 to vector<16xi32>
      %add3A_417 = arith.addi %add3A_416, %iota3A : vector<16xi32>
      %ge3A_418 = arith.constant 0 : i32
      %ge3A_419 = vector.broadcast %ge3A_418 : i32 to vector<16xi32>
      %ge3A_420 = arith.cmpi sge, %get3A_413, %ge3A_419 : vector<16xi32>
      tpu.vector_store_idx %arg8[%get3A_413], %add3A_417 masked %ge3A_420 : memref<1024xi32, #tpu.memory_space<vmem>>[vector<16xi32>], vector<16xi32>, vector<16xi1>
      %get3A_421 = arith.constant 0 : i32
      %get3A_422 = arith.index_cast %get3A_421 : i32 to index
      %get3A_423 = arith.constant 32 : index
      %get3A_424 = tpu.vector_load %arg7[%get3A_422, %get3A_423] {strides = array<i32>} : memref<16x128xi32, #tpu.memory_space<vmem>>, vector<16xi32>,
      %add3A_425 = arith.constant 32 : i32
      %add3A_426 = arith.addi %multiple_of3A, %add3A_425 : i32
      %add3A_427 = vector.broadcast %add3A_426 : i32 to vector<16xi32>
      %add3A_428 = arith.addi %add3A_427, %iota3A : vector<16xi32>
      %ge3A_429 = arith.constant 0 : i32
      %ge3A_430 = vector.broadcast %ge3A_429 : i32 to vector<16xi32>
      %ge3A_431 = arith.cmpi sge, %get3A_424, %ge3A_430 : vector<16xi32>
      tpu.vector_store_idx %arg8[%get3A_424], %add3A_428 masked %ge3A_431 : memref<1024xi32, #tpu.memory_space<vmem>>[vector<16xi32>], vector<16xi32>, vector<16xi1>
      %get3A_432 = arith.constant 0 : i32
      %get3A_433 = arith.index_cast %get3A_432 : i32 to index
      %get3A_434 = arith.constant 48 : index
      %get3A_435 = tpu.vector_load %arg7[%get3A_433, %get3A_434] {strides = array<i32>} : memref<16x128xi32, #tpu.memory_space<vmem>>, vector<16xi32>,
      %add3A_436 = arith.constant 48 : i32
      %add3A_437 = arith.addi %multiple_of3A, %add3A_436 : i32
      %add3A_438 = vector.broadcast %add3A_437 : i32 to vector<16xi32>
      %add3A_439 = arith.addi %add3A_438, %iota3A : vector<16xi32>
      %ge3A_440 = arith.constant 0 : i32
      %ge3A_441 = vector.broadcast %ge3A_440 : i32 to vector<16xi32>
      %ge3A_442 = arith.cmpi sge, %get3A_435, %ge3A_441 : vector<16xi32>
      tpu.vector_store_idx %arg8[%get3A_435], %add3A_439 masked %ge3A_442 : memref<1024xi32, #tpu.memory_space<vmem>>[vector<16xi32>], vector<16xi32>, vector<16xi1>
      %get3A_443 = arith.constant 0 : i32
      %get3A_444 = arith.index_cast %get3A_443 : i32 to index
      %get3A_445 = arith.constant 64 : index
      %get3A_446 = tpu.vector_load %arg7[%get3A_444, %get3A_445] {strides = array<i32>} : memref<16x128xi32, #tpu.memory_space<vmem>>, vector<16xi32>,
      %add3A_447 = arith.constant 64 : i32
      %add3A_448 = arith.addi %multiple_of3A, %add3A_447 : i32
      %add3A_449 = vector.broadcast %add3A_448 : i32 to vector<16xi32>
      %add3A_450 = arith.addi %add3A_449, %iota3A : vector<16xi32>
      %ge3A_451 = arith.constant 0 : i32
      %ge3A_452 = vector.broadcast %ge3A_451 : i32 to vector<16xi32>
      %ge3A_453 = arith.cmpi sge, %get3A_446, %ge3A_452 : vector<16xi32>
      tpu.vector_store_idx %arg8[%get3A_446], %add3A_450 masked %ge3A_453 : memref<1024xi32, #tpu.memory_space<vmem>>[vector<16xi32>], vector<16xi32>, vector<16xi1>
      %get3A_454 = arith.constant 0 : i32
      %get3A_455 = arith.index_cast %get3A_454 : i32 to index
      %get3A_456 = arith.constant 80 : index
      %get3A_457 = tpu.vector_load %arg7[%get3A_455, %get3A_456] {strides = array<i32>} : memref<16x128xi32, #tpu.memory_space<vmem>>, vector<16xi32>,
      %add3A_458 = arith.constant 80 : i32
      %add3A_459 = arith.addi %multiple_of3A, %add3A_458 : i32
      %add3A_460 = vector.broadcast %add3A_459 : i32 to vector<16xi32>
      %add3A_461 = arith.addi %add3A_460, %iota3A : vector<16xi32>
      %ge3A_462 = arith.constant 0 : i32
      %ge3A_463 = vector.broadcast %ge3A_462 : i32 to vector<16xi32>
      %ge3A_464 = arith.cmpi sge, %get3A_457, %ge3A_463 : vector<16xi32>
      tpu.vector_store_idx %arg8[%get3A_457], %add3A_461 masked %ge3A_464 : memref<1024xi32, #tpu.memory_space<vmem>>[vector<16xi32>], vector<16xi32>, vector<16xi1>
      %get3A_465 = arith.constant 0 : i32
      %get3A_466 = arith.index_cast %get3A_465 : i32 to index
      %get3A_467 = arith.constant 96 : index
      %get3A_468 = tpu.vector_load %arg7[%get3A_466, %get3A_467] {strides = array<i32>} : memref<16x128xi32, #tpu.memory_space<vmem>>, vector<16xi32>,
      %add3A_469 = arith.constant 96 : i32
      %add3A_470 = arith.addi %multiple_of3A, %add3A_469 : i32
      %add3A_471 = vector.broadcast %add3A_470 : i32 to vector<16xi32>
      %add3A_472 = arith.addi %add3A_471, %iota3A : vector<16xi32>
      %ge3A_473 = arith.constant 0 : i32
      %ge3A_474 = vector.broadcast %ge3A_473 : i32 to vector<16xi32>
      %ge3A_475 = arith.cmpi sge, %get3A_468, %ge3A_474 : vector<16xi32>
      tpu.vector_store_idx %arg8[%get3A_468], %add3A_472 masked %ge3A_475 : memref<1024xi32, #tpu.memory_space<vmem>>[vector<16xi32>], vector<16xi32>, vector<16xi1>
      %get3A_476 = arith.constant 0 : i32
      %get3A_477 = arith.index_cast %get3A_476 : i32 to index
      %get3A_478 = arith.constant 112 : index
      %get3A_479 = tpu.vector_load %arg7[%get3A_477, %get3A_478] {strides = array<i32>} : memref<16x128xi32, #tpu.memory_space<vmem>>, vector<16xi32>,
      %add3A_480 = arith.constant 112 : i32
      %add3A_481 = arith.addi %multiple_of3A, %add3A_480 : i32
      %add3A_482 = vector.broadcast %add3A_481 : i32 to vector<16xi32>
      %add3A_483 = arith.addi %add3A_482, %iota3A : vector<16xi32>
      %ge3A_484 = arith.constant 0 : i32
      %ge3A_485 = vector.broadcast %ge3A_484 : i32 to vector<16xi32>
      %ge3A_486 = arith.cmpi sge, %get3A_479, %ge3A_485 : vector<16xi32>
      tpu.vector_store_idx %arg8[%get3A_479], %add3A_483 masked %ge3A_486 : memref<1024xi32, #tpu.memory_space<vmem>>[vector<16xi32>], vector<16xi32>, vector<16xi1>
      %get3A_487 = arith.constant 1 : i32
      %get3A_488 = arith.index_cast %get3A_487 : i32 to index
      %get3A_489 = arith.constant 0 : index
      %get3A_490 = tpu.vector_load %arg7[%get3A_488, %get3A_489] {strides = array<i32>} : memref<16x128xi32, #tpu.memory_space<vmem>>, vector<16xi32>,
      %add3A_491 = arith.constant 128 : i32
      %add3A_492 = arith.addi %multiple_of3A, %add3A_491 : i32
      %add3A_493 = vector.broadcast %add3A_492 : i32 to vector<16xi32>
      %add3A_494 = arith.addi %add3A_493, %iota3A : vector<16xi32>
      %ge3A_495 = arith.constant 0 : i32
      %ge3A_496 = vector.broadcast %ge3A_495 : i32 to vector<16xi32>
      %ge3A_497 = arith.cmpi sge, %get3A_490, %ge3A_496 : vector<16xi32>
      tpu.vector_store_idx %arg8[%get3A_490], %add3A_494 masked %ge3A_497 : memref<1024xi32, #tpu.memory_space<vmem>>[vector<16xi32>], vector<16xi32>, vector<16xi1>
      %get3A_498 = arith.constant 1 : i32
      %get3A_499 = arith.index_cast %get3A_498 : i32 to index
      %get3A_500 = arith.constant 16 : index
      %get3A_501 = tpu.vector_load %arg7[%get3A_499, %get3A_500] {strides = array<i32>} : memref<16x128xi32, #tpu.memory_space<vmem>>, vector<16xi32>,
      %add3A_502 = arith.constant 144 : i32
      %add3A_503 = arith.addi %multiple_of3A, %add3A_502 : i32
      %add3A_504 = vector.broadcast %add3A_503 : i32 to vector<16xi32>
      %add3A_505 = arith.addi %add3A_504, %iota3A : vector<16xi32>
      %ge3A_506 = arith.constant 0 : i32
      %ge3A_507 = vector.broadcast %ge3A_506 : i32 to vector<16xi32>
      %ge3A_508 = arith.cmpi sge, %get3A_501, %ge3A_507 : vector<16xi32>
      tpu.vector_store_idx %arg8[%get3A_501], %add3A_505 masked %ge3A_508 : memref<1024xi32, #tpu.memory_space<vmem>>[vector<16xi32>], vector<16xi32>, vector<16xi1>
      %get3A_509 = arith.constant 1 : i32
      %get3A_510 = arith.index_cast %get3A_509 : i32 to index
      %get3A_511 = arith.constant 32 : index
      %get3A_512 = tpu.vector_load %arg7[%get3A_510, %get3A_511] {strides = array<i32>} : memref<16x128xi32, #tpu.memory_space<vmem>>, vector<16xi32>,
      %add3A_513 = arith.constant 160 : i32
      %add3A_514 = arith.addi %multiple_of3A, %add3A_513 : i32
      %add3A_515 = vector.broadcast %add3A_514 : i32 to vector<16xi32>
      %add3A_516 = arith.addi %add3A_515, %iota3A : vector<16xi32>
      %ge3A_517 = arith.constant 0 : i32
      %ge3A_518 = vector.broadcast %ge3A_517 : i32 to vector<16xi32>
      %ge3A_519 = arith.cmpi sge, %get3A_512, %ge3A_518 : vector<16xi32>
      tpu.vector_store_idx %arg8[%get3A_512], %add3A_516 masked %ge3A_519 : memref<1024xi32, #tpu.memory_space<vmem>>[vector<16xi32>], vector<16xi32>, vector<16xi1>
      %get3A_520 = arith.constant 1 : i32
      %get3A_521 = arith.index_cast %get3A_520 : i32 to index
      %get3A_522 = arith.constant 48 : index
      %get3A_523 = tpu.vector_load %arg7[%get3A_521, %get3A_522] {strides = array<i32>} : memref<16x128xi32, #tpu.memory_space<vmem>>, vector<16xi32>,
      %add3A_524 = arith.constant 176 : i32
      %add3A_525 = arith.addi %multiple_of3A, %add3A_524 : i32
      %add3A_526 = vector.broadcast %add3A_525 : i32 to vector<16xi32>
      %add3A_527 = arith.addi %add3A_526, %iota3A : vector<16xi32>
      %ge3A_528 = arith.constant 0 : i32
      %ge3A_529 = vector.broadcast %ge3A_528 : i32 to vector<16xi32>
      %ge3A_530 = arith.cmpi sge, %get3A_523, %ge3A_529 : vector<16xi32>
      tpu.vector_store_idx %arg8[%get3A_523], %add3A_527 masked %ge3A_530 : memref<1024xi32, #tpu.memory_space<vmem>>[vector<16xi32>], vector<16xi32>, vector<16xi1>
      %get3A_531 = arith.constant 1 : i32
      %get3A_532 = arith.index_cast %get3A_531 : i32 to index
      %get3A_533 = arith.constant 64 : index
      %get3A_534 = tpu.vector_load %arg7[%get3A_532, %get3A_533] {strides = array<i32>} : memref<16x128xi32, #tpu.memory_space<vmem>>, vector<16xi32>,
      %add3A_535 = arith.constant 192 : i32
      %add3A_536 = arith.addi %multiple_of3A, %add3A_535 : i32
      %add3A_537 = vector.broadcast %add3A_536 : i32 to vector<16xi32>
      %add3A_538 = arith.addi %add3A_537, %iota3A : vector<16xi32>
      %ge3A_539 = arith.constant 0 : i32
      %ge3A_540 = vector.broadcast %ge3A_539 : i32 to vector<16xi32>
      %ge3A_541 = arith.cmpi sge, %get3A_534, %ge3A_540 : vector<16xi32>
      tpu.vector_store_idx %arg8[%get3A_534], %add3A_538 masked %ge3A_541 : memref<1024xi32, #tpu.memory_space<vmem>>[vector<16xi32>], vector<16xi32>, vector<16xi1>
      %get3A_542 = arith.constant 1 : i32
      %get3A_543 = arith.index_cast %get3A_542 : i32 to index
      %get3A_544 = arith.constant 80 : index
      %get3A_545 = tpu.vector_load %arg7[%get3A_543, %get3A_544] {strides = array<i32>} : memref<16x128xi32, #tpu.memory_space<vmem>>, vector<16xi32>,
      %add3A_546 = arith.constant 208 : i32
      %add3A_547 = arith.addi %multiple_of3A, %add3A_546 : i32
      %add3A_548 = vector.broadcast %add3A_547 : i32 to vector<16xi32>
      %add3A_549 = arith.addi %add3A_548, %iota3A : vector<16xi32>
      %ge3A_550 = arith.constant 0 : i32
      %ge3A_551 = vector.broadcast %ge3A_550 : i32 to vector<16xi32>
      %ge3A_552 = arith.cmpi sge, %get3A_545, %ge3A_551 : vector<16xi32>
      tpu.vector_store_idx %arg8[%get3A_545], %add3A_549 masked %ge3A_552 : memref<1024xi32, #tpu.memory_space<vmem>>[vector<16xi32>], vector<16xi32>, vector<16xi1>
      %get3A_553 = arith.constant 1 : i32
      %get3A_554 = arith.index_cast %get3A_553 : i32 to index
      %get3A_555 = arith.constant 96 : index
      %get3A_556 = tpu.vector_load %arg7[%get3A_554, %get3A_555] {strides = array<i32>} : memref<16x128xi32, #tpu.memory_space<vmem>>, vector<16xi32>,
      %add3A_557 = arith.constant 224 : i32
      %add3A_558 = arith.addi %multiple_of3A, %add3A_557 : i32
      %add3A_559 = vector.broadcast %add3A_558 : i32 to vector<16xi32>
      %add3A_560 = arith.addi %add3A_559, %iota3A : vector<16xi32>
      %ge3A_561 = arith.constant 0 : i32
      %ge3A_562 = vector.broadcast %ge3A_561 : i32 to vector<16xi32>
      %ge3A_563 = arith.cmpi sge, %get3A_556, %ge3A_562 : vector<16xi32>
      tpu.vector_store_idx %arg8[%get3A_556], %add3A_560 masked %ge3A_563 : memref<1024xi32, #tpu.memory_space<vmem>>[vector<16xi32>], vector<16xi32>, vector<16xi1>
      %get3A_564 = arith.constant 1 : i32
      %get3A_565 = arith.index_cast %get3A_564 : i32 to index
      %get3A_566 = arith.constant 112 : index
      %get3A_567 = tpu.vector_load %arg7[%get3A_565, %get3A_566] {strides = array<i32>} : memref<16x128xi32, #tpu.memory_space<vmem>>, vector<16xi32>,
      %add3A_568 = arith.constant 240 : i32
      %add3A_569 = arith.addi %multiple_of3A, %add3A_568 : i32
      %add3A_570 = vector.broadcast %add3A_569 : i32 to vector<16xi32>
      %add3A_571 = arith.addi %add3A_570, %iota3A : vector<16xi32>
      %ge3A_572 = arith.constant 0 : i32
      %ge3A_573 = vector.broadcast %ge3A_572 : i32 to vector<16xi32>
      %ge3A_574 = arith.cmpi sge, %get3A_567, %ge3A_573 : vector<16xi32>
      tpu.vector_store_idx %arg8[%get3A_567], %add3A_571 masked %ge3A_574 : memref<1024xi32, #tpu.memory_space<vmem>>[vector<16xi32>], vector<16xi32>, vector<16xi1>
      %get3A_575 = arith.constant 2 : i32
      %get3A_576 = arith.index_cast %get3A_575 : i32 to index
      %get3A_577 = arith.constant 0 : index
      %get3A_578 = tpu.vector_load %arg7[%get3A_576, %get3A_577] {strides = array<i32>} : memref<16x128xi32, #tpu.memory_space<vmem>>, vector<16xi32>,
      %add3A_579 = arith.constant 256 : i32
      %add3A_580 = arith.addi %multiple_of3A, %add3A_579 : i32
      %add3A_581 = vector.broadcast %add3A_580 : i32 to vector<16xi32>
      %add3A_582 = arith.addi %add3A_581, %iota3A : vector<16xi32>
      %ge3A_583 = arith.constant 0 : i32
      %ge3A_584 = vector.broadcast %ge3A_583 : i32 to vector<16xi32>
      %ge3A_585 = arith.cmpi sge, %get3A_578, %ge3A_584 : vector<16xi32>
      tpu.vector_store_idx %arg8[%get3A_578], %add3A_582 masked %ge3A_585 : memref<1024xi32, #tpu.memory_space<vmem>>[vector<16xi32>], vector<16xi32>, vector<16xi1>
      %get3A_586 = arith.constant 2 : i32
      %get3A_587 = arith.index_cast %get3A_586 : i32 to index
      %get3A_588 = arith.constant 16 : index
      %get3A_589 = tpu.vector_load %arg7[%get3A_587, %get3A_588] {strides = array<i32>} : memref<16x128xi32, #tpu.memory_space<vmem>>, vector<16xi32>,
      %add3A_590 = arith.constant 272 : i32
      %add3A_591 = arith.addi %multiple_of3A, %add3A_590 : i32
      %add3A_592 = vector.broadcast %add3A_591 : i32 to vector<16xi32>
      %add3A_593 = arith.addi %add3A_592, %iota3A : vector<16xi32>
      %ge3A_594 = arith.constant 0 : i32
      %ge3A_595 = vector.broadcast %ge3A_594 : i32 to vector<16xi32>
      %ge3A_596 = arith.cmpi sge, %get3A_589, %ge3A_595 : vector<16xi32>
      tpu.vector_store_idx %arg8[%get3A_589], %add3A_593 masked %ge3A_596 : memref<1024xi32, #tpu.memory_space<vmem>>[vector<16xi32>], vector<16xi32>, vector<16xi1>
      %get3A_597 = arith.constant 2 : i32
      %get3A_598 = arith.index_cast %get3A_597 : i32 to index
      %get3A_599 = arith.constant 32 : index
      %get3A_600 = tpu.vector_load %arg7[%get3A_598, %get3A_599] {strides = array<i32>} : memref<16x128xi32, #tpu.memory_space<vmem>>, vector<16xi32>,
      %add3A_601 = arith.constant 288 : i32
      %add3A_602 = arith.addi %multiple_of3A, %add3A_601 : i32
      %add3A_603 = vector.broadcast %add3A_602 : i32 to vector<16xi32>
      %add3A_604 = arith.addi %add3A_603, %iota3A : vector<16xi32>
      %ge3A_605 = arith.constant 0 : i32
      %ge3A_606 = vector.broadcast %ge3A_605 : i32 to vector<16xi32>
      %ge3A_607 = arith.cmpi sge, %get3A_600, %ge3A_606 : vector<16xi32>
      tpu.vector_store_idx %arg8[%get3A_600], %add3A_604 masked %ge3A_607 : memref<1024xi32, #tpu.memory_space<vmem>>[vector<16xi32>], vector<16xi32>, vector<16xi1>
      %get3A_608 = arith.constant 2 : i32
      %get3A_609 = arith.index_cast %get3A_608 : i32 to index
      %get3A_610 = arith.constant 48 : index
      %get3A_611 = tpu.vector_load %arg7[%get3A_609, %get3A_610] {strides = array<i32>} : memref<16x128xi32, #tpu.memory_space<vmem>>, vector<16xi32>,
      %add3A_612 = arith.constant 304 : i32
      %add3A_613 = arith.addi %multiple_of3A, %add3A_612 : i32
      %add3A_614 = vector.broadcast %add3A_613 : i32 to vector<16xi32>
      %add3A_615 = arith.addi %add3A_614, %iota3A : vector<16xi32>
      %ge3A_616 = arith.constant 0 : i32
      %ge3A_617 = vector.broadcast %ge3A_616 : i32 to vector<16xi32>
      %ge3A_618 = arith.cmpi sge, %get3A_611, %ge3A_617 : vector<16xi32>
      tpu.vector_store_idx %arg8[%get3A_611], %add3A_615 masked %ge3A_618 : memref<1024xi32, #tpu.memory_space<vmem>>[vector<16xi32>], vector<16xi32>, vector<16xi1>
      %get3A_619 = arith.constant 2 : i32
      %get3A_620 = arith.index_cast %get3A_619 : i32 to index
      %get3A_621 = arith.constant 64 : index
      %get3A_622 = tpu.vector_load %arg7[%get3A_620, %get3A_621] {strides = array<i32>} : memref<16x128xi32, #tpu.memory_space<vmem>>, vector<16xi32>,
      %add3A_623 = arith.constant 320 : i32
      %add3A_624 = arith.addi %multiple_of3A, %add3A_623 : i32
      %add3A_625 = vector.broadcast %add3A_624 : i32 to vector<16xi32>
      %add3A_626 = arith.addi %add3A_625, %iota3A : vector<16xi32>
      %ge3A_627 = arith.constant 0 : i32
      %ge3A_628 = vector.broadcast %ge3A_627 : i32 to vector<16xi32>
      %ge3A_629 = arith.cmpi sge, %get3A_622, %ge3A_628 : vector<16xi32>
      tpu.vector_store_idx %arg8[%get3A_622], %add3A_626 masked %ge3A_629 : memref<1024xi32, #tpu.memory_space<vmem>>[vector<16xi32>], vector<16xi32>, vector<16xi1>
      %get3A_630 = arith.constant 2 : i32
      %get3A_631 = arith.index_cast %get3A_630 : i32 to index
      %get3A_632 = arith.constant 80 : index
      %get3A_633 = tpu.vector_load %arg7[%get3A_631, %get3A_632] {strides = array<i32>} : memref<16x128xi32, #tpu.memory_space<vmem>>, vector<16xi32>,
      %add3A_634 = arith.constant 336 : i32
      %add3A_635 = arith.addi %multiple_of3A, %add3A_634 : i32
      %add3A_636 = vector.broadcast %add3A_635 : i32 to vector<16xi32>
      %add3A_637 = arith.addi %add3A_636, %iota3A : vector<16xi32>
      %ge3A_638 = arith.constant 0 : i32
      %ge3A_639 = vector.broadcast %ge3A_638 : i32 to vector<16xi32>
      %ge3A_640 = arith.cmpi sge, %get3A_633, %ge3A_639 : vector<16xi32>
      tpu.vector_store_idx %arg8[%get3A_633], %add3A_637 masked %ge3A_640 : memref<1024xi32, #tpu.memory_space<vmem>>[vector<16xi32>], vector<16xi32>, vector<16xi1>
      %get3A_641 = arith.constant 2 : i32
      %get3A_642 = arith.index_cast %get3A_641 : i32 to index
      %get3A_643 = arith.constant 96 : index
      %get3A_644 = tpu.vector_load %arg7[%get3A_642, %get3A_643] {strides = array<i32>} : memref<16x128xi32, #tpu.memory_space<vmem>>, vector<16xi32>,
      %add3A_645 = arith.constant 352 : i32
      %add3A_646 = arith.addi %multiple_of3A, %add3A_645 : i32
      %add3A_647 = vector.broadcast %add3A_646 : i32 to vector<16xi32>
      %add3A_648 = arith.addi %add3A_647, %iota3A : vector<16xi32>
      %ge3A_649 = arith.constant 0 : i32
      %ge3A_650 = vector.broadcast %ge3A_649 : i32 to vector<16xi32>
      %ge3A_651 = arith.cmpi sge, %get3A_644, %ge3A_650 : vector<16xi32>
      tpu.vector_store_idx %arg8[%get3A_644], %add3A_648 masked %ge3A_651 : memref<1024xi32, #tpu.memory_space<vmem>>[vector<16xi32>], vector<16xi32>, vector<16xi1>
      %get3A_652 = arith.constant 2 : i32
      %get3A_653 = arith.index_cast %get3A_652 : i32 to index
      %get3A_654 = arith.constant 112 : index
      %get3A_655 = tpu.vector_load %arg7[%get3A_653, %get3A_654] {strides = array<i32>} : memref<16x128xi32, #tpu.memory_space<vmem>>, vector<16xi32>,
      %add3A_656 = arith.constant 368 : i32
      %add3A_657 = arith.addi %multiple_of3A, %add3A_656 : i32
      %add3A_658 = vector.broadcast %add3A_657 : i32 to vector<16xi32>
      %add3A_659 = arith.addi %add3A_658, %iota3A : vector<16xi32>
      %ge3A_660 = arith.constant 0 : i32
      %ge3A_661 = vector.broadcast %ge3A_660 : i32 to vector<16xi32>
      %ge3A_662 = arith.cmpi sge, %get3A_655, %ge3A_661 : vector<16xi32>
      tpu.vector_store_idx %arg8[%get3A_655], %add3A_659 masked %ge3A_662 : memref<1024xi32, #tpu.memory_space<vmem>>[vector<16xi32>], vector<16xi32>, vector<16xi1>
      %get3A_663 = arith.constant 3 : i32
      %get3A_664 = arith.index_cast %get3A_663 : i32 to index
      %get3A_665 = arith.constant 0 : index
      %get3A_666 = tpu.vector_load %arg7[%get3A_664, %get3A_665] {strides = array<i32>} : memref<16x128xi32, #tpu.memory_space<vmem>>, vector<16xi32>,
      %add3A_667 = arith.constant 384 : i32
      %add3A_668 = arith.addi %multiple_of3A, %add3A_667 : i32
      %add3A_669 = vector.broadcast %add3A_668 : i32 to vector<16xi32>
      %add3A_670 = arith.addi %add3A_669, %iota3A : vector<16xi32>
      %ge3A_671 = arith.constant 0 : i32
      %ge3A_672 = vector.broadcast %ge3A_671 : i32 to vector<16xi32>
      %ge3A_673 = arith.cmpi sge, %get3A_666, %ge3A_672 : vector<16xi32>
      tpu.vector_store_idx %arg8[%get3A_666], %add3A_670 masked %ge3A_673 : memref<1024xi32, #tpu.memory_space<vmem>>[vector<16xi32>], vector<16xi32>, vector<16xi1>
      %get3A_674 = arith.constant 3 : i32
      %get3A_675 = arith.index_cast %get3A_674 : i32 to index
      %get3A_676 = arith.constant 16 : index
      %get3A_677 = tpu.vector_load %arg7[%get3A_675, %get3A_676] {strides = array<i32>} : memref<16x128xi32, #tpu.memory_space<vmem>>, vector<16xi32>,
      %add3A_678 = arith.constant 400 : i32
      %add3A_679 = arith.addi %multiple_of3A, %add3A_678 : i32
      %add3A_680 = vector.broadcast %add3A_679 : i32 to vector<16xi32>
      %add3A_681 = arith.addi %add3A_680, %iota3A : vector<16xi32>
      %ge3A_682 = arith.constant 0 : i32
      %ge3A_683 = vector.broadcast %ge3A_682 : i32 to vector<16xi32>
      %ge3A_684 = arith.cmpi sge, %get3A_677, %ge3A_683 : vector<16xi32>
      tpu.vector_store_idx %arg8[%get3A_677], %add3A_681 masked %ge3A_684 : memref<1024xi32, #tpu.memory_space<vmem>>[vector<16xi32>], vector<16xi32>, vector<16xi1>
      %get3A_685 = arith.constant 3 : i32
      %get3A_686 = arith.index_cast %get3A_685 : i32 to index
      %get3A_687 = arith.constant 32 : index
      %get3A_688 = tpu.vector_load %arg7[%get3A_686, %get3A_687] {strides = array<i32>} : memref<16x128xi32, #tpu.memory_space<vmem>>, vector<16xi32>,
      %add3A_689 = arith.constant 416 : i32
      %add3A_690 = arith.addi %multiple_of3A, %add3A_689 : i32
      %add3A_691 = vector.broadcast %add3A_690 : i32 to vector<16xi32>
      %add3A_692 = arith.addi %add3A_691, %iota3A : vector<16xi32>
      %ge3A_693 = arith.constant 0 : i32
      %ge3A_694 = vector.broadcast %ge3A_693 : i32 to vector<16xi32>
      %ge3A_695 = arith.cmpi sge, %get3A_688, %ge3A_694 : vector<16xi32>
      tpu.vector_store_idx %arg8[%get3A_688], %add3A_692 masked %ge3A_695 : memref<1024xi32, #tpu.memory_space<vmem>>[vector<16xi32>], vector<16xi32>, vector<16xi1>
      %get3A_696 = arith.constant 3 : i32
      %get3A_697 = arith.index_cast %get3A_696 : i32 to index
      %get3A_698 = arith.constant 48 : index
      %get3A_699 = tpu.vector_load %arg7[%get3A_697, %get3A_698] {strides = array<i32>} : memref<16x128xi32, #tpu.memory_space<vmem>>, vector<16xi32>,
      %add3A_700 = arith.constant 432 : i32
      %add3A_701 = arith.addi %multiple_of3A, %add3A_700 : i32
      %add3A_702 = vector.broadcast %add3A_701 : i32 to vector<16xi32>
      %add3A_703 = arith.addi %add3A_702, %iota3A : vector<16xi32>
      %ge3A_704 = arith.constant 0 : i32
      %ge3A_705 = vector.broadcast %ge3A_704 : i32 to vector<16xi32>
      %ge3A_706 = arith.cmpi sge, %get3A_699, %ge3A_705 : vector<16xi32>
      tpu.vector_store_idx %arg8[%get3A_699], %add3A_703 masked %ge3A_706 : memref<1024xi32, #tpu.memory_space<vmem>>[vector<16xi32>], vector<16xi32>, vector<16xi1>
      %get3A_707 = arith.constant 3 : i32
      %get3A_708 = arith.index_cast %get3A_707 : i32 to index
      %get3A_709 = arith.constant 64 : index
      %get3A_710 = tpu.vector_load %arg7[%get3A_708, %get3A_709] {strides = array<i32>} : memref<16x128xi32, #tpu.memory_space<vmem>>, vector<16xi32>,
      %add3A_711 = arith.constant 448 : i32
      %add3A_712 = arith.addi %multiple_of3A, %add3A_711 : i32
      %add3A_713 = vector.broadcast %add3A_712 : i32 to vector<16xi32>
      %add3A_714 = arith.addi %add3A_713, %iota3A : vector<16xi32>
      %ge3A_715 = arith.constant 0 : i32
      %ge3A_716 = vector.broadcast %ge3A_715 : i32 to vector<16xi32>
      %ge3A_717 = arith.cmpi sge, %get3A_710, %ge3A_716 : vector<16xi32>
      tpu.vector_store_idx %arg8[%get3A_710], %add3A_714 masked %ge3A_717 : memref<1024xi32, #tpu.memory_space<vmem>>[vector<16xi32>], vector<16xi32>, vector<16xi1>
      %get3A_718 = arith.constant 3 : i32
      %get3A_719 = arith.index_cast %get3A_718 : i32 to index
      %get3A_720 = arith.constant 80 : index
      %get3A_721 = tpu.vector_load %arg7[%get3A_719, %get3A_720] {strides = array<i32>} : memref<16x128xi32, #tpu.memory_space<vmem>>, vector<16xi32>,
      %add3A_722 = arith.constant 464 : i32
      %add3A_723 = arith.addi %multiple_of3A, %add3A_722 : i32
      %add3A_724 = vector.broadcast %add3A_723 : i32 to vector<16xi32>
      %add3A_725 = arith.addi %add3A_724, %iota3A : vector<16xi32>
      %ge3A_726 = arith.constant 0 : i32
      %ge3A_727 = vector.broadcast %ge3A_726 : i32 to vector<16xi32>
      %ge3A_728 = arith.cmpi sge, %get3A_721, %ge3A_727 : vector<16xi32>
      tpu.vector_store_idx %arg8[%get3A_721], %add3A_725 masked %ge3A_728 : memref<1024xi32, #tpu.memory_space<vmem>>[vector<16xi32>], vector<16xi32>, vector<16xi1>
      %get3A_729 = arith.constant 3 : i32
      %get3A_730 = arith.index_cast %get3A_729 : i32 to index
      %get3A_731 = arith.constant 96 : index
      %get3A_732 = tpu.vector_load %arg7[%get3A_730, %get3A_731] {strides = array<i32>} : memref<16x128xi32, #tpu.memory_space<vmem>>, vector<16xi32>,
      %add3A_733 = arith.constant 480 : i32
      %add3A_734 = arith.addi %multiple_of3A, %add3A_733 : i32
      %add3A_735 = vector.broadcast %add3A_734 : i32 to vector<16xi32>
      %add3A_736 = arith.addi %add3A_735, %iota3A : vector<16xi32>
      %ge3A_737 = arith.constant 0 : i32
      %ge3A_738 = vector.broadcast %ge3A_737 : i32 to vector<16xi32>
      %ge3A_739 = arith.cmpi sge, %get3A_732, %ge3A_738 : vector<16xi32>
      tpu.vector_store_idx %arg8[%get3A_732], %add3A_736 masked %ge3A_739 : memref<1024xi32, #tpu.memory_space<vmem>>[vector<16xi32>], vector<16xi32>, vector<16xi1>
      %get3A_740 = arith.constant 3 : i32
      %get3A_741 = arith.index_cast %get3A_740 : i32 to index
      %get3A_742 = arith.constant 112 : index
      %get3A_743 = tpu.vector_load %arg7[%get3A_741, %get3A_742] {strides = array<i32>} : memref<16x128xi32, #tpu.memory_space<vmem>>, vector<16xi32>,
      %add3A_744 = arith.constant 496 : i32
      %add3A_745 = arith.addi %multiple_of3A, %add3A_744 : i32
      %add3A_746 = vector.broadcast %add3A_745 : i32 to vector<16xi32>
      %add3A_747 = arith.addi %add3A_746, %iota3A : vector<16xi32>
      %ge3A_748 = arith.constant 0 : i32
      %ge3A_749 = vector.broadcast %ge3A_748 : i32 to vector<16xi32>
      %ge3A_750 = arith.cmpi sge, %get3A_743, %ge3A_749 : vector<16xi32>
      tpu.vector_store_idx %arg8[%get3A_743], %add3A_747 masked %ge3A_750 : memref<1024xi32, #tpu.memory_space<vmem>>[vector<16xi32>], vector<16xi32>, vector<16xi1>
      %get3A_751 = arith.constant 4 : i32
      %get3A_752 = arith.index_cast %get3A_751 : i32 to index
      %get3A_753 = arith.constant 0 : index
      %get3A_754 = tpu.vector_load %arg7[%get3A_752, %get3A_753] {strides = array<i32>} : memref<16x128xi32, #tpu.memory_space<vmem>>, vector<16xi32>,
      %add3A_755 = arith.constant 512 : i32
      %add3A_756 = arith.addi %multiple_of3A, %add3A_755 : i32
      %add3A_757 = vector.broadcast %add3A_756 : i32 to vector<16xi32>
      %add3A_758 = arith.addi %add3A_757, %iota3A : vector<16xi32>
      %ge3A_759 = arith.constant 0 : i32
      %ge3A_760 = vector.broadcast %ge3A_759 : i32 to vector<16xi32>
      %ge3A_761 = arith.cmpi sge, %get3A_754, %ge3A_760 : vector<16xi32>
      tpu.vector_store_idx %arg8[%get3A_754], %add3A_758 masked %ge3A_761 : memref<1024xi32, #tpu.memory_space<vmem>>[vector<16xi32>], vector<16xi32>, vector<16xi1>
      %get3A_762 = arith.constant 4 : i32
      %get3A_763 = arith.index_cast %get3A_762 : i32 to index
      %get3A_764 = arith.constant 16 : index
      %get3A_765 = tpu.vector_load %arg7[%get3A_763, %get3A_764] {strides = array<i32>} : memref<16x128xi32, #tpu.memory_space<vmem>>, vector<16xi32>,
      %add3A_766 = arith.constant 528 : i32
      %add3A_767 = arith.addi %multiple_of3A, %add3A_766 : i32
      %add3A_768 = vector.broadcast %add3A_767 : i32 to vector<16xi32>
      %add3A_769 = arith.addi %add3A_768, %iota3A : vector<16xi32>
      %ge3A_770 = arith.constant 0 : i32
      %ge3A_771 = vector.broadcast %ge3A_770 : i32 to vector<16xi32>
      %ge3A_772 = arith.cmpi sge, %get3A_765, %ge3A_771 : vector<16xi32>
      tpu.vector_store_idx %arg8[%get3A_765], %add3A_769 masked %ge3A_772 : memref<1024xi32, #tpu.memory_space<vmem>>[vector<16xi32>], vector<16xi32>, vector<16xi1>
      %get3A_773 = arith.constant 4 : i32
      %get3A_774 = arith.index_cast %get3A_773 : i32 to index
      %get3A_775 = arith.constant 32 : index
      %get3A_776 = tpu.vector_load %arg7[%get3A_774, %get3A_775] {strides = array<i32>} : memref<16x128xi32, #tpu.memory_space<vmem>>, vector<16xi32>,
      %add3A_777 = arith.constant 544 : i32
      %add3A_778 = arith.addi %multiple_of3A, %add3A_777 : i32
      %add3A_779 = vector.broadcast %add3A_778 : i32 to vector<16xi32>
      %add3A_780 = arith.addi %add3A_779, %iota3A : vector<16xi32>
      %ge3A_781 = arith.constant 0 : i32
      %ge3A_782 = vector.broadcast %ge3A_781 : i32 to vector<16xi32>
      %ge3A_783 = arith.cmpi sge, %get3A_776, %ge3A_782 : vector<16xi32>
      tpu.vector_store_idx %arg8[%get3A_776], %add3A_780 masked %ge3A_783 : memref<1024xi32, #tpu.memory_space<vmem>>[vector<16xi32>], vector<16xi32>, vector<16xi1>
      %get3A_784 = arith.constant 4 : i32
      %get3A_785 = arith.index_cast %get3A_784 : i32 to index
      %get3A_786 = arith.constant 48 : index
      %get3A_787 = tpu.vector_load %arg7[%get3A_785, %get3A_786] {strides = array<i32>} : memref<16x128xi32, #tpu.memory_space<vmem>>, vector<16xi32>,
      %add3A_788 = arith.constant 560 : i32
      %add3A_789 = arith.addi %multiple_of3A, %add3A_788 : i32
      %add3A_790 = vector.broadcast %add3A_789 : i32 to vector<16xi32>
      %add3A_791 = arith.addi %add3A_790, %iota3A : vector<16xi32>
      %ge3A_792 = arith.constant 0 : i32
      %ge3A_793 = vector.broadcast %ge3A_792 : i32 to vector<16xi32>
      %ge3A_794 = arith.cmpi sge, %get3A_787, %ge3A_793 : vector<16xi32>
      tpu.vector_store_idx %arg8[%get3A_787], %add3A_791 masked %ge3A_794 : memref<1024xi32, #tpu.memory_space<vmem>>[vector<16xi32>], vector<16xi32>, vector<16xi1>
      %get3A_795 = arith.constant 4 : i32
      %get3A_796 = arith.index_cast %get3A_795 : i32 to index
      %get3A_797 = arith.constant 64 : index
      %get3A_798 = tpu.vector_load %arg7[%get3A_796, %get3A_797] {strides = array<i32>} : memref<16x128xi32, #tpu.memory_space<vmem>>, vector<16xi32>,
      %add3A_799 = arith.constant 576 : i32
      %add3A_800 = arith.addi %multiple_of3A, %add3A_799 : i32
      %add3A_801 = vector.broadcast %add3A_800 : i32 to vector<16xi32>
      %add3A_802 = arith.addi %add3A_801, %iota3A : vector<16xi32>
      %ge3A_803 = arith.constant 0 : i32
      %ge3A_804 = vector.broadcast %ge3A_803 : i32 to vector<16xi32>
      %ge3A_805 = arith.cmpi sge, %get3A_798, %ge3A_804 : vector<16xi32>
      tpu.vector_store_idx %arg8[%get3A_798], %add3A_802 masked %ge3A_805 : memref<1024xi32, #tpu.memory_space<vmem>>[vector<16xi32>], vector<16xi32>, vector<16xi1>
      %get3A_806 = arith.constant 4 : i32
      %get3A_807 = arith.index_cast %get3A_806 : i32 to index
      %get3A_808 = arith.constant 80 : index
      %get3A_809 = tpu.vector_load %arg7[%get3A_807, %get3A_808] {strides = array<i32>} : memref<16x128xi32, #tpu.memory_space<vmem>>, vector<16xi32>,
      %add3A_810 = arith.constant 592 : i32
      %add3A_811 = arith.addi %multiple_of3A, %add3A_810 : i32
      %add3A_812 = vector.broadcast %add3A_811 : i32 to vector<16xi32>
      %add3A_813 = arith.addi %add3A_812, %iota3A : vector<16xi32>
      %ge3A_814 = arith.constant 0 : i32
      %ge3A_815 = vector.broadcast %ge3A_814 : i32 to vector<16xi32>
      %ge3A_816 = arith.cmpi sge, %get3A_809, %ge3A_815 : vector<16xi32>
      tpu.vector_store_idx %arg8[%get3A_809], %add3A_813 masked %ge3A_816 : memref<1024xi32, #tpu.memory_space<vmem>>[vector<16xi32>], vector<16xi32>, vector<16xi1>
      %get3A_817 = arith.constant 4 : i32
      %get3A_818 = arith.index_cast %get3A_817 : i32 to index
      %get3A_819 = arith.constant 96 : index
      %get3A_820 = tpu.vector_load %arg7[%get3A_818, %get3A_819] {strides = array<i32>} : memref<16x128xi32, #tpu.memory_space<vmem>>, vector<16xi32>,
      %add3A_821 = arith.constant 608 : i32
      %add3A_822 = arith.addi %multiple_of3A, %add3A_821 : i32
      %add3A_823 = vector.broadcast %add3A_822 : i32 to vector<16xi32>
      %add3A_824 = arith.addi %add3A_823, %iota3A : vector<16xi32>
      %ge3A_825 = arith.constant 0 : i32
      %ge3A_826 = vector.broadcast %ge3A_825 : i32 to vector<16xi32>
      %ge3A_827 = arith.cmpi sge, %get3A_820, %ge3A_826 : vector<16xi32>
      tpu.vector_store_idx %arg8[%get3A_820], %add3A_824 masked %ge3A_827 : memref<1024xi32, #tpu.memory_space<vmem>>[vector<16xi32>], vector<16xi32>, vector<16xi1>
      %get3A_828 = arith.constant 4 : i32
      %get3A_829 = arith.index_cast %get3A_828 : i32 to index
      %get3A_830 = arith.constant 112 : index
      %get3A_831 = tpu.vector_load %arg7[%get3A_829, %get3A_830] {strides = array<i32>} : memref<16x128xi32, #tpu.memory_space<vmem>>, vector<16xi32>,
      %add3A_832 = arith.constant 624 : i32
      %add3A_833 = arith.addi %multiple_of3A, %add3A_832 : i32
      %add3A_834 = vector.broadcast %add3A_833 : i32 to vector<16xi32>
      %add3A_835 = arith.addi %add3A_834, %iota3A : vector<16xi32>
      %ge3A_836 = arith.constant 0 : i32
      %ge3A_837 = vector.broadcast %ge3A_836 : i32 to vector<16xi32>
      %ge3A_838 = arith.cmpi sge, %get3A_831, %ge3A_837 : vector<16xi32>
      tpu.vector_store_idx %arg8[%get3A_831], %add3A_835 masked %ge3A_838 : memref<1024xi32, #tpu.memory_space<vmem>>[vector<16xi32>], vector<16xi32>, vector<16xi1>
      %get3A_839 = arith.constant 5 : i32
      %get3A_840 = arith.index_cast %get3A_839 : i32 to index
      %get3A_841 = arith.constant 0 : index
      %get3A_842 = tpu.vector_load %arg7[%get3A_840, %get3A_841] {strides = array<i32>} : memref<16x128xi32, #tpu.memory_space<vmem>>, vector<16xi32>,
      %add3A_843 = arith.constant 640 : i32
      %add3A_844 = arith.addi %multiple_of3A, %add3A_843 : i32
      %add3A_845 = vector.broadcast %add3A_844 : i32 to vector<16xi32>
      %add3A_846 = arith.addi %add3A_845, %iota3A : vector<16xi32>
      %ge3A_847 = arith.constant 0 : i32
      %ge3A_848 = vector.broadcast %ge3A_847 : i32 to vector<16xi32>
      %ge3A_849 = arith.cmpi sge, %get3A_842, %ge3A_848 : vector<16xi32>
      tpu.vector_store_idx %arg8[%get3A_842], %add3A_846 masked %ge3A_849 : memref<1024xi32, #tpu.memory_space<vmem>>[vector<16xi32>], vector<16xi32>, vector<16xi1>
      %get3A_850 = arith.constant 5 : i32
      %get3A_851 = arith.index_cast %get3A_850 : i32 to index
      %get3A_852 = arith.constant 16 : index
      %get3A_853 = tpu.vector_load %arg7[%get3A_851, %get3A_852] {strides = array<i32>} : memref<16x128xi32, #tpu.memory_space<vmem>>, vector<16xi32>,
      %add3A_854 = arith.constant 656 : i32
      %add3A_855 = arith.addi %multiple_of3A, %add3A_854 : i32
      %add3A_856 = vector.broadcast %add3A_855 : i32 to vector<16xi32>
      %add3A_857 = arith.addi %add3A_856, %iota3A : vector<16xi32>
      %ge3A_858 = arith.constant 0 : i32
      %ge3A_859 = vector.broadcast %ge3A_858 : i32 to vector<16xi32>
      %ge3A_860 = arith.cmpi sge, %get3A_853, %ge3A_859 : vector<16xi32>
      tpu.vector_store_idx %arg8[%get3A_853], %add3A_857 masked %ge3A_860 : memref<1024xi32, #tpu.memory_space<vmem>>[vector<16xi32>], vector<16xi32>, vector<16xi1>
      %get3A_861 = arith.constant 5 : i32
      %get3A_862 = arith.index_cast %get3A_861 : i32 to index
      %get3A_863 = arith.constant 32 : index
      %get3A_864 = tpu.vector_load %arg7[%get3A_862, %get3A_863] {strides = array<i32>} : memref<16x128xi32, #tpu.memory_space<vmem>>, vector<16xi32>,
      %add3A_865 = arith.constant 672 : i32
      %add3A_866 = arith.addi %multiple_of3A, %add3A_865 : i32
      %add3A_867 = vector.broadcast %add3A_866 : i32 to vector<16xi32>
      %add3A_868 = arith.addi %add3A_867, %iota3A : vector<16xi32>
      %ge3A_869 = arith.constant 0 : i32
      %ge3A_870 = vector.broadcast %ge3A_869 : i32 to vector<16xi32>
      %ge3A_871 = arith.cmpi sge, %get3A_864, %ge3A_870 : vector<16xi32>
      tpu.vector_store_idx %arg8[%get3A_864], %add3A_868 masked %ge3A_871 : memref<1024xi32, #tpu.memory_space<vmem>>[vector<16xi32>], vector<16xi32>, vector<16xi1>
      %get3A_872 = arith.constant 5 : i32
      %get3A_873 = arith.index_cast %get3A_872 : i32 to index
      %get3A_874 = arith.constant 48 : index
      %get3A_875 = tpu.vector_load %arg7[%get3A_873, %get3A_874] {strides = array<i32>} : memref<16x128xi32, #tpu.memory_space<vmem>>, vector<16xi32>,
      %add3A_876 = arith.constant 688 : i32
      %add3A_877 = arith.addi %multiple_of3A, %add3A_876 : i32
      %add3A_878 = vector.broadcast %add3A_877 : i32 to vector<16xi32>
      %add3A_879 = arith.addi %add3A_878, %iota3A : vector<16xi32>
      %ge3A_880 = arith.constant 0 : i32
      %ge3A_881 = vector.broadcast %ge3A_880 : i32 to vector<16xi32>
      %ge3A_882 = arith.cmpi sge, %get3A_875, %ge3A_881 : vector<16xi32>
      tpu.vector_store_idx %arg8[%get3A_875], %add3A_879 masked %ge3A_882 : memref<1024xi32, #tpu.memory_space<vmem>>[vector<16xi32>], vector<16xi32>, vector<16xi1>
      %get3A_883 = arith.constant 5 : i32
      %get3A_884 = arith.index_cast %get3A_883 : i32 to index
      %get3A_885 = arith.constant 64 : index
      %get3A_886 = tpu.vector_load %arg7[%get3A_884, %get3A_885] {strides = array<i32>} : memref<16x128xi32, #tpu.memory_space<vmem>>, vector<16xi32>,
      %add3A_887 = arith.constant 704 : i32
      %add3A_888 = arith.addi %multiple_of3A, %add3A_887 : i32
      %add3A_889 = vector.broadcast %add3A_888 : i32 to vector<16xi32>
      %add3A_890 = arith.addi %add3A_889, %iota3A : vector<16xi32>
      %ge3A_891 = arith.constant 0 : i32
      %ge3A_892 = vector.broadcast %ge3A_891 : i32 to vector<16xi32>
      %ge3A_893 = arith.cmpi sge, %get3A_886, %ge3A_892 : vector<16xi32>
      tpu.vector_store_idx %arg8[%get3A_886], %add3A_890 masked %ge3A_893 : memref<1024xi32, #tpu.memory_space<vmem>>[vector<16xi32>], vector<16xi32>, vector<16xi1>
      %get3A_894 = arith.constant 5 : i32
      %get3A_895 = arith.index_cast %get3A_894 : i32 to index
      %get3A_896 = arith.constant 80 : index
      %get3A_897 = tpu.vector_load %arg7[%get3A_895, %get3A_896] {strides = array<i32>} : memref<16x128xi32, #tpu.memory_space<vmem>>, vector<16xi32>,
      %add3A_898 = arith.constant 720 : i32
      %add3A_899 = arith.addi %multiple_of3A, %add3A_898 : i32
      %add3A_900 = vector.broadcast %add3A_899 : i32 to vector<16xi32>
      %add3A_901 = arith.addi %add3A_900, %iota3A : vector<16xi32>
      %ge3A_902 = arith.constant 0 : i32
      %ge3A_903 = vector.broadcast %ge3A_902 : i32 to vector<16xi32>
      %ge3A_904 = arith.cmpi sge, %get3A_897, %ge3A_903 : vector<16xi32>
      tpu.vector_store_idx %arg8[%get3A_897], %add3A_901 masked %ge3A_904 : memref<1024xi32, #tpu.memory_space<vmem>>[vector<16xi32>], vector<16xi32>, vector<16xi1>
      %get3A_905 = arith.constant 5 : i32
      %get3A_906 = arith.index_cast %get3A_905 : i32 to index
      %get3A_907 = arith.constant 96 : index
      %get3A_908 = tpu.vector_load %arg7[%get3A_906, %get3A_907] {strides = array<i32>} : memref<16x128xi32, #tpu.memory_space<vmem>>, vector<16xi32>,
      %add3A_909 = arith.constant 736 : i32
      %add3A_910 = arith.addi %multiple_of3A, %add3A_909 : i32
      %add3A_911 = vector.broadcast %add3A_910 : i32 to vector<16xi32>
      %add3A_912 = arith.addi %add3A_911, %iota3A : vector<16xi32>
      %ge3A_913 = arith.constant 0 : i32
      %ge3A_914 = vector.broadcast %ge3A_913 : i32 to vector<16xi32>
      %ge3A_915 = arith.cmpi sge, %get3A_908, %ge3A_914 : vector<16xi32>
      tpu.vector_store_idx %arg8[%get3A_908], %add3A_912 masked %ge3A_915 : memref<1024xi32, #tpu.memory_space<vmem>>[vector<16xi32>], vector<16xi32>, vector<16xi1>
      %get3A_916 = arith.constant 5 : i32
      %get3A_917 = arith.index_cast %get3A_916 : i32 to index
      %get3A_918 = arith.constant 112 : index
      %get3A_919 = tpu.vector_load %arg7[%get3A_917, %get3A_918] {strides = array<i32>} : memref<16x128xi32, #tpu.memory_space<vmem>>, vector<16xi32>,
      %add3A_920 = arith.constant 752 : i32
      %add3A_921 = arith.addi %multiple_of3A, %add3A_920 : i32
      %add3A_922 = vector.broadcast %add3A_921 : i32 to vector<16xi32>
      %add3A_923 = arith.addi %add3A_922, %iota3A : vector<16xi32>
      %ge3A_924 = arith.constant 0 : i32
      %ge3A_925 = vector.broadcast %ge3A_924 : i32 to vector<16xi32>
      %ge3A_926 = arith.cmpi sge, %get3A_919, %ge3A_925 : vector<16xi32>
      tpu.vector_store_idx %arg8[%get3A_919], %add3A_923 masked %ge3A_926 : memref<1024xi32, #tpu.memory_space<vmem>>[vector<16xi32>], vector<16xi32>, vector<16xi1>
      %get3A_927 = arith.constant 6 : i32
      %get3A_928 = arith.index_cast %get3A_927 : i32 to index
      %get3A_929 = arith.constant 0 : index
      %get3A_930 = tpu.vector_load %arg7[%get3A_928, %get3A_929] {strides = array<i32>} : memref<16x128xi32, #tpu.memory_space<vmem>>, vector<16xi32>,
      %add3A_931 = arith.constant 768 : i32
      %add3A_932 = arith.addi %multiple_of3A, %add3A_931 : i32
      %add3A_933 = vector.broadcast %add3A_932 : i32 to vector<16xi32>
      %add3A_934 = arith.addi %add3A_933, %iota3A : vector<16xi32>
      %ge3A_935 = arith.constant 0 : i32
      %ge3A_936 = vector.broadcast %ge3A_935 : i32 to vector<16xi32>
      %ge3A_937 = arith.cmpi sge, %get3A_930, %ge3A_936 : vector<16xi32>
      tpu.vector_store_idx %arg8[%get3A_930], %add3A_934 masked %ge3A_937 : memref<1024xi32, #tpu.memory_space<vmem>>[vector<16xi32>], vector<16xi32>, vector<16xi1>
      %get3A_938 = arith.constant 6 : i32
      %get3A_939 = arith.index_cast %get3A_938 : i32 to index
      %get3A_940 = arith.constant 16 : index
      %get3A_941 = tpu.vector_load %arg7[%get3A_939, %get3A_940] {strides = array<i32>} : memref<16x128xi32, #tpu.memory_space<vmem>>, vector<16xi32>,
      %add3A_942 = arith.constant 784 : i32
      %add3A_943 = arith.addi %multiple_of3A, %add3A_942 : i32
      %add3A_944 = vector.broadcast %add3A_943 : i32 to vector<16xi32>
      %add3A_945 = arith.addi %add3A_944, %iota3A : vector<16xi32>
      %ge3A_946 = arith.constant 0 : i32
      %ge3A_947 = vector.broadcast %ge3A_946 : i32 to vector<16xi32>
      %ge3A_948 = arith.cmpi sge, %get3A_941, %ge3A_947 : vector<16xi32>
      tpu.vector_store_idx %arg8[%get3A_941], %add3A_945 masked %ge3A_948 : memref<1024xi32, #tpu.memory_space<vmem>>[vector<16xi32>], vector<16xi32>, vector<16xi1>
      %get3A_949 = arith.constant 6 : i32
      %get3A_950 = arith.index_cast %get3A_949 : i32 to index
      %get3A_951 = arith.constant 32 : index
      %get3A_952 = tpu.vector_load %arg7[%get3A_950, %get3A_951] {strides = array<i32>} : memref<16x128xi32, #tpu.memory_space<vmem>>, vector<16xi32>,
      %add3A_953 = arith.constant 800 : i32
      %add3A_954 = arith.addi %multiple_of3A, %add3A_953 : i32
      %add3A_955 = vector.broadcast %add3A_954 : i32 to vector<16xi32>
      %add3A_956 = arith.addi %add3A_955, %iota3A : vector<16xi32>
      %ge3A_957 = arith.constant 0 : i32
      %ge3A_958 = vector.broadcast %ge3A_957 : i32 to vector<16xi32>
      %ge3A_959 = arith.cmpi sge, %get3A_952, %ge3A_958 : vector<16xi32>
      tpu.vector_store_idx %arg8[%get3A_952], %add3A_956 masked %ge3A_959 : memref<1024xi32, #tpu.memory_space<vmem>>[vector<16xi32>], vector<16xi32>, vector<16xi1>
      %get3A_960 = arith.constant 6 : i32
      %get3A_961 = arith.index_cast %get3A_960 : i32 to index
      %get3A_962 = arith.constant 48 : index
      %get3A_963 = tpu.vector_load %arg7[%get3A_961, %get3A_962] {strides = array<i32>} : memref<16x128xi32, #tpu.memory_space<vmem>>, vector<16xi32>,
      %add3A_964 = arith.constant 816 : i32
      %add3A_965 = arith.addi %multiple_of3A, %add3A_964 : i32
      %add3A_966 = vector.broadcast %add3A_965 : i32 to vector<16xi32>
      %add3A_967 = arith.addi %add3A_966, %iota3A : vector<16xi32>
      %ge3A_968 = arith.constant 0 : i32
      %ge3A_969 = vector.broadcast %ge3A_968 : i32 to vector<16xi32>
      %ge3A_970 = arith.cmpi sge, %get3A_963, %ge3A_969 : vector<16xi32>
      tpu.vector_store_idx %arg8[%get3A_963], %add3A_967 masked %ge3A_970 : memref<1024xi32, #tpu.memory_space<vmem>>[vector<16xi32>], vector<16xi32>, vector<16xi1>
      %get3A_971 = arith.constant 6 : i32
      %get3A_972 = arith.index_cast %get3A_971 : i32 to index
      %get3A_973 = arith.constant 64 : index
      %get3A_974 = tpu.vector_load %arg7[%get3A_972, %get3A_973] {strides = array<i32>} : memref<16x128xi32, #tpu.memory_space<vmem>>, vector<16xi32>,
      %add3A_975 = arith.constant 832 : i32
      %add3A_976 = arith.addi %multiple_of3A, %add3A_975 : i32
      %add3A_977 = vector.broadcast %add3A_976 : i32 to vector<16xi32>
      %add3A_978 = arith.addi %add3A_977, %iota3A : vector<16xi32>
      %ge3A_979 = arith.constant 0 : i32
      %ge3A_980 = vector.broadcast %ge3A_979 : i32 to vector<16xi32>
      %ge3A_981 = arith.cmpi sge, %get3A_974, %ge3A_980 : vector<16xi32>
      tpu.vector_store_idx %arg8[%get3A_974], %add3A_978 masked %ge3A_981 : memref<1024xi32, #tpu.memory_space<vmem>>[vector<16xi32>], vector<16xi32>, vector<16xi1>
      %get3A_982 = arith.constant 6 : i32
      %get3A_983 = arith.index_cast %get3A_982 : i32 to index
      %get3A_984 = arith.constant 80 : index
      %get3A_985 = tpu.vector_load %arg7[%get3A_983, %get3A_984] {strides = array<i32>} : memref<16x128xi32, #tpu.memory_space<vmem>>, vector<16xi32>,
      %add3A_986 = arith.constant 848 : i32
      %add3A_987 = arith.addi %multiple_of3A, %add3A_986 : i32
      %add3A_988 = vector.broadcast %add3A_987 : i32 to vector<16xi32>
      %add3A_989 = arith.addi %add3A_988, %iota3A : vector<16xi32>
      %ge3A_990 = arith.constant 0 : i32
      %ge3A_991 = vector.broadcast %ge3A_990 : i32 to vector<16xi32>
      %ge3A_992 = arith.cmpi sge, %get3A_985, %ge3A_991 : vector<16xi32>
      tpu.vector_store_idx %arg8[%get3A_985], %add3A_989 masked %ge3A_992 : memref<1024xi32, #tpu.memory_space<vmem>>[vector<16xi32>], vector<16xi32>, vector<16xi1>
      %get3A_993 = arith.constant 6 : i32
      %get3A_994 = arith.index_cast %get3A_993 : i32 to index
      %get3A_995 = arith.constant 96 : index
      %get3A_996 = tpu.vector_load %arg7[%get3A_994, %get3A_995] {strides = array<i32>} : memref<16x128xi32, #tpu.memory_space<vmem>>, vector<16xi32>,
      %add3A_997 = arith.constant 864 : i32
      %add3A_998 = arith.addi %multiple_of3A, %add3A_997 : i32
      %add3A_999 = vector.broadcast %add3A_998 : i32 to vector<16xi32>
      %add3A_1000 = arith.addi %add3A_999, %iota3A : vector<16xi32>
      %ge3A_1001 = arith.constant 0 : i32
      %ge3A_1002 = vector.broadcast %ge3A_1001 : i32 to vector<16xi32>
      %ge3A_1003 = arith.cmpi sge, %get3A_996, %ge3A_1002 : vector<16xi32>
      tpu.vector_store_idx %arg8[%get3A_996], %add3A_1000 masked %ge3A_1003 : memref<1024xi32, #tpu.memory_space<vmem>>[vector<16xi32>], vector<16xi32>, vector<16xi1>
      %get3A_1004 = arith.constant 6 : i32
      %get3A_1005 = arith.index_cast %get3A_1004 : i32 to index
      %get3A_1006 = arith.constant 112 : index
      %get3A_1007 = tpu.vector_load %arg7[%get3A_1005, %get3A_1006] {strides = array<i32>} : memref<16x128xi32, #tpu.memory_space<vmem>>, vector<16xi32>,
      %add3A_1008 = arith.constant 880 : i32
      %add3A_1009 = arith.addi %multiple_of3A, %add3A_1008 : i32
      %add3A_1010 = vector.broadcast %add3A_1009 : i32 to vector<16xi32>
      %add3A_1011 = arith.addi %add3A_1010, %iota3A : vector<16xi32>
      %ge3A_1012 = arith.constant 0 : i32
      %ge3A_1013 = vector.broadcast %ge3A_1012 : i32 to vector<16xi32>
      %ge3A_1014 = arith.cmpi sge, %get3A_1007, %ge3A_1013 : vector<16xi32>
      tpu.vector_store_idx %arg8[%get3A_1007], %add3A_1011 masked %ge3A_1014 : memref<1024xi32, #tpu.memory_space<vmem>>[vector<16xi32>], vector<16xi32>, vector<16xi1>
      %get3A_1015 = arith.constant 7 : i32
      %get3A_1016 = arith.index_cast %get3A_1015 : i32 to index
      %get3A_1017 = arith.constant 0 : index
      %get3A_1018 = tpu.vector_load %arg7[%get3A_1016, %get3A_1017] {strides = array<i32>} : memref<16x128xi32, #tpu.memory_space<vmem>>, vector<16xi32>,
      %add3A_1019 = arith.constant 896 : i32
      %add3A_1020 = arith.addi %multiple_of3A, %add3A_1019 : i32
      %add3A_1021 = vector.broadcast %add3A_1020 : i32 to vector<16xi32>
      %add3A_1022 = arith.addi %add3A_1021, %iota3A : vector<16xi32>
      %ge3A_1023 = arith.constant 0 : i32
      %ge3A_1024 = vector.broadcast %ge3A_1023 : i32 to vector<16xi32>
      %ge3A_1025 = arith.cmpi sge, %get3A_1018, %ge3A_1024 : vector<16xi32>
      tpu.vector_store_idx %arg8[%get3A_1018], %add3A_1022 masked %ge3A_1025 : memref<1024xi32, #tpu.memory_space<vmem>>[vector<16xi32>], vector<16xi32>, vector<16xi1>
      %get3A_1026 = arith.constant 7 : i32
      %get3A_1027 = arith.index_cast %get3A_1026 : i32 to index
      %get3A_1028 = arith.constant 16 : index
      %get3A_1029 = tpu.vector_load %arg7[%get3A_1027, %get3A_1028] {strides = array<i32>} : memref<16x128xi32, #tpu.memory_space<vmem>>, vector<16xi32>,
      %add3A_1030 = arith.constant 912 : i32
      %add3A_1031 = arith.addi %multiple_of3A, %add3A_1030 : i32
      %add3A_1032 = vector.broadcast %add3A_1031 : i32 to vector<16xi32>
      %add3A_1033 = arith.addi %add3A_1032, %iota3A : vector<16xi32>
      %ge3A_1034 = arith.constant 0 : i32
      %ge3A_1035 = vector.broadcast %ge3A_1034 : i32 to vector<16xi32>
      %ge3A_1036 = arith.cmpi sge, %get3A_1029, %ge3A_1035 : vector<16xi32>
      tpu.vector_store_idx %arg8[%get3A_1029], %add3A_1033 masked %ge3A_1036 : memref<1024xi32, #tpu.memory_space<vmem>>[vector<16xi32>], vector<16xi32>, vector<16xi1>
      %get3A_1037 = arith.constant 7 : i32
      %get3A_1038 = arith.index_cast %get3A_1037 : i32 to index
      %get3A_1039 = arith.constant 32 : index
      %get3A_1040 = tpu.vector_load %arg7[%get3A_1038, %get3A_1039] {strides = array<i32>} : memref<16x128xi32, #tpu.memory_space<vmem>>, vector<16xi32>,
      %add3A_1041 = arith.constant 928 : i32
      %add3A_1042 = arith.addi %multiple_of3A, %add3A_1041 : i32
      %add3A_1043 = vector.broadcast %add3A_1042 : i32 to vector<16xi32>
      %add3A_1044 = arith.addi %add3A_1043, %iota3A : vector<16xi32>
      %ge3A_1045 = arith.constant 0 : i32
      %ge3A_1046 = vector.broadcast %ge3A_1045 : i32 to vector<16xi32>
      %ge3A_1047 = arith.cmpi sge, %get3A_1040, %ge3A_1046 : vector<16xi32>
      tpu.vector_store_idx %arg8[%get3A_1040], %add3A_1044 masked %ge3A_1047 : memref<1024xi32, #tpu.memory_space<vmem>>[vector<16xi32>], vector<16xi32>, vector<16xi1>
      %get3A_1048 = arith.constant 7 : i32
      %get3A_1049 = arith.index_cast %get3A_1048 : i32 to index
      %get3A_1050 = arith.constant 48 : index
      %get3A_1051 = tpu.vector_load %arg7[%get3A_1049, %get3A_1050] {strides = array<i32>} : memref<16x128xi32, #tpu.memory_space<vmem>>, vector<16xi32>,
      %add3A_1052 = arith.constant 944 : i32
      %add3A_1053 = arith.addi %multiple_of3A, %add3A_1052 : i32
      %add3A_1054 = vector.broadcast %add3A_1053 : i32 to vector<16xi32>
      %add3A_1055 = arith.addi %add3A_1054, %iota3A : vector<16xi32>
      %ge3A_1056 = arith.constant 0 : i32
      %ge3A_1057 = vector.broadcast %ge3A_1056 : i32 to vector<16xi32>
      %ge3A_1058 = arith.cmpi sge, %get3A_1051, %ge3A_1057 : vector<16xi32>
      tpu.vector_store_idx %arg8[%get3A_1051], %add3A_1055 masked %ge3A_1058 : memref<1024xi32, #tpu.memory_space<vmem>>[vector<16xi32>], vector<16xi32>, vector<16xi1>
      %get3A_1059 = arith.constant 7 : i32
      %get3A_1060 = arith.index_cast %get3A_1059 : i32 to index
      %get3A_1061 = arith.constant 64 : index
      %get3A_1062 = tpu.vector_load %arg7[%get3A_1060, %get3A_1061] {strides = array<i32>} : memref<16x128xi32, #tpu.memory_space<vmem>>, vector<16xi32>,
      %add3A_1063 = arith.constant 960 : i32
      %add3A_1064 = arith.addi %multiple_of3A, %add3A_1063 : i32
      %add3A_1065 = vector.broadcast %add3A_1064 : i32 to vector<16xi32>
      %add3A_1066 = arith.addi %add3A_1065, %iota3A : vector<16xi32>
      %ge3A_1067 = arith.constant 0 : i32
      %ge3A_1068 = vector.broadcast %ge3A_1067 : i32 to vector<16xi32>
      %ge3A_1069 = arith.cmpi sge, %get3A_1062, %ge3A_1068 : vector<16xi32>
      tpu.vector_store_idx %arg8[%get3A_1062], %add3A_1066 masked %ge3A_1069 : memref<1024xi32, #tpu.memory_space<vmem>>[vector<16xi32>], vector<16xi32>, vector<16xi1>
      %get3A_1070 = arith.constant 7 : i32
      %get3A_1071 = arith.index_cast %get3A_1070 : i32 to index
      %get3A_1072 = arith.constant 80 : index
      %get3A_1073 = tpu.vector_load %arg7[%get3A_1071, %get3A_1072] {strides = array<i32>} : memref<16x128xi32, #tpu.memory_space<vmem>>, vector<16xi32>,
      %add3A_1074 = arith.constant 976 : i32
      %add3A_1075 = arith.addi %multiple_of3A, %add3A_1074 : i32
      %add3A_1076 = vector.broadcast %add3A_1075 : i32 to vector<16xi32>
      %add3A_1077 = arith.addi %add3A_1076, %iota3A : vector<16xi32>
      %ge3A_1078 = arith.constant 0 : i32
      %ge3A_1079 = vector.broadcast %ge3A_1078 : i32 to vector<16xi32>
      %ge3A_1080 = arith.cmpi sge, %get3A_1073, %ge3A_1079 : vector<16xi32>
      tpu.vector_store_idx %arg8[%get3A_1073], %add3A_1077 masked %ge3A_1080 : memref<1024xi32, #tpu.memory_space<vmem>>[vector<16xi32>], vector<16xi32>, vector<16xi1>
      %get3A_1081 = arith.constant 7 : i32
      %get3A_1082 = arith.index_cast %get3A_1081 : i32 to index
      %get3A_1083 = arith.constant 96 : index
      %get3A_1084 = tpu.vector_load %arg7[%get3A_1082, %get3A_1083] {strides = array<i32>} : memref<16x128xi32, #tpu.memory_space<vmem>>, vector<16xi32>,
      %add3A_1085 = arith.constant 992 : i32
      %add3A_1086 = arith.addi %multiple_of3A, %add3A_1085 : i32
      %add3A_1087 = vector.broadcast %add3A_1086 : i32 to vector<16xi32>
      %add3A_1088 = arith.addi %add3A_1087, %iota3A : vector<16xi32>
      %ge3A_1089 = arith.constant 0 : i32
      %ge3A_1090 = vector.broadcast %ge3A_1089 : i32 to vector<16xi32>
      %ge3A_1091 = arith.cmpi sge, %get3A_1084, %ge3A_1090 : vector<16xi32>
      tpu.vector_store_idx %arg8[%get3A_1084], %add3A_1088 masked %ge3A_1091 : memref<1024xi32, #tpu.memory_space<vmem>>[vector<16xi32>], vector<16xi32>, vector<16xi1>
      %get3A_1092 = arith.constant 7 : i32
      %get3A_1093 = arith.index_cast %get3A_1092 : i32 to index
      %get3A_1094 = arith.constant 112 : index
      %get3A_1095 = tpu.vector_load %arg7[%get3A_1093, %get3A_1094] {strides = array<i32>} : memref<16x128xi32, #tpu.memory_space<vmem>>, vector<16xi32>,
      %add3A_1096 = arith.constant 1008 : i32
      %add3A_1097 = arith.addi %multiple_of3A, %add3A_1096 : i32
      %add3A_1098 = vector.broadcast %add3A_1097 : i32 to vector<16xi32>
      %add3A_1099 = arith.addi %add3A_1098, %iota3A : vector<16xi32>
      %ge3A_1100 = arith.constant 0 : i32
      %ge3A_1101 = vector.broadcast %ge3A_1100 : i32 to vector<16xi32>
      %ge3A_1102 = arith.cmpi sge, %get3A_1095, %ge3A_1101 : vector<16xi32>
      tpu.vector_store_idx %arg8[%get3A_1095], %add3A_1099 masked %ge3A_1102 : memref<1024xi32, #tpu.memory_space<vmem>>[vector<16xi32>], vector<16xi32>, vector<16xi1>
      %get3A_1103 = arith.constant 8 : i32
      %get3A_1104 = arith.index_cast %get3A_1103 : i32 to index
      %get3A_1105 = arith.constant 0 : index
      %get3A_1106 = tpu.vector_load %arg7[%get3A_1104, %get3A_1105] {strides = array<i32>} : memref<16x128xi32, #tpu.memory_space<vmem>>, vector<16xi32>,
      %add3A_1107 = arith.constant 1024 : i32
      %add3A_1108 = arith.addi %multiple_of3A, %add3A_1107 : i32
      %add3A_1109 = vector.broadcast %add3A_1108 : i32 to vector<16xi32>
      %add3A_1110 = arith.addi %add3A_1109, %iota3A : vector<16xi32>
      %ge3A_1111 = arith.constant 0 : i32
      %ge3A_1112 = vector.broadcast %ge3A_1111 : i32 to vector<16xi32>
      %ge3A_1113 = arith.cmpi sge, %get3A_1106, %ge3A_1112 : vector<16xi32>
      tpu.vector_store_idx %arg8[%get3A_1106], %add3A_1110 masked %ge3A_1113 : memref<1024xi32, #tpu.memory_space<vmem>>[vector<16xi32>], vector<16xi32>, vector<16xi1>
      %get3A_1114 = arith.constant 8 : i32
      %get3A_1115 = arith.index_cast %get3A_1114 : i32 to index
      %get3A_1116 = arith.constant 16 : index
      %get3A_1117 = tpu.vector_load %arg7[%get3A_1115, %get3A_1116] {strides = array<i32>} : memref<16x128xi32, #tpu.memory_space<vmem>>, vector<16xi32>,
      %add3A_1118 = arith.constant 1040 : i32
      %add3A_1119 = arith.addi %multiple_of3A, %add3A_1118 : i32
      %add3A_1120 = vector.broadcast %add3A_1119 : i32 to vector<16xi32>
      %add3A_1121 = arith.addi %add3A_1120, %iota3A : vector<16xi32>
      %ge3A_1122 = arith.constant 0 : i32
      %ge3A_1123 = vector.broadcast %ge3A_1122 : i32 to vector<16xi32>
      %ge3A_1124 = arith.cmpi sge, %get3A_1117, %ge3A_1123 : vector<16xi32>
      tpu.vector_store_idx %arg8[%get3A_1117], %add3A_1121 masked %ge3A_1124 : memref<1024xi32, #tpu.memory_space<vmem>>[vector<16xi32>], vector<16xi32>, vector<16xi1>
      %get3A_1125 = arith.constant 8 : i32
      %get3A_1126 = arith.index_cast %get3A_1125 : i32 to index
      %get3A_1127 = arith.constant 32 : index
      %get3A_1128 = tpu.vector_load %arg7[%get3A_1126, %get3A_1127] {strides = array<i32>} : memref<16x128xi32, #tpu.memory_space<vmem>>, vector<16xi32>,
      %add3A_1129 = arith.constant 1056 : i32
      %add3A_1130 = arith.addi %multiple_of3A, %add3A_1129 : i32
      %add3A_1131 = vector.broadcast %add3A_1130 : i32 to vector<16xi32>
      %add3A_1132 = arith.addi %add3A_1131, %iota3A : vector<16xi32>
      %ge3A_1133 = arith.constant 0 : i32
      %ge3A_1134 = vector.broadcast %ge3A_1133 : i32 to vector<16xi32>
      %ge3A_1135 = arith.cmpi sge, %get3A_1128, %ge3A_1134 : vector<16xi32>
      tpu.vector_store_idx %arg8[%get3A_1128], %add3A_1132 masked %ge3A_1135 : memref<1024xi32, #tpu.memory_space<vmem>>[vector<16xi32>], vector<16xi32>, vector<16xi1>
      %get3A_1136 = arith.constant 8 : i32
      %get3A_1137 = arith.index_cast %get3A_1136 : i32 to index
      %get3A_1138 = arith.constant 48 : index
      %get3A_1139 = tpu.vector_load %arg7[%get3A_1137, %get3A_1138] {strides = array<i32>} : memref<16x128xi32, #tpu.memory_space<vmem>>, vector<16xi32>,
      %add3A_1140 = arith.constant 1072 : i32
      %add3A_1141 = arith.addi %multiple_of3A, %add3A_1140 : i32
      %add3A_1142 = vector.broadcast %add3A_1141 : i32 to vector<16xi32>
      %add3A_1143 = arith.addi %add3A_1142, %iota3A : vector<16xi32>
      %ge3A_1144 = arith.constant 0 : i32
      %ge3A_1145 = vector.broadcast %ge3A_1144 : i32 to vector<16xi32>
      %ge3A_1146 = arith.cmpi sge, %get3A_1139, %ge3A_1145 : vector<16xi32>
      tpu.vector_store_idx %arg8[%get3A_1139], %add3A_1143 masked %ge3A_1146 : memref<1024xi32, #tpu.memory_space<vmem>>[vector<16xi32>], vector<16xi32>, vector<16xi1>
      %get3A_1147 = arith.constant 8 : i32
      %get3A_1148 = arith.index_cast %get3A_1147 : i32 to index
      %get3A_1149 = arith.constant 64 : index
      %get3A_1150 = tpu.vector_load %arg7[%get3A_1148, %get3A_1149] {strides = array<i32>} : memref<16x128xi32, #tpu.memory_space<vmem>>, vector<16xi32>,
      %add3A_1151 = arith.constant 1088 : i32
      %add3A_1152 = arith.addi %multiple_of3A, %add3A_1151 : i32
      %add3A_1153 = vector.broadcast %add3A_1152 : i32 to vector<16xi32>
      %add3A_1154 = arith.addi %add3A_1153, %iota3A : vector<16xi32>
      %ge3A_1155 = arith.constant 0 : i32
      %ge3A_1156 = vector.broadcast %ge3A_1155 : i32 to vector<16xi32>
      %ge3A_1157 = arith.cmpi sge, %get3A_1150, %ge3A_1156 : vector<16xi32>
      tpu.vector_store_idx %arg8[%get3A_1150], %add3A_1154 masked %ge3A_1157 : memref<1024xi32, #tpu.memory_space<vmem>>[vector<16xi32>], vector<16xi32>, vector<16xi1>
      %get3A_1158 = arith.constant 8 : i32
      %get3A_1159 = arith.index_cast %get3A_1158 : i32 to index
      %get3A_1160 = arith.constant 80 : index
      %get3A_1161 = tpu.vector_load %arg7[%get3A_1159, %get3A_1160] {strides = array<i32>} : memref<16x128xi32, #tpu.memory_space<vmem>>, vector<16xi32>,
      %add3A_1162 = arith.constant 1104 : i32
      %add3A_1163 = arith.addi %multiple_of3A, %add3A_1162 : i32
      %add3A_1164 = vector.broadcast %add3A_1163 : i32 to vector<16xi32>
      %add3A_1165 = arith.addi %add3A_1164, %iota3A : vector<16xi32>
      %ge3A_1166 = arith.constant 0 : i32
      %ge3A_1167 = vector.broadcast %ge3A_1166 : i32 to vector<16xi32>
      %ge3A_1168 = arith.cmpi sge, %get3A_1161, %ge3A_1167 : vector<16xi32>
      tpu.vector_store_idx %arg8[%get3A_1161], %add3A_1165 masked %ge3A_1168 : memref<1024xi32, #tpu.memory_space<vmem>>[vector<16xi32>], vector<16xi32>, vector<16xi1>
      %get3A_1169 = arith.constant 8 : i32
      %get3A_1170 = arith.index_cast %get3A_1169 : i32 to index
      %get3A_1171 = arith.constant 96 : index
      %get3A_1172 = tpu.vector_load %arg7[%get3A_1170, %get3A_1171] {strides = array<i32>} : memref<16x128xi32, #tpu.memory_space<vmem>>, vector<16xi32>,
      %add3A_1173 = arith.constant 1120 : i32
      %add3A_1174 = arith.addi %multiple_of3A, %add3A_1173 : i32
      %add3A_1175 = vector.broadcast %add3A_1174 : i32 to vector<16xi32>
      %add3A_1176 = arith.addi %add3A_1175, %iota3A : vector<16xi32>
      %ge3A_1177 = arith.constant 0 : i32
      %ge3A_1178 = vector.broadcast %ge3A_1177 : i32 to vector<16xi32>
      %ge3A_1179 = arith.cmpi sge, %get3A_1172, %ge3A_1178 : vector<16xi32>
      tpu.vector_store_idx %arg8[%get3A_1172], %add3A_1176 masked %ge3A_1179 : memref<1024xi32, #tpu.memory_space<vmem>>[vector<16xi32>], vector<16xi32>, vector<16xi1>
      %get3A_1180 = arith.constant 8 : i32
      %get3A_1181 = arith.index_cast %get3A_1180 : i32 to index
      %get3A_1182 = arith.constant 112 : index
      %get3A_1183 = tpu.vector_load %arg7[%get3A_1181, %get3A_1182] {strides = array<i32>} : memref<16x128xi32, #tpu.memory_space<vmem>>, vector<16xi32>,
      %add3A_1184 = arith.constant 1136 : i32
      %add3A_1185 = arith.addi %multiple_of3A, %add3A_1184 : i32
      %add3A_1186 = vector.broadcast %add3A_1185 : i32 to vector<16xi32>
      %add3A_1187 = arith.addi %add3A_1186, %iota3A : vector<16xi32>
      %ge3A_1188 = arith.constant 0 : i32
      %ge3A_1189 = vector.broadcast %ge3A_1188 : i32 to vector<16xi32>
      %ge3A_1190 = arith.cmpi sge, %get3A_1183, %ge3A_1189 : vector<16xi32>
      tpu.vector_store_idx %arg8[%get3A_1183], %add3A_1187 masked %ge3A_1190 : memref<1024xi32, #tpu.memory_space<vmem>>[vector<16xi32>], vector<16xi32>, vector<16xi1>
      %get3A_1191 = arith.constant 9 : i32
      %get3A_1192 = arith.index_cast %get3A_1191 : i32 to index
      %get3A_1193 = arith.constant 0 : index
      %get3A_1194 = tpu.vector_load %arg7[%get3A_1192, %get3A_1193] {strides = array<i32>} : memref<16x128xi32, #tpu.memory_space<vmem>>, vector<16xi32>,
      %add3A_1195 = arith.constant 1152 : i32
      %add3A_1196 = arith.addi %multiple_of3A, %add3A_1195 : i32
      %add3A_1197 = vector.broadcast %add3A_1196 : i32 to vector<16xi32>
      %add3A_1198 = arith.addi %add3A_1197, %iota3A : vector<16xi32>
      %ge3A_1199 = arith.constant 0 : i32
      %ge3A_1200 = vector.broadcast %ge3A_1199 : i32 to vector<16xi32>
      %ge3A_1201 = arith.cmpi sge, %get3A_1194, %ge3A_1200 : vector<16xi32>
      tpu.vector_store_idx %arg8[%get3A_1194], %add3A_1198 masked %ge3A_1201 : memref<1024xi32, #tpu.memory_space<vmem>>[vector<16xi32>], vector<16xi32>, vector<16xi1>
      %get3A_1202 = arith.constant 9 : i32
      %get3A_1203 = arith.index_cast %get3A_1202 : i32 to index
      %get3A_1204 = arith.constant 16 : index
      %get3A_1205 = tpu.vector_load %arg7[%get3A_1203, %get3A_1204] {strides = array<i32>} : memref<16x128xi32, #tpu.memory_space<vmem>>, vector<16xi32>,
      %add3A_1206 = arith.constant 1168 : i32
      %add3A_1207 = arith.addi %multiple_of3A, %add3A_1206 : i32
      %add3A_1208 = vector.broadcast %add3A_1207 : i32 to vector<16xi32>
      %add3A_1209 = arith.addi %add3A_1208, %iota3A : vector<16xi32>
      %ge3A_1210 = arith.constant 0 : i32
      %ge3A_1211 = vector.broadcast %ge3A_1210 : i32 to vector<16xi32>
      %ge3A_1212 = arith.cmpi sge, %get3A_1205, %ge3A_1211 : vector<16xi32>
      tpu.vector_store_idx %arg8[%get3A_1205], %add3A_1209 masked %ge3A_1212 : memref<1024xi32, #tpu.memory_space<vmem>>[vector<16xi32>], vector<16xi32>, vector<16xi1>
      %get3A_1213 = arith.constant 9 : i32
      %get3A_1214 = arith.index_cast %get3A_1213 : i32 to index
      %get3A_1215 = arith.constant 32 : index
      %get3A_1216 = tpu.vector_load %arg7[%get3A_1214, %get3A_1215] {strides = array<i32>} : memref<16x128xi32, #tpu.memory_space<vmem>>, vector<16xi32>,
      %add3A_1217 = arith.constant 1184 : i32
      %add3A_1218 = arith.addi %multiple_of3A, %add3A_1217 : i32
      %add3A_1219 = vector.broadcast %add3A_1218 : i32 to vector<16xi32>
      %add3A_1220 = arith.addi %add3A_1219, %iota3A : vector<16xi32>
      %ge3A_1221 = arith.constant 0 : i32
      %ge3A_1222 = vector.broadcast %ge3A_1221 : i32 to vector<16xi32>
      %ge3A_1223 = arith.cmpi sge, %get3A_1216, %ge3A_1222 : vector<16xi32>
      tpu.vector_store_idx %arg8[%get3A_1216], %add3A_1220 masked %ge3A_1223 : memref<1024xi32, #tpu.memory_space<vmem>>[vector<16xi32>], vector<16xi32>, vector<16xi1>
      %get3A_1224 = arith.constant 9 : i32
      %get3A_1225 = arith.index_cast %get3A_1224 : i32 to index
      %get3A_1226 = arith.constant 48 : index
      %get3A_1227 = tpu.vector_load %arg7[%get3A_1225, %get3A_1226] {strides = array<i32>} : memref<16x128xi32, #tpu.memory_space<vmem>>, vector<16xi32>,
      %add3A_1228 = arith.constant 1200 : i32
      %add3A_1229 = arith.addi %multiple_of3A, %add3A_1228 : i32
      %add3A_1230 = vector.broadcast %add3A_1229 : i32 to vector<16xi32>
      %add3A_1231 = arith.addi %add3A_1230, %iota3A : vector<16xi32>
      %ge3A_1232 = arith.constant 0 : i32
      %ge3A_1233 = vector.broadcast %ge3A_1232 : i32 to vector<16xi32>
      %ge3A_1234 = arith.cmpi sge, %get3A_1227, %ge3A_1233 : vector<16xi32>
      tpu.vector_store_idx %arg8[%get3A_1227], %add3A_1231 masked %ge3A_1234 : memref<1024xi32, #tpu.memory_space<vmem>>[vector<16xi32>], vector<16xi32>, vector<16xi1>
      %get3A_1235 = arith.constant 9 : i32
      %get3A_1236 = arith.index_cast %get3A_1235 : i32 to index
      %get3A_1237 = arith.constant 64 : index
      %get3A_1238 = tpu.vector_load %arg7[%get3A_1236, %get3A_1237] {strides = array<i32>} : memref<16x128xi32, #tpu.memory_space<vmem>>, vector<16xi32>,
      %add3A_1239 = arith.constant 1216 : i32
      %add3A_1240 = arith.addi %multiple_of3A, %add3A_1239 : i32
      %add3A_1241 = vector.broadcast %add3A_1240 : i32 to vector<16xi32>
      %add3A_1242 = arith.addi %add3A_1241, %iota3A : vector<16xi32>
      %ge3A_1243 = arith.constant 0 : i32
      %ge3A_1244 = vector.broadcast %ge3A_1243 : i32 to vector<16xi32>
      %ge3A_1245 = arith.cmpi sge, %get3A_1238, %ge3A_1244 : vector<16xi32>
      tpu.vector_store_idx %arg8[%get3A_1238], %add3A_1242 masked %ge3A_1245 : memref<1024xi32, #tpu.memory_space<vmem>>[vector<16xi32>], vector<16xi32>, vector<16xi1>
      %get3A_1246 = arith.constant 9 : i32
      %get3A_1247 = arith.index_cast %get3A_1246 : i32 to index
      %get3A_1248 = arith.constant 80 : index
      %get3A_1249 = tpu.vector_load %arg7[%get3A_1247, %get3A_1248] {strides = array<i32>} : memref<16x128xi32, #tpu.memory_space<vmem>>, vector<16xi32>,
      %add3A_1250 = arith.constant 1232 : i32
      %add3A_1251 = arith.addi %multiple_of3A, %add3A_1250 : i32
      %add3A_1252 = vector.broadcast %add3A_1251 : i32 to vector<16xi32>
      %add3A_1253 = arith.addi %add3A_1252, %iota3A : vector<16xi32>
      %ge3A_1254 = arith.constant 0 : i32
      %ge3A_1255 = vector.broadcast %ge3A_1254 : i32 to vector<16xi32>
      %ge3A_1256 = arith.cmpi sge, %get3A_1249, %ge3A_1255 : vector<16xi32>
      tpu.vector_store_idx %arg8[%get3A_1249], %add3A_1253 masked %ge3A_1256 : memref<1024xi32, #tpu.memory_space<vmem>>[vector<16xi32>], vector<16xi32>, vector<16xi1>
      %get3A_1257 = arith.constant 9 : i32
      %get3A_1258 = arith.index_cast %get3A_1257 : i32 to index
      %get3A_1259 = arith.constant 96 : index
      %get3A_1260 = tpu.vector_load %arg7[%get3A_1258, %get3A_1259] {strides = array<i32>} : memref<16x128xi32, #tpu.memory_space<vmem>>, vector<16xi32>,
      %add3A_1261 = arith.constant 1248 : i32
      %add3A_1262 = arith.addi %multiple_of3A, %add3A_1261 : i32
      %add3A_1263 = vector.broadcast %add3A_1262 : i32 to vector<16xi32>
      %add3A_1264 = arith.addi %add3A_1263, %iota3A : vector<16xi32>
      %ge3A_1265 = arith.constant 0 : i32
      %ge3A_1266 = vector.broadcast %ge3A_1265 : i32 to vector<16xi32>
      %ge3A_1267 = arith.cmpi sge, %get3A_1260, %ge3A_1266 : vector<16xi32>
      tpu.vector_store_idx %arg8[%get3A_1260], %add3A_1264 masked %ge3A_1267 : memref<1024xi32, #tpu.memory_space<vmem>>[vector<16xi32>], vector<16xi32>, vector<16xi1>
      %get3A_1268 = arith.constant 9 : i32
      %get3A_1269 = arith.index_cast %get3A_1268 : i32 to index
      %get3A_1270 = arith.constant 112 : index
      %get3A_1271 = tpu.vector_load %arg7[%get3A_1269, %get3A_1270] {strides = array<i32>} : memref<16x128xi32, #tpu.memory_space<vmem>>, vector<16xi32>,
      %add3A_1272 = arith.constant 1264 : i32
      %add3A_1273 = arith.addi %multiple_of3A, %add3A_1272 : i32
      %add3A_1274 = vector.broadcast %add3A_1273 : i32 to vector<16xi32>
      %add3A_1275 = arith.addi %add3A_1274, %iota3A : vector<16xi32>
      %ge3A_1276 = arith.constant 0 : i32
      %ge3A_1277 = vector.broadcast %ge3A_1276 : i32 to vector<16xi32>
      %ge3A_1278 = arith.cmpi sge, %get3A_1271, %ge3A_1277 : vector<16xi32>
      tpu.vector_store_idx %arg8[%get3A_1271], %add3A_1275 masked %ge3A_1278 : memref<1024xi32, #tpu.memory_space<vmem>>[vector<16xi32>], vector<16xi32>, vector<16xi1>
      %get3A_1279 = arith.constant 10 : i32
      %get3A_1280 = arith.index_cast %get3A_1279 : i32 to index
      %get3A_1281 = arith.constant 0 : index
      %get3A_1282 = tpu.vector_load %arg7[%get3A_1280, %get3A_1281] {strides = array<i32>} : memref<16x128xi32, #tpu.memory_space<vmem>>, vector<16xi32>,
      %add3A_1283 = arith.constant 1280 : i32
      %add3A_1284 = arith.addi %multiple_of3A, %add3A_1283 : i32
      %add3A_1285 = vector.broadcast %add3A_1284 : i32 to vector<16xi32>
      %add3A_1286 = arith.addi %add3A_1285, %iota3A : vector<16xi32>
      %ge3A_1287 = arith.constant 0 : i32
      %ge3A_1288 = vector.broadcast %ge3A_1287 : i32 to vector<16xi32>
      %ge3A_1289 = arith.cmpi sge, %get3A_1282, %ge3A_1288 : vector<16xi32>
      tpu.vector_store_idx %arg8[%get3A_1282], %add3A_1286 masked %ge3A_1289 : memref<1024xi32, #tpu.memory_space<vmem>>[vector<16xi32>], vector<16xi32>, vector<16xi1>
      %get3A_1290 = arith.constant 10 : i32
      %get3A_1291 = arith.index_cast %get3A_1290 : i32 to index
      %get3A_1292 = arith.constant 16 : index
      %get3A_1293 = tpu.vector_load %arg7[%get3A_1291, %get3A_1292] {strides = array<i32>} : memref<16x128xi32, #tpu.memory_space<vmem>>, vector<16xi32>,
      %add3A_1294 = arith.constant 1296 : i32
      %add3A_1295 = arith.addi %multiple_of3A, %add3A_1294 : i32
      %add3A_1296 = vector.broadcast %add3A_1295 : i32 to vector<16xi32>
      %add3A_1297 = arith.addi %add3A_1296, %iota3A : vector<16xi32>
      %ge3A_1298 = arith.constant 0 : i32
      %ge3A_1299 = vector.broadcast %ge3A_1298 : i32 to vector<16xi32>
      %ge3A_1300 = arith.cmpi sge, %get3A_1293, %ge3A_1299 : vector<16xi32>
      tpu.vector_store_idx %arg8[%get3A_1293], %add3A_1297 masked %ge3A_1300 : memref<1024xi32, #tpu.memory_space<vmem>>[vector<16xi32>], vector<16xi32>, vector<16xi1>
      %get3A_1301 = arith.constant 10 : i32
      %get3A_1302 = arith.index_cast %get3A_1301 : i32 to index
      %get3A_1303 = arith.constant 32 : index
      %get3A_1304 = tpu.vector_load %arg7[%get3A_1302, %get3A_1303] {strides = array<i32>} : memref<16x128xi32, #tpu.memory_space<vmem>>, vector<16xi32>,
      %add3A_1305 = arith.constant 1312 : i32
      %add3A_1306 = arith.addi %multiple_of3A, %add3A_1305 : i32
      %add3A_1307 = vector.broadcast %add3A_1306 : i32 to vector<16xi32>
      %add3A_1308 = arith.addi %add3A_1307, %iota3A : vector<16xi32>
      %ge3A_1309 = arith.constant 0 : i32
      %ge3A_1310 = vector.broadcast %ge3A_1309 : i32 to vector<16xi32>
      %ge3A_1311 = arith.cmpi sge, %get3A_1304, %ge3A_1310 : vector<16xi32>
      tpu.vector_store_idx %arg8[%get3A_1304], %add3A_1308 masked %ge3A_1311 : memref<1024xi32, #tpu.memory_space<vmem>>[vector<16xi32>], vector<16xi32>, vector<16xi1>
      %get3A_1312 = arith.constant 10 : i32
      %get3A_1313 = arith.index_cast %get3A_1312 : i32 to index
      %get3A_1314 = arith.constant 48 : index
      %get3A_1315 = tpu.vector_load %arg7[%get3A_1313, %get3A_1314] {strides = array<i32>} : memref<16x128xi32, #tpu.memory_space<vmem>>, vector<16xi32>,
      %add3A_1316 = arith.constant 1328 : i32
      %add3A_1317 = arith.addi %multiple_of3A, %add3A_1316 : i32
      %add3A_1318 = vector.broadcast %add3A_1317 : i32 to vector<16xi32>
      %add3A_1319 = arith.addi %add3A_1318, %iota3A : vector<16xi32>
      %ge3A_1320 = arith.constant 0 : i32
      %ge3A_1321 = vector.broadcast %ge3A_1320 : i32 to vector<16xi32>
      %ge3A_1322 = arith.cmpi sge, %get3A_1315, %ge3A_1321 : vector<16xi32>
      tpu.vector_store_idx %arg8[%get3A_1315], %add3A_1319 masked %ge3A_1322 : memref<1024xi32, #tpu.memory_space<vmem>>[vector<16xi32>], vector<16xi32>, vector<16xi1>
      %get3A_1323 = arith.constant 10 : i32
      %get3A_1324 = arith.index_cast %get3A_1323 : i32 to index
      %get3A_1325 = arith.constant 64 : index
      %get3A_1326 = tpu.vector_load %arg7[%get3A_1324, %get3A_1325] {strides = array<i32>} : memref<16x128xi32, #tpu.memory_space<vmem>>, vector<16xi32>,
      %add3A_1327 = arith.constant 1344 : i32
      %add3A_1328 = arith.addi %multiple_of3A, %add3A_1327 : i32
      %add3A_1329 = vector.broadcast %add3A_1328 : i32 to vector<16xi32>
      %add3A_1330 = arith.addi %add3A_1329, %iota3A : vector<16xi32>
      %ge3A_1331 = arith.constant 0 : i32
      %ge3A_1332 = vector.broadcast %ge3A_1331 : i32 to vector<16xi32>
      %ge3A_1333 = arith.cmpi sge, %get3A_1326, %ge3A_1332 : vector<16xi32>
      tpu.vector_store_idx %arg8[%get3A_1326], %add3A_1330 masked %ge3A_1333 : memref<1024xi32, #tpu.memory_space<vmem>>[vector<16xi32>], vector<16xi32>, vector<16xi1>
      %get3A_1334 = arith.constant 10 : i32
      %get3A_1335 = arith.index_cast %get3A_1334 : i32 to index
      %get3A_1336 = arith.constant 80 : index
      %get3A_1337 = tpu.vector_load %arg7[%get3A_1335, %get3A_1336] {strides = array<i32>} : memref<16x128xi32, #tpu.memory_space<vmem>>, vector<16xi32>,
      %add3A_1338 = arith.constant 1360 : i32
      %add3A_1339 = arith.addi %multiple_of3A, %add3A_1338 : i32
      %add3A_1340 = vector.broadcast %add3A_1339 : i32 to vector<16xi32>
      %add3A_1341 = arith.addi %add3A_1340, %iota3A : vector<16xi32>
      %ge3A_1342 = arith.constant 0 : i32
      %ge3A_1343 = vector.broadcast %ge3A_1342 : i32 to vector<16xi32>
      %ge3A_1344 = arith.cmpi sge, %get3A_1337, %ge3A_1343 : vector<16xi32>
      tpu.vector_store_idx %arg8[%get3A_1337], %add3A_1341 masked %ge3A_1344 : memref<1024xi32, #tpu.memory_space<vmem>>[vector<16xi32>], vector<16xi32>, vector<16xi1>
      %get3A_1345 = arith.constant 10 : i32
      %get3A_1346 = arith.index_cast %get3A_1345 : i32 to index
      %get3A_1347 = arith.constant 96 : index
      %get3A_1348 = tpu.vector_load %arg7[%get3A_1346, %get3A_1347] {strides = array<i32>} : memref<16x128xi32, #tpu.memory_space<vmem>>, vector<16xi32>,
      %add3A_1349 = arith.constant 1376 : i32
      %add3A_1350 = arith.addi %multiple_of3A, %add3A_1349 : i32
      %add3A_1351 = vector.broadcast %add3A_1350 : i32 to vector<16xi32>
      %add3A_1352 = arith.addi %add3A_1351, %iota3A : vector<16xi32>
      %ge3A_1353 = arith.constant 0 : i32
      %ge3A_1354 = vector.broadcast %ge3A_1353 : i32 to vector<16xi32>
      %ge3A_1355 = arith.cmpi sge, %get3A_1348, %ge3A_1354 : vector<16xi32>
      tpu.vector_store_idx %arg8[%get3A_1348], %add3A_1352 masked %ge3A_1355 : memref<1024xi32, #tpu.memory_space<vmem>>[vector<16xi32>], vector<16xi32>, vector<16xi1>
      %get3A_1356 = arith.constant 10 : i32
      %get3A_1357 = arith.index_cast %get3A_1356 : i32 to index
      %get3A_1358 = arith.constant 112 : index
      %get3A_1359 = tpu.vector_load %arg7[%get3A_1357, %get3A_1358] {strides = array<i32>} : memref<16x128xi32, #tpu.memory_space<vmem>>, vector<16xi32>,
      %add3A_1360 = arith.constant 1392 : i32
      %add3A_1361 = arith.addi %multiple_of3A, %add3A_1360 : i32
      %add3A_1362 = vector.broadcast %add3A_1361 : i32 to vector<16xi32>
      %add3A_1363 = arith.addi %add3A_1362, %iota3A : vector<16xi32>
      %ge3A_1364 = arith.constant 0 : i32
      %ge3A_1365 = vector.broadcast %ge3A_1364 : i32 to vector<16xi32>
      %ge3A_1366 = arith.cmpi sge, %get3A_1359, %ge3A_1365 : vector<16xi32>
      tpu.vector_store_idx %arg8[%get3A_1359], %add3A_1363 masked %ge3A_1366 : memref<1024xi32, #tpu.memory_space<vmem>>[vector<16xi32>], vector<16xi32>, vector<16xi1>
      %get3A_1367 = arith.constant 11 : i32
      %get3A_1368 = arith.index_cast %get3A_1367 : i32 to index
      %get3A_1369 = arith.constant 0 : index
      %get3A_1370 = tpu.vector_load %arg7[%get3A_1368, %get3A_1369] {strides = array<i32>} : memref<16x128xi32, #tpu.memory_space<vmem>>, vector<16xi32>,
      %add3A_1371 = arith.constant 1408 : i32
      %add3A_1372 = arith.addi %multiple_of3A, %add3A_1371 : i32
      %add3A_1373 = vector.broadcast %add3A_1372 : i32 to vector<16xi32>
      %add3A_1374 = arith.addi %add3A_1373, %iota3A : vector<16xi32>
      %ge3A_1375 = arith.constant 0 : i32
      %ge3A_1376 = vector.broadcast %ge3A_1375 : i32 to vector<16xi32>
      %ge3A_1377 = arith.cmpi sge, %get3A_1370, %ge3A_1376 : vector<16xi32>
      tpu.vector_store_idx %arg8[%get3A_1370], %add3A_1374 masked %ge3A_1377 : memref<1024xi32, #tpu.memory_space<vmem>>[vector<16xi32>], vector<16xi32>, vector<16xi1>
      %get3A_1378 = arith.constant 11 : i32
      %get3A_1379 = arith.index_cast %get3A_1378 : i32 to index
      %get3A_1380 = arith.constant 16 : index
      %get3A_1381 = tpu.vector_load %arg7[%get3A_1379, %get3A_1380] {strides = array<i32>} : memref<16x128xi32, #tpu.memory_space<vmem>>, vector<16xi32>,
      %add3A_1382 = arith.constant 1424 : i32
      %add3A_1383 = arith.addi %multiple_of3A, %add3A_1382 : i32
      %add3A_1384 = vector.broadcast %add3A_1383 : i32 to vector<16xi32>
      %add3A_1385 = arith.addi %add3A_1384, %iota3A : vector<16xi32>
      %ge3A_1386 = arith.constant 0 : i32
      %ge3A_1387 = vector.broadcast %ge3A_1386 : i32 to vector<16xi32>
      %ge3A_1388 = arith.cmpi sge, %get3A_1381, %ge3A_1387 : vector<16xi32>
      tpu.vector_store_idx %arg8[%get3A_1381], %add3A_1385 masked %ge3A_1388 : memref<1024xi32, #tpu.memory_space<vmem>>[vector<16xi32>], vector<16xi32>, vector<16xi1>
      %get3A_1389 = arith.constant 11 : i32
      %get3A_1390 = arith.index_cast %get3A_1389 : i32 to index
      %get3A_1391 = arith.constant 32 : index
      %get3A_1392 = tpu.vector_load %arg7[%get3A_1390, %get3A_1391] {strides = array<i32>} : memref<16x128xi32, #tpu.memory_space<vmem>>, vector<16xi32>,
      %add3A_1393 = arith.constant 1440 : i32
      %add3A_1394 = arith.addi %multiple_of3A, %add3A_1393 : i32
      %add3A_1395 = vector.broadcast %add3A_1394 : i32 to vector<16xi32>
      %add3A_1396 = arith.addi %add3A_1395, %iota3A : vector<16xi32>
      %ge3A_1397 = arith.constant 0 : i32
      %ge3A_1398 = vector.broadcast %ge3A_1397 : i32 to vector<16xi32>
      %ge3A_1399 = arith.cmpi sge, %get3A_1392, %ge3A_1398 : vector<16xi32>
      tpu.vector_store_idx %arg8[%get3A_1392], %add3A_1396 masked %ge3A_1399 : memref<1024xi32, #tpu.memory_space<vmem>>[vector<16xi32>], vector<16xi32>, vector<16xi1>
      %get3A_1400 = arith.constant 11 : i32
      %get3A_1401 = arith.index_cast %get3A_1400 : i32 to index
      %get3A_1402 = arith.constant 48 : index
      %get3A_1403 = tpu.vector_load %arg7[%get3A_1401, %get3A_1402] {strides = array<i32>} : memref<16x128xi32, #tpu.memory_space<vmem>>, vector<16xi32>,
      %add3A_1404 = arith.constant 1456 : i32
      %add3A_1405 = arith.addi %multiple_of3A, %add3A_1404 : i32
      %add3A_1406 = vector.broadcast %add3A_1405 : i32 to vector<16xi32>
      %add3A_1407 = arith.addi %add3A_1406, %iota3A : vector<16xi32>
      %ge3A_1408 = arith.constant 0 : i32
      %ge3A_1409 = vector.broadcast %ge3A_1408 : i32 to vector<16xi32>
      %ge3A_1410 = arith.cmpi sge, %get3A_1403, %ge3A_1409 : vector<16xi32>
      tpu.vector_store_idx %arg8[%get3A_1403], %add3A_1407 masked %ge3A_1410 : memref<1024xi32, #tpu.memory_space<vmem>>[vector<16xi32>], vector<16xi32>, vector<16xi1>
      %get3A_1411 = arith.constant 11 : i32
      %get3A_1412 = arith.index_cast %get3A_1411 : i32 to index
      %get3A_1413 = arith.constant 64 : index
      %get3A_1414 = tpu.vector_load %arg7[%get3A_1412, %get3A_1413] {strides = array<i32>} : memref<16x128xi32, #tpu.memory_space<vmem>>, vector<16xi32>,
      %add3A_1415 = arith.constant 1472 : i32
      %add3A_1416 = arith.addi %multiple_of3A, %add3A_1415 : i32
      %add3A_1417 = vector.broadcast %add3A_1416 : i32 to vector<16xi32>
      %add3A_1418 = arith.addi %add3A_1417, %iota3A : vector<16xi32>
      %ge3A_1419 = arith.constant 0 : i32
      %ge3A_1420 = vector.broadcast %ge3A_1419 : i32 to vector<16xi32>
      %ge3A_1421 = arith.cmpi sge, %get3A_1414, %ge3A_1420 : vector<16xi32>
      tpu.vector_store_idx %arg8[%get3A_1414], %add3A_1418 masked %ge3A_1421 : memref<1024xi32, #tpu.memory_space<vmem>>[vector<16xi32>], vector<16xi32>, vector<16xi1>
      %get3A_1422 = arith.constant 11 : i32
      %get3A_1423 = arith.index_cast %get3A_1422 : i32 to index
      %get3A_1424 = arith.constant 80 : index
      %get3A_1425 = tpu.vector_load %arg7[%get3A_1423, %get3A_1424] {strides = array<i32>} : memref<16x128xi32, #tpu.memory_space<vmem>>, vector<16xi32>,
      %add3A_1426 = arith.constant 1488 : i32
      %add3A_1427 = arith.addi %multiple_of3A, %add3A_1426 : i32
      %add3A_1428 = vector.broadcast %add3A_1427 : i32 to vector<16xi32>
      %add3A_1429 = arith.addi %add3A_1428, %iota3A : vector<16xi32>
      %ge3A_1430 = arith.constant 0 : i32
      %ge3A_1431 = vector.broadcast %ge3A_1430 : i32 to vector<16xi32>
      %ge3A_1432 = arith.cmpi sge, %get3A_1425, %ge3A_1431 : vector<16xi32>
      tpu.vector_store_idx %arg8[%get3A_1425], %add3A_1429 masked %ge3A_1432 : memref<1024xi32, #tpu.memory_space<vmem>>[vector<16xi32>], vector<16xi32>, vector<16xi1>
      %get3A_1433 = arith.constant 11 : i32
      %get3A_1434 = arith.index_cast %get3A_1433 : i32 to index
      %get3A_1435 = arith.constant 96 : index
      %get3A_1436 = tpu.vector_load %arg7[%get3A_1434, %get3A_1435] {strides = array<i32>} : memref<16x128xi32, #tpu.memory_space<vmem>>, vector<16xi32>,
      %add3A_1437 = arith.constant 1504 : i32
      %add3A_1438 = arith.addi %multiple_of3A, %add3A_1437 : i32
      %add3A_1439 = vector.broadcast %add3A_1438 : i32 to vector<16xi32>
      %add3A_1440 = arith.addi %add3A_1439, %iota3A : vector<16xi32>
      %ge3A_1441 = arith.constant 0 : i32
      %ge3A_1442 = vector.broadcast %ge3A_1441 : i32 to vector<16xi32>
      %ge3A_1443 = arith.cmpi sge, %get3A_1436, %ge3A_1442 : vector<16xi32>
      tpu.vector_store_idx %arg8[%get3A_1436], %add3A_1440 masked %ge3A_1443 : memref<1024xi32, #tpu.memory_space<vmem>>[vector<16xi32>], vector<16xi32>, vector<16xi1>
      %get3A_1444 = arith.constant 11 : i32
      %get3A_1445 = arith.index_cast %get3A_1444 : i32 to index
      %get3A_1446 = arith.constant 112 : index
      %get3A_1447 = tpu.vector_load %arg7[%get3A_1445, %get3A_1446] {strides = array<i32>} : memref<16x128xi32, #tpu.memory_space<vmem>>, vector<16xi32>,
      %add3A_1448 = arith.constant 1520 : i32
      %add3A_1449 = arith.addi %multiple_of3A, %add3A_1448 : i32
      %add3A_1450 = vector.broadcast %add3A_1449 : i32 to vector<16xi32>
      %add3A_1451 = arith.addi %add3A_1450, %iota3A : vector<16xi32>
      %ge3A_1452 = arith.constant 0 : i32
      %ge3A_1453 = vector.broadcast %ge3A_1452 : i32 to vector<16xi32>
      %ge3A_1454 = arith.cmpi sge, %get3A_1447, %ge3A_1453 : vector<16xi32>
      tpu.vector_store_idx %arg8[%get3A_1447], %add3A_1451 masked %ge3A_1454 : memref<1024xi32, #tpu.memory_space<vmem>>[vector<16xi32>], vector<16xi32>, vector<16xi1>
      %get3A_1455 = arith.constant 12 : i32
      %get3A_1456 = arith.index_cast %get3A_1455 : i32 to index
      %get3A_1457 = arith.constant 0 : index
      %get3A_1458 = tpu.vector_load %arg7[%get3A_1456, %get3A_1457] {strides = array<i32>} : memref<16x128xi32, #tpu.memory_space<vmem>>, vector<16xi32>,
      %add3A_1459 = arith.constant 1536 : i32
      %add3A_1460 = arith.addi %multiple_of3A, %add3A_1459 : i32
      %add3A_1461 = vector.broadcast %add3A_1460 : i32 to vector<16xi32>
      %add3A_1462 = arith.addi %add3A_1461, %iota3A : vector<16xi32>
      %ge3A_1463 = arith.constant 0 : i32
      %ge3A_1464 = vector.broadcast %ge3A_1463 : i32 to vector<16xi32>
      %ge3A_1465 = arith.cmpi sge, %get3A_1458, %ge3A_1464 : vector<16xi32>
      tpu.vector_store_idx %arg8[%get3A_1458], %add3A_1462 masked %ge3A_1465 : memref<1024xi32, #tpu.memory_space<vmem>>[vector<16xi32>], vector<16xi32>, vector<16xi1>
      %get3A_1466 = arith.constant 12 : i32
      %get3A_1467 = arith.index_cast %get3A_1466 : i32 to index
      %get3A_1468 = arith.constant 16 : index
      %get3A_1469 = tpu.vector_load %arg7[%get3A_1467, %get3A_1468] {strides = array<i32>} : memref<16x128xi32, #tpu.memory_space<vmem>>, vector<16xi32>,
      %add3A_1470 = arith.constant 1552 : i32
      %add3A_1471 = arith.addi %multiple_of3A, %add3A_1470 : i32
      %add3A_1472 = vector.broadcast %add3A_1471 : i32 to vector<16xi32>
      %add3A_1473 = arith.addi %add3A_1472, %iota3A : vector<16xi32>
      %ge3A_1474 = arith.constant 0 : i32
      %ge3A_1475 = vector.broadcast %ge3A_1474 : i32 to vector<16xi32>
      %ge3A_1476 = arith.cmpi sge, %get3A_1469, %ge3A_1475 : vector<16xi32>
      tpu.vector_store_idx %arg8[%get3A_1469], %add3A_1473 masked %ge3A_1476 : memref<1024xi32, #tpu.memory_space<vmem>>[vector<16xi32>], vector<16xi32>, vector<16xi1>
      %get3A_1477 = arith.constant 12 : i32
      %get3A_1478 = arith.index_cast %get3A_1477 : i32 to index
      %get3A_1479 = arith.constant 32 : index
      %get3A_1480 = tpu.vector_load %arg7[%get3A_1478, %get3A_1479] {strides = array<i32>} : memref<16x128xi32, #tpu.memory_space<vmem>>, vector<16xi32>,
      %add3A_1481 = arith.constant 1568 : i32
      %add3A_1482 = arith.addi %multiple_of3A, %add3A_1481 : i32
      %add3A_1483 = vector.broadcast %add3A_1482 : i32 to vector<16xi32>
      %add3A_1484 = arith.addi %add3A_1483, %iota3A : vector<16xi32>
      %ge3A_1485 = arith.constant 0 : i32
      %ge3A_1486 = vector.broadcast %ge3A_1485 : i32 to vector<16xi32>
      %ge3A_1487 = arith.cmpi sge, %get3A_1480, %ge3A_1486 : vector<16xi32>
      tpu.vector_store_idx %arg8[%get3A_1480], %add3A_1484 masked %ge3A_1487 : memref<1024xi32, #tpu.memory_space<vmem>>[vector<16xi32>], vector<16xi32>, vector<16xi1>
      %get3A_1488 = arith.constant 12 : i32
      %get3A_1489 = arith.index_cast %get3A_1488 : i32 to index
      %get3A_1490 = arith.constant 48 : index
      %get3A_1491 = tpu.vector_load %arg7[%get3A_1489, %get3A_1490] {strides = array<i32>} : memref<16x128xi32, #tpu.memory_space<vmem>>, vector<16xi32>,
      %add3A_1492 = arith.constant 1584 : i32
      %add3A_1493 = arith.addi %multiple_of3A, %add3A_1492 : i32
      %add3A_1494 = vector.broadcast %add3A_1493 : i32 to vector<16xi32>
      %add3A_1495 = arith.addi %add3A_1494, %iota3A : vector<16xi32>
      %ge3A_1496 = arith.constant 0 : i32
      %ge3A_1497 = vector.broadcast %ge3A_1496 : i32 to vector<16xi32>
      %ge3A_1498 = arith.cmpi sge, %get3A_1491, %ge3A_1497 : vector<16xi32>
      tpu.vector_store_idx %arg8[%get3A_1491], %add3A_1495 masked %ge3A_1498 : memref<1024xi32, #tpu.memory_space<vmem>>[vector<16xi32>], vector<16xi32>, vector<16xi1>
      %get3A_1499 = arith.constant 12 : i32
      %get3A_1500 = arith.index_cast %get3A_1499 : i32 to index
      %get3A_1501 = arith.constant 64 : index
      %get3A_1502 = tpu.vector_load %arg7[%get3A_1500, %get3A_1501] {strides = array<i32>} : memref<16x128xi32, #tpu.memory_space<vmem>>, vector<16xi32>,
      %add3A_1503 = arith.constant 1600 : i32
      %add3A_1504 = arith.addi %multiple_of3A, %add3A_1503 : i32
      %add3A_1505 = vector.broadcast %add3A_1504 : i32 to vector<16xi32>
      %add3A_1506 = arith.addi %add3A_1505, %iota3A : vector<16xi32>
      %ge3A_1507 = arith.constant 0 : i32
      %ge3A_1508 = vector.broadcast %ge3A_1507 : i32 to vector<16xi32>
      %ge3A_1509 = arith.cmpi sge, %get3A_1502, %ge3A_1508 : vector<16xi32>
      tpu.vector_store_idx %arg8[%get3A_1502], %add3A_1506 masked %ge3A_1509 : memref<1024xi32, #tpu.memory_space<vmem>>[vector<16xi32>], vector<16xi32>, vector<16xi1>
      %get3A_1510 = arith.constant 12 : i32
      %get3A_1511 = arith.index_cast %get3A_1510 : i32 to index
      %get3A_1512 = arith.constant 80 : index
      %get3A_1513 = tpu.vector_load %arg7[%get3A_1511, %get3A_1512] {strides = array<i32>} : memref<16x128xi32, #tpu.memory_space<vmem>>, vector<16xi32>,
      %add3A_1514 = arith.constant 1616 : i32
      %add3A_1515 = arith.addi %multiple_of3A, %add3A_1514 : i32
      %add3A_1516 = vector.broadcast %add3A_1515 : i32 to vector<16xi32>
      %add3A_1517 = arith.addi %add3A_1516, %iota3A : vector<16xi32>
      %ge3A_1518 = arith.constant 0 : i32
      %ge3A_1519 = vector.broadcast %ge3A_1518 : i32 to vector<16xi32>
      %ge3A_1520 = arith.cmpi sge, %get3A_1513, %ge3A_1519 : vector<16xi32>
      tpu.vector_store_idx %arg8[%get3A_1513], %add3A_1517 masked %ge3A_1520 : memref<1024xi32, #tpu.memory_space<vmem>>[vector<16xi32>], vector<16xi32>, vector<16xi1>
      %get3A_1521 = arith.constant 12 : i32
      %get3A_1522 = arith.index_cast %get3A_1521 : i32 to index
      %get3A_1523 = arith.constant 96 : index
      %get3A_1524 = tpu.vector_load %arg7[%get3A_1522, %get3A_1523] {strides = array<i32>} : memref<16x128xi32, #tpu.memory_space<vmem>>, vector<16xi32>,
      %add3A_1525 = arith.constant 1632 : i32
      %add3A_1526 = arith.addi %multiple_of3A, %add3A_1525 : i32
      %add3A_1527 = vector.broadcast %add3A_1526 : i32 to vector<16xi32>
      %add3A_1528 = arith.addi %add3A_1527, %iota3A : vector<16xi32>
      %ge3A_1529 = arith.constant 0 : i32
      %ge3A_1530 = vector.broadcast %ge3A_1529 : i32 to vector<16xi32>
      %ge3A_1531 = arith.cmpi sge, %get3A_1524, %ge3A_1530 : vector<16xi32>
      tpu.vector_store_idx %arg8[%get3A_1524], %add3A_1528 masked %ge3A_1531 : memref<1024xi32, #tpu.memory_space<vmem>>[vector<16xi32>], vector<16xi32>, vector<16xi1>
      %get3A_1532 = arith.constant 12 : i32
      %get3A_1533 = arith.index_cast %get3A_1532 : i32 to index
      %get3A_1534 = arith.constant 112 : index
      %get3A_1535 = tpu.vector_load %arg7[%get3A_1533, %get3A_1534] {strides = array<i32>} : memref<16x128xi32, #tpu.memory_space<vmem>>, vector<16xi32>,
      %add3A_1536 = arith.constant 1648 : i32
      %add3A_1537 = arith.addi %multiple_of3A, %add3A_1536 : i32
      %add3A_1538 = vector.broadcast %add3A_1537 : i32 to vector<16xi32>
      %add3A_1539 = arith.addi %add3A_1538, %iota3A : vector<16xi32>
      %ge3A_1540 = arith.constant 0 : i32
      %ge3A_1541 = vector.broadcast %ge3A_1540 : i32 to vector<16xi32>
      %ge3A_1542 = arith.cmpi sge, %get3A_1535, %ge3A_1541 : vector<16xi32>
      tpu.vector_store_idx %arg8[%get3A_1535], %add3A_1539 masked %ge3A_1542 : memref<1024xi32, #tpu.memory_space<vmem>>[vector<16xi32>], vector<16xi32>, vector<16xi1>
      %get3A_1543 = arith.constant 13 : i32
      %get3A_1544 = arith.index_cast %get3A_1543 : i32 to index
      %get3A_1545 = arith.constant 0 : index
      %get3A_1546 = tpu.vector_load %arg7[%get3A_1544, %get3A_1545] {strides = array<i32>} : memref<16x128xi32, #tpu.memory_space<vmem>>, vector<16xi32>,
      %add3A_1547 = arith.constant 1664 : i32
      %add3A_1548 = arith.addi %multiple_of3A, %add3A_1547 : i32
      %add3A_1549 = vector.broadcast %add3A_1548 : i32 to vector<16xi32>
      %add3A_1550 = arith.addi %add3A_1549, %iota3A : vector<16xi32>
      %ge3A_1551 = arith.constant 0 : i32
      %ge3A_1552 = vector.broadcast %ge3A_1551 : i32 to vector<16xi32>
      %ge3A_1553 = arith.cmpi sge, %get3A_1546, %ge3A_1552 : vector<16xi32>
      tpu.vector_store_idx %arg8[%get3A_1546], %add3A_1550 masked %ge3A_1553 : memref<1024xi32, #tpu.memory_space<vmem>>[vector<16xi32>], vector<16xi32>, vector<16xi1>
      %get3A_1554 = arith.constant 13 : i32
      %get3A_1555 = arith.index_cast %get3A_1554 : i32 to index
      %get3A_1556 = arith.constant 16 : index
      %get3A_1557 = tpu.vector_load %arg7[%get3A_1555, %get3A_1556] {strides = array<i32>} : memref<16x128xi32, #tpu.memory_space<vmem>>, vector<16xi32>,
      %add3A_1558 = arith.constant 1680 : i32
      %add3A_1559 = arith.addi %multiple_of3A, %add3A_1558 : i32
      %add3A_1560 = vector.broadcast %add3A_1559 : i32 to vector<16xi32>
      %add3A_1561 = arith.addi %add3A_1560, %iota3A : vector<16xi32>
      %ge3A_1562 = arith.constant 0 : i32
      %ge3A_1563 = vector.broadcast %ge3A_1562 : i32 to vector<16xi32>
      %ge3A_1564 = arith.cmpi sge, %get3A_1557, %ge3A_1563 : vector<16xi32>
      tpu.vector_store_idx %arg8[%get3A_1557], %add3A_1561 masked %ge3A_1564 : memref<1024xi32, #tpu.memory_space<vmem>>[vector<16xi32>], vector<16xi32>, vector<16xi1>
      %get3A_1565 = arith.constant 13 : i32
      %get3A_1566 = arith.index_cast %get3A_1565 : i32 to index
      %get3A_1567 = arith.constant 32 : index
      %get3A_1568 = tpu.vector_load %arg7[%get3A_1566, %get3A_1567] {strides = array<i32>} : memref<16x128xi32, #tpu.memory_space<vmem>>, vector<16xi32>,
      %add3A_1569 = arith.constant 1696 : i32
      %add3A_1570 = arith.addi %multiple_of3A, %add3A_1569 : i32
      %add3A_1571 = vector.broadcast %add3A_1570 : i32 to vector<16xi32>
      %add3A_1572 = arith.addi %add3A_1571, %iota3A : vector<16xi32>
      %ge3A_1573 = arith.constant 0 : i32
      %ge3A_1574 = vector.broadcast %ge3A_1573 : i32 to vector<16xi32>
      %ge3A_1575 = arith.cmpi sge, %get3A_1568, %ge3A_1574 : vector<16xi32>
      tpu.vector_store_idx %arg8[%get3A_1568], %add3A_1572 masked %ge3A_1575 : memref<1024xi32, #tpu.memory_space<vmem>>[vector<16xi32>], vector<16xi32>, vector<16xi1>
      %get3A_1576 = arith.constant 13 : i32
      %get3A_1577 = arith.index_cast %get3A_1576 : i32 to index
      %get3A_1578 = arith.constant 48 : index
      %get3A_1579 = tpu.vector_load %arg7[%get3A_1577, %get3A_1578] {strides = array<i32>} : memref<16x128xi32, #tpu.memory_space<vmem>>, vector<16xi32>,
      %add3A_1580 = arith.constant 1712 : i32
      %add3A_1581 = arith.addi %multiple_of3A, %add3A_1580 : i32
      %add3A_1582 = vector.broadcast %add3A_1581 : i32 to vector<16xi32>
      %add3A_1583 = arith.addi %add3A_1582, %iota3A : vector<16xi32>
      %ge3A_1584 = arith.constant 0 : i32
      %ge3A_1585 = vector.broadcast %ge3A_1584 : i32 to vector<16xi32>
      %ge3A_1586 = arith.cmpi sge, %get3A_1579, %ge3A_1585 : vector<16xi32>
      tpu.vector_store_idx %arg8[%get3A_1579], %add3A_1583 masked %ge3A_1586 : memref<1024xi32, #tpu.memory_space<vmem>>[vector<16xi32>], vector<16xi32>, vector<16xi1>
      %get3A_1587 = arith.constant 13 : i32
      %get3A_1588 = arith.index_cast %get3A_1587 : i32 to index
      %get3A_1589 = arith.constant 64 : index
      %get3A_1590 = tpu.vector_load %arg7[%get3A_1588, %get3A_1589] {strides = array<i32>} : memref<16x128xi32, #tpu.memory_space<vmem>>, vector<16xi32>,
      %add3A_1591 = arith.constant 1728 : i32
      %add3A_1592 = arith.addi %multiple_of3A, %add3A_1591 : i32
      %add3A_1593 = vector.broadcast %add3A_1592 : i32 to vector<16xi32>
      %add3A_1594 = arith.addi %add3A_1593, %iota3A : vector<16xi32>
      %ge3A_1595 = arith.constant 0 : i32
      %ge3A_1596 = vector.broadcast %ge3A_1595 : i32 to vector<16xi32>
      %ge3A_1597 = arith.cmpi sge, %get3A_1590, %ge3A_1596 : vector<16xi32>
      tpu.vector_store_idx %arg8[%get3A_1590], %add3A_1594 masked %ge3A_1597 : memref<1024xi32, #tpu.memory_space<vmem>>[vector<16xi32>], vector<16xi32>, vector<16xi1>
      %get3A_1598 = arith.constant 13 : i32
      %get3A_1599 = arith.index_cast %get3A_1598 : i32 to index
      %get3A_1600 = arith.constant 80 : index
      %get3A_1601 = tpu.vector_load %arg7[%get3A_1599, %get3A_1600] {strides = array<i32>} : memref<16x128xi32, #tpu.memory_space<vmem>>, vector<16xi32>,
      %add3A_1602 = arith.constant 1744 : i32
      %add3A_1603 = arith.addi %multiple_of3A, %add3A_1602 : i32
      %add3A_1604 = vector.broadcast %add3A_1603 : i32 to vector<16xi32>
      %add3A_1605 = arith.addi %add3A_1604, %iota3A : vector<16xi32>
      %ge3A_1606 = arith.constant 0 : i32
      %ge3A_1607 = vector.broadcast %ge3A_1606 : i32 to vector<16xi32>
      %ge3A_1608 = arith.cmpi sge, %get3A_1601, %ge3A_1607 : vector<16xi32>
      tpu.vector_store_idx %arg8[%get3A_1601], %add3A_1605 masked %ge3A_1608 : memref<1024xi32, #tpu.memory_space<vmem>>[vector<16xi32>], vector<16xi32>, vector<16xi1>
      %get3A_1609 = arith.constant 13 : i32
      %get3A_1610 = arith.index_cast %get3A_1609 : i32 to index
      %get3A_1611 = arith.constant 96 : index
      %get3A_1612 = tpu.vector_load %arg7[%get3A_1610, %get3A_1611] {strides = array<i32>} : memref<16x128xi32, #tpu.memory_space<vmem>>, vector<16xi32>,
      %add3A_1613 = arith.constant 1760 : i32
      %add3A_1614 = arith.addi %multiple_of3A, %add3A_1613 : i32
      %add3A_1615 = vector.broadcast %add3A_1614 : i32 to vector<16xi32>
      %add3A_1616 = arith.addi %add3A_1615, %iota3A : vector<16xi32>
      %ge3A_1617 = arith.constant 0 : i32
      %ge3A_1618 = vector.broadcast %ge3A_1617 : i32 to vector<16xi32>
      %ge3A_1619 = arith.cmpi sge, %get3A_1612, %ge3A_1618 : vector<16xi32>
      tpu.vector_store_idx %arg8[%get3A_1612], %add3A_1616 masked %ge3A_1619 : memref<1024xi32, #tpu.memory_space<vmem>>[vector<16xi32>], vector<16xi32>, vector<16xi1>
      %get3A_1620 = arith.constant 13 : i32
      %get3A_1621 = arith.index_cast %get3A_1620 : i32 to index
      %get3A_1622 = arith.constant 112 : index
      %get3A_1623 = tpu.vector_load %arg7[%get3A_1621, %get3A_1622] {strides = array<i32>} : memref<16x128xi32, #tpu.memory_space<vmem>>, vector<16xi32>,
      %add3A_1624 = arith.constant 1776 : i32
      %add3A_1625 = arith.addi %multiple_of3A, %add3A_1624 : i32
      %add3A_1626 = vector.broadcast %add3A_1625 : i32 to vector<16xi32>
      %add3A_1627 = arith.addi %add3A_1626, %iota3A : vector<16xi32>
      %ge3A_1628 = arith.constant 0 : i32
      %ge3A_1629 = vector.broadcast %ge3A_1628 : i32 to vector<16xi32>
      %ge3A_1630 = arith.cmpi sge, %get3A_1623, %ge3A_1629 : vector<16xi32>
      tpu.vector_store_idx %arg8[%get3A_1623], %add3A_1627 masked %ge3A_1630 : memref<1024xi32, #tpu.memory_space<vmem>>[vector<16xi32>], vector<16xi32>, vector<16xi1>
      %get3A_1631 = arith.constant 14 : i32
      %get3A_1632 = arith.index_cast %get3A_1631 : i32 to index
      %get3A_1633 = arith.constant 0 : index
      %get3A_1634 = tpu.vector_load %arg7[%get3A_1632, %get3A_1633] {strides = array<i32>} : memref<16x128xi32, #tpu.memory_space<vmem>>, vector<16xi32>,
      %add3A_1635 = arith.constant 1792 : i32
      %add3A_1636 = arith.addi %multiple_of3A, %add3A_1635 : i32
      %add3A_1637 = vector.broadcast %add3A_1636 : i32 to vector<16xi32>
      %add3A_1638 = arith.addi %add3A_1637, %iota3A : vector<16xi32>
      %ge3A_1639 = arith.constant 0 : i32
      %ge3A_1640 = vector.broadcast %ge3A_1639 : i32 to vector<16xi32>
      %ge3A_1641 = arith.cmpi sge, %get3A_1634, %ge3A_1640 : vector<16xi32>
      tpu.vector_store_idx %arg8[%get3A_1634], %add3A_1638 masked %ge3A_1641 : memref<1024xi32, #tpu.memory_space<vmem>>[vector<16xi32>], vector<16xi32>, vector<16xi1>
      %get3A_1642 = arith.constant 14 : i32
      %get3A_1643 = arith.index_cast %get3A_1642 : i32 to index
      %get3A_1644 = arith.constant 16 : index
      %get3A_1645 = tpu.vector_load %arg7[%get3A_1643, %get3A_1644] {strides = array<i32>} : memref<16x128xi32, #tpu.memory_space<vmem>>, vector<16xi32>,
      %add3A_1646 = arith.constant 1808 : i32
      %add3A_1647 = arith.addi %multiple_of3A, %add3A_1646 : i32
      %add3A_1648 = vector.broadcast %add3A_1647 : i32 to vector<16xi32>
      %add3A_1649 = arith.addi %add3A_1648, %iota3A : vector<16xi32>
      %ge3A_1650 = arith.constant 0 : i32
      %ge3A_1651 = vector.broadcast %ge3A_1650 : i32 to vector<16xi32>
      %ge3A_1652 = arith.cmpi sge, %get3A_1645, %ge3A_1651 : vector<16xi32>
      tpu.vector_store_idx %arg8[%get3A_1645], %add3A_1649 masked %ge3A_1652 : memref<1024xi32, #tpu.memory_space<vmem>>[vector<16xi32>], vector<16xi32>, vector<16xi1>
      %get3A_1653 = arith.constant 14 : i32
      %get3A_1654 = arith.index_cast %get3A_1653 : i32 to index
      %get3A_1655 = arith.constant 32 : index
      %get3A_1656 = tpu.vector_load %arg7[%get3A_1654, %get3A_1655] {strides = array<i32>} : memref<16x128xi32, #tpu.memory_space<vmem>>, vector<16xi32>,
      %add3A_1657 = arith.constant 1824 : i32
      %add3A_1658 = arith.addi %multiple_of3A, %add3A_1657 : i32
      %add3A_1659 = vector.broadcast %add3A_1658 : i32 to vector<16xi32>
      %add3A_1660 = arith.addi %add3A_1659, %iota3A : vector<16xi32>
      %ge3A_1661 = arith.constant 0 : i32
      %ge3A_1662 = vector.broadcast %ge3A_1661 : i32 to vector<16xi32>
      %ge3A_1663 = arith.cmpi sge, %get3A_1656, %ge3A_1662 : vector<16xi32>
      tpu.vector_store_idx %arg8[%get3A_1656], %add3A_1660 masked %ge3A_1663 : memref<1024xi32, #tpu.memory_space<vmem>>[vector<16xi32>], vector<16xi32>, vector<16xi1>
      %get3A_1664 = arith.constant 14 : i32
      %get3A_1665 = arith.index_cast %get3A_1664 : i32 to index
      %get3A_1666 = arith.constant 48 : index
      %get3A_1667 = tpu.vector_load %arg7[%get3A_1665, %get3A_1666] {strides = array<i32>} : memref<16x128xi32, #tpu.memory_space<vmem>>, vector<16xi32>,
      %add3A_1668 = arith.constant 1840 : i32
      %add3A_1669 = arith.addi %multiple_of3A, %add3A_1668 : i32
      %add3A_1670 = vector.broadcast %add3A_1669 : i32 to vector<16xi32>
      %add3A_1671 = arith.addi %add3A_1670, %iota3A : vector<16xi32>
      %ge3A_1672 = arith.constant 0 : i32
      %ge3A_1673 = vector.broadcast %ge3A_1672 : i32 to vector<16xi32>
      %ge3A_1674 = arith.cmpi sge, %get3A_1667, %ge3A_1673 : vector<16xi32>
      tpu.vector_store_idx %arg8[%get3A_1667], %add3A_1671 masked %ge3A_1674 : memref<1024xi32, #tpu.memory_space<vmem>>[vector<16xi32>], vector<16xi32>, vector<16xi1>
      %get3A_1675 = arith.constant 14 : i32
      %get3A_1676 = arith.index_cast %get3A_1675 : i32 to index
      %get3A_1677 = arith.constant 64 : index
      %get3A_1678 = tpu.vector_load %arg7[%get3A_1676, %get3A_1677] {strides = array<i32>} : memref<16x128xi32, #tpu.memory_space<vmem>>, vector<16xi32>,
      %add3A_1679 = arith.constant 1856 : i32
      %add3A_1680 = arith.addi %multiple_of3A, %add3A_1679 : i32
      %add3A_1681 = vector.broadcast %add3A_1680 : i32 to vector<16xi32>
      %add3A_1682 = arith.addi %add3A_1681, %iota3A : vector<16xi32>
      %ge3A_1683 = arith.constant 0 : i32
      %ge3A_1684 = vector.broadcast %ge3A_1683 : i32 to vector<16xi32>
      %ge3A_1685 = arith.cmpi sge, %get3A_1678, %ge3A_1684 : vector<16xi32>
      tpu.vector_store_idx %arg8[%get3A_1678], %add3A_1682 masked %ge3A_1685 : memref<1024xi32, #tpu.memory_space<vmem>>[vector<16xi32>], vector<16xi32>, vector<16xi1>
      %get3A_1686 = arith.constant 14 : i32
      %get3A_1687 = arith.index_cast %get3A_1686 : i32 to index
      %get3A_1688 = arith.constant 80 : index
      %get3A_1689 = tpu.vector_load %arg7[%get3A_1687, %get3A_1688] {strides = array<i32>} : memref<16x128xi32, #tpu.memory_space<vmem>>, vector<16xi32>,
      %add3A_1690 = arith.constant 1872 : i32
      %add3A_1691 = arith.addi %multiple_of3A, %add3A_1690 : i32
      %add3A_1692 = vector.broadcast %add3A_1691 : i32 to vector<16xi32>
      %add3A_1693 = arith.addi %add3A_1692, %iota3A : vector<16xi32>
      %ge3A_1694 = arith.constant 0 : i32
      %ge3A_1695 = vector.broadcast %ge3A_1694 : i32 to vector<16xi32>
      %ge3A_1696 = arith.cmpi sge, %get3A_1689, %ge3A_1695 : vector<16xi32>
      tpu.vector_store_idx %arg8[%get3A_1689], %add3A_1693 masked %ge3A_1696 : memref<1024xi32, #tpu.memory_space<vmem>>[vector<16xi32>], vector<16xi32>, vector<16xi1>
      %get3A_1697 = arith.constant 14 : i32
      %get3A_1698 = arith.index_cast %get3A_1697 : i32 to index
      %get3A_1699 = arith.constant 96 : index
      %get3A_1700 = tpu.vector_load %arg7[%get3A_1698, %get3A_1699] {strides = array<i32>} : memref<16x128xi32, #tpu.memory_space<vmem>>, vector<16xi32>,
      %add3A_1701 = arith.constant 1888 : i32
      %add3A_1702 = arith.addi %multiple_of3A, %add3A_1701 : i32
      %add3A_1703 = vector.broadcast %add3A_1702 : i32 to vector<16xi32>
      %add3A_1704 = arith.addi %add3A_1703, %iota3A : vector<16xi32>
      %ge3A_1705 = arith.constant 0 : i32
      %ge3A_1706 = vector.broadcast %ge3A_1705 : i32 to vector<16xi32>
      %ge3A_1707 = arith.cmpi sge, %get3A_1700, %ge3A_1706 : vector<16xi32>
      tpu.vector_store_idx %arg8[%get3A_1700], %add3A_1704 masked %ge3A_1707 : memref<1024xi32, #tpu.memory_space<vmem>>[vector<16xi32>], vector<16xi32>, vector<16xi1>
      %get3A_1708 = arith.constant 14 : i32
      %get3A_1709 = arith.index_cast %get3A_1708 : i32 to index
      %get3A_1710 = arith.constant 112 : index
      %get3A_1711 = tpu.vector_load %arg7[%get3A_1709, %get3A_1710] {strides = array<i32>} : memref<16x128xi32, #tpu.memory_space<vmem>>, vector<16xi32>,
      %add3A_1712 = arith.constant 1904 : i32
      %add3A_1713 = arith.addi %multiple_of3A, %add3A_1712 : i32
      %add3A_1714 = vector.broadcast %add3A_1713 : i32 to vector<16xi32>
      %add3A_1715 = arith.addi %add3A_1714, %iota3A : vector<16xi32>
      %ge3A_1716 = arith.constant 0 : i32
      %ge3A_1717 = vector.broadcast %ge3A_1716 : i32 to vector<16xi32>
      %ge3A_1718 = arith.cmpi sge, %get3A_1711, %ge3A_1717 : vector<16xi32>
      tpu.vector_store_idx %arg8[%get3A_1711], %add3A_1715 masked %ge3A_1718 : memref<1024xi32, #tpu.memory_space<vmem>>[vector<16xi32>], vector<16xi32>, vector<16xi1>
      %get3A_1719 = arith.constant 15 : i32
      %get3A_1720 = arith.index_cast %get3A_1719 : i32 to index
      %get3A_1721 = arith.constant 0 : index
      %get3A_1722 = tpu.vector_load %arg7[%get3A_1720, %get3A_1721] {strides = array<i32>} : memref<16x128xi32, #tpu.memory_space<vmem>>, vector<16xi32>,
      %add3A_1723 = arith.constant 1920 : i32
      %add3A_1724 = arith.addi %multiple_of3A, %add3A_1723 : i32
      %add3A_1725 = vector.broadcast %add3A_1724 : i32 to vector<16xi32>
      %add3A_1726 = arith.addi %add3A_1725, %iota3A : vector<16xi32>
      %ge3A_1727 = arith.constant 0 : i32
      %ge3A_1728 = vector.broadcast %ge3A_1727 : i32 to vector<16xi32>
      %ge3A_1729 = arith.cmpi sge, %get3A_1722, %ge3A_1728 : vector<16xi32>
      tpu.vector_store_idx %arg8[%get3A_1722], %add3A_1726 masked %ge3A_1729 : memref<1024xi32, #tpu.memory_space<vmem>>[vector<16xi32>], vector<16xi32>, vector<16xi1>
      %get3A_1730 = arith.constant 15 : i32
      %get3A_1731 = arith.index_cast %get3A_1730 : i32 to index
      %get3A_1732 = arith.constant 16 : index
      %get3A_1733 = tpu.vector_load %arg7[%get3A_1731, %get3A_1732] {strides = array<i32>} : memref<16x128xi32, #tpu.memory_space<vmem>>, vector<16xi32>,
      %add3A_1734 = arith.constant 1936 : i32
      %add3A_1735 = arith.addi %multiple_of3A, %add3A_1734 : i32
      %add3A_1736 = vector.broadcast %add3A_1735 : i32 to vector<16xi32>
      %add3A_1737 = arith.addi %add3A_1736, %iota3A : vector<16xi32>
      %ge3A_1738 = arith.constant 0 : i32
      %ge3A_1739 = vector.broadcast %ge3A_1738 : i32 to vector<16xi32>
      %ge3A_1740 = arith.cmpi sge, %get3A_1733, %ge3A_1739 : vector<16xi32>
      tpu.vector_store_idx %arg8[%get3A_1733], %add3A_1737 masked %ge3A_1740 : memref<1024xi32, #tpu.memory_space<vmem>>[vector<16xi32>], vector<16xi32>, vector<16xi1>
      %get3A_1741 = arith.constant 15 : i32
      %get3A_1742 = arith.index_cast %get3A_1741 : i32 to index
      %get3A_1743 = arith.constant 32 : index
      %get3A_1744 = tpu.vector_load %arg7[%get3A_1742, %get3A_1743] {strides = array<i32>} : memref<16x128xi32, #tpu.memory_space<vmem>>, vector<16xi32>,
      %add3A_1745 = arith.constant 1952 : i32
      %add3A_1746 = arith.addi %multiple_of3A, %add3A_1745 : i32
      %add3A_1747 = vector.broadcast %add3A_1746 : i32 to vector<16xi32>
      %add3A_1748 = arith.addi %add3A_1747, %iota3A : vector<16xi32>
      %ge3A_1749 = arith.constant 0 : i32
      %ge3A_1750 = vector.broadcast %ge3A_1749 : i32 to vector<16xi32>
      %ge3A_1751 = arith.cmpi sge, %get3A_1744, %ge3A_1750 : vector<16xi32>
      tpu.vector_store_idx %arg8[%get3A_1744], %add3A_1748 masked %ge3A_1751 : memref<1024xi32, #tpu.memory_space<vmem>>[vector<16xi32>], vector<16xi32>, vector<16xi1>
      %get3A_1752 = arith.constant 15 : i32
      %get3A_1753 = arith.index_cast %get3A_1752 : i32 to index
      %get3A_1754 = arith.constant 48 : index
      %get3A_1755 = tpu.vector_load %arg7[%get3A_1753, %get3A_1754] {strides = array<i32>} : memref<16x128xi32, #tpu.memory_space<vmem>>, vector<16xi32>,
      %add3A_1756 = arith.constant 1968 : i32
      %add3A_1757 = arith.addi %multiple_of3A, %add3A_1756 : i32
      %add3A_1758 = vector.broadcast %add3A_1757 : i32 to vector<16xi32>
      %add3A_1759 = arith.addi %add3A_1758, %iota3A : vector<16xi32>
      %ge3A_1760 = arith.constant 0 : i32
      %ge3A_1761 = vector.broadcast %ge3A_1760 : i32 to vector<16xi32>
      %ge3A_1762 = arith.cmpi sge, %get3A_1755, %ge3A_1761 : vector<16xi32>
      tpu.vector_store_idx %arg8[%get3A_1755], %add3A_1759 masked %ge3A_1762 : memref<1024xi32, #tpu.memory_space<vmem>>[vector<16xi32>], vector<16xi32>, vector<16xi1>
      %get3A_1763 = arith.constant 15 : i32
      %get3A_1764 = arith.index_cast %get3A_1763 : i32 to index
      %get3A_1765 = arith.constant 64 : index
      %get3A_1766 = tpu.vector_load %arg7[%get3A_1764, %get3A_1765] {strides = array<i32>} : memref<16x128xi32, #tpu.memory_space<vmem>>, vector<16xi32>,
      %add3A_1767 = arith.constant 1984 : i32
      %add3A_1768 = arith.addi %multiple_of3A, %add3A_1767 : i32
      %add3A_1769 = vector.broadcast %add3A_1768 : i32 to vector<16xi32>
      %add3A_1770 = arith.addi %add3A_1769, %iota3A : vector<16xi32>
      %ge3A_1771 = arith.constant 0 : i32
      %ge3A_1772 = vector.broadcast %ge3A_1771 : i32 to vector<16xi32>
      %ge3A_1773 = arith.cmpi sge, %get3A_1766, %ge3A_1772 : vector<16xi32>
      tpu.vector_store_idx %arg8[%get3A_1766], %add3A_1770 masked %ge3A_1773 : memref<1024xi32, #tpu.memory_space<vmem>>[vector<16xi32>], vector<16xi32>, vector<16xi1>
      %get3A_1774 = arith.constant 15 : i32
      %get3A_1775 = arith.index_cast %get3A_1774 : i32 to index
      %get3A_1776 = arith.constant 80 : index
      %get3A_1777 = tpu.vector_load %arg7[%get3A_1775, %get3A_1776] {strides = array<i32>} : memref<16x128xi32, #tpu.memory_space<vmem>>, vector<16xi32>,
      %add3A_1778 = arith.constant 2000 : i32
      %add3A_1779 = arith.addi %multiple_of3A, %add3A_1778 : i32
      %add3A_1780 = vector.broadcast %add3A_1779 : i32 to vector<16xi32>
      %add3A_1781 = arith.addi %add3A_1780, %iota3A : vector<16xi32>
      %ge3A_1782 = arith.constant 0 : i32
      %ge3A_1783 = vector.broadcast %ge3A_1782 : i32 to vector<16xi32>
      %ge3A_1784 = arith.cmpi sge, %get3A_1777, %ge3A_1783 : vector<16xi32>
      tpu.vector_store_idx %arg8[%get3A_1777], %add3A_1781 masked %ge3A_1784 : memref<1024xi32, #tpu.memory_space<vmem>>[vector<16xi32>], vector<16xi32>, vector<16xi1>
      %get3A_1785 = arith.constant 15 : i32
      %get3A_1786 = arith.index_cast %get3A_1785 : i32 to index
      %get3A_1787 = arith.constant 96 : index
      %get3A_1788 = tpu.vector_load %arg7[%get3A_1786, %get3A_1787] {strides = array<i32>} : memref<16x128xi32, #tpu.memory_space<vmem>>, vector<16xi32>,
      %add3A_1789 = arith.constant 2016 : i32
      %add3A_1790 = arith.addi %multiple_of3A, %add3A_1789 : i32
      %add3A_1791 = vector.broadcast %add3A_1790 : i32 to vector<16xi32>
      %add3A_1792 = arith.addi %add3A_1791, %iota3A : vector<16xi32>
      %ge3A_1793 = arith.constant 0 : i32
      %ge3A_1794 = vector.broadcast %ge3A_1793 : i32 to vector<16xi32>
      %ge3A_1795 = arith.cmpi sge, %get3A_1788, %ge3A_1794 : vector<16xi32>
      tpu.vector_store_idx %arg8[%get3A_1788], %add3A_1792 masked %ge3A_1795 : memref<1024xi32, #tpu.memory_space<vmem>>[vector<16xi32>], vector<16xi32>, vector<16xi1>
      %get3A_1796 = arith.constant 15 : i32
      %get3A_1797 = arith.index_cast %get3A_1796 : i32 to index
      %get3A_1798 = arith.constant 112 : index
      %get3A_1799 = tpu.vector_load %arg7[%get3A_1797, %get3A_1798] {strides = array<i32>} : memref<16x128xi32, #tpu.memory_space<vmem>>, vector<16xi32>,
      %add3A_1800 = arith.constant 2032 : i32
      %add3A_1801 = arith.addi %multiple_of3A, %add3A_1800 : i32
      %add3A_1802 = vector.broadcast %add3A_1801 : i32 to vector<16xi32>
      %add3A_1803 = arith.addi %add3A_1802, %iota3A : vector<16xi32>
      %ge3A_1804 = arith.constant 0 : i32
      %ge3A_1805 = vector.broadcast %ge3A_1804 : i32 to vector<16xi32>
      %ge3A_1806 = arith.cmpi sge, %get3A_1799, %ge3A_1805 : vector<16xi32>
      tpu.vector_store_idx %arg8[%get3A_1799], %add3A_1803 masked %ge3A_1806 : memref<1024xi32, #tpu.memory_space<vmem>>[vector<16xi32>], vector<16xi32>, vector<16xi1>
    } else {
    }
    "tpu.region"() ({
      %run_scoped3A_397 = tpu.sem_alloc : memref<!tpu.dma_semaphore, #tpu.memory_space<semaphore_mem>>
      %dma_start3A = arith.constant 0 : i32
      %dma_start3A_398 = tpu.memref_slice %arg14[%arg1, %dma_start3A] : memref<16x1024xi32, #tpu.memory_space<vmem_shared>> -> memref<1x1024xi32, #tpu.memory_space<vmem_shared>>
      %dma_start3A_399 = tpu.memref_squeeze %dma_start3A_398 : memref<1x1024xi32, #tpu.memory_space<vmem_shared>> -> memref<1024xi32, #tpu.memory_space<vmem_shared>>
      %dma_start3A_400 = arith.constant 0 : i32
      %dma_start3A_401 = tpu.memref_slice %arg14[%arg1, %dma_start3A_400] : memref<16x1024xi32, #tpu.memory_space<vmem_shared>> -> memref<1x1024xi32, #tpu.memory_space<vmem_shared>>
      %dma_start3A_402 = tpu.memref_squeeze %dma_start3A_401 : memref<1x1024xi32, #tpu.memory_space<vmem_shared>> -> memref<1024xi32, #tpu.memory_space<vmem_shared>>
      tpu.enqueue_dma source(%arg8 : memref<1024xi32, #tpu.memory_space<vmem>>) target(%dma_start3A_402 : memref<1024xi32, #tpu.memory_space<vmem_shared>>) target_semaphore(%run_scoped3A_397 : memref<!tpu.dma_semaphore, #tpu.memory_space<semaphore_mem>>)
      %dma_wait3A = arith.constant 0 : i32
      %dma_wait3A_403 = tpu.memref_slice %arg14[%arg1, %dma_wait3A] : memref<16x1024xi32, #tpu.memory_space<vmem_shared>> -> memref<1x1024xi32, #tpu.memory_space<vmem_shared>>
      %dma_wait3A_404 = tpu.memref_squeeze %dma_wait3A_403 : memref<1x1024xi32, #tpu.memory_space<vmem_shared>> -> memref<1024xi32, #tpu.memory_space<vmem_shared>>
      %dma_wait3A_405 = arith.constant 0 : i32
      %dma_wait3A_406 = tpu.memref_slice %arg14[%arg1, %dma_wait3A_405] : memref<16x1024xi32, #tpu.memory_space<vmem_shared>> -> memref<1x1024xi32, #tpu.memory_space<vmem_shared>>
      %dma_wait3A_407 = tpu.memref_squeeze %dma_wait3A_406 : memref<1x1024xi32, #tpu.memory_space<vmem_shared>> -> memref<1024xi32, #tpu.memory_space<vmem_shared>>
      tpu.wait_dma2 semaphore(%run_scoped3A_397 : memref<!tpu.dma_semaphore, #tpu.memory_space<semaphore_mem>>) src(%arg8 : memref<1024xi32, #tpu.memory_space<vmem>>) dst(%dma_wait3A_407 : memref<1024xi32, #tpu.memory_space<vmem_shared>>)
      tpu.yield
    }) : () -> ()
    %barrier3A = arith.constant 0 : index
    tpu.barrier barrier_id(%barrier3A)
    %mul3A_8 = arith.constant 64 : i32
    %mul3A_9 = arith.muli %arg1, %mul3A_8 : i32
    %multiple_of3A_10 = tpu.assume_multiple %mul3A_9, 8 : i32
    %run_scoped3A = arith.constant 0 : i32
    %run_scoped3A_11 = arith.constant 0 : i32
    "tpu.region"() ({
      %run_scoped3A_397 = tpu.sem_alloc : memref<!tpu.dma_semaphore, #tpu.memory_space<semaphore_mem>>
      %dma_start3A = arith.constant 0 : i32
      %dma_start3A_398 = tpu.memref_slice %arg9[%run_scoped3A_11, %dma_start3A] : memref<16x64xi32, #tpu.memory_space<vmem>> -> memref<1x64xi32, #tpu.memory_space<vmem>>
      %dma_start3A_399 = tpu.memref_squeeze %dma_start3A_398 : memref<1x64xi32, #tpu.memory_space<vmem>> -> memref<64xi32, #tpu.memory_space<vmem>>
      %dma_start3A_400 = tpu.memref_slice %arg14[%run_scoped3A, %multiple_of3A_10] : memref<16x1024xi32, #tpu.memory_space<vmem_shared>> -> memref<1x64xi32, #tpu.memory_space<vmem_shared>>
      %dma_start3A_401 = tpu.memref_squeeze %dma_start3A_400 : memref<1x64xi32, #tpu.memory_space<vmem_shared>> -> memref<64xi32, #tpu.memory_space<vmem_shared>>
      %dma_start3A_402 = arith.constant 0 : i32
      %dma_start3A_403 = tpu.memref_slice %arg9[%run_scoped3A_11, %dma_start3A_402] : memref<16x64xi32, #tpu.memory_space<vmem>> -> memref<1x64xi32, #tpu.memory_space<vmem>>
      %dma_start3A_404 = tpu.memref_squeeze %dma_start3A_403 : memref<1x64xi32, #tpu.memory_space<vmem>> -> memref<64xi32, #tpu.memory_space<vmem>>
      %dma_start3A_405 = tpu.memref_slice %arg14[%run_scoped3A, %multiple_of3A_10] : memref<16x1024xi32, #tpu.memory_space<vmem_shared>> -> memref<1x64xi32, #tpu.memory_space<vmem_shared>>
      %dma_start3A_406 = tpu.memref_squeeze %dma_start3A_405 : memref<1x64xi32, #tpu.memory_space<vmem_shared>> -> memref<64xi32, #tpu.memory_space<vmem_shared>>
      tpu.enqueue_dma source(%dma_start3A_406 : memref<64xi32, #tpu.memory_space<vmem_shared>>) target(%dma_start3A_404 : memref<64xi32, #tpu.memory_space<vmem>>) target_semaphore(%run_scoped3A_397 : memref<!tpu.dma_semaphore, #tpu.memory_space<semaphore_mem>>)
      %dma_wait3A = arith.constant 0 : i32
      %dma_wait3A_407 = tpu.memref_slice %arg9[%run_scoped3A_11, %dma_wait3A] : memref<16x64xi32, #tpu.memory_space<vmem>> -> memref<1x64xi32, #tpu.memory_space<vmem>>
      %dma_wait3A_408 = tpu.memref_squeeze %dma_wait3A_407 : memref<1x64xi32, #tpu.memory_space<vmem>> -> memref<64xi32, #tpu.memory_space<vmem>>
      %dma_wait3A_409 = tpu.memref_slice %arg14[%run_scoped3A, %multiple_of3A_10] : memref<16x1024xi32, #tpu.memory_space<vmem_shared>> -> memref<1x64xi32, #tpu.memory_space<vmem_shared>>
      %dma_wait3A_410 = tpu.memref_squeeze %dma_wait3A_409 : memref<1x64xi32, #tpu.memory_space<vmem_shared>> -> memref<64xi32, #tpu.memory_space<vmem_shared>>
      %dma_wait3A_411 = arith.constant 0 : i32
      %dma_wait3A_412 = tpu.memref_slice %arg9[%run_scoped3A_11, %dma_wait3A_411] : memref<16x64xi32, #tpu.memory_space<vmem>> -> memref<1x64xi32, #tpu.memory_space<vmem>>
      %dma_wait3A_413 = tpu.memref_squeeze %dma_wait3A_412 : memref<1x64xi32, #tpu.memory_space<vmem>> -> memref<64xi32, #tpu.memory_space<vmem>>
      %dma_wait3A_414 = tpu.memref_slice %arg14[%run_scoped3A, %multiple_of3A_10] : memref<16x1024xi32, #tpu.memory_space<vmem_shared>> -> memref<1x64xi32, #tpu.memory_space<vmem_shared>>
      %dma_wait3A_415 = tpu.memref_squeeze %dma_wait3A_414 : memref<1x64xi32, #tpu.memory_space<vmem_shared>> -> memref<64xi32, #tpu.memory_space<vmem_shared>>
      tpu.wait_dma2 semaphore(%run_scoped3A_397 : memref<!tpu.dma_semaphore, #tpu.memory_space<semaphore_mem>>) src(%dma_wait3A_415 : memref<64xi32, #tpu.memory_space<vmem_shared>>) dst(%dma_wait3A_413 : memref<64xi32, #tpu.memory_space<vmem>>)
      tpu.yield
    }) : () -> ()
    %run_scoped3A_12 = arith.constant 1 : i32
    %run_scoped3A_13 = arith.constant 1 : i32
    "tpu.region"() ({
      %run_scoped3A_397 = tpu.sem_alloc : memref<!tpu.dma_semaphore, #tpu.memory_space<semaphore_mem>>
      %dma_start3A = arith.constant 0 : i32
      %dma_start3A_398 = tpu.memref_slice %arg9[%run_scoped3A_13, %dma_start3A] : memref<16x64xi32, #tpu.memory_space<vmem>> -> memref<1x64xi32, #tpu.memory_space<vmem>>
      %dma_start3A_399 = tpu.memref_squeeze %dma_start3A_398 : memref<1x64xi32, #tpu.memory_space<vmem>> -> memref<64xi32, #tpu.memory_space<vmem>>
      %dma_start3A_400 = tpu.memref_slice %arg14[%run_scoped3A_12, %multiple_of3A_10] : memref<16x1024xi32, #tpu.memory_space<vmem_shared>> -> memref<1x64xi32, #tpu.memory_space<vmem_shared>>
      %dma_start3A_401 = tpu.memref_squeeze %dma_start3A_400 : memref<1x64xi32, #tpu.memory_space<vmem_shared>> -> memref<64xi32, #tpu.memory_space<vmem_shared>>
      %dma_start3A_402 = arith.constant 0 : i32
      %dma_start3A_403 = tpu.memref_slice %arg9[%run_scoped3A_13, %dma_start3A_402] : memref<16x64xi32, #tpu.memory_space<vmem>> -> memref<1x64xi32, #tpu.memory_space<vmem>>
      %dma_start3A_404 = tpu.memref_squeeze %dma_start3A_403 : memref<1x64xi32, #tpu.memory_space<vmem>> -> memref<64xi32, #tpu.memory_space<vmem>>
      %dma_start3A_405 = tpu.memref_slice %arg14[%run_scoped3A_12, %multiple_of3A_10] : memref<16x1024xi32, #tpu.memory_space<vmem_shared>> -> memref<1x64xi32, #tpu.memory_space<vmem_shared>>
      %dma_start3A_406 = tpu.memref_squeeze %dma_start3A_405 : memref<1x64xi32, #tpu.memory_space<vmem_shared>> -> memref<64xi32, #tpu.memory_space<vmem_shared>>
      tpu.enqueue_dma source(%dma_start3A_406 : memref<64xi32, #tpu.memory_space<vmem_shared>>) target(%dma_start3A_404 : memref<64xi32, #tpu.memory_space<vmem>>) target_semaphore(%run_scoped3A_397 : memref<!tpu.dma_semaphore, #tpu.memory_space<semaphore_mem>>)
      %dma_wait3A = arith.constant 0 : i32
      %dma_wait3A_407 = tpu.memref_slice %arg9[%run_scoped3A_13, %dma_wait3A] : memref<16x64xi32, #tpu.memory_space<vmem>> -> memref<1x64xi32, #tpu.memory_space<vmem>>
      %dma_wait3A_408 = tpu.memref_squeeze %dma_wait3A_407 : memref<1x64xi32, #tpu.memory_space<vmem>> -> memref<64xi32, #tpu.memory_space<vmem>>
      %dma_wait3A_409 = tpu.memref_slice %arg14[%run_scoped3A_12, %multiple_of3A_10] : memref<16x1024xi32, #tpu.memory_space<vmem_shared>> -> memref<1x64xi32, #tpu.memory_space<vmem_shared>>
      %dma_wait3A_410 = tpu.memref_squeeze %dma_wait3A_409 : memref<1x64xi32, #tpu.memory_space<vmem_shared>> -> memref<64xi32, #tpu.memory_space<vmem_shared>>
      %dma_wait3A_411 = arith.constant 0 : i32
      %dma_wait3A_412 = tpu.memref_slice %arg9[%run_scoped3A_13, %dma_wait3A_411] : memref<16x64xi32, #tpu.memory_space<vmem>> -> memref<1x64xi32, #tpu.memory_space<vmem>>
      %dma_wait3A_413 = tpu.memref_squeeze %dma_wait3A_412 : memref<1x64xi32, #tpu.memory_space<vmem>> -> memref<64xi32, #tpu.memory_space<vmem>>
      %dma_wait3A_414 = tpu.memref_slice %arg14[%run_scoped3A_12, %multiple_of3A_10] : memref<16x1024xi32, #tpu.memory_space<vmem_shared>> -> memref<1x64xi32, #tpu.memory_space<vmem_shared>>
      %dma_wait3A_415 = tpu.memref_squeeze %dma_wait3A_414 : memref<1x64xi32, #tpu.memory_space<vmem_shared>> -> memref<64xi32, #tpu.memory_space<vmem_shared>>
      tpu.wait_dma2 semaphore(%run_scoped3A_397 : memref<!tpu.dma_semaphore, #tpu.memory_space<semaphore_mem>>) src(%dma_wait3A_415 : memref<64xi32, #tpu.memory_space<vmem_shared>>) dst(%dma_wait3A_413 : memref<64xi32, #tpu.memory_space<vmem>>)
      tpu.yield
    }) : () -> ()
    %run_scoped3A_14 = arith.constant 2 : i32
    %run_scoped3A_15 = arith.constant 2 : i32
    "tpu.region"() ({
      %run_scoped3A_397 = tpu.sem_alloc : memref<!tpu.dma_semaphore, #tpu.memory_space<semaphore_mem>>
      %dma_start3A = arith.constant 0 : i32
      %dma_start3A_398 = tpu.memref_slice %arg9[%run_scoped3A_15, %dma_start3A] : memref<16x64xi32, #tpu.memory_space<vmem>> -> memref<1x64xi32, #tpu.memory_space<vmem>>
      %dma_start3A_399 = tpu.memref_squeeze %dma_start3A_398 : memref<1x64xi32, #tpu.memory_space<vmem>> -> memref<64xi32, #tpu.memory_space<vmem>>
      %dma_start3A_400 = tpu.memref_slice %arg14[%run_scoped3A_14, %multiple_of3A_10] : memref<16x1024xi32, #tpu.memory_space<vmem_shared>> -> memref<1x64xi32, #tpu.memory_space<vmem_shared>>
      %dma_start3A_401 = tpu.memref_squeeze %dma_start3A_400 : memref<1x64xi32, #tpu.memory_space<vmem_shared>> -> memref<64xi32, #tpu.memory_space<vmem_shared>>
      %dma_start3A_402 = arith.constant 0 : i32
      %dma_start3A_403 = tpu.memref_slice %arg9[%run_scoped3A_15, %dma_start3A_402] : memref<16x64xi32, #tpu.memory_space<vmem>> -> memref<1x64xi32, #tpu.memory_space<vmem>>
      %dma_start3A_404 = tpu.memref_squeeze %dma_start3A_403 : memref<1x64xi32, #tpu.memory_space<vmem>> -> memref<64xi32, #tpu.memory_space<vmem>>
      %dma_start3A_405 = tpu.memref_slice %arg14[%run_scoped3A_14, %multiple_of3A_10] : memref<16x1024xi32, #tpu.memory_space<vmem_shared>> -> memref<1x64xi32, #tpu.memory_space<vmem_shared>>
      %dma_start3A_406 = tpu.memref_squeeze %dma_start3A_405 : memref<1x64xi32, #tpu.memory_space<vmem_shared>> -> memref<64xi32, #tpu.memory_space<vmem_shared>>
      tpu.enqueue_dma source(%dma_start3A_406 : memref<64xi32, #tpu.memory_space<vmem_shared>>) target(%dma_start3A_404 : memref<64xi32, #tpu.memory_space<vmem>>) target_semaphore(%run_scoped3A_397 : memref<!tpu.dma_semaphore, #tpu.memory_space<semaphore_mem>>)
      %dma_wait3A = arith.constant 0 : i32
      %dma_wait3A_407 = tpu.memref_slice %arg9[%run_scoped3A_15, %dma_wait3A] : memref<16x64xi32, #tpu.memory_space<vmem>> -> memref<1x64xi32, #tpu.memory_space<vmem>>
      %dma_wait3A_408 = tpu.memref_squeeze %dma_wait3A_407 : memref<1x64xi32, #tpu.memory_space<vmem>> -> memref<64xi32, #tpu.memory_space<vmem>>
      %dma_wait3A_409 = tpu.memref_slice %arg14[%run_scoped3A_14, %multiple_of3A_10] : memref<16x1024xi32, #tpu.memory_space<vmem_shared>> -> memref<1x64xi32, #tpu.memory_space<vmem_shared>>
      %dma_wait3A_410 = tpu.memref_squeeze %dma_wait3A_409 : memref<1x64xi32, #tpu.memory_space<vmem_shared>> -> memref<64xi32, #tpu.memory_space<vmem_shared>>
      %dma_wait3A_411 = arith.constant 0 : i32
      %dma_wait3A_412 = tpu.memref_slice %arg9[%run_scoped3A_15, %dma_wait3A_411] : memref<16x64xi32, #tpu.memory_space<vmem>> -> memref<1x64xi32, #tpu.memory_space<vmem>>
      %dma_wait3A_413 = tpu.memref_squeeze %dma_wait3A_412 : memref<1x64xi32, #tpu.memory_space<vmem>> -> memref<64xi32, #tpu.memory_space<vmem>>
      %dma_wait3A_414 = tpu.memref_slice %arg14[%run_scoped3A_14, %multiple_of3A_10] : memref<16x1024xi32, #tpu.memory_space<vmem_shared>> -> memref<1x64xi32, #tpu.memory_space<vmem_shared>>
      %dma_wait3A_415 = tpu.memref_squeeze %dma_wait3A_414 : memref<1x64xi32, #tpu.memory_space<vmem_shared>> -> memref<64xi32, #tpu.memory_space<vmem_shared>>
      tpu.wait_dma2 semaphore(%run_scoped3A_397 : memref<!tpu.dma_semaphore, #tpu.memory_space<semaphore_mem>>) src(%dma_wait3A_415 : memref<64xi32, #tpu.memory_space<vmem_shared>>) dst(%dma_wait3A_413 : memref<64xi32, #tpu.memory_space<vmem>>)
      tpu.yield
    }) : () -> ()
    %run_scoped3A_16 = arith.constant 3 : i32
    %run_scoped3A_17 = arith.constant 3 : i32
    "tpu.region"() ({
      %run_scoped3A_397 = tpu.sem_alloc : memref<!tpu.dma_semaphore, #tpu.memory_space<semaphore_mem>>
      %dma_start3A = arith.constant 0 : i32
      %dma_start3A_398 = tpu.memref_slice %arg9[%run_scoped3A_17, %dma_start3A] : memref<16x64xi32, #tpu.memory_space<vmem>> -> memref<1x64xi32, #tpu.memory_space<vmem>>
      %dma_start3A_399 = tpu.memref_squeeze %dma_start3A_398 : memref<1x64xi32, #tpu.memory_space<vmem>> -> memref<64xi32, #tpu.memory_space<vmem>>
      %dma_start3A_400 = tpu.memref_slice %arg14[%run_scoped3A_16, %multiple_of3A_10] : memref<16x1024xi32, #tpu.memory_space<vmem_shared>> -> memref<1x64xi32, #tpu.memory_space<vmem_shared>>
      %dma_start3A_401 = tpu.memref_squeeze %dma_start3A_400 : memref<1x64xi32, #tpu.memory_space<vmem_shared>> -> memref<64xi32, #tpu.memory_space<vmem_shared>>
      %dma_start3A_402 = arith.constant 0 : i32
      %dma_start3A_403 = tpu.memref_slice %arg9[%run_scoped3A_17, %dma_start3A_402] : memref<16x64xi32, #tpu.memory_space<vmem>> -> memref<1x64xi32, #tpu.memory_space<vmem>>
      %dma_start3A_404 = tpu.memref_squeeze %dma_start3A_403 : memref<1x64xi32, #tpu.memory_space<vmem>> -> memref<64xi32, #tpu.memory_space<vmem>>
      %dma_start3A_405 = tpu.memref_slice %arg14[%run_scoped3A_16, %multiple_of3A_10] : memref<16x1024xi32, #tpu.memory_space<vmem_shared>> -> memref<1x64xi32, #tpu.memory_space<vmem_shared>>
      %dma_start3A_406 = tpu.memref_squeeze %dma_start3A_405 : memref<1x64xi32, #tpu.memory_space<vmem_shared>> -> memref<64xi32, #tpu.memory_space<vmem_shared>>
      tpu.enqueue_dma source(%dma_start3A_406 : memref<64xi32, #tpu.memory_space<vmem_shared>>) target(%dma_start3A_404 : memref<64xi32, #tpu.memory_space<vmem>>) target_semaphore(%run_scoped3A_397 : memref<!tpu.dma_semaphore, #tpu.memory_space<semaphore_mem>>)
      %dma_wait3A = arith.constant 0 : i32
      %dma_wait3A_407 = tpu.memref_slice %arg9[%run_scoped3A_17, %dma_wait3A] : memref<16x64xi32, #tpu.memory_space<vmem>> -> memref<1x64xi32, #tpu.memory_space<vmem>>
      %dma_wait3A_408 = tpu.memref_squeeze %dma_wait3A_407 : memref<1x64xi32, #tpu.memory_space<vmem>> -> memref<64xi32, #tpu.memory_space<vmem>>
      %dma_wait3A_409 = tpu.memref_slice %arg14[%run_scoped3A_16, %multiple_of3A_10] : memref<16x1024xi32, #tpu.memory_space<vmem_shared>> -> memref<1x64xi32, #tpu.memory_space<vmem_shared>>
      %dma_wait3A_410 = tpu.memref_squeeze %dma_wait3A_409 : memref<1x64xi32, #tpu.memory_space<vmem_shared>> -> memref<64xi32, #tpu.memory_space<vmem_shared>>
      %dma_wait3A_411 = arith.constant 0 : i32
      %dma_wait3A_412 = tpu.memref_slice %arg9[%run_scoped3A_17, %dma_wait3A_411] : memref<16x64xi32, #tpu.memory_space<vmem>> -> memref<1x64xi32, #tpu.memory_space<vmem>>
      %dma_wait3A_413 = tpu.memref_squeeze %dma_wait3A_412 : memref<1x64xi32, #tpu.memory_space<vmem>> -> memref<64xi32, #tpu.memory_space<vmem>>
      %dma_wait3A_414 = tpu.memref_slice %arg14[%run_scoped3A_16, %multiple_of3A_10] : memref<16x1024xi32, #tpu.memory_space<vmem_shared>> -> memref<1x64xi32, #tpu.memory_space<vmem_shared>>
      %dma_wait3A_415 = tpu.memref_squeeze %dma_wait3A_414 : memref<1x64xi32, #tpu.memory_space<vmem_shared>> -> memref<64xi32, #tpu.memory_space<vmem_shared>>
      tpu.wait_dma2 semaphore(%run_scoped3A_397 : memref<!tpu.dma_semaphore, #tpu.memory_space<semaphore_mem>>) src(%dma_wait3A_415 : memref<64xi32, #tpu.memory_space<vmem_shared>>) dst(%dma_wait3A_413 : memref<64xi32, #tpu.memory_space<vmem>>)
      tpu.yield
    }) : () -> ()
    %run_scoped3A_18 = arith.constant 4 : i32
    %run_scoped3A_19 = arith.constant 4 : i32
    "tpu.region"() ({
      %run_scoped3A_397 = tpu.sem_alloc : memref<!tpu.dma_semaphore, #tpu.memory_space<semaphore_mem>>
      %dma_start3A = arith.constant 0 : i32
      %dma_start3A_398 = tpu.memref_slice %arg9[%run_scoped3A_19, %dma_start3A] : memref<16x64xi32, #tpu.memory_space<vmem>> -> memref<1x64xi32, #tpu.memory_space<vmem>>
      %dma_start3A_399 = tpu.memref_squeeze %dma_start3A_398 : memref<1x64xi32, #tpu.memory_space<vmem>> -> memref<64xi32, #tpu.memory_space<vmem>>
      %dma_start3A_400 = tpu.memref_slice %arg14[%run_scoped3A_18, %multiple_of3A_10] : memref<16x1024xi32, #tpu.memory_space<vmem_shared>> -> memref<1x64xi32, #tpu.memory_space<vmem_shared>>
      %dma_start3A_401 = tpu.memref_squeeze %dma_start3A_400 : memref<1x64xi32, #tpu.memory_space<vmem_shared>> -> memref<64xi32, #tpu.memory_space<vmem_shared>>
      %dma_start3A_402 = arith.constant 0 : i32
      %dma_start3A_403 = tpu.memref_slice %arg9[%run_scoped3A_19, %dma_start3A_402] : memref<16x64xi32, #tpu.memory_space<vmem>> -> memref<1x64xi32, #tpu.memory_space<vmem>>
      %dma_start3A_404 = tpu.memref_squeeze %dma_start3A_403 : memref<1x64xi32, #tpu.memory_space<vmem>> -> memref<64xi32, #tpu.memory_space<vmem>>
      %dma_start3A_405 = tpu.memref_slice %arg14[%run_scoped3A_18, %multiple_of3A_10] : memref<16x1024xi32, #tpu.memory_space<vmem_shared>> -> memref<1x64xi32, #tpu.memory_space<vmem_shared>>
      %dma_start3A_406 = tpu.memref_squeeze %dma_start3A_405 : memref<1x64xi32, #tpu.memory_space<vmem_shared>> -> memref<64xi32, #tpu.memory_space<vmem_shared>>
      tpu.enqueue_dma source(%dma_start3A_406 : memref<64xi32, #tpu.memory_space<vmem_shared>>) target(%dma_start3A_404 : memref<64xi32, #tpu.memory_space<vmem>>) target_semaphore(%run_scoped3A_397 : memref<!tpu.dma_semaphore, #tpu.memory_space<semaphore_mem>>)
      %dma_wait3A = arith.constant 0 : i32
      %dma_wait3A_407 = tpu.memref_slice %arg9[%run_scoped3A_19, %dma_wait3A] : memref<16x64xi32, #tpu.memory_space<vmem>> -> memref<1x64xi32, #tpu.memory_space<vmem>>
      %dma_wait3A_408 = tpu.memref_squeeze %dma_wait3A_407 : memref<1x64xi32, #tpu.memory_space<vmem>> -> memref<64xi32, #tpu.memory_space<vmem>>
      %dma_wait3A_409 = tpu.memref_slice %arg14[%run_scoped3A_18, %multiple_of3A_10] : memref<16x1024xi32, #tpu.memory_space<vmem_shared>> -> memref<1x64xi32, #tpu.memory_space<vmem_shared>>
      %dma_wait3A_410 = tpu.memref_squeeze %dma_wait3A_409 : memref<1x64xi32, #tpu.memory_space<vmem_shared>> -> memref<64xi32, #tpu.memory_space<vmem_shared>>
      %dma_wait3A_411 = arith.constant 0 : i32
      %dma_wait3A_412 = tpu.memref_slice %arg9[%run_scoped3A_19, %dma_wait3A_411] : memref<16x64xi32, #tpu.memory_space<vmem>> -> memref<1x64xi32, #tpu.memory_space<vmem>>
      %dma_wait3A_413 = tpu.memref_squeeze %dma_wait3A_412 : memref<1x64xi32, #tpu.memory_space<vmem>> -> memref<64xi32, #tpu.memory_space<vmem>>
      %dma_wait3A_414 = tpu.memref_slice %arg14[%run_scoped3A_18, %multiple_of3A_10] : memref<16x1024xi32, #tpu.memory_space<vmem_shared>> -> memref<1x64xi32, #tpu.memory_space<vmem_shared>>
      %dma_wait3A_415 = tpu.memref_squeeze %dma_wait3A_414 : memref<1x64xi32, #tpu.memory_space<vmem_shared>> -> memref<64xi32, #tpu.memory_space<vmem_shared>>
      tpu.wait_dma2 semaphore(%run_scoped3A_397 : memref<!tpu.dma_semaphore, #tpu.memory_space<semaphore_mem>>) src(%dma_wait3A_415 : memref<64xi32, #tpu.memory_space<vmem_shared>>) dst(%dma_wait3A_413 : memref<64xi32, #tpu.memory_space<vmem>>)
      tpu.yield
    }) : () -> ()
    %run_scoped3A_20 = arith.constant 5 : i32
    %run_scoped3A_21 = arith.constant 5 : i32
    "tpu.region"() ({
      %run_scoped3A_397 = tpu.sem_alloc : memref<!tpu.dma_semaphore, #tpu.memory_space<semaphore_mem>>
      %dma_start3A = arith.constant 0 : i32
      %dma_start3A_398 = tpu.memref_slice %arg9[%run_scoped3A_21, %dma_start3A] : memref<16x64xi32, #tpu.memory_space<vmem>> -> memref<1x64xi32, #tpu.memory_space<vmem>>
      %dma_start3A_399 = tpu.memref_squeeze %dma_start3A_398 : memref<1x64xi32, #tpu.memory_space<vmem>> -> memref<64xi32, #tpu.memory_space<vmem>>
      %dma_start3A_400 = tpu.memref_slice %arg14[%run_scoped3A_20, %multiple_of3A_10] : memref<16x1024xi32, #tpu.memory_space<vmem_shared>> -> memref<1x64xi32, #tpu.memory_space<vmem_shared>>
      %dma_start3A_401 = tpu.memref_squeeze %dma_start3A_400 : memref<1x64xi32, #tpu.memory_space<vmem_shared>> -> memref<64xi32, #tpu.memory_space<vmem_shared>>
      %dma_start3A_402 = arith.constant 0 : i32
      %dma_start3A_403 = tpu.memref_slice %arg9[%run_scoped3A_21, %dma_start3A_402] : memref<16x64xi32, #tpu.memory_space<vmem>> -> memref<1x64xi32, #tpu.memory_space<vmem>>
      %dma_start3A_404 = tpu.memref_squeeze %dma_start3A_403 : memref<1x64xi32, #tpu.memory_space<vmem>> -> memref<64xi32, #tpu.memory_space<vmem>>
      %dma_start3A_405 = tpu.memref_slice %arg14[%run_scoped3A_20, %multiple_of3A_10] : memref<16x1024xi32, #tpu.memory_space<vmem_shared>> -> memref<1x64xi32, #tpu.memory_space<vmem_shared>>
      %dma_start3A_406 = tpu.memref_squeeze %dma_start3A_405 : memref<1x64xi32, #tpu.memory_space<vmem_shared>> -> memref<64xi32, #tpu.memory_space<vmem_shared>>
      tpu.enqueue_dma source(%dma_start3A_406 : memref<64xi32, #tpu.memory_space<vmem_shared>>) target(%dma_start3A_404 : memref<64xi32, #tpu.memory_space<vmem>>) target_semaphore(%run_scoped3A_397 : memref<!tpu.dma_semaphore, #tpu.memory_space<semaphore_mem>>)
      %dma_wait3A = arith.constant 0 : i32
      %dma_wait3A_407 = tpu.memref_slice %arg9[%run_scoped3A_21, %dma_wait3A] : memref<16x64xi32, #tpu.memory_space<vmem>> -> memref<1x64xi32, #tpu.memory_space<vmem>>
      %dma_wait3A_408 = tpu.memref_squeeze %dma_wait3A_407 : memref<1x64xi32, #tpu.memory_space<vmem>> -> memref<64xi32, #tpu.memory_space<vmem>>
      %dma_wait3A_409 = tpu.memref_slice %arg14[%run_scoped3A_20, %multiple_of3A_10] : memref<16x1024xi32, #tpu.memory_space<vmem_shared>> -> memref<1x64xi32, #tpu.memory_space<vmem_shared>>
      %dma_wait3A_410 = tpu.memref_squeeze %dma_wait3A_409 : memref<1x64xi32, #tpu.memory_space<vmem_shared>> -> memref<64xi32, #tpu.memory_space<vmem_shared>>
      %dma_wait3A_411 = arith.constant 0 : i32
      %dma_wait3A_412 = tpu.memref_slice %arg9[%run_scoped3A_21, %dma_wait3A_411] : memref<16x64xi32, #tpu.memory_space<vmem>> -> memref<1x64xi32, #tpu.memory_space<vmem>>
      %dma_wait3A_413 = tpu.memref_squeeze %dma_wait3A_412 : memref<1x64xi32, #tpu.memory_space<vmem>> -> memref<64xi32, #tpu.memory_space<vmem>>
      %dma_wait3A_414 = tpu.memref_slice %arg14[%run_scoped3A_20, %multiple_of3A_10] : memref<16x1024xi32, #tpu.memory_space<vmem_shared>> -> memref<1x64xi32, #tpu.memory_space<vmem_shared>>
      %dma_wait3A_415 = tpu.memref_squeeze %dma_wait3A_414 : memref<1x64xi32, #tpu.memory_space<vmem_shared>> -> memref<64xi32, #tpu.memory_space<vmem_shared>>
      tpu.wait_dma2 semaphore(%run_scoped3A_397 : memref<!tpu.dma_semaphore, #tpu.memory_space<semaphore_mem>>) src(%dma_wait3A_415 : memref<64xi32, #tpu.memory_space<vmem_shared>>) dst(%dma_wait3A_413 : memref<64xi32, #tpu.memory_space<vmem>>)
      tpu.yield
    }) : () -> ()
    %run_scoped3A_22 = arith.constant 6 : i32
    %run_scoped3A_23 = arith.constant 6 : i32
    "tpu.region"() ({
      %run_scoped3A_397 = tpu.sem_alloc : memref<!tpu.dma_semaphore, #tpu.memory_space<semaphore_mem>>
      %dma_start3A = arith.constant 0 : i32
      %dma_start3A_398 = tpu.memref_slice %arg9[%run_scoped3A_23, %dma_start3A] : memref<16x64xi32, #tpu.memory_space<vmem>> -> memref<1x64xi32, #tpu.memory_space<vmem>>
      %dma_start3A_399 = tpu.memref_squeeze %dma_start3A_398 : memref<1x64xi32, #tpu.memory_space<vmem>> -> memref<64xi32, #tpu.memory_space<vmem>>
      %dma_start3A_400 = tpu.memref_slice %arg14[%run_scoped3A_22, %multiple_of3A_10] : memref<16x1024xi32, #tpu.memory_space<vmem_shared>> -> memref<1x64xi32, #tpu.memory_space<vmem_shared>>
      %dma_start3A_401 = tpu.memref_squeeze %dma_start3A_400 : memref<1x64xi32, #tpu.memory_space<vmem_shared>> -> memref<64xi32, #tpu.memory_space<vmem_shared>>
      %dma_start3A_402 = arith.constant 0 : i32
      %dma_start3A_403 = tpu.memref_slice %arg9[%run_scoped3A_23, %dma_start3A_402] : memref<16x64xi32, #tpu.memory_space<vmem>> -> memref<1x64xi32, #tpu.memory_space<vmem>>
      %dma_start3A_404 = tpu.memref_squeeze %dma_start3A_403 : memref<1x64xi32, #tpu.memory_space<vmem>> -> memref<64xi32, #tpu.memory_space<vmem>>
      %dma_start3A_405 = tpu.memref_slice %arg14[%run_scoped3A_22, %multiple_of3A_10] : memref<16x1024xi32, #tpu.memory_space<vmem_shared>> -> memref<1x64xi32, #tpu.memory_space<vmem_shared>>
      %dma_start3A_406 = tpu.memref_squeeze %dma_start3A_405 : memref<1x64xi32, #tpu.memory_space<vmem_shared>> -> memref<64xi32, #tpu.memory_space<vmem_shared>>
      tpu.enqueue_dma source(%dma_start3A_406 : memref<64xi32, #tpu.memory_space<vmem_shared>>) target(%dma_start3A_404 : memref<64xi32, #tpu.memory_space<vmem>>) target_semaphore(%run_scoped3A_397 : memref<!tpu.dma_semaphore, #tpu.memory_space<semaphore_mem>>)
      %dma_wait3A = arith.constant 0 : i32
      %dma_wait3A_407 = tpu.memref_slice %arg9[%run_scoped3A_23, %dma_wait3A] : memref<16x64xi32, #tpu.memory_space<vmem>> -> memref<1x64xi32, #tpu.memory_space<vmem>>
      %dma_wait3A_408 = tpu.memref_squeeze %dma_wait3A_407 : memref<1x64xi32, #tpu.memory_space<vmem>> -> memref<64xi32, #tpu.memory_space<vmem>>
      %dma_wait3A_409 = tpu.memref_slice %arg14[%run_scoped3A_22, %multiple_of3A_10] : memref<16x1024xi32, #tpu.memory_space<vmem_shared>> -> memref<1x64xi32, #tpu.memory_space<vmem_shared>>
      %dma_wait3A_410 = tpu.memref_squeeze %dma_wait3A_409 : memref<1x64xi32, #tpu.memory_space<vmem_shared>> -> memref<64xi32, #tpu.memory_space<vmem_shared>>
      %dma_wait3A_411 = arith.constant 0 : i32
      %dma_wait3A_412 = tpu.memref_slice %arg9[%run_scoped3A_23, %dma_wait3A_411] : memref<16x64xi32, #tpu.memory_space<vmem>> -> memref<1x64xi32, #tpu.memory_space<vmem>>
      %dma_wait3A_413 = tpu.memref_squeeze %dma_wait3A_412 : memref<1x64xi32, #tpu.memory_space<vmem>> -> memref<64xi32, #tpu.memory_space<vmem>>
      %dma_wait3A_414 = tpu.memref_slice %arg14[%run_scoped3A_22, %multiple_of3A_10] : memref<16x1024xi32, #tpu.memory_space<vmem_shared>> -> memref<1x64xi32, #tpu.memory_space<vmem_shared>>
      %dma_wait3A_415 = tpu.memref_squeeze %dma_wait3A_414 : memref<1x64xi32, #tpu.memory_space<vmem_shared>> -> memref<64xi32, #tpu.memory_space<vmem_shared>>
      tpu.wait_dma2 semaphore(%run_scoped3A_397 : memref<!tpu.dma_semaphore, #tpu.memory_space<semaphore_mem>>) src(%dma_wait3A_415 : memref<64xi32, #tpu.memory_space<vmem_shared>>) dst(%dma_wait3A_413 : memref<64xi32, #tpu.memory_space<vmem>>)
      tpu.yield
    }) : () -> ()
    %run_scoped3A_24 = arith.constant 7 : i32
    %run_scoped3A_25 = arith.constant 7 : i32
    "tpu.region"() ({
      %run_scoped3A_397 = tpu.sem_alloc : memref<!tpu.dma_semaphore, #tpu.memory_space<semaphore_mem>>
      %dma_start3A = arith.constant 0 : i32
      %dma_start3A_398 = tpu.memref_slice %arg9[%run_scoped3A_25, %dma_start3A] : memref<16x64xi32, #tpu.memory_space<vmem>> -> memref<1x64xi32, #tpu.memory_space<vmem>>
      %dma_start3A_399 = tpu.memref_squeeze %dma_start3A_398 : memref<1x64xi32, #tpu.memory_space<vmem>> -> memref<64xi32, #tpu.memory_space<vmem>>
      %dma_start3A_400 = tpu.memref_slice %arg14[%run_scoped3A_24, %multiple_of3A_10] : memref<16x1024xi32, #tpu.memory_space<vmem_shared>> -> memref<1x64xi32, #tpu.memory_space<vmem_shared>>
      %dma_start3A_401 = tpu.memref_squeeze %dma_start3A_400 : memref<1x64xi32, #tpu.memory_space<vmem_shared>> -> memref<64xi32, #tpu.memory_space<vmem_shared>>
      %dma_start3A_402 = arith.constant 0 : i32
      %dma_start3A_403 = tpu.memref_slice %arg9[%run_scoped3A_25, %dma_start3A_402] : memref<16x64xi32, #tpu.memory_space<vmem>> -> memref<1x64xi32, #tpu.memory_space<vmem>>
      %dma_start3A_404 = tpu.memref_squeeze %dma_start3A_403 : memref<1x64xi32, #tpu.memory_space<vmem>> -> memref<64xi32, #tpu.memory_space<vmem>>
      %dma_start3A_405 = tpu.memref_slice %arg14[%run_scoped3A_24, %multiple_of3A_10] : memref<16x1024xi32, #tpu.memory_space<vmem_shared>> -> memref<1x64xi32, #tpu.memory_space<vmem_shared>>
      %dma_start3A_406 = tpu.memref_squeeze %dma_start3A_405 : memref<1x64xi32, #tpu.memory_space<vmem_shared>> -> memref<64xi32, #tpu.memory_space<vmem_shared>>
      tpu.enqueue_dma source(%dma_start3A_406 : memref<64xi32, #tpu.memory_space<vmem_shared>>) target(%dma_start3A_404 : memref<64xi32, #tpu.memory_space<vmem>>) target_semaphore(%run_scoped3A_397 : memref<!tpu.dma_semaphore, #tpu.memory_space<semaphore_mem>>)
      %dma_wait3A = arith.constant 0 : i32
      %dma_wait3A_407 = tpu.memref_slice %arg9[%run_scoped3A_25, %dma_wait3A] : memref<16x64xi32, #tpu.memory_space<vmem>> -> memref<1x64xi32, #tpu.memory_space<vmem>>
      %dma_wait3A_408 = tpu.memref_squeeze %dma_wait3A_407 : memref<1x64xi32, #tpu.memory_space<vmem>> -> memref<64xi32, #tpu.memory_space<vmem>>
      %dma_wait3A_409 = tpu.memref_slice %arg14[%run_scoped3A_24, %multiple_of3A_10] : memref<16x1024xi32, #tpu.memory_space<vmem_shared>> -> memref<1x64xi32, #tpu.memory_space<vmem_shared>>
      %dma_wait3A_410 = tpu.memref_squeeze %dma_wait3A_409 : memref<1x64xi32, #tpu.memory_space<vmem_shared>> -> memref<64xi32, #tpu.memory_space<vmem_shared>>
      %dma_wait3A_411 = arith.constant 0 : i32
      %dma_wait3A_412 = tpu.memref_slice %arg9[%run_scoped3A_25, %dma_wait3A_411] : memref<16x64xi32, #tpu.memory_space<vmem>> -> memref<1x64xi32, #tpu.memory_space<vmem>>
      %dma_wait3A_413 = tpu.memref_squeeze %dma_wait3A_412 : memref<1x64xi32, #tpu.memory_space<vmem>> -> memref<64xi32, #tpu.memory_space<vmem>>
      %dma_wait3A_414 = tpu.memref_slice %arg14[%run_scoped3A_24, %multiple_of3A_10] : memref<16x1024xi32, #tpu.memory_space<vmem_shared>> -> memref<1x64xi32, #tpu.memory_space<vmem_shared>>
      %dma_wait3A_415 = tpu.memref_squeeze %dma_wait3A_414 : memref<1x64xi32, #tpu.memory_space<vmem_shared>> -> memref<64xi32, #tpu.memory_space<vmem_shared>>
      tpu.wait_dma2 semaphore(%run_scoped3A_397 : memref<!tpu.dma_semaphore, #tpu.memory_space<semaphore_mem>>) src(%dma_wait3A_415 : memref<64xi32, #tpu.memory_space<vmem_shared>>) dst(%dma_wait3A_413 : memref<64xi32, #tpu.memory_space<vmem>>)
      tpu.yield
    }) : () -> ()
    %run_scoped3A_26 = arith.constant 8 : i32
    %run_scoped3A_27 = arith.constant 8 : i32
    "tpu.region"() ({
      %run_scoped3A_397 = tpu.sem_alloc : memref<!tpu.dma_semaphore, #tpu.memory_space<semaphore_mem>>
      %dma_start3A = arith.constant 0 : i32
      %dma_start3A_398 = tpu.memref_slice %arg9[%run_scoped3A_27, %dma_start3A] : memref<16x64xi32, #tpu.memory_space<vmem>> -> memref<1x64xi32, #tpu.memory_space<vmem>>
      %dma_start3A_399 = tpu.memref_squeeze %dma_start3A_398 : memref<1x64xi32, #tpu.memory_space<vmem>> -> memref<64xi32, #tpu.memory_space<vmem>>
      %dma_start3A_400 = tpu.memref_slice %arg14[%run_scoped3A_26, %multiple_of3A_10] : memref<16x1024xi32, #tpu.memory_space<vmem_shared>> -> memref<1x64xi32, #tpu.memory_space<vmem_shared>>
      %dma_start3A_401 = tpu.memref_squeeze %dma_start3A_400 : memref<1x64xi32, #tpu.memory_space<vmem_shared>> -> memref<64xi32, #tpu.memory_space<vmem_shared>>
      %dma_start3A_402 = arith.constant 0 : i32
      %dma_start3A_403 = tpu.memref_slice %arg9[%run_scoped3A_27, %dma_start3A_402] : memref<16x64xi32, #tpu.memory_space<vmem>> -> memref<1x64xi32, #tpu.memory_space<vmem>>
      %dma_start3A_404 = tpu.memref_squeeze %dma_start3A_403 : memref<1x64xi32, #tpu.memory_space<vmem>> -> memref<64xi32, #tpu.memory_space<vmem>>
      %dma_start3A_405 = tpu.memref_slice %arg14[%run_scoped3A_26, %multiple_of3A_10] : memref<16x1024xi32, #tpu.memory_space<vmem_shared>> -> memref<1x64xi32, #tpu.memory_space<vmem_shared>>
      %dma_start3A_406 = tpu.memref_squeeze %dma_start3A_405 : memref<1x64xi32, #tpu.memory_space<vmem_shared>> -> memref<64xi32, #tpu.memory_space<vmem_shared>>
      tpu.enqueue_dma source(%dma_start3A_406 : memref<64xi32, #tpu.memory_space<vmem_shared>>) target(%dma_start3A_404 : memref<64xi32, #tpu.memory_space<vmem>>) target_semaphore(%run_scoped3A_397 : memref<!tpu.dma_semaphore, #tpu.memory_space<semaphore_mem>>)
      %dma_wait3A = arith.constant 0 : i32
      %dma_wait3A_407 = tpu.memref_slice %arg9[%run_scoped3A_27, %dma_wait3A] : memref<16x64xi32, #tpu.memory_space<vmem>> -> memref<1x64xi32, #tpu.memory_space<vmem>>
      %dma_wait3A_408 = tpu.memref_squeeze %dma_wait3A_407 : memref<1x64xi32, #tpu.memory_space<vmem>> -> memref<64xi32, #tpu.memory_space<vmem>>
      %dma_wait3A_409 = tpu.memref_slice %arg14[%run_scoped3A_26, %multiple_of3A_10] : memref<16x1024xi32, #tpu.memory_space<vmem_shared>> -> memref<1x64xi32, #tpu.memory_space<vmem_shared>>
      %dma_wait3A_410 = tpu.memref_squeeze %dma_wait3A_409 : memref<1x64xi32, #tpu.memory_space<vmem_shared>> -> memref<64xi32, #tpu.memory_space<vmem_shared>>
      %dma_wait3A_411 = arith.constant 0 : i32
      %dma_wait3A_412 = tpu.memref_slice %arg9[%run_scoped3A_27, %dma_wait3A_411] : memref<16x64xi32, #tpu.memory_space<vmem>> -> memref<1x64xi32, #tpu.memory_space<vmem>>
      %dma_wait3A_413 = tpu.memref_squeeze %dma_wait3A_412 : memref<1x64xi32, #tpu.memory_space<vmem>> -> memref<64xi32, #tpu.memory_space<vmem>>
      %dma_wait3A_414 = tpu.memref_slice %arg14[%run_scoped3A_26, %multiple_of3A_10] : memref<16x1024xi32, #tpu.memory_space<vmem_shared>> -> memref<1x64xi32, #tpu.memory_space<vmem_shared>>
      %dma_wait3A_415 = tpu.memref_squeeze %dma_wait3A_414 : memref<1x64xi32, #tpu.memory_space<vmem_shared>> -> memref<64xi32, #tpu.memory_space<vmem_shared>>
      tpu.wait_dma2 semaphore(%run_scoped3A_397 : memref<!tpu.dma_semaphore, #tpu.memory_space<semaphore_mem>>) src(%dma_wait3A_415 : memref<64xi32, #tpu.memory_space<vmem_shared>>) dst(%dma_wait3A_413 : memref<64xi32, #tpu.memory_space<vmem>>)
      tpu.yield
    }) : () -> ()
    %run_scoped3A_28 = arith.constant 9 : i32
    %run_scoped3A_29 = arith.constant 9 : i32
    "tpu.region"() ({
      %run_scoped3A_397 = tpu.sem_alloc : memref<!tpu.dma_semaphore, #tpu.memory_space<semaphore_mem>>
      %dma_start3A = arith.constant 0 : i32
      %dma_start3A_398 = tpu.memref_slice %arg9[%run_scoped3A_29, %dma_start3A] : memref<16x64xi32, #tpu.memory_space<vmem>> -> memref<1x64xi32, #tpu.memory_space<vmem>>
      %dma_start3A_399 = tpu.memref_squeeze %dma_start3A_398 : memref<1x64xi32, #tpu.memory_space<vmem>> -> memref<64xi32, #tpu.memory_space<vmem>>
      %dma_start3A_400 = tpu.memref_slice %arg14[%run_scoped3A_28, %multiple_of3A_10] : memref<16x1024xi32, #tpu.memory_space<vmem_shared>> -> memref<1x64xi32, #tpu.memory_space<vmem_shared>>
      %dma_start3A_401 = tpu.memref_squeeze %dma_start3A_400 : memref<1x64xi32, #tpu.memory_space<vmem_shared>> -> memref<64xi32, #tpu.memory_space<vmem_shared>>
      %dma_start3A_402 = arith.constant 0 : i32
      %dma_start3A_403 = tpu.memref_slice %arg9[%run_scoped3A_29, %dma_start3A_402] : memref<16x64xi32, #tpu.memory_space<vmem>> -> memref<1x64xi32, #tpu.memory_space<vmem>>
      %dma_start3A_404 = tpu.memref_squeeze %dma_start3A_403 : memref<1x64xi32, #tpu.memory_space<vmem>> -> memref<64xi32, #tpu.memory_space<vmem>>
      %dma_start3A_405 = tpu.memref_slice %arg14[%run_scoped3A_28, %multiple_of3A_10] : memref<16x1024xi32, #tpu.memory_space<vmem_shared>> -> memref<1x64xi32, #tpu.memory_space<vmem_shared>>
      %dma_start3A_406 = tpu.memref_squeeze %dma_start3A_405 : memref<1x64xi32, #tpu.memory_space<vmem_shared>> -> memref<64xi32, #tpu.memory_space<vmem_shared>>
      tpu.enqueue_dma source(%dma_start3A_406 : memref<64xi32, #tpu.memory_space<vmem_shared>>) target(%dma_start3A_404 : memref<64xi32, #tpu.memory_space<vmem>>) target_semaphore(%run_scoped3A_397 : memref<!tpu.dma_semaphore, #tpu.memory_space<semaphore_mem>>)
      %dma_wait3A = arith.constant 0 : i32
      %dma_wait3A_407 = tpu.memref_slice %arg9[%run_scoped3A_29, %dma_wait3A] : memref<16x64xi32, #tpu.memory_space<vmem>> -> memref<1x64xi32, #tpu.memory_space<vmem>>
      %dma_wait3A_408 = tpu.memref_squeeze %dma_wait3A_407 : memref<1x64xi32, #tpu.memory_space<vmem>> -> memref<64xi32, #tpu.memory_space<vmem>>
      %dma_wait3A_409 = tpu.memref_slice %arg14[%run_scoped3A_28, %multiple_of3A_10] : memref<16x1024xi32, #tpu.memory_space<vmem_shared>> -> memref<1x64xi32, #tpu.memory_space<vmem_shared>>
      %dma_wait3A_410 = tpu.memref_squeeze %dma_wait3A_409 : memref<1x64xi32, #tpu.memory_space<vmem_shared>> -> memref<64xi32, #tpu.memory_space<vmem_shared>>
      %dma_wait3A_411 = arith.constant 0 : i32
      %dma_wait3A_412 = tpu.memref_slice %arg9[%run_scoped3A_29, %dma_wait3A_411] : memref<16x64xi32, #tpu.memory_space<vmem>> -> memref<1x64xi32, #tpu.memory_space<vmem>>
      %dma_wait3A_413 = tpu.memref_squeeze %dma_wait3A_412 : memref<1x64xi32, #tpu.memory_space<vmem>> -> memref<64xi32, #tpu.memory_space<vmem>>
      %dma_wait3A_414 = tpu.memref_slice %arg14[%run_scoped3A_28, %multiple_of3A_10] : memref<16x1024xi32, #tpu.memory_space<vmem_shared>> -> memref<1x64xi32, #tpu.memory_space<vmem_shared>>
      %dma_wait3A_415 = tpu.memref_squeeze %dma_wait3A_414 : memref<1x64xi32, #tpu.memory_space<vmem_shared>> -> memref<64xi32, #tpu.memory_space<vmem_shared>>
      tpu.wait_dma2 semaphore(%run_scoped3A_397 : memref<!tpu.dma_semaphore, #tpu.memory_space<semaphore_mem>>) src(%dma_wait3A_415 : memref<64xi32, #tpu.memory_space<vmem_shared>>) dst(%dma_wait3A_413 : memref<64xi32, #tpu.memory_space<vmem>>)
      tpu.yield
    }) : () -> ()
    %run_scoped3A_30 = arith.constant 10 : i32
    %run_scoped3A_31 = arith.constant 10 : i32
    "tpu.region"() ({
      %run_scoped3A_397 = tpu.sem_alloc : memref<!tpu.dma_semaphore, #tpu.memory_space<semaphore_mem>>
      %dma_start3A = arith.constant 0 : i32
      %dma_start3A_398 = tpu.memref_slice %arg9[%run_scoped3A_31, %dma_start3A] : memref<16x64xi32, #tpu.memory_space<vmem>> -> memref<1x64xi32, #tpu.memory_space<vmem>>
      %dma_start3A_399 = tpu.memref_squeeze %dma_start3A_398 : memref<1x64xi32, #tpu.memory_space<vmem>> -> memref<64xi32, #tpu.memory_space<vmem>>
      %dma_start3A_400 = tpu.memref_slice %arg14[%run_scoped3A_30, %multiple_of3A_10] : memref<16x1024xi32, #tpu.memory_space<vmem_shared>> -> memref<1x64xi32, #tpu.memory_space<vmem_shared>>
      %dma_start3A_401 = tpu.memref_squeeze %dma_start3A_400 : memref<1x64xi32, #tpu.memory_space<vmem_shared>> -> memref<64xi32, #tpu.memory_space<vmem_shared>>
      %dma_start3A_402 = arith.constant 0 : i32
      %dma_start3A_403 = tpu.memref_slice %arg9[%run_scoped3A_31, %dma_start3A_402] : memref<16x64xi32, #tpu.memory_space<vmem>> -> memref<1x64xi32, #tpu.memory_space<vmem>>
      %dma_start3A_404 = tpu.memref_squeeze %dma_start3A_403 : memref<1x64xi32, #tpu.memory_space<vmem>> -> memref<64xi32, #tpu.memory_space<vmem>>
      %dma_start3A_405 = tpu.memref_slice %arg14[%run_scoped3A_30, %multiple_of3A_10] : memref<16x1024xi32, #tpu.memory_space<vmem_shared>> -> memref<1x64xi32, #tpu.memory_space<vmem_shared>>
      %dma_start3A_406 = tpu.memref_squeeze %dma_start3A_405 : memref<1x64xi32, #tpu.memory_space<vmem_shared>> -> memref<64xi32, #tpu.memory_space<vmem_shared>>
      tpu.enqueue_dma source(%dma_start3A_406 : memref<64xi32, #tpu.memory_space<vmem_shared>>) target(%dma_start3A_404 : memref<64xi32, #tpu.memory_space<vmem>>) target_semaphore(%run_scoped3A_397 : memref<!tpu.dma_semaphore, #tpu.memory_space<semaphore_mem>>)
      %dma_wait3A = arith.constant 0 : i32
      %dma_wait3A_407 = tpu.memref_slice %arg9[%run_scoped3A_31, %dma_wait3A] : memref<16x64xi32, #tpu.memory_space<vmem>> -> memref<1x64xi32, #tpu.memory_space<vmem>>
      %dma_wait3A_408 = tpu.memref_squeeze %dma_wait3A_407 : memref<1x64xi32, #tpu.memory_space<vmem>> -> memref<64xi32, #tpu.memory_space<vmem>>
      %dma_wait3A_409 = tpu.memref_slice %arg14[%run_scoped3A_30, %multiple_of3A_10] : memref<16x1024xi32, #tpu.memory_space<vmem_shared>> -> memref<1x64xi32, #tpu.memory_space<vmem_shared>>
      %dma_wait3A_410 = tpu.memref_squeeze %dma_wait3A_409 : memref<1x64xi32, #tpu.memory_space<vmem_shared>> -> memref<64xi32, #tpu.memory_space<vmem_shared>>
      %dma_wait3A_411 = arith.constant 0 : i32
      %dma_wait3A_412 = tpu.memref_slice %arg9[%run_scoped3A_31, %dma_wait3A_411] : memref<16x64xi32, #tpu.memory_space<vmem>> -> memref<1x64xi32, #tpu.memory_space<vmem>>
      %dma_wait3A_413 = tpu.memref_squeeze %dma_wait3A_412 : memref<1x64xi32, #tpu.memory_space<vmem>> -> memref<64xi32, #tpu.memory_space<vmem>>
      %dma_wait3A_414 = tpu.memref_slice %arg14[%run_scoped3A_30, %multiple_of3A_10] : memref<16x1024xi32, #tpu.memory_space<vmem_shared>> -> memref<1x64xi32, #tpu.memory_space<vmem_shared>>
      %dma_wait3A_415 = tpu.memref_squeeze %dma_wait3A_414 : memref<1x64xi32, #tpu.memory_space<vmem_shared>> -> memref<64xi32, #tpu.memory_space<vmem_shared>>
      tpu.wait_dma2 semaphore(%run_scoped3A_397 : memref<!tpu.dma_semaphore, #tpu.memory_space<semaphore_mem>>) src(%dma_wait3A_415 : memref<64xi32, #tpu.memory_space<vmem_shared>>) dst(%dma_wait3A_413 : memref<64xi32, #tpu.memory_space<vmem>>)
      tpu.yield
    }) : () -> ()
    %run_scoped3A_32 = arith.constant 11 : i32
    %run_scoped3A_33 = arith.constant 11 : i32
    "tpu.region"() ({
      %run_scoped3A_397 = tpu.sem_alloc : memref<!tpu.dma_semaphore, #tpu.memory_space<semaphore_mem>>
      %dma_start3A = arith.constant 0 : i32
      %dma_start3A_398 = tpu.memref_slice %arg9[%run_scoped3A_33, %dma_start3A] : memref<16x64xi32, #tpu.memory_space<vmem>> -> memref<1x64xi32, #tpu.memory_space<vmem>>
      %dma_start3A_399 = tpu.memref_squeeze %dma_start3A_398 : memref<1x64xi32, #tpu.memory_space<vmem>> -> memref<64xi32, #tpu.memory_space<vmem>>
      %dma_start3A_400 = tpu.memref_slice %arg14[%run_scoped3A_32, %multiple_of3A_10] : memref<16x1024xi32, #tpu.memory_space<vmem_shared>> -> memref<1x64xi32, #tpu.memory_space<vmem_shared>>
      %dma_start3A_401 = tpu.memref_squeeze %dma_start3A_400 : memref<1x64xi32, #tpu.memory_space<vmem_shared>> -> memref<64xi32, #tpu.memory_space<vmem_shared>>
      %dma_start3A_402 = arith.constant 0 : i32
      %dma_start3A_403 = tpu.memref_slice %arg9[%run_scoped3A_33, %dma_start3A_402] : memref<16x64xi32, #tpu.memory_space<vmem>> -> memref<1x64xi32, #tpu.memory_space<vmem>>
      %dma_start3A_404 = tpu.memref_squeeze %dma_start3A_403 : memref<1x64xi32, #tpu.memory_space<vmem>> -> memref<64xi32, #tpu.memory_space<vmem>>
      %dma_start3A_405 = tpu.memref_slice %arg14[%run_scoped3A_32, %multiple_of3A_10] : memref<16x1024xi32, #tpu.memory_space<vmem_shared>> -> memref<1x64xi32, #tpu.memory_space<vmem_shared>>
      %dma_start3A_406 = tpu.memref_squeeze %dma_start3A_405 : memref<1x64xi32, #tpu.memory_space<vmem_shared>> -> memref<64xi32, #tpu.memory_space<vmem_shared>>
      tpu.enqueue_dma source(%dma_start3A_406 : memref<64xi32, #tpu.memory_space<vmem_shared>>) target(%dma_start3A_404 : memref<64xi32, #tpu.memory_space<vmem>>) target_semaphore(%run_scoped3A_397 : memref<!tpu.dma_semaphore, #tpu.memory_space<semaphore_mem>>)
      %dma_wait3A = arith.constant 0 : i32
      %dma_wait3A_407 = tpu.memref_slice %arg9[%run_scoped3A_33, %dma_wait3A] : memref<16x64xi32, #tpu.memory_space<vmem>> -> memref<1x64xi32, #tpu.memory_space<vmem>>
      %dma_wait3A_408 = tpu.memref_squeeze %dma_wait3A_407 : memref<1x64xi32, #tpu.memory_space<vmem>> -> memref<64xi32, #tpu.memory_space<vmem>>
      %dma_wait3A_409 = tpu.memref_slice %arg14[%run_scoped3A_32, %multiple_of3A_10] : memref<16x1024xi32, #tpu.memory_space<vmem_shared>> -> memref<1x64xi32, #tpu.memory_space<vmem_shared>>
      %dma_wait3A_410 = tpu.memref_squeeze %dma_wait3A_409 : memref<1x64xi32, #tpu.memory_space<vmem_shared>> -> memref<64xi32, #tpu.memory_space<vmem_shared>>
      %dma_wait3A_411 = arith.constant 0 : i32
      %dma_wait3A_412 = tpu.memref_slice %arg9[%run_scoped3A_33, %dma_wait3A_411] : memref<16x64xi32, #tpu.memory_space<vmem>> -> memref<1x64xi32, #tpu.memory_space<vmem>>
      %dma_wait3A_413 = tpu.memref_squeeze %dma_wait3A_412 : memref<1x64xi32, #tpu.memory_space<vmem>> -> memref<64xi32, #tpu.memory_space<vmem>>
      %dma_wait3A_414 = tpu.memref_slice %arg14[%run_scoped3A_32, %multiple_of3A_10] : memref<16x1024xi32, #tpu.memory_space<vmem_shared>> -> memref<1x64xi32, #tpu.memory_space<vmem_shared>>
      %dma_wait3A_415 = tpu.memref_squeeze %dma_wait3A_414 : memref<1x64xi32, #tpu.memory_space<vmem_shared>> -> memref<64xi32, #tpu.memory_space<vmem_shared>>
      tpu.wait_dma2 semaphore(%run_scoped3A_397 : memref<!tpu.dma_semaphore, #tpu.memory_space<semaphore_mem>>) src(%dma_wait3A_415 : memref<64xi32, #tpu.memory_space<vmem_shared>>) dst(%dma_wait3A_413 : memref<64xi32, #tpu.memory_space<vmem>>)
      tpu.yield
    }) : () -> ()
    %run_scoped3A_34 = arith.constant 12 : i32
    %run_scoped3A_35 = arith.constant 12 : i32
    "tpu.region"() ({
      %run_scoped3A_397 = tpu.sem_alloc : memref<!tpu.dma_semaphore, #tpu.memory_space<semaphore_mem>>
      %dma_start3A = arith.constant 0 : i32
      %dma_start3A_398 = tpu.memref_slice %arg9[%run_scoped3A_35, %dma_start3A] : memref<16x64xi32, #tpu.memory_space<vmem>> -> memref<1x64xi32, #tpu.memory_space<vmem>>
      %dma_start3A_399 = tpu.memref_squeeze %dma_start3A_398 : memref<1x64xi32, #tpu.memory_space<vmem>> -> memref<64xi32, #tpu.memory_space<vmem>>
      %dma_start3A_400 = tpu.memref_slice %arg14[%run_scoped3A_34, %multiple_of3A_10] : memref<16x1024xi32, #tpu.memory_space<vmem_shared>> -> memref<1x64xi32, #tpu.memory_space<vmem_shared>>
      %dma_start3A_401 = tpu.memref_squeeze %dma_start3A_400 : memref<1x64xi32, #tpu.memory_space<vmem_shared>> -> memref<64xi32, #tpu.memory_space<vmem_shared>>
      %dma_start3A_402 = arith.constant 0 : i32
      %dma_start3A_403 = tpu.memref_slice %arg9[%run_scoped3A_35, %dma_start3A_402] : memref<16x64xi32, #tpu.memory_space<vmem>> -> memref<1x64xi32, #tpu.memory_space<vmem>>
      %dma_start3A_404 = tpu.memref_squeeze %dma_start3A_403 : memref<1x64xi32, #tpu.memory_space<vmem>> -> memref<64xi32, #tpu.memory_space<vmem>>
      %dma_start3A_405 = tpu.memref_slice %arg14[%run_scoped3A_34, %multiple_of3A_10] : memref<16x1024xi32, #tpu.memory_space<vmem_shared>> -> memref<1x64xi32, #tpu.memory_space<vmem_shared>>
      %dma_start3A_406 = tpu.memref_squeeze %dma_start3A_405 : memref<1x64xi32, #tpu.memory_space<vmem_shared>> -> memref<64xi32, #tpu.memory_space<vmem_shared>>
      tpu.enqueue_dma source(%dma_start3A_406 : memref<64xi32, #tpu.memory_space<vmem_shared>>) target(%dma_start3A_404 : memref<64xi32, #tpu.memory_space<vmem>>) target_semaphore(%run_scoped3A_397 : memref<!tpu.dma_semaphore, #tpu.memory_space<semaphore_mem>>)
      %dma_wait3A = arith.constant 0 : i32
      %dma_wait3A_407 = tpu.memref_slice %arg9[%run_scoped3A_35, %dma_wait3A] : memref<16x64xi32, #tpu.memory_space<vmem>> -> memref<1x64xi32, #tpu.memory_space<vmem>>
      %dma_wait3A_408 = tpu.memref_squeeze %dma_wait3A_407 : memref<1x64xi32, #tpu.memory_space<vmem>> -> memref<64xi32, #tpu.memory_space<vmem>>
      %dma_wait3A_409 = tpu.memref_slice %arg14[%run_scoped3A_34, %multiple_of3A_10] : memref<16x1024xi32, #tpu.memory_space<vmem_shared>> -> memref<1x64xi32, #tpu.memory_space<vmem_shared>>
      %dma_wait3A_410 = tpu.memref_squeeze %dma_wait3A_409 : memref<1x64xi32, #tpu.memory_space<vmem_shared>> -> memref<64xi32, #tpu.memory_space<vmem_shared>>
      %dma_wait3A_411 = arith.constant 0 : i32
      %dma_wait3A_412 = tpu.memref_slice %arg9[%run_scoped3A_35, %dma_wait3A_411] : memref<16x64xi32, #tpu.memory_space<vmem>> -> memref<1x64xi32, #tpu.memory_space<vmem>>
      %dma_wait3A_413 = tpu.memref_squeeze %dma_wait3A_412 : memref<1x64xi32, #tpu.memory_space<vmem>> -> memref<64xi32, #tpu.memory_space<vmem>>
      %dma_wait3A_414 = tpu.memref_slice %arg14[%run_scoped3A_34, %multiple_of3A_10] : memref<16x1024xi32, #tpu.memory_space<vmem_shared>> -> memref<1x64xi32, #tpu.memory_space<vmem_shared>>
      %dma_wait3A_415 = tpu.memref_squeeze %dma_wait3A_414 : memref<1x64xi32, #tpu.memory_space<vmem_shared>> -> memref<64xi32, #tpu.memory_space<vmem_shared>>
      tpu.wait_dma2 semaphore(%run_scoped3A_397 : memref<!tpu.dma_semaphore, #tpu.memory_space<semaphore_mem>>) src(%dma_wait3A_415 : memref<64xi32, #tpu.memory_space<vmem_shared>>) dst(%dma_wait3A_413 : memref<64xi32, #tpu.memory_space<vmem>>)
      tpu.yield
    }) : () -> ()
    %run_scoped3A_36 = arith.constant 13 : i32
    %run_scoped3A_37 = arith.constant 13 : i32
    "tpu.region"() ({
      %run_scoped3A_397 = tpu.sem_alloc : memref<!tpu.dma_semaphore, #tpu.memory_space<semaphore_mem>>
      %dma_start3A = arith.constant 0 : i32
      %dma_start3A_398 = tpu.memref_slice %arg9[%run_scoped3A_37, %dma_start3A] : memref<16x64xi32, #tpu.memory_space<vmem>> -> memref<1x64xi32, #tpu.memory_space<vmem>>
      %dma_start3A_399 = tpu.memref_squeeze %dma_start3A_398 : memref<1x64xi32, #tpu.memory_space<vmem>> -> memref<64xi32, #tpu.memory_space<vmem>>
      %dma_start3A_400 = tpu.memref_slice %arg14[%run_scoped3A_36, %multiple_of3A_10] : memref<16x1024xi32, #tpu.memory_space<vmem_shared>> -> memref<1x64xi32, #tpu.memory_space<vmem_shared>>
      %dma_start3A_401 = tpu.memref_squeeze %dma_start3A_400 : memref<1x64xi32, #tpu.memory_space<vmem_shared>> -> memref<64xi32, #tpu.memory_space<vmem_shared>>
      %dma_start3A_402 = arith.constant 0 : i32
      %dma_start3A_403 = tpu.memref_slice %arg9[%run_scoped3A_37, %dma_start3A_402] : memref<16x64xi32, #tpu.memory_space<vmem>> -> memref<1x64xi32, #tpu.memory_space<vmem>>
      %dma_start3A_404 = tpu.memref_squeeze %dma_start3A_403 : memref<1x64xi32, #tpu.memory_space<vmem>> -> memref<64xi32, #tpu.memory_space<vmem>>
      %dma_start3A_405 = tpu.memref_slice %arg14[%run_scoped3A_36, %multiple_of3A_10] : memref<16x1024xi32, #tpu.memory_space<vmem_shared>> -> memref<1x64xi32, #tpu.memory_space<vmem_shared>>
      %dma_start3A_406 = tpu.memref_squeeze %dma_start3A_405 : memref<1x64xi32, #tpu.memory_space<vmem_shared>> -> memref<64xi32, #tpu.memory_space<vmem_shared>>
      tpu.enqueue_dma source(%dma_start3A_406 : memref<64xi32, #tpu.memory_space<vmem_shared>>) target(%dma_start3A_404 : memref<64xi32, #tpu.memory_space<vmem>>) target_semaphore(%run_scoped3A_397 : memref<!tpu.dma_semaphore, #tpu.memory_space<semaphore_mem>>)
      %dma_wait3A = arith.constant 0 : i32
      %dma_wait3A_407 = tpu.memref_slice %arg9[%run_scoped3A_37, %dma_wait3A] : memref<16x64xi32, #tpu.memory_space<vmem>> -> memref<1x64xi32, #tpu.memory_space<vmem>>
      %dma_wait3A_408 = tpu.memref_squeeze %dma_wait3A_407 : memref<1x64xi32, #tpu.memory_space<vmem>> -> memref<64xi32, #tpu.memory_space<vmem>>
      %dma_wait3A_409 = tpu.memref_slice %arg14[%run_scoped3A_36, %multiple_of3A_10] : memref<16x1024xi32, #tpu.memory_space<vmem_shared>> -> memref<1x64xi32, #tpu.memory_space<vmem_shared>>
      %dma_wait3A_410 = tpu.memref_squeeze %dma_wait3A_409 : memref<1x64xi32, #tpu.memory_space<vmem_shared>> -> memref<64xi32, #tpu.memory_space<vmem_shared>>
      %dma_wait3A_411 = arith.constant 0 : i32
      %dma_wait3A_412 = tpu.memref_slice %arg9[%run_scoped3A_37, %dma_wait3A_411] : memref<16x64xi32, #tpu.memory_space<vmem>> -> memref<1x64xi32, #tpu.memory_space<vmem>>
      %dma_wait3A_413 = tpu.memref_squeeze %dma_wait3A_412 : memref<1x64xi32, #tpu.memory_space<vmem>> -> memref<64xi32, #tpu.memory_space<vmem>>
      %dma_wait3A_414 = tpu.memref_slice %arg14[%run_scoped3A_36, %multiple_of3A_10] : memref<16x1024xi32, #tpu.memory_space<vmem_shared>> -> memref<1x64xi32, #tpu.memory_space<vmem_shared>>
      %dma_wait3A_415 = tpu.memref_squeeze %dma_wait3A_414 : memref<1x64xi32, #tpu.memory_space<vmem_shared>> -> memref<64xi32, #tpu.memory_space<vmem_shared>>
      tpu.wait_dma2 semaphore(%run_scoped3A_397 : memref<!tpu.dma_semaphore, #tpu.memory_space<semaphore_mem>>) src(%dma_wait3A_415 : memref<64xi32, #tpu.memory_space<vmem_shared>>) dst(%dma_wait3A_413 : memref<64xi32, #tpu.memory_space<vmem>>)
      tpu.yield
    }) : () -> ()
    %run_scoped3A_38 = arith.constant 14 : i32
    %run_scoped3A_39 = arith.constant 14 : i32
    "tpu.region"() ({
      %run_scoped3A_397 = tpu.sem_alloc : memref<!tpu.dma_semaphore, #tpu.memory_space<semaphore_mem>>
      %dma_start3A = arith.constant 0 : i32
      %dma_start3A_398 = tpu.memref_slice %arg9[%run_scoped3A_39, %dma_start3A] : memref<16x64xi32, #tpu.memory_space<vmem>> -> memref<1x64xi32, #tpu.memory_space<vmem>>
      %dma_start3A_399 = tpu.memref_squeeze %dma_start3A_398 : memref<1x64xi32, #tpu.memory_space<vmem>> -> memref<64xi32, #tpu.memory_space<vmem>>
      %dma_start3A_400 = tpu.memref_slice %arg14[%run_scoped3A_38, %multiple_of3A_10] : memref<16x1024xi32, #tpu.memory_space<vmem_shared>> -> memref<1x64xi32, #tpu.memory_space<vmem_shared>>
      %dma_start3A_401 = tpu.memref_squeeze %dma_start3A_400 : memref<1x64xi32, #tpu.memory_space<vmem_shared>> -> memref<64xi32, #tpu.memory_space<vmem_shared>>
      %dma_start3A_402 = arith.constant 0 : i32
      %dma_start3A_403 = tpu.memref_slice %arg9[%run_scoped3A_39, %dma_start3A_402] : memref<16x64xi32, #tpu.memory_space<vmem>> -> memref<1x64xi32, #tpu.memory_space<vmem>>
      %dma_start3A_404 = tpu.memref_squeeze %dma_start3A_403 : memref<1x64xi32, #tpu.memory_space<vmem>> -> memref<64xi32, #tpu.memory_space<vmem>>
      %dma_start3A_405 = tpu.memref_slice %arg14[%run_scoped3A_38, %multiple_of3A_10] : memref<16x1024xi32, #tpu.memory_space<vmem_shared>> -> memref<1x64xi32, #tpu.memory_space<vmem_shared>>
      %dma_start3A_406 = tpu.memref_squeeze %dma_start3A_405 : memref<1x64xi32, #tpu.memory_space<vmem_shared>> -> memref<64xi32, #tpu.memory_space<vmem_shared>>
      tpu.enqueue_dma source(%dma_start3A_406 : memref<64xi32, #tpu.memory_space<vmem_shared>>) target(%dma_start3A_404 : memref<64xi32, #tpu.memory_space<vmem>>) target_semaphore(%run_scoped3A_397 : memref<!tpu.dma_semaphore, #tpu.memory_space<semaphore_mem>>)
      %dma_wait3A = arith.constant 0 : i32
      %dma_wait3A_407 = tpu.memref_slice %arg9[%run_scoped3A_39, %dma_wait3A] : memref<16x64xi32, #tpu.memory_space<vmem>> -> memref<1x64xi32, #tpu.memory_space<vmem>>
      %dma_wait3A_408 = tpu.memref_squeeze %dma_wait3A_407 : memref<1x64xi32, #tpu.memory_space<vmem>> -> memref<64xi32, #tpu.memory_space<vmem>>
      %dma_wait3A_409 = tpu.memref_slice %arg14[%run_scoped3A_38, %multiple_of3A_10] : memref<16x1024xi32, #tpu.memory_space<vmem_shared>> -> memref<1x64xi32, #tpu.memory_space<vmem_shared>>
      %dma_wait3A_410 = tpu.memref_squeeze %dma_wait3A_409 : memref<1x64xi32, #tpu.memory_space<vmem_shared>> -> memref<64xi32, #tpu.memory_space<vmem_shared>>
      %dma_wait3A_411 = arith.constant 0 : i32
      %dma_wait3A_412 = tpu.memref_slice %arg9[%run_scoped3A_39, %dma_wait3A_411] : memref<16x64xi32, #tpu.memory_space<vmem>> -> memref<1x64xi32, #tpu.memory_space<vmem>>
      %dma_wait3A_413 = tpu.memref_squeeze %dma_wait3A_412 : memref<1x64xi32, #tpu.memory_space<vmem>> -> memref<64xi32, #tpu.memory_space<vmem>>
      %dma_wait3A_414 = tpu.memref_slice %arg14[%run_scoped3A_38, %multiple_of3A_10] : memref<16x1024xi32, #tpu.memory_space<vmem_shared>> -> memref<1x64xi32, #tpu.memory_space<vmem_shared>>
      %dma_wait3A_415 = tpu.memref_squeeze %dma_wait3A_414 : memref<1x64xi32, #tpu.memory_space<vmem_shared>> -> memref<64xi32, #tpu.memory_space<vmem_shared>>
      tpu.wait_dma2 semaphore(%run_scoped3A_397 : memref<!tpu.dma_semaphore, #tpu.memory_space<semaphore_mem>>) src(%dma_wait3A_415 : memref<64xi32, #tpu.memory_space<vmem_shared>>) dst(%dma_wait3A_413 : memref<64xi32, #tpu.memory_space<vmem>>)
      tpu.yield
    }) : () -> ()
    %run_scoped3A_40 = arith.constant 15 : i32
    %run_scoped3A_41 = arith.constant 15 : i32
    "tpu.region"() ({
      %run_scoped3A_397 = tpu.sem_alloc : memref<!tpu.dma_semaphore, #tpu.memory_space<semaphore_mem>>
      %dma_start3A = arith.constant 0 : i32
      %dma_start3A_398 = tpu.memref_slice %arg9[%run_scoped3A_41, %dma_start3A] : memref<16x64xi32, #tpu.memory_space<vmem>> -> memref<1x64xi32, #tpu.memory_space<vmem>>
      %dma_start3A_399 = tpu.memref_squeeze %dma_start3A_398 : memref<1x64xi32, #tpu.memory_space<vmem>> -> memref<64xi32, #tpu.memory_space<vmem>>
      %dma_start3A_400 = tpu.memref_slice %arg14[%run_scoped3A_40, %multiple_of3A_10] : memref<16x1024xi32, #tpu.memory_space<vmem_shared>> -> memref<1x64xi32, #tpu.memory_space<vmem_shared>>
      %dma_start3A_401 = tpu.memref_squeeze %dma_start3A_400 : memref<1x64xi32, #tpu.memory_space<vmem_shared>> -> memref<64xi32, #tpu.memory_space<vmem_shared>>
      %dma_start3A_402 = arith.constant 0 : i32
      %dma_start3A_403 = tpu.memref_slice %arg9[%run_scoped3A_41, %dma_start3A_402] : memref<16x64xi32, #tpu.memory_space<vmem>> -> memref<1x64xi32, #tpu.memory_space<vmem>>
      %dma_start3A_404 = tpu.memref_squeeze %dma_start3A_403 : memref<1x64xi32, #tpu.memory_space<vmem>> -> memref<64xi32, #tpu.memory_space<vmem>>
      %dma_start3A_405 = tpu.memref_slice %arg14[%run_scoped3A_40, %multiple_of3A_10] : memref<16x1024xi32, #tpu.memory_space<vmem_shared>> -> memref<1x64xi32, #tpu.memory_space<vmem_shared>>
      %dma_start3A_406 = tpu.memref_squeeze %dma_start3A_405 : memref<1x64xi32, #tpu.memory_space<vmem_shared>> -> memref<64xi32, #tpu.memory_space<vmem_shared>>
      tpu.enqueue_dma source(%dma_start3A_406 : memref<64xi32, #tpu.memory_space<vmem_shared>>) target(%dma_start3A_404 : memref<64xi32, #tpu.memory_space<vmem>>) target_semaphore(%run_scoped3A_397 : memref<!tpu.dma_semaphore, #tpu.memory_space<semaphore_mem>>)
      %dma_wait3A = arith.constant 0 : i32
      %dma_wait3A_407 = tpu.memref_slice %arg9[%run_scoped3A_41, %dma_wait3A] : memref<16x64xi32, #tpu.memory_space<vmem>> -> memref<1x64xi32, #tpu.memory_space<vmem>>
      %dma_wait3A_408 = tpu.memref_squeeze %dma_wait3A_407 : memref<1x64xi32, #tpu.memory_space<vmem>> -> memref<64xi32, #tpu.memory_space<vmem>>
      %dma_wait3A_409 = tpu.memref_slice %arg14[%run_scoped3A_40, %multiple_of3A_10] : memref<16x1024xi32, #tpu.memory_space<vmem_shared>> -> memref<1x64xi32, #tpu.memory_space<vmem_shared>>
      %dma_wait3A_410 = tpu.memref_squeeze %dma_wait3A_409 : memref<1x64xi32, #tpu.memory_space<vmem_shared>> -> memref<64xi32, #tpu.memory_space<vmem_shared>>
      %dma_wait3A_411 = arith.constant 0 : i32
      %dma_wait3A_412 = tpu.memref_slice %arg9[%run_scoped3A_41, %dma_wait3A_411] : memref<16x64xi32, #tpu.memory_space<vmem>> -> memref<1x64xi32, #tpu.memory_space<vmem>>
      %dma_wait3A_413 = tpu.memref_squeeze %dma_wait3A_412 : memref<1x64xi32, #tpu.memory_space<vmem>> -> memref<64xi32, #tpu.memory_space<vmem>>
      %dma_wait3A_414 = tpu.memref_slice %arg14[%run_scoped3A_40, %multiple_of3A_10] : memref<16x1024xi32, #tpu.memory_space<vmem_shared>> -> memref<1x64xi32, #tpu.memory_space<vmem_shared>>
      %dma_wait3A_415 = tpu.memref_squeeze %dma_wait3A_414 : memref<1x64xi32, #tpu.memory_space<vmem_shared>> -> memref<64xi32, #tpu.memory_space<vmem_shared>>
      tpu.wait_dma2 semaphore(%run_scoped3A_397 : memref<!tpu.dma_semaphore, #tpu.memory_space<semaphore_mem>>) src(%dma_wait3A_415 : memref<64xi32, #tpu.memory_space<vmem_shared>>) dst(%dma_wait3A_413 : memref<64xi32, #tpu.memory_space<vmem>>)
      tpu.yield
    }) : () -> ()
    %broadcast_in_dim3A = arith.constant 0 : i32
    %broadcast_in_dim3A_42 = vector.broadcast %broadcast_in_dim3A : i32 to vector<16xi32>
    %get3A = arith.constant 0 : i32
    %get3A_43 = arith.index_cast %get3A : i32 to index
    %get3A_44 = arith.constant 0 : index
    %get3A_45 = tpu.vector_load %arg9[%get3A_43, %get3A_44] {strides = array<i32>} : memref<16x64xi32, #tpu.memory_space<vmem>>, vector<16xi32>,
    %add3A = arith.addi %broadcast_in_dim3A_42, %get3A_45 : vector<16xi32>
    %get3A_46 = arith.constant 1 : i32
    %get3A_47 = arith.index_cast %get3A_46 : i32 to index
    %get3A_48 = arith.constant 0 : index
    %get3A_49 = tpu.vector_load %arg9[%get3A_47, %get3A_48] {strides = array<i32>} : memref<16x64xi32, #tpu.memory_space<vmem>>, vector<16xi32>,
    %add3A_50 = arith.addi %add3A, %get3A_49 : vector<16xi32>
    %get3A_51 = arith.constant 2 : i32
    %get3A_52 = arith.index_cast %get3A_51 : i32 to index
    %get3A_53 = arith.constant 0 : index
    %get3A_54 = tpu.vector_load %arg9[%get3A_52, %get3A_53] {strides = array<i32>} : memref<16x64xi32, #tpu.memory_space<vmem>>, vector<16xi32>,
    %add3A_55 = arith.addi %add3A_50, %get3A_54 : vector<16xi32>
    %get3A_56 = arith.constant 3 : i32
    %get3A_57 = arith.index_cast %get3A_56 : i32 to index
    %get3A_58 = arith.constant 0 : index
    %get3A_59 = tpu.vector_load %arg9[%get3A_57, %get3A_58] {strides = array<i32>} : memref<16x64xi32, #tpu.memory_space<vmem>>, vector<16xi32>,
    %add3A_60 = arith.addi %add3A_55, %get3A_59 : vector<16xi32>
    %get3A_61 = arith.constant 4 : i32
    %get3A_62 = arith.index_cast %get3A_61 : i32 to index
    %get3A_63 = arith.constant 0 : index
    %get3A_64 = tpu.vector_load %arg9[%get3A_62, %get3A_63] {strides = array<i32>} : memref<16x64xi32, #tpu.memory_space<vmem>>, vector<16xi32>,
    %add3A_65 = arith.addi %add3A_60, %get3A_64 : vector<16xi32>
    %get3A_66 = arith.constant 5 : i32
    %get3A_67 = arith.index_cast %get3A_66 : i32 to index
    %get3A_68 = arith.constant 0 : index
    %get3A_69 = tpu.vector_load %arg9[%get3A_67, %get3A_68] {strides = array<i32>} : memref<16x64xi32, #tpu.memory_space<vmem>>, vector<16xi32>,
    %add3A_70 = arith.addi %add3A_65, %get3A_69 : vector<16xi32>
    %get3A_71 = arith.constant 6 : i32
    %get3A_72 = arith.index_cast %get3A_71 : i32 to index
    %get3A_73 = arith.constant 0 : index
    %get3A_74 = tpu.vector_load %arg9[%get3A_72, %get3A_73] {strides = array<i32>} : memref<16x64xi32, #tpu.memory_space<vmem>>, vector<16xi32>,
    %add3A_75 = arith.addi %add3A_70, %get3A_74 : vector<16xi32>
    %get3A_76 = arith.constant 7 : i32
    %get3A_77 = arith.index_cast %get3A_76 : i32 to index
    %get3A_78 = arith.constant 0 : index
    %get3A_79 = tpu.vector_load %arg9[%get3A_77, %get3A_78] {strides = array<i32>} : memref<16x64xi32, #tpu.memory_space<vmem>>, vector<16xi32>,
    %add3A_80 = arith.addi %add3A_75, %get3A_79 : vector<16xi32>
    %get3A_81 = arith.constant 8 : i32
    %get3A_82 = arith.index_cast %get3A_81 : i32 to index
    %get3A_83 = arith.constant 0 : index
    %get3A_84 = tpu.vector_load %arg9[%get3A_82, %get3A_83] {strides = array<i32>} : memref<16x64xi32, #tpu.memory_space<vmem>>, vector<16xi32>,
    %add3A_85 = arith.addi %add3A_80, %get3A_84 : vector<16xi32>
    %get3A_86 = arith.constant 9 : i32
    %get3A_87 = arith.index_cast %get3A_86 : i32 to index
    %get3A_88 = arith.constant 0 : index
    %get3A_89 = tpu.vector_load %arg9[%get3A_87, %get3A_88] {strides = array<i32>} : memref<16x64xi32, #tpu.memory_space<vmem>>, vector<16xi32>,
    %add3A_90 = arith.addi %add3A_85, %get3A_89 : vector<16xi32>
    %get3A_91 = arith.constant 10 : i32
    %get3A_92 = arith.index_cast %get3A_91 : i32 to index
    %get3A_93 = arith.constant 0 : index
    %get3A_94 = tpu.vector_load %arg9[%get3A_92, %get3A_93] {strides = array<i32>} : memref<16x64xi32, #tpu.memory_space<vmem>>, vector<16xi32>,
    %add3A_95 = arith.addi %add3A_90, %get3A_94 : vector<16xi32>
    %get3A_96 = arith.constant 11 : i32
    %get3A_97 = arith.index_cast %get3A_96 : i32 to index
    %get3A_98 = arith.constant 0 : index
    %get3A_99 = tpu.vector_load %arg9[%get3A_97, %get3A_98] {strides = array<i32>} : memref<16x64xi32, #tpu.memory_space<vmem>>, vector<16xi32>,
    %add3A_100 = arith.addi %add3A_95, %get3A_99 : vector<16xi32>
    %get3A_101 = arith.constant 12 : i32
    %get3A_102 = arith.index_cast %get3A_101 : i32 to index
    %get3A_103 = arith.constant 0 : index
    %get3A_104 = tpu.vector_load %arg9[%get3A_102, %get3A_103] {strides = array<i32>} : memref<16x64xi32, #tpu.memory_space<vmem>>, vector<16xi32>,
    %add3A_105 = arith.addi %add3A_100, %get3A_104 : vector<16xi32>
    %get3A_106 = arith.constant 13 : i32
    %get3A_107 = arith.index_cast %get3A_106 : i32 to index
    %get3A_108 = arith.constant 0 : index
    %get3A_109 = tpu.vector_load %arg9[%get3A_107, %get3A_108] {strides = array<i32>} : memref<16x64xi32, #tpu.memory_space<vmem>>, vector<16xi32>,
    %add3A_110 = arith.addi %add3A_105, %get3A_109 : vector<16xi32>
    %get3A_111 = arith.constant 14 : i32
    %get3A_112 = arith.index_cast %get3A_111 : i32 to index
    %get3A_113 = arith.constant 0 : index
    %get3A_114 = tpu.vector_load %arg9[%get3A_112, %get3A_113] {strides = array<i32>} : memref<16x64xi32, #tpu.memory_space<vmem>>, vector<16xi32>,
    %add3A_115 = arith.addi %add3A_110, %get3A_114 : vector<16xi32>
    %get3A_116 = arith.constant 15 : i32
    %get3A_117 = arith.index_cast %get3A_116 : i32 to index
    %get3A_118 = arith.constant 0 : index
    %get3A_119 = tpu.vector_load %arg9[%get3A_117, %get3A_118] {strides = array<i32>} : memref<16x64xi32, #tpu.memory_space<vmem>>, vector<16xi32>,
    %add3A_120 = arith.addi %add3A_115, %get3A_119 : vector<16xi32>
    %swap3A = arith.constant 0 : index
    %swap3A_121 = tpu.vector_load %arg10[%swap3A] {strides = array<i32>} : memref<128xi32, #tpu.memory_space<vmem>>, vector<16xi32>,
    tpu.vector_store %arg10[%swap3A], %add3A_120 {strides = array<i32>} : memref<128xi32, #tpu.memory_space<vmem>>, vector<16xi32>,
    %broadcast_in_dim3A_122 = arith.constant 0 : i32
    %broadcast_in_dim3A_123 = vector.broadcast %broadcast_in_dim3A_122 : i32 to vector<16xi32>
    %get3A_124 = arith.constant 0 : i32
    %get3A_125 = arith.index_cast %get3A_124 : i32 to index
    %get3A_126 = arith.constant 16 : index
    %get3A_127 = tpu.vector_load %arg9[%get3A_125, %get3A_126] {strides = array<i32>} : memref<16x64xi32, #tpu.memory_space<vmem>>, vector<16xi32>,
    %add3A_128 = arith.addi %broadcast_in_dim3A_123, %get3A_127 : vector<16xi32>
    %get3A_129 = arith.constant 1 : i32
    %get3A_130 = arith.index_cast %get3A_129 : i32 to index
    %get3A_131 = arith.constant 16 : index
    %get3A_132 = tpu.vector_load %arg9[%get3A_130, %get3A_131] {strides = array<i32>} : memref<16x64xi32, #tpu.memory_space<vmem>>, vector<16xi32>,
    %add3A_133 = arith.addi %add3A_128, %get3A_132 : vector<16xi32>
    %get3A_134 = arith.constant 2 : i32
    %get3A_135 = arith.index_cast %get3A_134 : i32 to index
    %get3A_136 = arith.constant 16 : index
    %get3A_137 = tpu.vector_load %arg9[%get3A_135, %get3A_136] {strides = array<i32>} : memref<16x64xi32, #tpu.memory_space<vmem>>, vector<16xi32>,
    %add3A_138 = arith.addi %add3A_133, %get3A_137 : vector<16xi32>
    %get3A_139 = arith.constant 3 : i32
    %get3A_140 = arith.index_cast %get3A_139 : i32 to index
    %get3A_141 = arith.constant 16 : index
    %get3A_142 = tpu.vector_load %arg9[%get3A_140, %get3A_141] {strides = array<i32>} : memref<16x64xi32, #tpu.memory_space<vmem>>, vector<16xi32>,
    %add3A_143 = arith.addi %add3A_138, %get3A_142 : vector<16xi32>
    %get3A_144 = arith.constant 4 : i32
    %get3A_145 = arith.index_cast %get3A_144 : i32 to index
    %get3A_146 = arith.constant 16 : index
    %get3A_147 = tpu.vector_load %arg9[%get3A_145, %get3A_146] {strides = array<i32>} : memref<16x64xi32, #tpu.memory_space<vmem>>, vector<16xi32>,
    %add3A_148 = arith.addi %add3A_143, %get3A_147 : vector<16xi32>
    %get3A_149 = arith.constant 5 : i32
    %get3A_150 = arith.index_cast %get3A_149 : i32 to index
    %get3A_151 = arith.constant 16 : index
    %get3A_152 = tpu.vector_load %arg9[%get3A_150, %get3A_151] {strides = array<i32>} : memref<16x64xi32, #tpu.memory_space<vmem>>, vector<16xi32>,
    %add3A_153 = arith.addi %add3A_148, %get3A_152 : vector<16xi32>
    %get3A_154 = arith.constant 6 : i32
    %get3A_155 = arith.index_cast %get3A_154 : i32 to index
    %get3A_156 = arith.constant 16 : index
    %get3A_157 = tpu.vector_load %arg9[%get3A_155, %get3A_156] {strides = array<i32>} : memref<16x64xi32, #tpu.memory_space<vmem>>, vector<16xi32>,
    %add3A_158 = arith.addi %add3A_153, %get3A_157 : vector<16xi32>
    %get3A_159 = arith.constant 7 : i32
    %get3A_160 = arith.index_cast %get3A_159 : i32 to index
    %get3A_161 = arith.constant 16 : index
    %get3A_162 = tpu.vector_load %arg9[%get3A_160, %get3A_161] {strides = array<i32>} : memref<16x64xi32, #tpu.memory_space<vmem>>, vector<16xi32>,
    %add3A_163 = arith.addi %add3A_158, %get3A_162 : vector<16xi32>
    %get3A_164 = arith.constant 8 : i32
    %get3A_165 = arith.index_cast %get3A_164 : i32 to index
    %get3A_166 = arith.constant 16 : index
    %get3A_167 = tpu.vector_load %arg9[%get3A_165, %get3A_166] {strides = array<i32>} : memref<16x64xi32, #tpu.memory_space<vmem>>, vector<16xi32>,
    %add3A_168 = arith.addi %add3A_163, %get3A_167 : vector<16xi32>
    %get3A_169 = arith.constant 9 : i32
    %get3A_170 = arith.index_cast %get3A_169 : i32 to index
    %get3A_171 = arith.constant 16 : index
    %get3A_172 = tpu.vector_load %arg9[%get3A_170, %get3A_171] {strides = array<i32>} : memref<16x64xi32, #tpu.memory_space<vmem>>, vector<16xi32>,
    %add3A_173 = arith.addi %add3A_168, %get3A_172 : vector<16xi32>
    %get3A_174 = arith.constant 10 : i32
    %get3A_175 = arith.index_cast %get3A_174 : i32 to index
    %get3A_176 = arith.constant 16 : index
    %get3A_177 = tpu.vector_load %arg9[%get3A_175, %get3A_176] {strides = array<i32>} : memref<16x64xi32, #tpu.memory_space<vmem>>, vector<16xi32>,
    %add3A_178 = arith.addi %add3A_173, %get3A_177 : vector<16xi32>
    %get3A_179 = arith.constant 11 : i32
    %get3A_180 = arith.index_cast %get3A_179 : i32 to index
    %get3A_181 = arith.constant 16 : index
    %get3A_182 = tpu.vector_load %arg9[%get3A_180, %get3A_181] {strides = array<i32>} : memref<16x64xi32, #tpu.memory_space<vmem>>, vector<16xi32>,
    %add3A_183 = arith.addi %add3A_178, %get3A_182 : vector<16xi32>
    %get3A_184 = arith.constant 12 : i32
    %get3A_185 = arith.index_cast %get3A_184 : i32 to index
    %get3A_186 = arith.constant 16 : index
    %get3A_187 = tpu.vector_load %arg9[%get3A_185, %get3A_186] {strides = array<i32>} : memref<16x64xi32, #tpu.memory_space<vmem>>, vector<16xi32>,
    %add3A_188 = arith.addi %add3A_183, %get3A_187 : vector<16xi32>
    %get3A_189 = arith.constant 13 : i32
    %get3A_190 = arith.index_cast %get3A_189 : i32 to index
    %get3A_191 = arith.constant 16 : index
    %get3A_192 = tpu.vector_load %arg9[%get3A_190, %get3A_191] {strides = array<i32>} : memref<16x64xi32, #tpu.memory_space<vmem>>, vector<16xi32>,
    %add3A_193 = arith.addi %add3A_188, %get3A_192 : vector<16xi32>
    %get3A_194 = arith.constant 14 : i32
    %get3A_195 = arith.index_cast %get3A_194 : i32 to index
    %get3A_196 = arith.constant 16 : index
    %get3A_197 = tpu.vector_load %arg9[%get3A_195, %get3A_196] {strides = array<i32>} : memref<16x64xi32, #tpu.memory_space<vmem>>, vector<16xi32>,
    %add3A_198 = arith.addi %add3A_193, %get3A_197 : vector<16xi32>
    %get3A_199 = arith.constant 15 : i32
    %get3A_200 = arith.index_cast %get3A_199 : i32 to index
    %get3A_201 = arith.constant 16 : index
    %get3A_202 = tpu.vector_load %arg9[%get3A_200, %get3A_201] {strides = array<i32>} : memref<16x64xi32, #tpu.memory_space<vmem>>, vector<16xi32>,
    %add3A_203 = arith.addi %add3A_198, %get3A_202 : vector<16xi32>
    %swap3A_204 = arith.constant 16 : index
    %swap3A_205 = tpu.vector_load %arg10[%swap3A_204] {strides = array<i32>} : memref<128xi32, #tpu.memory_space<vmem>>, vector<16xi32>,
    tpu.vector_store %arg10[%swap3A_204], %add3A_203 {strides = array<i32>} : memref<128xi32, #tpu.memory_space<vmem>>, vector<16xi32>,
    %broadcast_in_dim3A_206 = arith.constant 0 : i32
    %broadcast_in_dim3A_207 = vector.broadcast %broadcast_in_dim3A_206 : i32 to vector<16xi32>
    %get3A_208 = arith.constant 0 : i32
    %get3A_209 = arith.index_cast %get3A_208 : i32 to index
    %get3A_210 = arith.constant 32 : index
    %get3A_211 = tpu.vector_load %arg9[%get3A_209, %get3A_210] {strides = array<i32>} : memref<16x64xi32, #tpu.memory_space<vmem>>, vector<16xi32>,
    %add3A_212 = arith.addi %broadcast_in_dim3A_207, %get3A_211 : vector<16xi32>
    %get3A_213 = arith.constant 1 : i32
    %get3A_214 = arith.index_cast %get3A_213 : i32 to index
    %get3A_215 = arith.constant 32 : index
    %get3A_216 = tpu.vector_load %arg9[%get3A_214, %get3A_215] {strides = array<i32>} : memref<16x64xi32, #tpu.memory_space<vmem>>, vector<16xi32>,
    %add3A_217 = arith.addi %add3A_212, %get3A_216 : vector<16xi32>
    %get3A_218 = arith.constant 2 : i32
    %get3A_219 = arith.index_cast %get3A_218 : i32 to index
    %get3A_220 = arith.constant 32 : index
    %get3A_221 = tpu.vector_load %arg9[%get3A_219, %get3A_220] {strides = array<i32>} : memref<16x64xi32, #tpu.memory_space<vmem>>, vector<16xi32>,
    %add3A_222 = arith.addi %add3A_217, %get3A_221 : vector<16xi32>
    %get3A_223 = arith.constant 3 : i32
    %get3A_224 = arith.index_cast %get3A_223 : i32 to index
    %get3A_225 = arith.constant 32 : index
    %get3A_226 = tpu.vector_load %arg9[%get3A_224, %get3A_225] {strides = array<i32>} : memref<16x64xi32, #tpu.memory_space<vmem>>, vector<16xi32>,
    %add3A_227 = arith.addi %add3A_222, %get3A_226 : vector<16xi32>
    %get3A_228 = arith.constant 4 : i32
    %get3A_229 = arith.index_cast %get3A_228 : i32 to index
    %get3A_230 = arith.constant 32 : index
    %get3A_231 = tpu.vector_load %arg9[%get3A_229, %get3A_230] {strides = array<i32>} : memref<16x64xi32, #tpu.memory_space<vmem>>, vector<16xi32>,
    %add3A_232 = arith.addi %add3A_227, %get3A_231 : vector<16xi32>
    %get3A_233 = arith.constant 5 : i32
    %get3A_234 = arith.index_cast %get3A_233 : i32 to index
    %get3A_235 = arith.constant 32 : index
    %get3A_236 = tpu.vector_load %arg9[%get3A_234, %get3A_235] {strides = array<i32>} : memref<16x64xi32, #tpu.memory_space<vmem>>, vector<16xi32>,
    %add3A_237 = arith.addi %add3A_232, %get3A_236 : vector<16xi32>
    %get3A_238 = arith.constant 6 : i32
    %get3A_239 = arith.index_cast %get3A_238 : i32 to index
    %get3A_240 = arith.constant 32 : index
    %get3A_241 = tpu.vector_load %arg9[%get3A_239, %get3A_240] {strides = array<i32>} : memref<16x64xi32, #tpu.memory_space<vmem>>, vector<16xi32>,
    %add3A_242 = arith.addi %add3A_237, %get3A_241 : vector<16xi32>
    %get3A_243 = arith.constant 7 : i32
    %get3A_244 = arith.index_cast %get3A_243 : i32 to index
    %get3A_245 = arith.constant 32 : index
    %get3A_246 = tpu.vector_load %arg9[%get3A_244, %get3A_245] {strides = array<i32>} : memref<16x64xi32, #tpu.memory_space<vmem>>, vector<16xi32>,
    %add3A_247 = arith.addi %add3A_242, %get3A_246 : vector<16xi32>
    %get3A_248 = arith.constant 8 : i32
    %get3A_249 = arith.index_cast %get3A_248 : i32 to index
    %get3A_250 = arith.constant 32 : index
    %get3A_251 = tpu.vector_load %arg9[%get3A_249, %get3A_250] {strides = array<i32>} : memref<16x64xi32, #tpu.memory_space<vmem>>, vector<16xi32>,
    %add3A_252 = arith.addi %add3A_247, %get3A_251 : vector<16xi32>
    %get3A_253 = arith.constant 9 : i32
    %get3A_254 = arith.index_cast %get3A_253 : i32 to index
    %get3A_255 = arith.constant 32 : index
    %get3A_256 = tpu.vector_load %arg9[%get3A_254, %get3A_255] {strides = array<i32>} : memref<16x64xi32, #tpu.memory_space<vmem>>, vector<16xi32>,
    %add3A_257 = arith.addi %add3A_252, %get3A_256 : vector<16xi32>
    %get3A_258 = arith.constant 10 : i32
    %get3A_259 = arith.index_cast %get3A_258 : i32 to index
    %get3A_260 = arith.constant 32 : index
    %get3A_261 = tpu.vector_load %arg9[%get3A_259, %get3A_260] {strides = array<i32>} : memref<16x64xi32, #tpu.memory_space<vmem>>, vector<16xi32>,
    %add3A_262 = arith.addi %add3A_257, %get3A_261 : vector<16xi32>
    %get3A_263 = arith.constant 11 : i32
    %get3A_264 = arith.index_cast %get3A_263 : i32 to index
    %get3A_265 = arith.constant 32 : index
    %get3A_266 = tpu.vector_load %arg9[%get3A_264, %get3A_265] {strides = array<i32>} : memref<16x64xi32, #tpu.memory_space<vmem>>, vector<16xi32>,
    %add3A_267 = arith.addi %add3A_262, %get3A_266 : vector<16xi32>
    %get3A_268 = arith.constant 12 : i32
    %get3A_269 = arith.index_cast %get3A_268 : i32 to index
    %get3A_270 = arith.constant 32 : index
    %get3A_271 = tpu.vector_load %arg9[%get3A_269, %get3A_270] {strides = array<i32>} : memref<16x64xi32, #tpu.memory_space<vmem>>, vector<16xi32>,
    %add3A_272 = arith.addi %add3A_267, %get3A_271 : vector<16xi32>
    %get3A_273 = arith.constant 13 : i32
    %get3A_274 = arith.index_cast %get3A_273 : i32 to index
    %get3A_275 = arith.constant 32 : index
    %get3A_276 = tpu.vector_load %arg9[%get3A_274, %get3A_275] {strides = array<i32>} : memref<16x64xi32, #tpu.memory_space<vmem>>, vector<16xi32>,
    %add3A_277 = arith.addi %add3A_272, %get3A_276 : vector<16xi32>
    %get3A_278 = arith.constant 14 : i32
    %get3A_279 = arith.index_cast %get3A_278 : i32 to index
    %get3A_280 = arith.constant 32 : index
    %get3A_281 = tpu.vector_load %arg9[%get3A_279, %get3A_280] {strides = array<i32>} : memref<16x64xi32, #tpu.memory_space<vmem>>, vector<16xi32>,
    %add3A_282 = arith.addi %add3A_277, %get3A_281 : vector<16xi32>
    %get3A_283 = arith.constant 15 : i32
    %get3A_284 = arith.index_cast %get3A_283 : i32 to index
    %get3A_285 = arith.constant 32 : index
    %get3A_286 = tpu.vector_load %arg9[%get3A_284, %get3A_285] {strides = array<i32>} : memref<16x64xi32, #tpu.memory_space<vmem>>, vector<16xi32>,
    %add3A_287 = arith.addi %add3A_282, %get3A_286 : vector<16xi32>
    %swap3A_288 = arith.constant 32 : index
    %swap3A_289 = tpu.vector_load %arg10[%swap3A_288] {strides = array<i32>} : memref<128xi32, #tpu.memory_space<vmem>>, vector<16xi32>,
    tpu.vector_store %arg10[%swap3A_288], %add3A_287 {strides = array<i32>} : memref<128xi32, #tpu.memory_space<vmem>>, vector<16xi32>,
    %broadcast_in_dim3A_290 = arith.constant 0 : i32
    %broadcast_in_dim3A_291 = vector.broadcast %broadcast_in_dim3A_290 : i32 to vector<16xi32>
    %get3A_292 = arith.constant 0 : i32
    %get3A_293 = arith.index_cast %get3A_292 : i32 to index
    %get3A_294 = arith.constant 48 : index
    %get3A_295 = tpu.vector_load %arg9[%get3A_293, %get3A_294] {strides = array<i32>} : memref<16x64xi32, #tpu.memory_space<vmem>>, vector<16xi32>,
    %add3A_296 = arith.addi %broadcast_in_dim3A_291, %get3A_295 : vector<16xi32>
    %get3A_297 = arith.constant 1 : i32
    %get3A_298 = arith.index_cast %get3A_297 : i32 to index
    %get3A_299 = arith.constant 48 : index
    %get3A_300 = tpu.vector_load %arg9[%get3A_298, %get3A_299] {strides = array<i32>} : memref<16x64xi32, #tpu.memory_space<vmem>>, vector<16xi32>,
    %add3A_301 = arith.addi %add3A_296, %get3A_300 : vector<16xi32>
    %get3A_302 = arith.constant 2 : i32
    %get3A_303 = arith.index_cast %get3A_302 : i32 to index
    %get3A_304 = arith.constant 48 : index
    %get3A_305 = tpu.vector_load %arg9[%get3A_303, %get3A_304] {strides = array<i32>} : memref<16x64xi32, #tpu.memory_space<vmem>>, vector<16xi32>,
    %add3A_306 = arith.addi %add3A_301, %get3A_305 : vector<16xi32>
    %get3A_307 = arith.constant 3 : i32
    %get3A_308 = arith.index_cast %get3A_307 : i32 to index
    %get3A_309 = arith.constant 48 : index
    %get3A_310 = tpu.vector_load %arg9[%get3A_308, %get3A_309] {strides = array<i32>} : memref<16x64xi32, #tpu.memory_space<vmem>>, vector<16xi32>,
    %add3A_311 = arith.addi %add3A_306, %get3A_310 : vector<16xi32>
    %get3A_312 = arith.constant 4 : i32
    %get3A_313 = arith.index_cast %get3A_312 : i32 to index
    %get3A_314 = arith.constant 48 : index
    %get3A_315 = tpu.vector_load %arg9[%get3A_313, %get3A_314] {strides = array<i32>} : memref<16x64xi32, #tpu.memory_space<vmem>>, vector<16xi32>,
    %add3A_316 = arith.addi %add3A_311, %get3A_315 : vector<16xi32>
    %get3A_317 = arith.constant 5 : i32
    %get3A_318 = arith.index_cast %get3A_317 : i32 to index
    %get3A_319 = arith.constant 48 : index
    %get3A_320 = tpu.vector_load %arg9[%get3A_318, %get3A_319] {strides = array<i32>} : memref<16x64xi32, #tpu.memory_space<vmem>>, vector<16xi32>,
    %add3A_321 = arith.addi %add3A_316, %get3A_320 : vector<16xi32>
    %get3A_322 = arith.constant 6 : i32
    %get3A_323 = arith.index_cast %get3A_322 : i32 to index
    %get3A_324 = arith.constant 48 : index
    %get3A_325 = tpu.vector_load %arg9[%get3A_323, %get3A_324] {strides = array<i32>} : memref<16x64xi32, #tpu.memory_space<vmem>>, vector<16xi32>,
    %add3A_326 = arith.addi %add3A_321, %get3A_325 : vector<16xi32>
    %get3A_327 = arith.constant 7 : i32
    %get3A_328 = arith.index_cast %get3A_327 : i32 to index
    %get3A_329 = arith.constant 48 : index
    %get3A_330 = tpu.vector_load %arg9[%get3A_328, %get3A_329] {strides = array<i32>} : memref<16x64xi32, #tpu.memory_space<vmem>>, vector<16xi32>,
    %add3A_331 = arith.addi %add3A_326, %get3A_330 : vector<16xi32>
    %get3A_332 = arith.constant 8 : i32
    %get3A_333 = arith.index_cast %get3A_332 : i32 to index
    %get3A_334 = arith.constant 48 : index
    %get3A_335 = tpu.vector_load %arg9[%get3A_333, %get3A_334] {strides = array<i32>} : memref<16x64xi32, #tpu.memory_space<vmem>>, vector<16xi32>,
    %add3A_336 = arith.addi %add3A_331, %get3A_335 : vector<16xi32>
    %get3A_337 = arith.constant 9 : i32
    %get3A_338 = arith.index_cast %get3A_337 : i32 to index
    %get3A_339 = arith.constant 48 : index
    %get3A_340 = tpu.vector_load %arg9[%get3A_338, %get3A_339] {strides = array<i32>} : memref<16x64xi32, #tpu.memory_space<vmem>>, vector<16xi32>,
    %add3A_341 = arith.addi %add3A_336, %get3A_340 : vector<16xi32>
    %get3A_342 = arith.constant 10 : i32
    %get3A_343 = arith.index_cast %get3A_342 : i32 to index
    %get3A_344 = arith.constant 48 : index
    %get3A_345 = tpu.vector_load %arg9[%get3A_343, %get3A_344] {strides = array<i32>} : memref<16x64xi32, #tpu.memory_space<vmem>>, vector<16xi32>,
    %add3A_346 = arith.addi %add3A_341, %get3A_345 : vector<16xi32>
    %get3A_347 = arith.constant 11 : i32
    %get3A_348 = arith.index_cast %get3A_347 : i32 to index
    %get3A_349 = arith.constant 48 : index
    %get3A_350 = tpu.vector_load %arg9[%get3A_348, %get3A_349] {strides = array<i32>} : memref<16x64xi32, #tpu.memory_space<vmem>>, vector<16xi32>,
    %add3A_351 = arith.addi %add3A_346, %get3A_350 : vector<16xi32>
    %get3A_352 = arith.constant 12 : i32
    %get3A_353 = arith.index_cast %get3A_352 : i32 to index
    %get3A_354 = arith.constant 48 : index
    %get3A_355 = tpu.vector_load %arg9[%get3A_353, %get3A_354] {strides = array<i32>} : memref<16x64xi32, #tpu.memory_space<vmem>>, vector<16xi32>,
    %add3A_356 = arith.addi %add3A_351, %get3A_355 : vector<16xi32>
    %get3A_357 = arith.constant 13 : i32
    %get3A_358 = arith.index_cast %get3A_357 : i32 to index
    %get3A_359 = arith.constant 48 : index
    %get3A_360 = tpu.vector_load %arg9[%get3A_358, %get3A_359] {strides = array<i32>} : memref<16x64xi32, #tpu.memory_space<vmem>>, vector<16xi32>,
    %add3A_361 = arith.addi %add3A_356, %get3A_360 : vector<16xi32>
    %get3A_362 = arith.constant 14 : i32
    %get3A_363 = arith.index_cast %get3A_362 : i32 to index
    %get3A_364 = arith.constant 48 : index
    %get3A_365 = tpu.vector_load %arg9[%get3A_363, %get3A_364] {strides = array<i32>} : memref<16x64xi32, #tpu.memory_space<vmem>>, vector<16xi32>,
    %add3A_366 = arith.addi %add3A_361, %get3A_365 : vector<16xi32>
    %get3A_367 = arith.constant 15 : i32
    %get3A_368 = arith.index_cast %get3A_367 : i32 to index
    %get3A_369 = arith.constant 48 : index
    %get3A_370 = tpu.vector_load %arg9[%get3A_368, %get3A_369] {strides = array<i32>} : memref<16x64xi32, #tpu.memory_space<vmem>>, vector<16xi32>,
    %add3A_371 = arith.addi %add3A_366, %get3A_370 : vector<16xi32>
    %swap3A_372 = arith.constant 48 : index
    %swap3A_373 = tpu.vector_load %arg10[%swap3A_372] {strides = array<i32>} : memref<128xi32, #tpu.memory_space<vmem>>, vector<16xi32>,
    tpu.vector_store %arg10[%swap3A_372], %add3A_371 {strides = array<i32>} : memref<128xi32, #tpu.memory_space<vmem>>, vector<16xi32>,
    %broadcast_in_dim3A_374 = arith.constant 0 : i32
    %broadcast_in_dim3A_375 = vector.broadcast %broadcast_in_dim3A_374 : i32 to vector<16xi32>
    %swap3A_376 = arith.constant 64 : index
    %swap3A_377 = tpu.vector_load %arg10[%swap3A_376] {strides = array<i32>} : memref<128xi32, #tpu.memory_space<vmem>>, vector<16xi32>,
    tpu.vector_store %arg10[%swap3A_376], %broadcast_in_dim3A_375 {strides = array<i32>} : memref<128xi32, #tpu.memory_space<vmem>>, vector<16xi32>,
    %broadcast_in_dim3A_378 = arith.constant 0 : i32
    %broadcast_in_dim3A_379 = vector.broadcast %broadcast_in_dim3A_378 : i32 to vector<16xi32>
    %swap3A_380 = arith.constant 80 : index
    %swap3A_381 = tpu.vector_load %arg10[%swap3A_380] {strides = array<i32>} : memref<128xi32, #tpu.memory_space<vmem>>, vector<16xi32>,
    tpu.vector_store %arg10[%swap3A_380], %broadcast_in_dim3A_379 {strides = array<i32>} : memref<128xi32, #tpu.memory_space<vmem>>, vector<16xi32>,
    %broadcast_in_dim3A_382 = arith.constant 0 : i32
    %broadcast_in_dim3A_383 = vector.broadcast %broadcast_in_dim3A_382 : i32 to vector<16xi32>
    %swap3A_384 = arith.constant 96 : index
    %swap3A_385 = tpu.vector_load %arg10[%swap3A_384] {strides = array<i32>} : memref<128xi32, #tpu.memory_space<vmem>>, vector<16xi32>,
    tpu.vector_store %arg10[%swap3A_384], %broadcast_in_dim3A_383 {strides = array<i32>} : memref<128xi32, #tpu.memory_space<vmem>>, vector<16xi32>,
    %broadcast_in_dim3A_386 = arith.constant 0 : i32
    %broadcast_in_dim3A_387 = vector.broadcast %broadcast_in_dim3A_386 : i32 to vector<16xi32>
    %swap3A_388 = arith.constant 112 : index
    %swap3A_389 = tpu.vector_load %arg10[%swap3A_388] {strides = array<i32>} : memref<128xi32, #tpu.memory_space<vmem>>, vector<16xi32>,
    tpu.vector_store %arg10[%swap3A_388], %broadcast_in_dim3A_387 {strides = array<i32>} : memref<128xi32, #tpu.memory_space<vmem>>, vector<16xi32>,
    %barrier3A_390 = arith.constant 0 : index
    tpu.barrier barrier_id(%barrier3A_390)
    "tpu.region"() ({
      %run_scoped3A_397 = tpu.sem_alloc : memref<!tpu.dma_semaphore, #tpu.memory_space<semaphore_mem>>
      %dma_start3A = arith.constant 0 : i32
      %dma_start3A_398 = tpu.memref_slice %arg14[%arg1, %dma_start3A] : memref<16x1024xi32, #tpu.memory_space<vmem_shared>> -> memref<1x128xi32, #tpu.memory_space<vmem_shared>>
      %dma_start3A_399 = tpu.memref_squeeze %dma_start3A_398 : memref<1x128xi32, #tpu.memory_space<vmem_shared>> -> memref<128xi32, #tpu.memory_space<vmem_shared>>
      %dma_start3A_400 = arith.constant 0 : i32
      %dma_start3A_401 = tpu.memref_slice %arg14[%arg1, %dma_start3A_400] : memref<16x1024xi32, #tpu.memory_space<vmem_shared>> -> memref<1x128xi32, #tpu.memory_space<vmem_shared>>
      %dma_start3A_402 = tpu.memref_squeeze %dma_start3A_401 : memref<1x128xi32, #tpu.memory_space<vmem_shared>> -> memref<128xi32, #tpu.memory_space<vmem_shared>>
      tpu.enqueue_dma source(%arg10 : memref<128xi32, #tpu.memory_space<vmem>>) target(%dma_start3A_402 : memref<128xi32, #tpu.memory_space<vmem_shared>>) target_semaphore(%run_scoped3A_397 : memref<!tpu.dma_semaphore, #tpu.memory_space<semaphore_mem>>)
      %dma_wait3A = arith.constant 0 : i32
      %dma_wait3A_403 = tpu.memref_slice %arg14[%arg1, %dma_wait3A] : memref<16x1024xi32, #tpu.memory_space<vmem_shared>> -> memref<1x128xi32, #tpu.memory_space<vmem_shared>>
      %dma_wait3A_404 = tpu.memref_squeeze %dma_wait3A_403 : memref<1x128xi32, #tpu.memory_space<vmem_shared>> -> memref<128xi32, #tpu.memory_space<vmem_shared>>
      %dma_wait3A_405 = arith.constant 0 : i32
      %dma_wait3A_406 = tpu.memref_slice %arg14[%arg1, %dma_wait3A_405] : memref<16x1024xi32, #tpu.memory_space<vmem_shared>> -> memref<1x128xi32, #tpu.memory_space<vmem_shared>>
      %dma_wait3A_407 = tpu.memref_squeeze %dma_wait3A_406 : memref<1x128xi32, #tpu.memory_space<vmem_shared>> -> memref<128xi32, #tpu.memory_space<vmem_shared>>
      tpu.wait_dma2 semaphore(%run_scoped3A_397 : memref<!tpu.dma_semaphore, #tpu.memory_space<semaphore_mem>>) src(%arg10 : memref<128xi32, #tpu.memory_space<vmem>>) dst(%dma_wait3A_407 : memref<128xi32, #tpu.memory_space<vmem_shared>>)
      tpu.yield
    }) : () -> ()
    %barrier3A_391 = arith.constant 0 : index
    tpu.barrier barrier_id(%barrier3A_391)
    %lt3A_392 = arith.constant 6 : i32
    %lt3A_393 = arith.cmpi slt, %arg1, %lt3A_392 : i32
    %convert_element_type3A_394 = arith.extui %lt3A_393 : i1 to i32
    %cond3A_395 = arith.constant 0 : i32
    %cond3A_396 = arith.cmpi ne, %convert_element_type3A_394, %cond3A_395 : i32
    scf.if %cond3A_396 {
      %run_scoped3A_397 = arith.constant 0 : i32
      %run_scoped3A_398 = arith.constant 0 : i32
      "tpu.region"() ({
        %run_scoped3A_1415 = tpu.sem_alloc : memref<!tpu.dma_semaphore, #tpu.memory_space<semaphore_mem>>
        %dma_start3A = arith.constant 0 : i32
        %dma_start3A_1416 = tpu.memref_slice %arg11[%run_scoped3A_398, %dma_start3A] : memref<16x64xi32, #tpu.memory_space<vmem>> -> memref<1x64xi32, #tpu.memory_space<vmem>>
        %dma_start3A_1417 = tpu.memref_squeeze %dma_start3A_1416 : memref<1x64xi32, #tpu.memory_space<vmem>> -> memref<64xi32, #tpu.memory_space<vmem>>
        %dma_start3A_1418 = arith.constant 0 : i32
        %dma_start3A_1419 = tpu.memref_slice %arg14[%run_scoped3A_397, %dma_start3A_1418] : memref<16x1024xi32, #tpu.memory_space<vmem_shared>> -> memref<1x64xi32, #tpu.memory_space<vmem_shared>>
        %dma_start3A_1420 = tpu.memref_squeeze %dma_start3A_1419 : memref<1x64xi32, #tpu.memory_space<vmem_shared>> -> memref<64xi32, #tpu.memory_space<vmem_shared>>
        %dma_start3A_1421 = arith.constant 0 : i32
        %dma_start3A_1422 = tpu.memref_slice %arg11[%run_scoped3A_398, %dma_start3A_1421] : memref<16x64xi32, #tpu.memory_space<vmem>> -> memref<1x64xi32, #tpu.memory_space<vmem>>
        %dma_start3A_1423 = tpu.memref_squeeze %dma_start3A_1422 : memref<1x64xi32, #tpu.memory_space<vmem>> -> memref<64xi32, #tpu.memory_space<vmem>>
        %dma_start3A_1424 = arith.constant 0 : i32
        %dma_start3A_1425 = tpu.memref_slice %arg14[%run_scoped3A_397, %dma_start3A_1424] : memref<16x1024xi32, #tpu.memory_space<vmem_shared>> -> memref<1x64xi32, #tpu.memory_space<vmem_shared>>
        %dma_start3A_1426 = tpu.memref_squeeze %dma_start3A_1425 : memref<1x64xi32, #tpu.memory_space<vmem_shared>> -> memref<64xi32, #tpu.memory_space<vmem_shared>>
        tpu.enqueue_dma source(%dma_start3A_1426 : memref<64xi32, #tpu.memory_space<vmem_shared>>) target(%dma_start3A_1423 : memref<64xi32, #tpu.memory_space<vmem>>) target_semaphore(%run_scoped3A_1415 : memref<!tpu.dma_semaphore, #tpu.memory_space<semaphore_mem>>)
        %dma_wait3A = arith.constant 0 : i32
        %dma_wait3A_1427 = tpu.memref_slice %arg11[%run_scoped3A_398, %dma_wait3A] : memref<16x64xi32, #tpu.memory_space<vmem>> -> memref<1x64xi32, #tpu.memory_space<vmem>>
        %dma_wait3A_1428 = tpu.memref_squeeze %dma_wait3A_1427 : memref<1x64xi32, #tpu.memory_space<vmem>> -> memref<64xi32, #tpu.memory_space<vmem>>
        %dma_wait3A_1429 = arith.constant 0 : i32
        %dma_wait3A_1430 = tpu.memref_slice %arg14[%run_scoped3A_397, %dma_wait3A_1429] : memref<16x1024xi32, #tpu.memory_space<vmem_shared>> -> memref<1x64xi32, #tpu.memory_space<vmem_shared>>
        %dma_wait3A_1431 = tpu.memref_squeeze %dma_wait3A_1430 : memref<1x64xi32, #tpu.memory_space<vmem_shared>> -> memref<64xi32, #tpu.memory_space<vmem_shared>>
        %dma_wait3A_1432 = arith.constant 0 : i32
        %dma_wait3A_1433 = tpu.memref_slice %arg11[%run_scoped3A_398, %dma_wait3A_1432] : memref<16x64xi32, #tpu.memory_space<vmem>> -> memref<1x64xi32, #tpu.memory_space<vmem>>
        %dma_wait3A_1434 = tpu.memref_squeeze %dma_wait3A_1433 : memref<1x64xi32, #tpu.memory_space<vmem>> -> memref<64xi32, #tpu.memory_space<vmem>>
        %dma_wait3A_1435 = arith.constant 0 : i32
        %dma_wait3A_1436 = tpu.memref_slice %arg14[%run_scoped3A_397, %dma_wait3A_1435] : memref<16x1024xi32, #tpu.memory_space<vmem_shared>> -> memref<1x64xi32, #tpu.memory_space<vmem_shared>>
        %dma_wait3A_1437 = tpu.memref_squeeze %dma_wait3A_1436 : memref<1x64xi32, #tpu.memory_space<vmem_shared>> -> memref<64xi32, #tpu.memory_space<vmem_shared>>
        tpu.wait_dma2 semaphore(%run_scoped3A_1415 : memref<!tpu.dma_semaphore, #tpu.memory_space<semaphore_mem>>) src(%dma_wait3A_1437 : memref<64xi32, #tpu.memory_space<vmem_shared>>) dst(%dma_wait3A_1434 : memref<64xi32, #tpu.memory_space<vmem>>)
        tpu.yield
      }) : () -> ()
      %run_scoped3A_399 = arith.constant 1 : i32
      %run_scoped3A_400 = arith.constant 1 : i32
      "tpu.region"() ({
        %run_scoped3A_1415 = tpu.sem_alloc : memref<!tpu.dma_semaphore, #tpu.memory_space<semaphore_mem>>
        %dma_start3A = arith.constant 0 : i32
        %dma_start3A_1416 = tpu.memref_slice %arg11[%run_scoped3A_400, %dma_start3A] : memref<16x64xi32, #tpu.memory_space<vmem>> -> memref<1x64xi32, #tpu.memory_space<vmem>>
        %dma_start3A_1417 = tpu.memref_squeeze %dma_start3A_1416 : memref<1x64xi32, #tpu.memory_space<vmem>> -> memref<64xi32, #tpu.memory_space<vmem>>
        %dma_start3A_1418 = arith.constant 0 : i32
        %dma_start3A_1419 = tpu.memref_slice %arg14[%run_scoped3A_399, %dma_start3A_1418] : memref<16x1024xi32, #tpu.memory_space<vmem_shared>> -> memref<1x64xi32, #tpu.memory_space<vmem_shared>>
        %dma_start3A_1420 = tpu.memref_squeeze %dma_start3A_1419 : memref<1x64xi32, #tpu.memory_space<vmem_shared>> -> memref<64xi32, #tpu.memory_space<vmem_shared>>
        %dma_start3A_1421 = arith.constant 0 : i32
        %dma_start3A_1422 = tpu.memref_slice %arg11[%run_scoped3A_400, %dma_start3A_1421] : memref<16x64xi32, #tpu.memory_space<vmem>> -> memref<1x64xi32, #tpu.memory_space<vmem>>
        %dma_start3A_1423 = tpu.memref_squeeze %dma_start3A_1422 : memref<1x64xi32, #tpu.memory_space<vmem>> -> memref<64xi32, #tpu.memory_space<vmem>>
        %dma_start3A_1424 = arith.constant 0 : i32
        %dma_start3A_1425 = tpu.memref_slice %arg14[%run_scoped3A_399, %dma_start3A_1424] : memref<16x1024xi32, #tpu.memory_space<vmem_shared>> -> memref<1x64xi32, #tpu.memory_space<vmem_shared>>
        %dma_start3A_1426 = tpu.memref_squeeze %dma_start3A_1425 : memref<1x64xi32, #tpu.memory_space<vmem_shared>> -> memref<64xi32, #tpu.memory_space<vmem_shared>>
        tpu.enqueue_dma source(%dma_start3A_1426 : memref<64xi32, #tpu.memory_space<vmem_shared>>) target(%dma_start3A_1423 : memref<64xi32, #tpu.memory_space<vmem>>) target_semaphore(%run_scoped3A_1415 : memref<!tpu.dma_semaphore, #tpu.memory_space<semaphore_mem>>)
        %dma_wait3A = arith.constant 0 : i32
        %dma_wait3A_1427 = tpu.memref_slice %arg11[%run_scoped3A_400, %dma_wait3A] : memref<16x64xi32, #tpu.memory_space<vmem>> -> memref<1x64xi32, #tpu.memory_space<vmem>>
        %dma_wait3A_1428 = tpu.memref_squeeze %dma_wait3A_1427 : memref<1x64xi32, #tpu.memory_space<vmem>> -> memref<64xi32, #tpu.memory_space<vmem>>
        %dma_wait3A_1429 = arith.constant 0 : i32
        %dma_wait3A_1430 = tpu.memref_slice %arg14[%run_scoped3A_399, %dma_wait3A_1429] : memref<16x1024xi32, #tpu.memory_space<vmem_shared>> -> memref<1x64xi32, #tpu.memory_space<vmem_shared>>
        %dma_wait3A_1431 = tpu.memref_squeeze %dma_wait3A_1430 : memref<1x64xi32, #tpu.memory_space<vmem_shared>> -> memref<64xi32, #tpu.memory_space<vmem_shared>>
        %dma_wait3A_1432 = arith.constant 0 : i32
        %dma_wait3A_1433 = tpu.memref_slice %arg11[%run_scoped3A_400, %dma_wait3A_1432] : memref<16x64xi32, #tpu.memory_space<vmem>> -> memref<1x64xi32, #tpu.memory_space<vmem>>
        %dma_wait3A_1434 = tpu.memref_squeeze %dma_wait3A_1433 : memref<1x64xi32, #tpu.memory_space<vmem>> -> memref<64xi32, #tpu.memory_space<vmem>>
        %dma_wait3A_1435 = arith.constant 0 : i32
        %dma_wait3A_1436 = tpu.memref_slice %arg14[%run_scoped3A_399, %dma_wait3A_1435] : memref<16x1024xi32, #tpu.memory_space<vmem_shared>> -> memref<1x64xi32, #tpu.memory_space<vmem_shared>>
        %dma_wait3A_1437 = tpu.memref_squeeze %dma_wait3A_1436 : memref<1x64xi32, #tpu.memory_space<vmem_shared>> -> memref<64xi32, #tpu.memory_space<vmem_shared>>
        tpu.wait_dma2 semaphore(%run_scoped3A_1415 : memref<!tpu.dma_semaphore, #tpu.memory_space<semaphore_mem>>) src(%dma_wait3A_1437 : memref<64xi32, #tpu.memory_space<vmem_shared>>) dst(%dma_wait3A_1434 : memref<64xi32, #tpu.memory_space<vmem>>)
        tpu.yield
      }) : () -> ()
      %run_scoped3A_401 = arith.constant 2 : i32
      %run_scoped3A_402 = arith.constant 2 : i32
      "tpu.region"() ({
        %run_scoped3A_1415 = tpu.sem_alloc : memref<!tpu.dma_semaphore, #tpu.memory_space<semaphore_mem>>
        %dma_start3A = arith.constant 0 : i32
        %dma_start3A_1416 = tpu.memref_slice %arg11[%run_scoped3A_402, %dma_start3A] : memref<16x64xi32, #tpu.memory_space<vmem>> -> memref<1x64xi32, #tpu.memory_space<vmem>>
        %dma_start3A_1417 = tpu.memref_squeeze %dma_start3A_1416 : memref<1x64xi32, #tpu.memory_space<vmem>> -> memref<64xi32, #tpu.memory_space<vmem>>
        %dma_start3A_1418 = arith.constant 0 : i32
        %dma_start3A_1419 = tpu.memref_slice %arg14[%run_scoped3A_401, %dma_start3A_1418] : memref<16x1024xi32, #tpu.memory_space<vmem_shared>> -> memref<1x64xi32, #tpu.memory_space<vmem_shared>>
        %dma_start3A_1420 = tpu.memref_squeeze %dma_start3A_1419 : memref<1x64xi32, #tpu.memory_space<vmem_shared>> -> memref<64xi32, #tpu.memory_space<vmem_shared>>
        %dma_start3A_1421 = arith.constant 0 : i32
        %dma_start3A_1422 = tpu.memref_slice %arg11[%run_scoped3A_402, %dma_start3A_1421] : memref<16x64xi32, #tpu.memory_space<vmem>> -> memref<1x64xi32, #tpu.memory_space<vmem>>
        %dma_start3A_1423 = tpu.memref_squeeze %dma_start3A_1422 : memref<1x64xi32, #tpu.memory_space<vmem>> -> memref<64xi32, #tpu.memory_space<vmem>>
        %dma_start3A_1424 = arith.constant 0 : i32
        %dma_start3A_1425 = tpu.memref_slice %arg14[%run_scoped3A_401, %dma_start3A_1424] : memref<16x1024xi32, #tpu.memory_space<vmem_shared>> -> memref<1x64xi32, #tpu.memory_space<vmem_shared>>
        %dma_start3A_1426 = tpu.memref_squeeze %dma_start3A_1425 : memref<1x64xi32, #tpu.memory_space<vmem_shared>> -> memref<64xi32, #tpu.memory_space<vmem_shared>>
        tpu.enqueue_dma source(%dma_start3A_1426 : memref<64xi32, #tpu.memory_space<vmem_shared>>) target(%dma_start3A_1423 : memref<64xi32, #tpu.memory_space<vmem>>) target_semaphore(%run_scoped3A_1415 : memref<!tpu.dma_semaphore, #tpu.memory_space<semaphore_mem>>)
        %dma_wait3A = arith.constant 0 : i32
        %dma_wait3A_1427 = tpu.memref_slice %arg11[%run_scoped3A_402, %dma_wait3A] : memref<16x64xi32, #tpu.memory_space<vmem>> -> memref<1x64xi32, #tpu.memory_space<vmem>>
        %dma_wait3A_1428 = tpu.memref_squeeze %dma_wait3A_1427 : memref<1x64xi32, #tpu.memory_space<vmem>> -> memref<64xi32, #tpu.memory_space<vmem>>
        %dma_wait3A_1429 = arith.constant 0 : i32
        %dma_wait3A_1430 = tpu.memref_slice %arg14[%run_scoped3A_401, %dma_wait3A_1429] : memref<16x1024xi32, #tpu.memory_space<vmem_shared>> -> memref<1x64xi32, #tpu.memory_space<vmem_shared>>
        %dma_wait3A_1431 = tpu.memref_squeeze %dma_wait3A_1430 : memref<1x64xi32, #tpu.memory_space<vmem_shared>> -> memref<64xi32, #tpu.memory_space<vmem_shared>>
        %dma_wait3A_1432 = arith.constant 0 : i32
        %dma_wait3A_1433 = tpu.memref_slice %arg11[%run_scoped3A_402, %dma_wait3A_1432] : memref<16x64xi32, #tpu.memory_space<vmem>> -> memref<1x64xi32, #tpu.memory_space<vmem>>
        %dma_wait3A_1434 = tpu.memref_squeeze %dma_wait3A_1433 : memref<1x64xi32, #tpu.memory_space<vmem>> -> memref<64xi32, #tpu.memory_space<vmem>>
        %dma_wait3A_1435 = arith.constant 0 : i32
        %dma_wait3A_1436 = tpu.memref_slice %arg14[%run_scoped3A_401, %dma_wait3A_1435] : memref<16x1024xi32, #tpu.memory_space<vmem_shared>> -> memref<1x64xi32, #tpu.memory_space<vmem_shared>>
        %dma_wait3A_1437 = tpu.memref_squeeze %dma_wait3A_1436 : memref<1x64xi32, #tpu.memory_space<vmem_shared>> -> memref<64xi32, #tpu.memory_space<vmem_shared>>
        tpu.wait_dma2 semaphore(%run_scoped3A_1415 : memref<!tpu.dma_semaphore, #tpu.memory_space<semaphore_mem>>) src(%dma_wait3A_1437 : memref<64xi32, #tpu.memory_space<vmem_shared>>) dst(%dma_wait3A_1434 : memref<64xi32, #tpu.memory_space<vmem>>)
        tpu.yield
      }) : () -> ()
      %run_scoped3A_403 = arith.constant 3 : i32
      %run_scoped3A_404 = arith.constant 3 : i32
      "tpu.region"() ({
        %run_scoped3A_1415 = tpu.sem_alloc : memref<!tpu.dma_semaphore, #tpu.memory_space<semaphore_mem>>
        %dma_start3A = arith.constant 0 : i32
        %dma_start3A_1416 = tpu.memref_slice %arg11[%run_scoped3A_404, %dma_start3A] : memref<16x64xi32, #tpu.memory_space<vmem>> -> memref<1x64xi32, #tpu.memory_space<vmem>>
        %dma_start3A_1417 = tpu.memref_squeeze %dma_start3A_1416 : memref<1x64xi32, #tpu.memory_space<vmem>> -> memref<64xi32, #tpu.memory_space<vmem>>
        %dma_start3A_1418 = arith.constant 0 : i32
        %dma_start3A_1419 = tpu.memref_slice %arg14[%run_scoped3A_403, %dma_start3A_1418] : memref<16x1024xi32, #tpu.memory_space<vmem_shared>> -> memref<1x64xi32, #tpu.memory_space<vmem_shared>>
        %dma_start3A_1420 = tpu.memref_squeeze %dma_start3A_1419 : memref<1x64xi32, #tpu.memory_space<vmem_shared>> -> memref<64xi32, #tpu.memory_space<vmem_shared>>
        %dma_start3A_1421 = arith.constant 0 : i32
        %dma_start3A_1422 = tpu.memref_slice %arg11[%run_scoped3A_404, %dma_start3A_1421] : memref<16x64xi32, #tpu.memory_space<vmem>> -> memref<1x64xi32, #tpu.memory_space<vmem>>
        %dma_start3A_1423 = tpu.memref_squeeze %dma_start3A_1422 : memref<1x64xi32, #tpu.memory_space<vmem>> -> memref<64xi32, #tpu.memory_space<vmem>>
        %dma_start3A_1424 = arith.constant 0 : i32
        %dma_start3A_1425 = tpu.memref_slice %arg14[%run_scoped3A_403, %dma_start3A_1424] : memref<16x1024xi32, #tpu.memory_space<vmem_shared>> -> memref<1x64xi32, #tpu.memory_space<vmem_shared>>
        %dma_start3A_1426 = tpu.memref_squeeze %dma_start3A_1425 : memref<1x64xi32, #tpu.memory_space<vmem_shared>> -> memref<64xi32, #tpu.memory_space<vmem_shared>>
        tpu.enqueue_dma source(%dma_start3A_1426 : memref<64xi32, #tpu.memory_space<vmem_shared>>) target(%dma_start3A_1423 : memref<64xi32, #tpu.memory_space<vmem>>) target_semaphore(%run_scoped3A_1415 : memref<!tpu.dma_semaphore, #tpu.memory_space<semaphore_mem>>)
        %dma_wait3A = arith.constant 0 : i32
        %dma_wait3A_1427 = tpu.memref_slice %arg11[%run_scoped3A_404, %dma_wait3A] : memref<16x64xi32, #tpu.memory_space<vmem>> -> memref<1x64xi32, #tpu.memory_space<vmem>>
        %dma_wait3A_1428 = tpu.memref_squeeze %dma_wait3A_1427 : memref<1x64xi32, #tpu.memory_space<vmem>> -> memref<64xi32, #tpu.memory_space<vmem>>
        %dma_wait3A_1429 = arith.constant 0 : i32
        %dma_wait3A_1430 = tpu.memref_slice %arg14[%run_scoped3A_403, %dma_wait3A_1429] : memref<16x1024xi32, #tpu.memory_space<vmem_shared>> -> memref<1x64xi32, #tpu.memory_space<vmem_shared>>
        %dma_wait3A_1431 = tpu.memref_squeeze %dma_wait3A_1430 : memref<1x64xi32, #tpu.memory_space<vmem_shared>> -> memref<64xi32, #tpu.memory_space<vmem_shared>>
        %dma_wait3A_1432 = arith.constant 0 : i32
        %dma_wait3A_1433 = tpu.memref_slice %arg11[%run_scoped3A_404, %dma_wait3A_1432] : memref<16x64xi32, #tpu.memory_space<vmem>> -> memref<1x64xi32, #tpu.memory_space<vmem>>
        %dma_wait3A_1434 = tpu.memref_squeeze %dma_wait3A_1433 : memref<1x64xi32, #tpu.memory_space<vmem>> -> memref<64xi32, #tpu.memory_space<vmem>>
        %dma_wait3A_1435 = arith.constant 0 : i32
        %dma_wait3A_1436 = tpu.memref_slice %arg14[%run_scoped3A_403, %dma_wait3A_1435] : memref<16x1024xi32, #tpu.memory_space<vmem_shared>> -> memref<1x64xi32, #tpu.memory_space<vmem_shared>>
        %dma_wait3A_1437 = tpu.memref_squeeze %dma_wait3A_1436 : memref<1x64xi32, #tpu.memory_space<vmem_shared>> -> memref<64xi32, #tpu.memory_space<vmem_shared>>
        tpu.wait_dma2 semaphore(%run_scoped3A_1415 : memref<!tpu.dma_semaphore, #tpu.memory_space<semaphore_mem>>) src(%dma_wait3A_1437 : memref<64xi32, #tpu.memory_space<vmem_shared>>) dst(%dma_wait3A_1434 : memref<64xi32, #tpu.memory_space<vmem>>)
        tpu.yield
      }) : () -> ()
      %run_scoped3A_405 = arith.constant 4 : i32
      %run_scoped3A_406 = arith.constant 4 : i32
      "tpu.region"() ({
        %run_scoped3A_1415 = tpu.sem_alloc : memref<!tpu.dma_semaphore, #tpu.memory_space<semaphore_mem>>
        %dma_start3A = arith.constant 0 : i32
        %dma_start3A_1416 = tpu.memref_slice %arg11[%run_scoped3A_406, %dma_start3A] : memref<16x64xi32, #tpu.memory_space<vmem>> -> memref<1x64xi32, #tpu.memory_space<vmem>>
        %dma_start3A_1417 = tpu.memref_squeeze %dma_start3A_1416 : memref<1x64xi32, #tpu.memory_space<vmem>> -> memref<64xi32, #tpu.memory_space<vmem>>
        %dma_start3A_1418 = arith.constant 0 : i32
        %dma_start3A_1419 = tpu.memref_slice %arg14[%run_scoped3A_405, %dma_start3A_1418] : memref<16x1024xi32, #tpu.memory_space<vmem_shared>> -> memref<1x64xi32, #tpu.memory_space<vmem_shared>>
        %dma_start3A_1420 = tpu.memref_squeeze %dma_start3A_1419 : memref<1x64xi32, #tpu.memory_space<vmem_shared>> -> memref<64xi32, #tpu.memory_space<vmem_shared>>
        %dma_start3A_1421 = arith.constant 0 : i32
        %dma_start3A_1422 = tpu.memref_slice %arg11[%run_scoped3A_406, %dma_start3A_1421] : memref<16x64xi32, #tpu.memory_space<vmem>> -> memref<1x64xi32, #tpu.memory_space<vmem>>
        %dma_start3A_1423 = tpu.memref_squeeze %dma_start3A_1422 : memref<1x64xi32, #tpu.memory_space<vmem>> -> memref<64xi32, #tpu.memory_space<vmem>>
        %dma_start3A_1424 = arith.constant 0 : i32
        %dma_start3A_1425 = tpu.memref_slice %arg14[%run_scoped3A_405, %dma_start3A_1424] : memref<16x1024xi32, #tpu.memory_space<vmem_shared>> -> memref<1x64xi32, #tpu.memory_space<vmem_shared>>
        %dma_start3A_1426 = tpu.memref_squeeze %dma_start3A_1425 : memref<1x64xi32, #tpu.memory_space<vmem_shared>> -> memref<64xi32, #tpu.memory_space<vmem_shared>>
        tpu.enqueue_dma source(%dma_start3A_1426 : memref<64xi32, #tpu.memory_space<vmem_shared>>) target(%dma_start3A_1423 : memref<64xi32, #tpu.memory_space<vmem>>) target_semaphore(%run_scoped3A_1415 : memref<!tpu.dma_semaphore, #tpu.memory_space<semaphore_mem>>)
        %dma_wait3A = arith.constant 0 : i32
        %dma_wait3A_1427 = tpu.memref_slice %arg11[%run_scoped3A_406, %dma_wait3A] : memref<16x64xi32, #tpu.memory_space<vmem>> -> memref<1x64xi32, #tpu.memory_space<vmem>>
        %dma_wait3A_1428 = tpu.memref_squeeze %dma_wait3A_1427 : memref<1x64xi32, #tpu.memory_space<vmem>> -> memref<64xi32, #tpu.memory_space<vmem>>
        %dma_wait3A_1429 = arith.constant 0 : i32
        %dma_wait3A_1430 = tpu.memref_slice %arg14[%run_scoped3A_405, %dma_wait3A_1429] : memref<16x1024xi32, #tpu.memory_space<vmem_shared>> -> memref<1x64xi32, #tpu.memory_space<vmem_shared>>
        %dma_wait3A_1431 = tpu.memref_squeeze %dma_wait3A_1430 : memref<1x64xi32, #tpu.memory_space<vmem_shared>> -> memref<64xi32, #tpu.memory_space<vmem_shared>>
        %dma_wait3A_1432 = arith.constant 0 : i32
        %dma_wait3A_1433 = tpu.memref_slice %arg11[%run_scoped3A_406, %dma_wait3A_1432] : memref<16x64xi32, #tpu.memory_space<vmem>> -> memref<1x64xi32, #tpu.memory_space<vmem>>
        %dma_wait3A_1434 = tpu.memref_squeeze %dma_wait3A_1433 : memref<1x64xi32, #tpu.memory_space<vmem>> -> memref<64xi32, #tpu.memory_space<vmem>>
        %dma_wait3A_1435 = arith.constant 0 : i32
        %dma_wait3A_1436 = tpu.memref_slice %arg14[%run_scoped3A_405, %dma_wait3A_1435] : memref<16x1024xi32, #tpu.memory_space<vmem_shared>> -> memref<1x64xi32, #tpu.memory_space<vmem_shared>>
        %dma_wait3A_1437 = tpu.memref_squeeze %dma_wait3A_1436 : memref<1x64xi32, #tpu.memory_space<vmem_shared>> -> memref<64xi32, #tpu.memory_space<vmem_shared>>
        tpu.wait_dma2 semaphore(%run_scoped3A_1415 : memref<!tpu.dma_semaphore, #tpu.memory_space<semaphore_mem>>) src(%dma_wait3A_1437 : memref<64xi32, #tpu.memory_space<vmem_shared>>) dst(%dma_wait3A_1434 : memref<64xi32, #tpu.memory_space<vmem>>)
        tpu.yield
      }) : () -> ()
      %run_scoped3A_407 = arith.constant 5 : i32
      %run_scoped3A_408 = arith.constant 5 : i32
      "tpu.region"() ({
        %run_scoped3A_1415 = tpu.sem_alloc : memref<!tpu.dma_semaphore, #tpu.memory_space<semaphore_mem>>
        %dma_start3A = arith.constant 0 : i32
        %dma_start3A_1416 = tpu.memref_slice %arg11[%run_scoped3A_408, %dma_start3A] : memref<16x64xi32, #tpu.memory_space<vmem>> -> memref<1x64xi32, #tpu.memory_space<vmem>>
        %dma_start3A_1417 = tpu.memref_squeeze %dma_start3A_1416 : memref<1x64xi32, #tpu.memory_space<vmem>> -> memref<64xi32, #tpu.memory_space<vmem>>
        %dma_start3A_1418 = arith.constant 0 : i32
        %dma_start3A_1419 = tpu.memref_slice %arg14[%run_scoped3A_407, %dma_start3A_1418] : memref<16x1024xi32, #tpu.memory_space<vmem_shared>> -> memref<1x64xi32, #tpu.memory_space<vmem_shared>>
        %dma_start3A_1420 = tpu.memref_squeeze %dma_start3A_1419 : memref<1x64xi32, #tpu.memory_space<vmem_shared>> -> memref<64xi32, #tpu.memory_space<vmem_shared>>
        %dma_start3A_1421 = arith.constant 0 : i32
        %dma_start3A_1422 = tpu.memref_slice %arg11[%run_scoped3A_408, %dma_start3A_1421] : memref<16x64xi32, #tpu.memory_space<vmem>> -> memref<1x64xi32, #tpu.memory_space<vmem>>
        %dma_start3A_1423 = tpu.memref_squeeze %dma_start3A_1422 : memref<1x64xi32, #tpu.memory_space<vmem>> -> memref<64xi32, #tpu.memory_space<vmem>>
        %dma_start3A_1424 = arith.constant 0 : i32
        %dma_start3A_1425 = tpu.memref_slice %arg14[%run_scoped3A_407, %dma_start3A_1424] : memref<16x1024xi32, #tpu.memory_space<vmem_shared>> -> memref<1x64xi32, #tpu.memory_space<vmem_shared>>
        %dma_start3A_1426 = tpu.memref_squeeze %dma_start3A_1425 : memref<1x64xi32, #tpu.memory_space<vmem_shared>> -> memref<64xi32, #tpu.memory_space<vmem_shared>>
        tpu.enqueue_dma source(%dma_start3A_1426 : memref<64xi32, #tpu.memory_space<vmem_shared>>) target(%dma_start3A_1423 : memref<64xi32, #tpu.memory_space<vmem>>) target_semaphore(%run_scoped3A_1415 : memref<!tpu.dma_semaphore, #tpu.memory_space<semaphore_mem>>)
        %dma_wait3A = arith.constant 0 : i32
        %dma_wait3A_1427 = tpu.memref_slice %arg11[%run_scoped3A_408, %dma_wait3A] : memref<16x64xi32, #tpu.memory_space<vmem>> -> memref<1x64xi32, #tpu.memory_space<vmem>>
        %dma_wait3A_1428 = tpu.memref_squeeze %dma_wait3A_1427 : memref<1x64xi32, #tpu.memory_space<vmem>> -> memref<64xi32, #tpu.memory_space<vmem>>
        %dma_wait3A_1429 = arith.constant 0 : i32
        %dma_wait3A_1430 = tpu.memref_slice %arg14[%run_scoped3A_407, %dma_wait3A_1429] : memref<16x1024xi32, #tpu.memory_space<vmem_shared>> -> memref<1x64xi32, #tpu.memory_space<vmem_shared>>
        %dma_wait3A_1431 = tpu.memref_squeeze %dma_wait3A_1430 : memref<1x64xi32, #tpu.memory_space<vmem_shared>> -> memref<64xi32, #tpu.memory_space<vmem_shared>>
        %dma_wait3A_1432 = arith.constant 0 : i32
        %dma_wait3A_1433 = tpu.memref_slice %arg11[%run_scoped3A_408, %dma_wait3A_1432] : memref<16x64xi32, #tpu.memory_space<vmem>> -> memref<1x64xi32, #tpu.memory_space<vmem>>
        %dma_wait3A_1434 = tpu.memref_squeeze %dma_wait3A_1433 : memref<1x64xi32, #tpu.memory_space<vmem>> -> memref<64xi32, #tpu.memory_space<vmem>>
        %dma_wait3A_1435 = arith.constant 0 : i32
        %dma_wait3A_1436 = tpu.memref_slice %arg14[%run_scoped3A_407, %dma_wait3A_1435] : memref<16x1024xi32, #tpu.memory_space<vmem_shared>> -> memref<1x64xi32, #tpu.memory_space<vmem_shared>>
        %dma_wait3A_1437 = tpu.memref_squeeze %dma_wait3A_1436 : memref<1x64xi32, #tpu.memory_space<vmem_shared>> -> memref<64xi32, #tpu.memory_space<vmem_shared>>
        tpu.wait_dma2 semaphore(%run_scoped3A_1415 : memref<!tpu.dma_semaphore, #tpu.memory_space<semaphore_mem>>) src(%dma_wait3A_1437 : memref<64xi32, #tpu.memory_space<vmem_shared>>) dst(%dma_wait3A_1434 : memref<64xi32, #tpu.memory_space<vmem>>)
        tpu.yield
      }) : () -> ()
      %run_scoped3A_409 = arith.constant 6 : i32
      %run_scoped3A_410 = arith.constant 6 : i32
      "tpu.region"() ({
        %run_scoped3A_1415 = tpu.sem_alloc : memref<!tpu.dma_semaphore, #tpu.memory_space<semaphore_mem>>
        %dma_start3A = arith.constant 0 : i32
        %dma_start3A_1416 = tpu.memref_slice %arg11[%run_scoped3A_410, %dma_start3A] : memref<16x64xi32, #tpu.memory_space<vmem>> -> memref<1x64xi32, #tpu.memory_space<vmem>>
        %dma_start3A_1417 = tpu.memref_squeeze %dma_start3A_1416 : memref<1x64xi32, #tpu.memory_space<vmem>> -> memref<64xi32, #tpu.memory_space<vmem>>
        %dma_start3A_1418 = arith.constant 0 : i32
        %dma_start3A_1419 = tpu.memref_slice %arg14[%run_scoped3A_409, %dma_start3A_1418] : memref<16x1024xi32, #tpu.memory_space<vmem_shared>> -> memref<1x64xi32, #tpu.memory_space<vmem_shared>>
        %dma_start3A_1420 = tpu.memref_squeeze %dma_start3A_1419 : memref<1x64xi32, #tpu.memory_space<vmem_shared>> -> memref<64xi32, #tpu.memory_space<vmem_shared>>
        %dma_start3A_1421 = arith.constant 0 : i32
        %dma_start3A_1422 = tpu.memref_slice %arg11[%run_scoped3A_410, %dma_start3A_1421] : memref<16x64xi32, #tpu.memory_space<vmem>> -> memref<1x64xi32, #tpu.memory_space<vmem>>
        %dma_start3A_1423 = tpu.memref_squeeze %dma_start3A_1422 : memref<1x64xi32, #tpu.memory_space<vmem>> -> memref<64xi32, #tpu.memory_space<vmem>>
        %dma_start3A_1424 = arith.constant 0 : i32
        %dma_start3A_1425 = tpu.memref_slice %arg14[%run_scoped3A_409, %dma_start3A_1424] : memref<16x1024xi32, #tpu.memory_space<vmem_shared>> -> memref<1x64xi32, #tpu.memory_space<vmem_shared>>
        %dma_start3A_1426 = tpu.memref_squeeze %dma_start3A_1425 : memref<1x64xi32, #tpu.memory_space<vmem_shared>> -> memref<64xi32, #tpu.memory_space<vmem_shared>>
        tpu.enqueue_dma source(%dma_start3A_1426 : memref<64xi32, #tpu.memory_space<vmem_shared>>) target(%dma_start3A_1423 : memref<64xi32, #tpu.memory_space<vmem>>) target_semaphore(%run_scoped3A_1415 : memref<!tpu.dma_semaphore, #tpu.memory_space<semaphore_mem>>)
        %dma_wait3A = arith.constant 0 : i32
        %dma_wait3A_1427 = tpu.memref_slice %arg11[%run_scoped3A_410, %dma_wait3A] : memref<16x64xi32, #tpu.memory_space<vmem>> -> memref<1x64xi32, #tpu.memory_space<vmem>>
        %dma_wait3A_1428 = tpu.memref_squeeze %dma_wait3A_1427 : memref<1x64xi32, #tpu.memory_space<vmem>> -> memref<64xi32, #tpu.memory_space<vmem>>
        %dma_wait3A_1429 = arith.constant 0 : i32
        %dma_wait3A_1430 = tpu.memref_slice %arg14[%run_scoped3A_409, %dma_wait3A_1429] : memref<16x1024xi32, #tpu.memory_space<vmem_shared>> -> memref<1x64xi32, #tpu.memory_space<vmem_shared>>
        %dma_wait3A_1431 = tpu.memref_squeeze %dma_wait3A_1430 : memref<1x64xi32, #tpu.memory_space<vmem_shared>> -> memref<64xi32, #tpu.memory_space<vmem_shared>>
        %dma_wait3A_1432 = arith.constant 0 : i32
        %dma_wait3A_1433 = tpu.memref_slice %arg11[%run_scoped3A_410, %dma_wait3A_1432] : memref<16x64xi32, #tpu.memory_space<vmem>> -> memref<1x64xi32, #tpu.memory_space<vmem>>
        %dma_wait3A_1434 = tpu.memref_squeeze %dma_wait3A_1433 : memref<1x64xi32, #tpu.memory_space<vmem>> -> memref<64xi32, #tpu.memory_space<vmem>>
        %dma_wait3A_1435 = arith.constant 0 : i32
        %dma_wait3A_1436 = tpu.memref_slice %arg14[%run_scoped3A_409, %dma_wait3A_1435] : memref<16x1024xi32, #tpu.memory_space<vmem_shared>> -> memref<1x64xi32, #tpu.memory_space<vmem_shared>>
        %dma_wait3A_1437 = tpu.memref_squeeze %dma_wait3A_1436 : memref<1x64xi32, #tpu.memory_space<vmem_shared>> -> memref<64xi32, #tpu.memory_space<vmem_shared>>
        tpu.wait_dma2 semaphore(%run_scoped3A_1415 : memref<!tpu.dma_semaphore, #tpu.memory_space<semaphore_mem>>) src(%dma_wait3A_1437 : memref<64xi32, #tpu.memory_space<vmem_shared>>) dst(%dma_wait3A_1434 : memref<64xi32, #tpu.memory_space<vmem>>)
        tpu.yield
      }) : () -> ()
      %run_scoped3A_411 = arith.constant 7 : i32
      %run_scoped3A_412 = arith.constant 7 : i32
      "tpu.region"() ({
        %run_scoped3A_1415 = tpu.sem_alloc : memref<!tpu.dma_semaphore, #tpu.memory_space<semaphore_mem>>
        %dma_start3A = arith.constant 0 : i32
        %dma_start3A_1416 = tpu.memref_slice %arg11[%run_scoped3A_412, %dma_start3A] : memref<16x64xi32, #tpu.memory_space<vmem>> -> memref<1x64xi32, #tpu.memory_space<vmem>>
        %dma_start3A_1417 = tpu.memref_squeeze %dma_start3A_1416 : memref<1x64xi32, #tpu.memory_space<vmem>> -> memref<64xi32, #tpu.memory_space<vmem>>
        %dma_start3A_1418 = arith.constant 0 : i32
        %dma_start3A_1419 = tpu.memref_slice %arg14[%run_scoped3A_411, %dma_start3A_1418] : memref<16x1024xi32, #tpu.memory_space<vmem_shared>> -> memref<1x64xi32, #tpu.memory_space<vmem_shared>>
        %dma_start3A_1420 = tpu.memref_squeeze %dma_start3A_1419 : memref<1x64xi32, #tpu.memory_space<vmem_shared>> -> memref<64xi32, #tpu.memory_space<vmem_shared>>
        %dma_start3A_1421 = arith.constant 0 : i32
        %dma_start3A_1422 = tpu.memref_slice %arg11[%run_scoped3A_412, %dma_start3A_1421] : memref<16x64xi32, #tpu.memory_space<vmem>> -> memref<1x64xi32, #tpu.memory_space<vmem>>
        %dma_start3A_1423 = tpu.memref_squeeze %dma_start3A_1422 : memref<1x64xi32, #tpu.memory_space<vmem>> -> memref<64xi32, #tpu.memory_space<vmem>>
        %dma_start3A_1424 = arith.constant 0 : i32
        %dma_start3A_1425 = tpu.memref_slice %arg14[%run_scoped3A_411, %dma_start3A_1424] : memref<16x1024xi32, #tpu.memory_space<vmem_shared>> -> memref<1x64xi32, #tpu.memory_space<vmem_shared>>
        %dma_start3A_1426 = tpu.memref_squeeze %dma_start3A_1425 : memref<1x64xi32, #tpu.memory_space<vmem_shared>> -> memref<64xi32, #tpu.memory_space<vmem_shared>>
        tpu.enqueue_dma source(%dma_start3A_1426 : memref<64xi32, #tpu.memory_space<vmem_shared>>) target(%dma_start3A_1423 : memref<64xi32, #tpu.memory_space<vmem>>) target_semaphore(%run_scoped3A_1415 : memref<!tpu.dma_semaphore, #tpu.memory_space<semaphore_mem>>)
        %dma_wait3A = arith.constant 0 : i32
        %dma_wait3A_1427 = tpu.memref_slice %arg11[%run_scoped3A_412, %dma_wait3A] : memref<16x64xi32, #tpu.memory_space<vmem>> -> memref<1x64xi32, #tpu.memory_space<vmem>>
        %dma_wait3A_1428 = tpu.memref_squeeze %dma_wait3A_1427 : memref<1x64xi32, #tpu.memory_space<vmem>> -> memref<64xi32, #tpu.memory_space<vmem>>
        %dma_wait3A_1429 = arith.constant 0 : i32
        %dma_wait3A_1430 = tpu.memref_slice %arg14[%run_scoped3A_411, %dma_wait3A_1429] : memref<16x1024xi32, #tpu.memory_space<vmem_shared>> -> memref<1x64xi32, #tpu.memory_space<vmem_shared>>
        %dma_wait3A_1431 = tpu.memref_squeeze %dma_wait3A_1430 : memref<1x64xi32, #tpu.memory_space<vmem_shared>> -> memref<64xi32, #tpu.memory_space<vmem_shared>>
        %dma_wait3A_1432 = arith.constant 0 : i32
        %dma_wait3A_1433 = tpu.memref_slice %arg11[%run_scoped3A_412, %dma_wait3A_1432] : memref<16x64xi32, #tpu.memory_space<vmem>> -> memref<1x64xi32, #tpu.memory_space<vmem>>
        %dma_wait3A_1434 = tpu.memref_squeeze %dma_wait3A_1433 : memref<1x64xi32, #tpu.memory_space<vmem>> -> memref<64xi32, #tpu.memory_space<vmem>>
        %dma_wait3A_1435 = arith.constant 0 : i32
        %dma_wait3A_1436 = tpu.memref_slice %arg14[%run_scoped3A_411, %dma_wait3A_1435] : memref<16x1024xi32, #tpu.memory_space<vmem_shared>> -> memref<1x64xi32, #tpu.memory_space<vmem_shared>>
        %dma_wait3A_1437 = tpu.memref_squeeze %dma_wait3A_1436 : memref<1x64xi32, #tpu.memory_space<vmem_shared>> -> memref<64xi32, #tpu.memory_space<vmem_shared>>
        tpu.wait_dma2 semaphore(%run_scoped3A_1415 : memref<!tpu.dma_semaphore, #tpu.memory_space<semaphore_mem>>) src(%dma_wait3A_1437 : memref<64xi32, #tpu.memory_space<vmem_shared>>) dst(%dma_wait3A_1434 : memref<64xi32, #tpu.memory_space<vmem>>)
        tpu.yield
      }) : () -> ()
      %run_scoped3A_413 = arith.constant 8 : i32
      %run_scoped3A_414 = arith.constant 8 : i32
      "tpu.region"() ({
        %run_scoped3A_1415 = tpu.sem_alloc : memref<!tpu.dma_semaphore, #tpu.memory_space<semaphore_mem>>
        %dma_start3A = arith.constant 0 : i32
        %dma_start3A_1416 = tpu.memref_slice %arg11[%run_scoped3A_414, %dma_start3A] : memref<16x64xi32, #tpu.memory_space<vmem>> -> memref<1x64xi32, #tpu.memory_space<vmem>>
        %dma_start3A_1417 = tpu.memref_squeeze %dma_start3A_1416 : memref<1x64xi32, #tpu.memory_space<vmem>> -> memref<64xi32, #tpu.memory_space<vmem>>
        %dma_start3A_1418 = arith.constant 0 : i32
        %dma_start3A_1419 = tpu.memref_slice %arg14[%run_scoped3A_413, %dma_start3A_1418] : memref<16x1024xi32, #tpu.memory_space<vmem_shared>> -> memref<1x64xi32, #tpu.memory_space<vmem_shared>>
        %dma_start3A_1420 = tpu.memref_squeeze %dma_start3A_1419 : memref<1x64xi32, #tpu.memory_space<vmem_shared>> -> memref<64xi32, #tpu.memory_space<vmem_shared>>
        %dma_start3A_1421 = arith.constant 0 : i32
        %dma_start3A_1422 = tpu.memref_slice %arg11[%run_scoped3A_414, %dma_start3A_1421] : memref<16x64xi32, #tpu.memory_space<vmem>> -> memref<1x64xi32, #tpu.memory_space<vmem>>
        %dma_start3A_1423 = tpu.memref_squeeze %dma_start3A_1422 : memref<1x64xi32, #tpu.memory_space<vmem>> -> memref<64xi32, #tpu.memory_space<vmem>>
        %dma_start3A_1424 = arith.constant 0 : i32
        %dma_start3A_1425 = tpu.memref_slice %arg14[%run_scoped3A_413, %dma_start3A_1424] : memref<16x1024xi32, #tpu.memory_space<vmem_shared>> -> memref<1x64xi32, #tpu.memory_space<vmem_shared>>
        %dma_start3A_1426 = tpu.memref_squeeze %dma_start3A_1425 : memref<1x64xi32, #tpu.memory_space<vmem_shared>> -> memref<64xi32, #tpu.memory_space<vmem_shared>>
        tpu.enqueue_dma source(%dma_start3A_1426 : memref<64xi32, #tpu.memory_space<vmem_shared>>) target(%dma_start3A_1423 : memref<64xi32, #tpu.memory_space<vmem>>) target_semaphore(%run_scoped3A_1415 : memref<!tpu.dma_semaphore, #tpu.memory_space<semaphore_mem>>)
        %dma_wait3A = arith.constant 0 : i32
        %dma_wait3A_1427 = tpu.memref_slice %arg11[%run_scoped3A_414, %dma_wait3A] : memref<16x64xi32, #tpu.memory_space<vmem>> -> memref<1x64xi32, #tpu.memory_space<vmem>>
        %dma_wait3A_1428 = tpu.memref_squeeze %dma_wait3A_1427 : memref<1x64xi32, #tpu.memory_space<vmem>> -> memref<64xi32, #tpu.memory_space<vmem>>
        %dma_wait3A_1429 = arith.constant 0 : i32
        %dma_wait3A_1430 = tpu.memref_slice %arg14[%run_scoped3A_413, %dma_wait3A_1429] : memref<16x1024xi32, #tpu.memory_space<vmem_shared>> -> memref<1x64xi32, #tpu.memory_space<vmem_shared>>
        %dma_wait3A_1431 = tpu.memref_squeeze %dma_wait3A_1430 : memref<1x64xi32, #tpu.memory_space<vmem_shared>> -> memref<64xi32, #tpu.memory_space<vmem_shared>>
        %dma_wait3A_1432 = arith.constant 0 : i32
        %dma_wait3A_1433 = tpu.memref_slice %arg11[%run_scoped3A_414, %dma_wait3A_1432] : memref<16x64xi32, #tpu.memory_space<vmem>> -> memref<1x64xi32, #tpu.memory_space<vmem>>
        %dma_wait3A_1434 = tpu.memref_squeeze %dma_wait3A_1433 : memref<1x64xi32, #tpu.memory_space<vmem>> -> memref<64xi32, #tpu.memory_space<vmem>>
        %dma_wait3A_1435 = arith.constant 0 : i32
        %dma_wait3A_1436 = tpu.memref_slice %arg14[%run_scoped3A_413, %dma_wait3A_1435] : memref<16x1024xi32, #tpu.memory_space<vmem_shared>> -> memref<1x64xi32, #tpu.memory_space<vmem_shared>>
        %dma_wait3A_1437 = tpu.memref_squeeze %dma_wait3A_1436 : memref<1x64xi32, #tpu.memory_space<vmem_shared>> -> memref<64xi32, #tpu.memory_space<vmem_shared>>
        tpu.wait_dma2 semaphore(%run_scoped3A_1415 : memref<!tpu.dma_semaphore, #tpu.memory_space<semaphore_mem>>) src(%dma_wait3A_1437 : memref<64xi32, #tpu.memory_space<vmem_shared>>) dst(%dma_wait3A_1434 : memref<64xi32, #tpu.memory_space<vmem>>)
        tpu.yield
      }) : () -> ()
      %run_scoped3A_415 = arith.constant 9 : i32
      %run_scoped3A_416 = arith.constant 9 : i32
      "tpu.region"() ({
        %run_scoped3A_1415 = tpu.sem_alloc : memref<!tpu.dma_semaphore, #tpu.memory_space<semaphore_mem>>
        %dma_start3A = arith.constant 0 : i32
        %dma_start3A_1416 = tpu.memref_slice %arg11[%run_scoped3A_416, %dma_start3A] : memref<16x64xi32, #tpu.memory_space<vmem>> -> memref<1x64xi32, #tpu.memory_space<vmem>>
        %dma_start3A_1417 = tpu.memref_squeeze %dma_start3A_1416 : memref<1x64xi32, #tpu.memory_space<vmem>> -> memref<64xi32, #tpu.memory_space<vmem>>
        %dma_start3A_1418 = arith.constant 0 : i32
        %dma_start3A_1419 = tpu.memref_slice %arg14[%run_scoped3A_415, %dma_start3A_1418] : memref<16x1024xi32, #tpu.memory_space<vmem_shared>> -> memref<1x64xi32, #tpu.memory_space<vmem_shared>>
        %dma_start3A_1420 = tpu.memref_squeeze %dma_start3A_1419 : memref<1x64xi32, #tpu.memory_space<vmem_shared>> -> memref<64xi32, #tpu.memory_space<vmem_shared>>
        %dma_start3A_1421 = arith.constant 0 : i32
        %dma_start3A_1422 = tpu.memref_slice %arg11[%run_scoped3A_416, %dma_start3A_1421] : memref<16x64xi32, #tpu.memory_space<vmem>> -> memref<1x64xi32, #tpu.memory_space<vmem>>
        %dma_start3A_1423 = tpu.memref_squeeze %dma_start3A_1422 : memref<1x64xi32, #tpu.memory_space<vmem>> -> memref<64xi32, #tpu.memory_space<vmem>>
        %dma_start3A_1424 = arith.constant 0 : i32
        %dma_start3A_1425 = tpu.memref_slice %arg14[%run_scoped3A_415, %dma_start3A_1424] : memref<16x1024xi32, #tpu.memory_space<vmem_shared>> -> memref<1x64xi32, #tpu.memory_space<vmem_shared>>
        %dma_start3A_1426 = tpu.memref_squeeze %dma_start3A_1425 : memref<1x64xi32, #tpu.memory_space<vmem_shared>> -> memref<64xi32, #tpu.memory_space<vmem_shared>>
        tpu.enqueue_dma source(%dma_start3A_1426 : memref<64xi32, #tpu.memory_space<vmem_shared>>) target(%dma_start3A_1423 : memref<64xi32, #tpu.memory_space<vmem>>) target_semaphore(%run_scoped3A_1415 : memref<!tpu.dma_semaphore, #tpu.memory_space<semaphore_mem>>)
        %dma_wait3A = arith.constant 0 : i32
        %dma_wait3A_1427 = tpu.memref_slice %arg11[%run_scoped3A_416, %dma_wait3A] : memref<16x64xi32, #tpu.memory_space<vmem>> -> memref<1x64xi32, #tpu.memory_space<vmem>>
        %dma_wait3A_1428 = tpu.memref_squeeze %dma_wait3A_1427 : memref<1x64xi32, #tpu.memory_space<vmem>> -> memref<64xi32, #tpu.memory_space<vmem>>
        %dma_wait3A_1429 = arith.constant 0 : i32
        %dma_wait3A_1430 = tpu.memref_slice %arg14[%run_scoped3A_415, %dma_wait3A_1429] : memref<16x1024xi32, #tpu.memory_space<vmem_shared>> -> memref<1x64xi32, #tpu.memory_space<vmem_shared>>
        %dma_wait3A_1431 = tpu.memref_squeeze %dma_wait3A_1430 : memref<1x64xi32, #tpu.memory_space<vmem_shared>> -> memref<64xi32, #tpu.memory_space<vmem_shared>>
        %dma_wait3A_1432 = arith.constant 0 : i32
        %dma_wait3A_1433 = tpu.memref_slice %arg11[%run_scoped3A_416, %dma_wait3A_1432] : memref<16x64xi32, #tpu.memory_space<vmem>> -> memref<1x64xi32, #tpu.memory_space<vmem>>
        %dma_wait3A_1434 = tpu.memref_squeeze %dma_wait3A_1433 : memref<1x64xi32, #tpu.memory_space<vmem>> -> memref<64xi32, #tpu.memory_space<vmem>>
        %dma_wait3A_1435 = arith.constant 0 : i32
        %dma_wait3A_1436 = tpu.memref_slice %arg14[%run_scoped3A_415, %dma_wait3A_1435] : memref<16x1024xi32, #tpu.memory_space<vmem_shared>> -> memref<1x64xi32, #tpu.memory_space<vmem_shared>>
        %dma_wait3A_1437 = tpu.memref_squeeze %dma_wait3A_1436 : memref<1x64xi32, #tpu.memory_space<vmem_shared>> -> memref<64xi32, #tpu.memory_space<vmem_shared>>
        tpu.wait_dma2 semaphore(%run_scoped3A_1415 : memref<!tpu.dma_semaphore, #tpu.memory_space<semaphore_mem>>) src(%dma_wait3A_1437 : memref<64xi32, #tpu.memory_space<vmem_shared>>) dst(%dma_wait3A_1434 : memref<64xi32, #tpu.memory_space<vmem>>)
        tpu.yield
      }) : () -> ()
      %run_scoped3A_417 = arith.constant 10 : i32
      %run_scoped3A_418 = arith.constant 10 : i32
      "tpu.region"() ({
        %run_scoped3A_1415 = tpu.sem_alloc : memref<!tpu.dma_semaphore, #tpu.memory_space<semaphore_mem>>
        %dma_start3A = arith.constant 0 : i32
        %dma_start3A_1416 = tpu.memref_slice %arg11[%run_scoped3A_418, %dma_start3A] : memref<16x64xi32, #tpu.memory_space<vmem>> -> memref<1x64xi32, #tpu.memory_space<vmem>>
        %dma_start3A_1417 = tpu.memref_squeeze %dma_start3A_1416 : memref<1x64xi32, #tpu.memory_space<vmem>> -> memref<64xi32, #tpu.memory_space<vmem>>
        %dma_start3A_1418 = arith.constant 0 : i32
        %dma_start3A_1419 = tpu.memref_slice %arg14[%run_scoped3A_417, %dma_start3A_1418] : memref<16x1024xi32, #tpu.memory_space<vmem_shared>> -> memref<1x64xi32, #tpu.memory_space<vmem_shared>>
        %dma_start3A_1420 = tpu.memref_squeeze %dma_start3A_1419 : memref<1x64xi32, #tpu.memory_space<vmem_shared>> -> memref<64xi32, #tpu.memory_space<vmem_shared>>
        %dma_start3A_1421 = arith.constant 0 : i32
        %dma_start3A_1422 = tpu.memref_slice %arg11[%run_scoped3A_418, %dma_start3A_1421] : memref<16x64xi32, #tpu.memory_space<vmem>> -> memref<1x64xi32, #tpu.memory_space<vmem>>
        %dma_start3A_1423 = tpu.memref_squeeze %dma_start3A_1422 : memref<1x64xi32, #tpu.memory_space<vmem>> -> memref<64xi32, #tpu.memory_space<vmem>>
        %dma_start3A_1424 = arith.constant 0 : i32
        %dma_start3A_1425 = tpu.memref_slice %arg14[%run_scoped3A_417, %dma_start3A_1424] : memref<16x1024xi32, #tpu.memory_space<vmem_shared>> -> memref<1x64xi32, #tpu.memory_space<vmem_shared>>
        %dma_start3A_1426 = tpu.memref_squeeze %dma_start3A_1425 : memref<1x64xi32, #tpu.memory_space<vmem_shared>> -> memref<64xi32, #tpu.memory_space<vmem_shared>>
        tpu.enqueue_dma source(%dma_start3A_1426 : memref<64xi32, #tpu.memory_space<vmem_shared>>) target(%dma_start3A_1423 : memref<64xi32, #tpu.memory_space<vmem>>) target_semaphore(%run_scoped3A_1415 : memref<!tpu.dma_semaphore, #tpu.memory_space<semaphore_mem>>)
        %dma_wait3A = arith.constant 0 : i32
        %dma_wait3A_1427 = tpu.memref_slice %arg11[%run_scoped3A_418, %dma_wait3A] : memref<16x64xi32, #tpu.memory_space<vmem>> -> memref<1x64xi32, #tpu.memory_space<vmem>>
        %dma_wait3A_1428 = tpu.memref_squeeze %dma_wait3A_1427 : memref<1x64xi32, #tpu.memory_space<vmem>> -> memref<64xi32, #tpu.memory_space<vmem>>
        %dma_wait3A_1429 = arith.constant 0 : i32
        %dma_wait3A_1430 = tpu.memref_slice %arg14[%run_scoped3A_417, %dma_wait3A_1429] : memref<16x1024xi32, #tpu.memory_space<vmem_shared>> -> memref<1x64xi32, #tpu.memory_space<vmem_shared>>
        %dma_wait3A_1431 = tpu.memref_squeeze %dma_wait3A_1430 : memref<1x64xi32, #tpu.memory_space<vmem_shared>> -> memref<64xi32, #tpu.memory_space<vmem_shared>>
        %dma_wait3A_1432 = arith.constant 0 : i32
        %dma_wait3A_1433 = tpu.memref_slice %arg11[%run_scoped3A_418, %dma_wait3A_1432] : memref<16x64xi32, #tpu.memory_space<vmem>> -> memref<1x64xi32, #tpu.memory_space<vmem>>
        %dma_wait3A_1434 = tpu.memref_squeeze %dma_wait3A_1433 : memref<1x64xi32, #tpu.memory_space<vmem>> -> memref<64xi32, #tpu.memory_space<vmem>>
        %dma_wait3A_1435 = arith.constant 0 : i32
        %dma_wait3A_1436 = tpu.memref_slice %arg14[%run_scoped3A_417, %dma_wait3A_1435] : memref<16x1024xi32, #tpu.memory_space<vmem_shared>> -> memref<1x64xi32, #tpu.memory_space<vmem_shared>>
        %dma_wait3A_1437 = tpu.memref_squeeze %dma_wait3A_1436 : memref<1x64xi32, #tpu.memory_space<vmem_shared>> -> memref<64xi32, #tpu.memory_space<vmem_shared>>
        tpu.wait_dma2 semaphore(%run_scoped3A_1415 : memref<!tpu.dma_semaphore, #tpu.memory_space<semaphore_mem>>) src(%dma_wait3A_1437 : memref<64xi32, #tpu.memory_space<vmem_shared>>) dst(%dma_wait3A_1434 : memref<64xi32, #tpu.memory_space<vmem>>)
        tpu.yield
      }) : () -> ()
      %run_scoped3A_419 = arith.constant 11 : i32
      %run_scoped3A_420 = arith.constant 11 : i32
      "tpu.region"() ({
        %run_scoped3A_1415 = tpu.sem_alloc : memref<!tpu.dma_semaphore, #tpu.memory_space<semaphore_mem>>
        %dma_start3A = arith.constant 0 : i32
        %dma_start3A_1416 = tpu.memref_slice %arg11[%run_scoped3A_420, %dma_start3A] : memref<16x64xi32, #tpu.memory_space<vmem>> -> memref<1x64xi32, #tpu.memory_space<vmem>>
        %dma_start3A_1417 = tpu.memref_squeeze %dma_start3A_1416 : memref<1x64xi32, #tpu.memory_space<vmem>> -> memref<64xi32, #tpu.memory_space<vmem>>
        %dma_start3A_1418 = arith.constant 0 : i32
        %dma_start3A_1419 = tpu.memref_slice %arg14[%run_scoped3A_419, %dma_start3A_1418] : memref<16x1024xi32, #tpu.memory_space<vmem_shared>> -> memref<1x64xi32, #tpu.memory_space<vmem_shared>>
        %dma_start3A_1420 = tpu.memref_squeeze %dma_start3A_1419 : memref<1x64xi32, #tpu.memory_space<vmem_shared>> -> memref<64xi32, #tpu.memory_space<vmem_shared>>
        %dma_start3A_1421 = arith.constant 0 : i32
        %dma_start3A_1422 = tpu.memref_slice %arg11[%run_scoped3A_420, %dma_start3A_1421] : memref<16x64xi32, #tpu.memory_space<vmem>> -> memref<1x64xi32, #tpu.memory_space<vmem>>
        %dma_start3A_1423 = tpu.memref_squeeze %dma_start3A_1422 : memref<1x64xi32, #tpu.memory_space<vmem>> -> memref<64xi32, #tpu.memory_space<vmem>>
        %dma_start3A_1424 = arith.constant 0 : i32
        %dma_start3A_1425 = tpu.memref_slice %arg14[%run_scoped3A_419, %dma_start3A_1424] : memref<16x1024xi32, #tpu.memory_space<vmem_shared>> -> memref<1x64xi32, #tpu.memory_space<vmem_shared>>
        %dma_start3A_1426 = tpu.memref_squeeze %dma_start3A_1425 : memref<1x64xi32, #tpu.memory_space<vmem_shared>> -> memref<64xi32, #tpu.memory_space<vmem_shared>>
        tpu.enqueue_dma source(%dma_start3A_1426 : memref<64xi32, #tpu.memory_space<vmem_shared>>) target(%dma_start3A_1423 : memref<64xi32, #tpu.memory_space<vmem>>) target_semaphore(%run_scoped3A_1415 : memref<!tpu.dma_semaphore, #tpu.memory_space<semaphore_mem>>)
        %dma_wait3A = arith.constant 0 : i32
        %dma_wait3A_1427 = tpu.memref_slice %arg11[%run_scoped3A_420, %dma_wait3A] : memref<16x64xi32, #tpu.memory_space<vmem>> -> memref<1x64xi32, #tpu.memory_space<vmem>>
        %dma_wait3A_1428 = tpu.memref_squeeze %dma_wait3A_1427 : memref<1x64xi32, #tpu.memory_space<vmem>> -> memref<64xi32, #tpu.memory_space<vmem>>
        %dma_wait3A_1429 = arith.constant 0 : i32
        %dma_wait3A_1430 = tpu.memref_slice %arg14[%run_scoped3A_419, %dma_wait3A_1429] : memref<16x1024xi32, #tpu.memory_space<vmem_shared>> -> memref<1x64xi32, #tpu.memory_space<vmem_shared>>
        %dma_wait3A_1431 = tpu.memref_squeeze %dma_wait3A_1430 : memref<1x64xi32, #tpu.memory_space<vmem_shared>> -> memref<64xi32, #tpu.memory_space<vmem_shared>>
        %dma_wait3A_1432 = arith.constant 0 : i32
        %dma_wait3A_1433 = tpu.memref_slice %arg11[%run_scoped3A_420, %dma_wait3A_1432] : memref<16x64xi32, #tpu.memory_space<vmem>> -> memref<1x64xi32, #tpu.memory_space<vmem>>
        %dma_wait3A_1434 = tpu.memref_squeeze %dma_wait3A_1433 : memref<1x64xi32, #tpu.memory_space<vmem>> -> memref<64xi32, #tpu.memory_space<vmem>>
        %dma_wait3A_1435 = arith.constant 0 : i32
        %dma_wait3A_1436 = tpu.memref_slice %arg14[%run_scoped3A_419, %dma_wait3A_1435] : memref<16x1024xi32, #tpu.memory_space<vmem_shared>> -> memref<1x64xi32, #tpu.memory_space<vmem_shared>>
        %dma_wait3A_1437 = tpu.memref_squeeze %dma_wait3A_1436 : memref<1x64xi32, #tpu.memory_space<vmem_shared>> -> memref<64xi32, #tpu.memory_space<vmem_shared>>
        tpu.wait_dma2 semaphore(%run_scoped3A_1415 : memref<!tpu.dma_semaphore, #tpu.memory_space<semaphore_mem>>) src(%dma_wait3A_1437 : memref<64xi32, #tpu.memory_space<vmem_shared>>) dst(%dma_wait3A_1434 : memref<64xi32, #tpu.memory_space<vmem>>)
        tpu.yield
      }) : () -> ()
      %run_scoped3A_421 = arith.constant 12 : i32
      %run_scoped3A_422 = arith.constant 12 : i32
      "tpu.region"() ({
        %run_scoped3A_1415 = tpu.sem_alloc : memref<!tpu.dma_semaphore, #tpu.memory_space<semaphore_mem>>
        %dma_start3A = arith.constant 0 : i32
        %dma_start3A_1416 = tpu.memref_slice %arg11[%run_scoped3A_422, %dma_start3A] : memref<16x64xi32, #tpu.memory_space<vmem>> -> memref<1x64xi32, #tpu.memory_space<vmem>>
        %dma_start3A_1417 = tpu.memref_squeeze %dma_start3A_1416 : memref<1x64xi32, #tpu.memory_space<vmem>> -> memref<64xi32, #tpu.memory_space<vmem>>
        %dma_start3A_1418 = arith.constant 0 : i32
        %dma_start3A_1419 = tpu.memref_slice %arg14[%run_scoped3A_421, %dma_start3A_1418] : memref<16x1024xi32, #tpu.memory_space<vmem_shared>> -> memref<1x64xi32, #tpu.memory_space<vmem_shared>>
        %dma_start3A_1420 = tpu.memref_squeeze %dma_start3A_1419 : memref<1x64xi32, #tpu.memory_space<vmem_shared>> -> memref<64xi32, #tpu.memory_space<vmem_shared>>
        %dma_start3A_1421 = arith.constant 0 : i32
        %dma_start3A_1422 = tpu.memref_slice %arg11[%run_scoped3A_422, %dma_start3A_1421] : memref<16x64xi32, #tpu.memory_space<vmem>> -> memref<1x64xi32, #tpu.memory_space<vmem>>
        %dma_start3A_1423 = tpu.memref_squeeze %dma_start3A_1422 : memref<1x64xi32, #tpu.memory_space<vmem>> -> memref<64xi32, #tpu.memory_space<vmem>>
        %dma_start3A_1424 = arith.constant 0 : i32
        %dma_start3A_1425 = tpu.memref_slice %arg14[%run_scoped3A_421, %dma_start3A_1424] : memref<16x1024xi32, #tpu.memory_space<vmem_shared>> -> memref<1x64xi32, #tpu.memory_space<vmem_shared>>
        %dma_start3A_1426 = tpu.memref_squeeze %dma_start3A_1425 : memref<1x64xi32, #tpu.memory_space<vmem_shared>> -> memref<64xi32, #tpu.memory_space<vmem_shared>>
        tpu.enqueue_dma source(%dma_start3A_1426 : memref<64xi32, #tpu.memory_space<vmem_shared>>) target(%dma_start3A_1423 : memref<64xi32, #tpu.memory_space<vmem>>) target_semaphore(%run_scoped3A_1415 : memref<!tpu.dma_semaphore, #tpu.memory_space<semaphore_mem>>)
        %dma_wait3A = arith.constant 0 : i32
        %dma_wait3A_1427 = tpu.memref_slice %arg11[%run_scoped3A_422, %dma_wait3A] : memref<16x64xi32, #tpu.memory_space<vmem>> -> memref<1x64xi32, #tpu.memory_space<vmem>>
        %dma_wait3A_1428 = tpu.memref_squeeze %dma_wait3A_1427 : memref<1x64xi32, #tpu.memory_space<vmem>> -> memref<64xi32, #tpu.memory_space<vmem>>
        %dma_wait3A_1429 = arith.constant 0 : i32
        %dma_wait3A_1430 = tpu.memref_slice %arg14[%run_scoped3A_421, %dma_wait3A_1429] : memref<16x1024xi32, #tpu.memory_space<vmem_shared>> -> memref<1x64xi32, #tpu.memory_space<vmem_shared>>
        %dma_wait3A_1431 = tpu.memref_squeeze %dma_wait3A_1430 : memref<1x64xi32, #tpu.memory_space<vmem_shared>> -> memref<64xi32, #tpu.memory_space<vmem_shared>>
        %dma_wait3A_1432 = arith.constant 0 : i32
        %dma_wait3A_1433 = tpu.memref_slice %arg11[%run_scoped3A_422, %dma_wait3A_1432] : memref<16x64xi32, #tpu.memory_space<vmem>> -> memref<1x64xi32, #tpu.memory_space<vmem>>
        %dma_wait3A_1434 = tpu.memref_squeeze %dma_wait3A_1433 : memref<1x64xi32, #tpu.memory_space<vmem>> -> memref<64xi32, #tpu.memory_space<vmem>>
        %dma_wait3A_1435 = arith.constant 0 : i32
        %dma_wait3A_1436 = tpu.memref_slice %arg14[%run_scoped3A_421, %dma_wait3A_1435] : memref<16x1024xi32, #tpu.memory_space<vmem_shared>> -> memref<1x64xi32, #tpu.memory_space<vmem_shared>>
        %dma_wait3A_1437 = tpu.memref_squeeze %dma_wait3A_1436 : memref<1x64xi32, #tpu.memory_space<vmem_shared>> -> memref<64xi32, #tpu.memory_space<vmem_shared>>
        tpu.wait_dma2 semaphore(%run_scoped3A_1415 : memref<!tpu.dma_semaphore, #tpu.memory_space<semaphore_mem>>) src(%dma_wait3A_1437 : memref<64xi32, #tpu.memory_space<vmem_shared>>) dst(%dma_wait3A_1434 : memref<64xi32, #tpu.memory_space<vmem>>)
        tpu.yield
      }) : () -> ()
      %run_scoped3A_423 = arith.constant 13 : i32
      %run_scoped3A_424 = arith.constant 13 : i32
      "tpu.region"() ({
        %run_scoped3A_1415 = tpu.sem_alloc : memref<!tpu.dma_semaphore, #tpu.memory_space<semaphore_mem>>
        %dma_start3A = arith.constant 0 : i32
        %dma_start3A_1416 = tpu.memref_slice %arg11[%run_scoped3A_424, %dma_start3A] : memref<16x64xi32, #tpu.memory_space<vmem>> -> memref<1x64xi32, #tpu.memory_space<vmem>>
        %dma_start3A_1417 = tpu.memref_squeeze %dma_start3A_1416 : memref<1x64xi32, #tpu.memory_space<vmem>> -> memref<64xi32, #tpu.memory_space<vmem>>
        %dma_start3A_1418 = arith.constant 0 : i32
        %dma_start3A_1419 = tpu.memref_slice %arg14[%run_scoped3A_423, %dma_start3A_1418] : memref<16x1024xi32, #tpu.memory_space<vmem_shared>> -> memref<1x64xi32, #tpu.memory_space<vmem_shared>>
        %dma_start3A_1420 = tpu.memref_squeeze %dma_start3A_1419 : memref<1x64xi32, #tpu.memory_space<vmem_shared>> -> memref<64xi32, #tpu.memory_space<vmem_shared>>
        %dma_start3A_1421 = arith.constant 0 : i32
        %dma_start3A_1422 = tpu.memref_slice %arg11[%run_scoped3A_424, %dma_start3A_1421] : memref<16x64xi32, #tpu.memory_space<vmem>> -> memref<1x64xi32, #tpu.memory_space<vmem>>
        %dma_start3A_1423 = tpu.memref_squeeze %dma_start3A_1422 : memref<1x64xi32, #tpu.memory_space<vmem>> -> memref<64xi32, #tpu.memory_space<vmem>>
        %dma_start3A_1424 = arith.constant 0 : i32
        %dma_start3A_1425 = tpu.memref_slice %arg14[%run_scoped3A_423, %dma_start3A_1424] : memref<16x1024xi32, #tpu.memory_space<vmem_shared>> -> memref<1x64xi32, #tpu.memory_space<vmem_shared>>
        %dma_start3A_1426 = tpu.memref_squeeze %dma_start3A_1425 : memref<1x64xi32, #tpu.memory_space<vmem_shared>> -> memref<64xi32, #tpu.memory_space<vmem_shared>>
        tpu.enqueue_dma source(%dma_start3A_1426 : memref<64xi32, #tpu.memory_space<vmem_shared>>) target(%dma_start3A_1423 : memref<64xi32, #tpu.memory_space<vmem>>) target_semaphore(%run_scoped3A_1415 : memref<!tpu.dma_semaphore, #tpu.memory_space<semaphore_mem>>)
        %dma_wait3A = arith.constant 0 : i32
        %dma_wait3A_1427 = tpu.memref_slice %arg11[%run_scoped3A_424, %dma_wait3A] : memref<16x64xi32, #tpu.memory_space<vmem>> -> memref<1x64xi32, #tpu.memory_space<vmem>>
        %dma_wait3A_1428 = tpu.memref_squeeze %dma_wait3A_1427 : memref<1x64xi32, #tpu.memory_space<vmem>> -> memref<64xi32, #tpu.memory_space<vmem>>
        %dma_wait3A_1429 = arith.constant 0 : i32
        %dma_wait3A_1430 = tpu.memref_slice %arg14[%run_scoped3A_423, %dma_wait3A_1429] : memref<16x1024xi32, #tpu.memory_space<vmem_shared>> -> memref<1x64xi32, #tpu.memory_space<vmem_shared>>
        %dma_wait3A_1431 = tpu.memref_squeeze %dma_wait3A_1430 : memref<1x64xi32, #tpu.memory_space<vmem_shared>> -> memref<64xi32, #tpu.memory_space<vmem_shared>>
        %dma_wait3A_1432 = arith.constant 0 : i32
        %dma_wait3A_1433 = tpu.memref_slice %arg11[%run_scoped3A_424, %dma_wait3A_1432] : memref<16x64xi32, #tpu.memory_space<vmem>> -> memref<1x64xi32, #tpu.memory_space<vmem>>
        %dma_wait3A_1434 = tpu.memref_squeeze %dma_wait3A_1433 : memref<1x64xi32, #tpu.memory_space<vmem>> -> memref<64xi32, #tpu.memory_space<vmem>>
        %dma_wait3A_1435 = arith.constant 0 : i32
        %dma_wait3A_1436 = tpu.memref_slice %arg14[%run_scoped3A_423, %dma_wait3A_1435] : memref<16x1024xi32, #tpu.memory_space<vmem_shared>> -> memref<1x64xi32, #tpu.memory_space<vmem_shared>>
        %dma_wait3A_1437 = tpu.memref_squeeze %dma_wait3A_1436 : memref<1x64xi32, #tpu.memory_space<vmem_shared>> -> memref<64xi32, #tpu.memory_space<vmem_shared>>
        tpu.wait_dma2 semaphore(%run_scoped3A_1415 : memref<!tpu.dma_semaphore, #tpu.memory_space<semaphore_mem>>) src(%dma_wait3A_1437 : memref<64xi32, #tpu.memory_space<vmem_shared>>) dst(%dma_wait3A_1434 : memref<64xi32, #tpu.memory_space<vmem>>)
        tpu.yield
      }) : () -> ()
      %run_scoped3A_425 = arith.constant 14 : i32
      %run_scoped3A_426 = arith.constant 14 : i32
      "tpu.region"() ({
        %run_scoped3A_1415 = tpu.sem_alloc : memref<!tpu.dma_semaphore, #tpu.memory_space<semaphore_mem>>
        %dma_start3A = arith.constant 0 : i32
        %dma_start3A_1416 = tpu.memref_slice %arg11[%run_scoped3A_426, %dma_start3A] : memref<16x64xi32, #tpu.memory_space<vmem>> -> memref<1x64xi32, #tpu.memory_space<vmem>>
        %dma_start3A_1417 = tpu.memref_squeeze %dma_start3A_1416 : memref<1x64xi32, #tpu.memory_space<vmem>> -> memref<64xi32, #tpu.memory_space<vmem>>
        %dma_start3A_1418 = arith.constant 0 : i32
        %dma_start3A_1419 = tpu.memref_slice %arg14[%run_scoped3A_425, %dma_start3A_1418] : memref<16x1024xi32, #tpu.memory_space<vmem_shared>> -> memref<1x64xi32, #tpu.memory_space<vmem_shared>>
        %dma_start3A_1420 = tpu.memref_squeeze %dma_start3A_1419 : memref<1x64xi32, #tpu.memory_space<vmem_shared>> -> memref<64xi32, #tpu.memory_space<vmem_shared>>
        %dma_start3A_1421 = arith.constant 0 : i32
        %dma_start3A_1422 = tpu.memref_slice %arg11[%run_scoped3A_426, %dma_start3A_1421] : memref<16x64xi32, #tpu.memory_space<vmem>> -> memref<1x64xi32, #tpu.memory_space<vmem>>
        %dma_start3A_1423 = tpu.memref_squeeze %dma_start3A_1422 : memref<1x64xi32, #tpu.memory_space<vmem>> -> memref<64xi32, #tpu.memory_space<vmem>>
        %dma_start3A_1424 = arith.constant 0 : i32
        %dma_start3A_1425 = tpu.memref_slice %arg14[%run_scoped3A_425, %dma_start3A_1424] : memref<16x1024xi32, #tpu.memory_space<vmem_shared>> -> memref<1x64xi32, #tpu.memory_space<vmem_shared>>
        %dma_start3A_1426 = tpu.memref_squeeze %dma_start3A_1425 : memref<1x64xi32, #tpu.memory_space<vmem_shared>> -> memref<64xi32, #tpu.memory_space<vmem_shared>>
        tpu.enqueue_dma source(%dma_start3A_1426 : memref<64xi32, #tpu.memory_space<vmem_shared>>) target(%dma_start3A_1423 : memref<64xi32, #tpu.memory_space<vmem>>) target_semaphore(%run_scoped3A_1415 : memref<!tpu.dma_semaphore, #tpu.memory_space<semaphore_mem>>)
        %dma_wait3A = arith.constant 0 : i32
        %dma_wait3A_1427 = tpu.memref_slice %arg11[%run_scoped3A_426, %dma_wait3A] : memref<16x64xi32, #tpu.memory_space<vmem>> -> memref<1x64xi32, #tpu.memory_space<vmem>>
        %dma_wait3A_1428 = tpu.memref_squeeze %dma_wait3A_1427 : memref<1x64xi32, #tpu.memory_space<vmem>> -> memref<64xi32, #tpu.memory_space<vmem>>
        %dma_wait3A_1429 = arith.constant 0 : i32
        %dma_wait3A_1430 = tpu.memref_slice %arg14[%run_scoped3A_425, %dma_wait3A_1429] : memref<16x1024xi32, #tpu.memory_space<vmem_shared>> -> memref<1x64xi32, #tpu.memory_space<vmem_shared>>
        %dma_wait3A_1431 = tpu.memref_squeeze %dma_wait3A_1430 : memref<1x64xi32, #tpu.memory_space<vmem_shared>> -> memref<64xi32, #tpu.memory_space<vmem_shared>>
        %dma_wait3A_1432 = arith.constant 0 : i32
        %dma_wait3A_1433 = tpu.memref_slice %arg11[%run_scoped3A_426, %dma_wait3A_1432] : memref<16x64xi32, #tpu.memory_space<vmem>> -> memref<1x64xi32, #tpu.memory_space<vmem>>
        %dma_wait3A_1434 = tpu.memref_squeeze %dma_wait3A_1433 : memref<1x64xi32, #tpu.memory_space<vmem>> -> memref<64xi32, #tpu.memory_space<vmem>>
        %dma_wait3A_1435 = arith.constant 0 : i32
        %dma_wait3A_1436 = tpu.memref_slice %arg14[%run_scoped3A_425, %dma_wait3A_1435] : memref<16x1024xi32, #tpu.memory_space<vmem_shared>> -> memref<1x64xi32, #tpu.memory_space<vmem_shared>>
        %dma_wait3A_1437 = tpu.memref_squeeze %dma_wait3A_1436 : memref<1x64xi32, #tpu.memory_space<vmem_shared>> -> memref<64xi32, #tpu.memory_space<vmem_shared>>
        tpu.wait_dma2 semaphore(%run_scoped3A_1415 : memref<!tpu.dma_semaphore, #tpu.memory_space<semaphore_mem>>) src(%dma_wait3A_1437 : memref<64xi32, #tpu.memory_space<vmem_shared>>) dst(%dma_wait3A_1434 : memref<64xi32, #tpu.memory_space<vmem>>)
        tpu.yield
      }) : () -> ()
      %run_scoped3A_427 = arith.constant 15 : i32
      %run_scoped3A_428 = arith.constant 15 : i32
      "tpu.region"() ({
        %run_scoped3A_1415 = tpu.sem_alloc : memref<!tpu.dma_semaphore, #tpu.memory_space<semaphore_mem>>
        %dma_start3A = arith.constant 0 : i32
        %dma_start3A_1416 = tpu.memref_slice %arg11[%run_scoped3A_428, %dma_start3A] : memref<16x64xi32, #tpu.memory_space<vmem>> -> memref<1x64xi32, #tpu.memory_space<vmem>>
        %dma_start3A_1417 = tpu.memref_squeeze %dma_start3A_1416 : memref<1x64xi32, #tpu.memory_space<vmem>> -> memref<64xi32, #tpu.memory_space<vmem>>
        %dma_start3A_1418 = arith.constant 0 : i32
        %dma_start3A_1419 = tpu.memref_slice %arg14[%run_scoped3A_427, %dma_start3A_1418] : memref<16x1024xi32, #tpu.memory_space<vmem_shared>> -> memref<1x64xi32, #tpu.memory_space<vmem_shared>>
        %dma_start3A_1420 = tpu.memref_squeeze %dma_start3A_1419 : memref<1x64xi32, #tpu.memory_space<vmem_shared>> -> memref<64xi32, #tpu.memory_space<vmem_shared>>
        %dma_start3A_1421 = arith.constant 0 : i32
        %dma_start3A_1422 = tpu.memref_slice %arg11[%run_scoped3A_428, %dma_start3A_1421] : memref<16x64xi32, #tpu.memory_space<vmem>> -> memref<1x64xi32, #tpu.memory_space<vmem>>
        %dma_start3A_1423 = tpu.memref_squeeze %dma_start3A_1422 : memref<1x64xi32, #tpu.memory_space<vmem>> -> memref<64xi32, #tpu.memory_space<vmem>>
        %dma_start3A_1424 = arith.constant 0 : i32
        %dma_start3A_1425 = tpu.memref_slice %arg14[%run_scoped3A_427, %dma_start3A_1424] : memref<16x1024xi32, #tpu.memory_space<vmem_shared>> -> memref<1x64xi32, #tpu.memory_space<vmem_shared>>
        %dma_start3A_1426 = tpu.memref_squeeze %dma_start3A_1425 : memref<1x64xi32, #tpu.memory_space<vmem_shared>> -> memref<64xi32, #tpu.memory_space<vmem_shared>>
        tpu.enqueue_dma source(%dma_start3A_1426 : memref<64xi32, #tpu.memory_space<vmem_shared>>) target(%dma_start3A_1423 : memref<64xi32, #tpu.memory_space<vmem>>) target_semaphore(%run_scoped3A_1415 : memref<!tpu.dma_semaphore, #tpu.memory_space<semaphore_mem>>)
        %dma_wait3A = arith.constant 0 : i32
        %dma_wait3A_1427 = tpu.memref_slice %arg11[%run_scoped3A_428, %dma_wait3A] : memref<16x64xi32, #tpu.memory_space<vmem>> -> memref<1x64xi32, #tpu.memory_space<vmem>>
        %dma_wait3A_1428 = tpu.memref_squeeze %dma_wait3A_1427 : memref<1x64xi32, #tpu.memory_space<vmem>> -> memref<64xi32, #tpu.memory_space<vmem>>
        %dma_wait3A_1429 = arith.constant 0 : i32
        %dma_wait3A_1430 = tpu.memref_slice %arg14[%run_scoped3A_427, %dma_wait3A_1429] : memref<16x1024xi32, #tpu.memory_space<vmem_shared>> -> memref<1x64xi32, #tpu.memory_space<vmem_shared>>
        %dma_wait3A_1431 = tpu.memref_squeeze %dma_wait3A_1430 : memref<1x64xi32, #tpu.memory_space<vmem_shared>> -> memref<64xi32, #tpu.memory_space<vmem_shared>>
        %dma_wait3A_1432 = arith.constant 0 : i32
        %dma_wait3A_1433 = tpu.memref_slice %arg11[%run_scoped3A_428, %dma_wait3A_1432] : memref<16x64xi32, #tpu.memory_space<vmem>> -> memref<1x64xi32, #tpu.memory_space<vmem>>
        %dma_wait3A_1434 = tpu.memref_squeeze %dma_wait3A_1433 : memref<1x64xi32, #tpu.memory_space<vmem>> -> memref<64xi32, #tpu.memory_space<vmem>>
        %dma_wait3A_1435 = arith.constant 0 : i32
        %dma_wait3A_1436 = tpu.memref_slice %arg14[%run_scoped3A_427, %dma_wait3A_1435] : memref<16x1024xi32, #tpu.memory_space<vmem_shared>> -> memref<1x64xi32, #tpu.memory_space<vmem_shared>>
        %dma_wait3A_1437 = tpu.memref_squeeze %dma_wait3A_1436 : memref<1x64xi32, #tpu.memory_space<vmem_shared>> -> memref<64xi32, #tpu.memory_space<vmem_shared>>
        tpu.wait_dma2 semaphore(%run_scoped3A_1415 : memref<!tpu.dma_semaphore, #tpu.memory_space<semaphore_mem>>) src(%dma_wait3A_1437 : memref<64xi32, #tpu.memory_space<vmem_shared>>) dst(%dma_wait3A_1434 : memref<64xi32, #tpu.memory_space<vmem>>)
        tpu.yield
      }) : () -> ()
      %eq3A = arith.constant 0 : i32
      %eq3A_429 = arith.cmpi eq, %arg1, %eq3A : i32
      %convert_element_type3A_430 = arith.extui %eq3A_429 : i1 to i32
      %cond3A_431 = arith.constant 0 : i32
      %cond3A_432 = arith.cmpi ne, %convert_element_type3A_430, %cond3A_431 : i32
      scf.if %cond3A_432 {
        %run_scoped3A_1415 = arith.constant 0 : i32
        "tpu.region"() ({
          %run_scoped3A_1416 = tpu.sem_alloc : memref<!tpu.dma_semaphore, #tpu.memory_space<semaphore_mem>>
          %dma_start3A = arith.constant 0 : i32
          %dma_start3A_1417 = arith.constant 0 : i32
          %dma_start3A_1418 = tpu.memref_slice %arg5[%arg0, %run_scoped3A_1415, %dma_start3A, %dma_start3A_1417] : memref<2x4x160x128xf32, #tpu.memory_space<hbm>> -> memref<1x1x160x128xf32, #tpu.memory_space<hbm>>
          %dma_start3A_1419 = tpu.memref_squeeze %dma_start3A_1418 : memref<1x1x160x128xf32, #tpu.memory_space<hbm>> -> memref<160x128xf32, #tpu.memory_space<hbm>>
          %dma_start3A_1420 = arith.constant 0 : i32
          %dma_start3A_1421 = arith.constant 0 : i32
          %dma_start3A_1422 = tpu.memref_slice %arg5[%arg0, %run_scoped3A_1415, %dma_start3A_1420, %dma_start3A_1421] : memref<2x4x160x128xf32, #tpu.memory_space<hbm>> -> memref<1x1x160x128xf32, #tpu.memory_space<hbm>>
          %dma_start3A_1423 = tpu.memref_squeeze %dma_start3A_1422 : memref<1x1x160x128xf32, #tpu.memory_space<hbm>> -> memref<160x128xf32, #tpu.memory_space<hbm>>
          tpu.enqueue_dma source(%dma_start3A_1423 : memref<160x128xf32, #tpu.memory_space<hbm>>) target(%arg12 : memref<160x128xf32, #tpu.memory_space<vmem>>) target_semaphore(%run_scoped3A_1416 : memref<!tpu.dma_semaphore, #tpu.memory_space<semaphore_mem>>)
          %dma_wait3A = arith.constant 0 : i32
          %dma_wait3A_1424 = arith.constant 0 : i32
          %dma_wait3A_1425 = tpu.memref_slice %arg5[%arg0, %run_scoped3A_1415, %dma_wait3A, %dma_wait3A_1424] : memref<2x4x160x128xf32, #tpu.memory_space<hbm>> -> memref<1x1x160x128xf32, #tpu.memory_space<hbm>>
          %dma_wait3A_1426 = tpu.memref_squeeze %dma_wait3A_1425 : memref<1x1x160x128xf32, #tpu.memory_space<hbm>> -> memref<160x128xf32, #tpu.memory_space<hbm>>
          %dma_wait3A_1427 = arith.constant 0 : i32
          %dma_wait3A_1428 = arith.constant 0 : i32
          %dma_wait3A_1429 = tpu.memref_slice %arg5[%arg0, %run_scoped3A_1415, %dma_wait3A_1427, %dma_wait3A_1428] : memref<2x4x160x128xf32, #tpu.memory_space<hbm>> -> memref<1x1x160x128xf32, #tpu.memory_space<hbm>>
          %dma_wait3A_1430 = tpu.memref_squeeze %dma_wait3A_1429 : memref<1x1x160x128xf32, #tpu.memory_space<hbm>> -> memref<160x128xf32, #tpu.memory_space<hbm>>
          tpu.wait_dma2 semaphore(%run_scoped3A_1416 : memref<!tpu.dma_semaphore, #tpu.memory_space<semaphore_mem>>) src(%dma_wait3A_1430 : memref<160x128xf32, #tpu.memory_space<hbm>>) dst(%arg12 : memref<160x128xf32, #tpu.memory_space<vmem>>)
          tpu.yield
        }) : () -> ()
      } else {
      }
      %eq3A_433 = arith.constant 1 : i32
      %eq3A_434 = arith.cmpi eq, %arg1, %eq3A_433 : i32
      %convert_element_type3A_435 = arith.extui %eq3A_434 : i1 to i32
      %cond3A_436 = arith.constant 0 : i32
      %cond3A_437 = arith.cmpi ne, %convert_element_type3A_435, %cond3A_436 : i32
      scf.if %cond3A_437 {
        %run_scoped3A_1415 = arith.constant 1 : i32
        "tpu.region"() ({
          %run_scoped3A_1416 = tpu.sem_alloc : memref<!tpu.dma_semaphore, #tpu.memory_space<semaphore_mem>>
          %dma_start3A = arith.constant 0 : i32
          %dma_start3A_1417 = arith.constant 0 : i32
          %dma_start3A_1418 = tpu.memref_slice %arg5[%arg0, %run_scoped3A_1415, %dma_start3A, %dma_start3A_1417] : memref<2x4x160x128xf32, #tpu.memory_space<hbm>> -> memref<1x1x160x128xf32, #tpu.memory_space<hbm>>
          %dma_start3A_1419 = tpu.memref_squeeze %dma_start3A_1418 : memref<1x1x160x128xf32, #tpu.memory_space<hbm>> -> memref<160x128xf32, #tpu.memory_space<hbm>>
          %dma_start3A_1420 = arith.constant 0 : i32
          %dma_start3A_1421 = arith.constant 0 : i32
          %dma_start3A_1422 = tpu.memref_slice %arg5[%arg0, %run_scoped3A_1415, %dma_start3A_1420, %dma_start3A_1421] : memref<2x4x160x128xf32, #tpu.memory_space<hbm>> -> memref<1x1x160x128xf32, #tpu.memory_space<hbm>>
          %dma_start3A_1423 = tpu.memref_squeeze %dma_start3A_1422 : memref<1x1x160x128xf32, #tpu.memory_space<hbm>> -> memref<160x128xf32, #tpu.memory_space<hbm>>
          tpu.enqueue_dma source(%dma_start3A_1423 : memref<160x128xf32, #tpu.memory_space<hbm>>) target(%arg12 : memref<160x128xf32, #tpu.memory_space<vmem>>) target_semaphore(%run_scoped3A_1416 : memref<!tpu.dma_semaphore, #tpu.memory_space<semaphore_mem>>)
          %dma_wait3A = arith.constant 0 : i32
          %dma_wait3A_1424 = arith.constant 0 : i32
          %dma_wait3A_1425 = tpu.memref_slice %arg5[%arg0, %run_scoped3A_1415, %dma_wait3A, %dma_wait3A_1424] : memref<2x4x160x128xf32, #tpu.memory_space<hbm>> -> memref<1x1x160x128xf32, #tpu.memory_space<hbm>>
          %dma_wait3A_1426 = tpu.memref_squeeze %dma_wait3A_1425 : memref<1x1x160x128xf32, #tpu.memory_space<hbm>> -> memref<160x128xf32, #tpu.memory_space<hbm>>
          %dma_wait3A_1427 = arith.constant 0 : i32
          %dma_wait3A_1428 = arith.constant 0 : i32
          %dma_wait3A_1429 = tpu.memref_slice %arg5[%arg0, %run_scoped3A_1415, %dma_wait3A_1427, %dma_wait3A_1428] : memref<2x4x160x128xf32, #tpu.memory_space<hbm>> -> memref<1x1x160x128xf32, #tpu.memory_space<hbm>>
          %dma_wait3A_1430 = tpu.memref_squeeze %dma_wait3A_1429 : memref<1x1x160x128xf32, #tpu.memory_space<hbm>> -> memref<160x128xf32, #tpu.memory_space<hbm>>
          tpu.wait_dma2 semaphore(%run_scoped3A_1416 : memref<!tpu.dma_semaphore, #tpu.memory_space<semaphore_mem>>) src(%dma_wait3A_1430 : memref<160x128xf32, #tpu.memory_space<hbm>>) dst(%arg12 : memref<160x128xf32, #tpu.memory_space<vmem>>)
          tpu.yield
        }) : () -> ()
      } else {
      }
      %eq3A_438 = arith.constant 2 : i32
      %eq3A_439 = arith.cmpi eq, %arg1, %eq3A_438 : i32
      %convert_element_type3A_440 = arith.extui %eq3A_439 : i1 to i32
      %cond3A_441 = arith.constant 0 : i32
      %cond3A_442 = arith.cmpi ne, %convert_element_type3A_440, %cond3A_441 : i32
      scf.if %cond3A_442 {
        %run_scoped3A_1415 = arith.constant 2 : i32
        "tpu.region"() ({
          %run_scoped3A_1416 = tpu.sem_alloc : memref<!tpu.dma_semaphore, #tpu.memory_space<semaphore_mem>>
          %dma_start3A = arith.constant 0 : i32
          %dma_start3A_1417 = arith.constant 0 : i32
          %dma_start3A_1418 = tpu.memref_slice %arg5[%arg0, %run_scoped3A_1415, %dma_start3A, %dma_start3A_1417] : memref<2x4x160x128xf32, #tpu.memory_space<hbm>> -> memref<1x1x160x128xf32, #tpu.memory_space<hbm>>
          %dma_start3A_1419 = tpu.memref_squeeze %dma_start3A_1418 : memref<1x1x160x128xf32, #tpu.memory_space<hbm>> -> memref<160x128xf32, #tpu.memory_space<hbm>>
          %dma_start3A_1420 = arith.constant 0 : i32
          %dma_start3A_1421 = arith.constant 0 : i32
          %dma_start3A_1422 = tpu.memref_slice %arg5[%arg0, %run_scoped3A_1415, %dma_start3A_1420, %dma_start3A_1421] : memref<2x4x160x128xf32, #tpu.memory_space<hbm>> -> memref<1x1x160x128xf32, #tpu.memory_space<hbm>>
          %dma_start3A_1423 = tpu.memref_squeeze %dma_start3A_1422 : memref<1x1x160x128xf32, #tpu.memory_space<hbm>> -> memref<160x128xf32, #tpu.memory_space<hbm>>
          tpu.enqueue_dma source(%dma_start3A_1423 : memref<160x128xf32, #tpu.memory_space<hbm>>) target(%arg12 : memref<160x128xf32, #tpu.memory_space<vmem>>) target_semaphore(%run_scoped3A_1416 : memref<!tpu.dma_semaphore, #tpu.memory_space<semaphore_mem>>)
          %dma_wait3A = arith.constant 0 : i32
          %dma_wait3A_1424 = arith.constant 0 : i32
          %dma_wait3A_1425 = tpu.memref_slice %arg5[%arg0, %run_scoped3A_1415, %dma_wait3A, %dma_wait3A_1424] : memref<2x4x160x128xf32, #tpu.memory_space<hbm>> -> memref<1x1x160x128xf32, #tpu.memory_space<hbm>>
          %dma_wait3A_1426 = tpu.memref_squeeze %dma_wait3A_1425 : memref<1x1x160x128xf32, #tpu.memory_space<hbm>> -> memref<160x128xf32, #tpu.memory_space<hbm>>
          %dma_wait3A_1427 = arith.constant 0 : i32
          %dma_wait3A_1428 = arith.constant 0 : i32
          %dma_wait3A_1429 = tpu.memref_slice %arg5[%arg0, %run_scoped3A_1415, %dma_wait3A_1427, %dma_wait3A_1428] : memref<2x4x160x128xf32, #tpu.memory_space<hbm>> -> memref<1x1x160x128xf32, #tpu.memory_space<hbm>>
          %dma_wait3A_1430 = tpu.memref_squeeze %dma_wait3A_1429 : memref<1x1x160x128xf32, #tpu.memory_space<hbm>> -> memref<160x128xf32, #tpu.memory_space<hbm>>
          tpu.wait_dma2 semaphore(%run_scoped3A_1416 : memref<!tpu.dma_semaphore, #tpu.memory_space<semaphore_mem>>) src(%dma_wait3A_1430 : memref<160x128xf32, #tpu.memory_space<hbm>>) dst(%arg12 : memref<160x128xf32, #tpu.memory_space<vmem>>)
          tpu.yield
        }) : () -> ()
      } else {
      }
      %eq3A_443 = arith.constant 3 : i32
      %eq3A_444 = arith.cmpi eq, %arg1, %eq3A_443 : i32
      %convert_element_type3A_445 = arith.extui %eq3A_444 : i1 to i32
      %cond3A_446 = arith.constant 0 : i32
      %cond3A_447 = arith.cmpi ne, %convert_element_type3A_445, %cond3A_446 : i32
      scf.if %cond3A_447 {
        %run_scoped3A_1415 = arith.constant 3 : i32
        "tpu.region"() ({
          %run_scoped3A_1416 = tpu.sem_alloc : memref<!tpu.dma_semaphore, #tpu.memory_space<semaphore_mem>>
          %dma_start3A = arith.constant 0 : i32
          %dma_start3A_1417 = arith.constant 0 : i32
          %dma_start3A_1418 = tpu.memref_slice %arg5[%arg0, %run_scoped3A_1415, %dma_start3A, %dma_start3A_1417] : memref<2x4x160x128xf32, #tpu.memory_space<hbm>> -> memref<1x1x160x128xf32, #tpu.memory_space<hbm>>
          %dma_start3A_1419 = tpu.memref_squeeze %dma_start3A_1418 : memref<1x1x160x128xf32, #tpu.memory_space<hbm>> -> memref<160x128xf32, #tpu.memory_space<hbm>>
          %dma_start3A_1420 = arith.constant 0 : i32
          %dma_start3A_1421 = arith.constant 0 : i32
          %dma_start3A_1422 = tpu.memref_slice %arg5[%arg0, %run_scoped3A_1415, %dma_start3A_1420, %dma_start3A_1421] : memref<2x4x160x128xf32, #tpu.memory_space<hbm>> -> memref<1x1x160x128xf32, #tpu.memory_space<hbm>>
          %dma_start3A_1423 = tpu.memref_squeeze %dma_start3A_1422 : memref<1x1x160x128xf32, #tpu.memory_space<hbm>> -> memref<160x128xf32, #tpu.memory_space<hbm>>
          tpu.enqueue_dma source(%dma_start3A_1423 : memref<160x128xf32, #tpu.memory_space<hbm>>) target(%arg12 : memref<160x128xf32, #tpu.memory_space<vmem>>) target_semaphore(%run_scoped3A_1416 : memref<!tpu.dma_semaphore, #tpu.memory_space<semaphore_mem>>)
          %dma_wait3A = arith.constant 0 : i32
          %dma_wait3A_1424 = arith.constant 0 : i32
          %dma_wait3A_1425 = tpu.memref_slice %arg5[%arg0, %run_scoped3A_1415, %dma_wait3A, %dma_wait3A_1424] : memref<2x4x160x128xf32, #tpu.memory_space<hbm>> -> memref<1x1x160x128xf32, #tpu.memory_space<hbm>>
          %dma_wait3A_1426 = tpu.memref_squeeze %dma_wait3A_1425 : memref<1x1x160x128xf32, #tpu.memory_space<hbm>> -> memref<160x128xf32, #tpu.memory_space<hbm>>
          %dma_wait3A_1427 = arith.constant 0 : i32
          %dma_wait3A_1428 = arith.constant 0 : i32
          %dma_wait3A_1429 = tpu.memref_slice %arg5[%arg0, %run_scoped3A_1415, %dma_wait3A_1427, %dma_wait3A_1428] : memref<2x4x160x128xf32, #tpu.memory_space<hbm>> -> memref<1x1x160x128xf32, #tpu.memory_space<hbm>>
          %dma_wait3A_1430 = tpu.memref_squeeze %dma_wait3A_1429 : memref<1x1x160x128xf32, #tpu.memory_space<hbm>> -> memref<160x128xf32, #tpu.memory_space<hbm>>
          tpu.wait_dma2 semaphore(%run_scoped3A_1416 : memref<!tpu.dma_semaphore, #tpu.memory_space<semaphore_mem>>) src(%dma_wait3A_1430 : memref<160x128xf32, #tpu.memory_space<hbm>>) dst(%arg12 : memref<160x128xf32, #tpu.memory_space<vmem>>)
          tpu.yield
        }) : () -> ()
      } else {
      }
      %eq3A_448 = arith.constant 4 : i32
      %eq3A_449 = arith.cmpi eq, %arg1, %eq3A_448 : i32
      %convert_element_type3A_450 = arith.extui %eq3A_449 : i1 to i32
      %cond3A_451 = arith.constant 0 : i32
      %cond3A_452 = arith.cmpi ne, %convert_element_type3A_450, %cond3A_451 : i32
      scf.if %cond3A_452 {
        "tpu.region"() ({
          %run_scoped3A_1415 = tpu.sem_alloc : memref<!tpu.dma_semaphore, #tpu.memory_space<semaphore_mem>>
          %dma_start3A = arith.constant 0 : i32
          %dma_start3A_1416 = arith.constant 0 : i32
          %dma_start3A_1417 = tpu.memref_slice %arg3[%arg0, %dma_start3A, %dma_start3A_1416] : memref<2x160x128xf32, #tpu.memory_space<hbm>> -> memref<1x160x128xf32, #tpu.memory_space<hbm>>
          %dma_start3A_1418 = tpu.memref_squeeze %dma_start3A_1417 : memref<1x160x128xf32, #tpu.memory_space<hbm>> -> memref<160x128xf32, #tpu.memory_space<hbm>>
          %dma_start3A_1419 = arith.constant 0 : i32
          %dma_start3A_1420 = arith.constant 0 : i32
          %dma_start3A_1421 = tpu.memref_slice %arg3[%arg0, %dma_start3A_1419, %dma_start3A_1420] : memref<2x160x128xf32, #tpu.memory_space<hbm>> -> memref<1x160x128xf32, #tpu.memory_space<hbm>>
          %dma_start3A_1422 = tpu.memref_squeeze %dma_start3A_1421 : memref<1x160x128xf32, #tpu.memory_space<hbm>> -> memref<160x128xf32, #tpu.memory_space<hbm>>
          tpu.enqueue_dma source(%dma_start3A_1422 : memref<160x128xf32, #tpu.memory_space<hbm>>) target(%arg12 : memref<160x128xf32, #tpu.memory_space<vmem>>) target_semaphore(%run_scoped3A_1415 : memref<!tpu.dma_semaphore, #tpu.memory_space<semaphore_mem>>)
          %dma_wait3A = arith.constant 0 : i32
          %dma_wait3A_1423 = arith.constant 0 : i32
          %dma_wait3A_1424 = tpu.memref_slice %arg3[%arg0, %dma_wait3A, %dma_wait3A_1423] : memref<2x160x128xf32, #tpu.memory_space<hbm>> -> memref<1x160x128xf32, #tpu.memory_space<hbm>>
          %dma_wait3A_1425 = tpu.memref_squeeze %dma_wait3A_1424 : memref<1x160x128xf32, #tpu.memory_space<hbm>> -> memref<160x128xf32, #tpu.memory_space<hbm>>
          %dma_wait3A_1426 = arith.constant 0 : i32
          %dma_wait3A_1427 = arith.constant 0 : i32
          %dma_wait3A_1428 = tpu.memref_slice %arg3[%arg0, %dma_wait3A_1426, %dma_wait3A_1427] : memref<2x160x128xf32, #tpu.memory_space<hbm>> -> memref<1x160x128xf32, #tpu.memory_space<hbm>>
          %dma_wait3A_1429 = tpu.memref_squeeze %dma_wait3A_1428 : memref<1x160x128xf32, #tpu.memory_space<hbm>> -> memref<160x128xf32, #tpu.memory_space<hbm>>
          tpu.wait_dma2 semaphore(%run_scoped3A_1415 : memref<!tpu.dma_semaphore, #tpu.memory_space<semaphore_mem>>) src(%dma_wait3A_1429 : memref<160x128xf32, #tpu.memory_space<hbm>>) dst(%arg12 : memref<160x128xf32, #tpu.memory_space<vmem>>)
          tpu.yield
        }) : () -> ()
      } else {
      }
      %eq3A_453 = arith.constant 5 : i32
      %eq3A_454 = arith.cmpi eq, %arg1, %eq3A_453 : i32
      %convert_element_type3A_455 = arith.extui %eq3A_454 : i1 to i32
      %cond3A_456 = arith.constant 0 : i32
      %cond3A_457 = arith.cmpi ne, %convert_element_type3A_455, %cond3A_456 : i32
      scf.if %cond3A_457 {
        "tpu.region"() ({
          %run_scoped3A_1415 = tpu.sem_alloc : memref<!tpu.dma_semaphore, #tpu.memory_space<semaphore_mem>>
          %dma_start3A = arith.constant 0 : i32
          %dma_start3A_1416 = arith.constant 0 : i32
          %dma_start3A_1417 = tpu.memref_slice %arg4[%arg0, %dma_start3A, %dma_start3A_1416] : memref<2x160x128xf32, #tpu.memory_space<hbm>> -> memref<1x160x128xf32, #tpu.memory_space<hbm>>
          %dma_start3A_1418 = tpu.memref_squeeze %dma_start3A_1417 : memref<1x160x128xf32, #tpu.memory_space<hbm>> -> memref<160x128xf32, #tpu.memory_space<hbm>>
          %dma_start3A_1419 = arith.constant 0 : i32
          %dma_start3A_1420 = arith.constant 0 : i32
          %dma_start3A_1421 = tpu.memref_slice %arg4[%arg0, %dma_start3A_1419, %dma_start3A_1420] : memref<2x160x128xf32, #tpu.memory_space<hbm>> -> memref<1x160x128xf32, #tpu.memory_space<hbm>>
          %dma_start3A_1422 = tpu.memref_squeeze %dma_start3A_1421 : memref<1x160x128xf32, #tpu.memory_space<hbm>> -> memref<160x128xf32, #tpu.memory_space<hbm>>
          tpu.enqueue_dma source(%dma_start3A_1422 : memref<160x128xf32, #tpu.memory_space<hbm>>) target(%arg12 : memref<160x128xf32, #tpu.memory_space<vmem>>) target_semaphore(%run_scoped3A_1415 : memref<!tpu.dma_semaphore, #tpu.memory_space<semaphore_mem>>)
          %dma_wait3A = arith.constant 0 : i32
          %dma_wait3A_1423 = arith.constant 0 : i32
          %dma_wait3A_1424 = tpu.memref_slice %arg4[%arg0, %dma_wait3A, %dma_wait3A_1423] : memref<2x160x128xf32, #tpu.memory_space<hbm>> -> memref<1x160x128xf32, #tpu.memory_space<hbm>>
          %dma_wait3A_1425 = tpu.memref_squeeze %dma_wait3A_1424 : memref<1x160x128xf32, #tpu.memory_space<hbm>> -> memref<160x128xf32, #tpu.memory_space<hbm>>
          %dma_wait3A_1426 = arith.constant 0 : i32
          %dma_wait3A_1427 = arith.constant 0 : i32
          %dma_wait3A_1428 = tpu.memref_slice %arg4[%arg0, %dma_wait3A_1426, %dma_wait3A_1427] : memref<2x160x128xf32, #tpu.memory_space<hbm>> -> memref<1x160x128xf32, #tpu.memory_space<hbm>>
          %dma_wait3A_1429 = tpu.memref_squeeze %dma_wait3A_1428 : memref<1x160x128xf32, #tpu.memory_space<hbm>> -> memref<160x128xf32, #tpu.memory_space<hbm>>
          tpu.wait_dma2 semaphore(%run_scoped3A_1415 : memref<!tpu.dma_semaphore, #tpu.memory_space<semaphore_mem>>) src(%dma_wait3A_1429 : memref<160x128xf32, #tpu.memory_space<hbm>>) dst(%arg12 : memref<160x128xf32, #tpu.memory_space<vmem>>)
          tpu.yield
        }) : () -> ()
      } else {
      }
      %get3A_458 = arith.constant 0 : i32
      %get3A_459 = arith.index_cast %get3A_458 : i32 to index
      %get3A_460 = arith.constant 0 : index
      %get3A_461 = tpu.vector_load %arg11[%get3A_459, %get3A_460] {strides = array<i32>} : memref<16x64xi32, #tpu.memory_space<vmem>>, vector<16xi32>,
      %shift_right_arithmetic3A = arith.constant 7 : i32
      %shift_right_arithmetic3A_462 = vector.broadcast %shift_right_arithmetic3A : i32 to vector<16xi32>
      %shift_right_arithmetic3A_463 = arith.shrsi %get3A_461, %shift_right_arithmetic3A_462 : vector<16xi32>
      %and3A = arith.constant 127 : i32
      %and3A_464 = vector.broadcast %and3A : i32 to vector<16xi32>
      %and3A_465 = arith.andi %get3A_461, %and3A_464 : vector<16xi32>
      %gather3A = tpu.vector_load_idx %arg12[%shift_right_arithmetic3A_463, %and3A_465] : memref<160x128xf32, #tpu.memory_space<vmem>>[vector<16xi32>, vector<16xi32>], vector<16xf32>,
      %swap3A_466 = arith.constant 0 : i32
      %swap3A_467 = arith.index_cast %swap3A_466 : i32 to index
      %swap3A_468 = arith.constant 0 : index
      %swap3A_469 = tpu.vector_load %arg13[%swap3A_467, %swap3A_468] {strides = array<i32>} : memref<8x128xf32, #tpu.memory_space<vmem>>, vector<16xf32>,
      tpu.vector_store %arg13[%swap3A_467, %swap3A_468], %gather3A {strides = array<i32>} : memref<8x128xf32, #tpu.memory_space<vmem>>, vector<16xf32>,
      %get3A_470 = arith.constant 0 : i32
      %get3A_471 = arith.index_cast %get3A_470 : i32 to index
      %get3A_472 = arith.constant 16 : index
      %get3A_473 = tpu.vector_load %arg11[%get3A_471, %get3A_472] {strides = array<i32>} : memref<16x64xi32, #tpu.memory_space<vmem>>, vector<16xi32>,
      %shift_right_arithmetic3A_474 = arith.constant 7 : i32
      %shift_right_arithmetic3A_475 = vector.broadcast %shift_right_arithmetic3A_474 : i32 to vector<16xi32>
      %shift_right_arithmetic3A_476 = arith.shrsi %get3A_473, %shift_right_arithmetic3A_475 : vector<16xi32>
      %and3A_477 = arith.constant 127 : i32
      %and3A_478 = vector.broadcast %and3A_477 : i32 to vector<16xi32>
      %and3A_479 = arith.andi %get3A_473, %and3A_478 : vector<16xi32>
      %gather3A_480 = tpu.vector_load_idx %arg12[%shift_right_arithmetic3A_476, %and3A_479] : memref<160x128xf32, #tpu.memory_space<vmem>>[vector<16xi32>, vector<16xi32>], vector<16xf32>,
      %swap3A_481 = arith.constant 0 : i32
      %swap3A_482 = arith.index_cast %swap3A_481 : i32 to index
      %swap3A_483 = arith.constant 16 : index
      %swap3A_484 = tpu.vector_load %arg13[%swap3A_482, %swap3A_483] {strides = array<i32>} : memref<8x128xf32, #tpu.memory_space<vmem>>, vector<16xf32>,
      tpu.vector_store %arg13[%swap3A_482, %swap3A_483], %gather3A_480 {strides = array<i32>} : memref<8x128xf32, #tpu.memory_space<vmem>>, vector<16xf32>,
      %get3A_485 = arith.constant 0 : i32
      %get3A_486 = arith.index_cast %get3A_485 : i32 to index
      %get3A_487 = arith.constant 32 : index
      %get3A_488 = tpu.vector_load %arg11[%get3A_486, %get3A_487] {strides = array<i32>} : memref<16x64xi32, #tpu.memory_space<vmem>>, vector<16xi32>,
      %shift_right_arithmetic3A_489 = arith.constant 7 : i32
      %shift_right_arithmetic3A_490 = vector.broadcast %shift_right_arithmetic3A_489 : i32 to vector<16xi32>
      %shift_right_arithmetic3A_491 = arith.shrsi %get3A_488, %shift_right_arithmetic3A_490 : vector<16xi32>
      %and3A_492 = arith.constant 127 : i32
      %and3A_493 = vector.broadcast %and3A_492 : i32 to vector<16xi32>
      %and3A_494 = arith.andi %get3A_488, %and3A_493 : vector<16xi32>
      %gather3A_495 = tpu.vector_load_idx %arg12[%shift_right_arithmetic3A_491, %and3A_494] : memref<160x128xf32, #tpu.memory_space<vmem>>[vector<16xi32>, vector<16xi32>], vector<16xf32>,
      %swap3A_496 = arith.constant 0 : i32
      %swap3A_497 = arith.index_cast %swap3A_496 : i32 to index
      %swap3A_498 = arith.constant 32 : index
      %swap3A_499 = tpu.vector_load %arg13[%swap3A_497, %swap3A_498] {strides = array<i32>} : memref<8x128xf32, #tpu.memory_space<vmem>>, vector<16xf32>,
      tpu.vector_store %arg13[%swap3A_497, %swap3A_498], %gather3A_495 {strides = array<i32>} : memref<8x128xf32, #tpu.memory_space<vmem>>, vector<16xf32>,
      %get3A_500 = arith.constant 0 : i32
      %get3A_501 = arith.index_cast %get3A_500 : i32 to index
      %get3A_502 = arith.constant 48 : index
      %get3A_503 = tpu.vector_load %arg11[%get3A_501, %get3A_502] {strides = array<i32>} : memref<16x64xi32, #tpu.memory_space<vmem>>, vector<16xi32>,
      %shift_right_arithmetic3A_504 = arith.constant 7 : i32
      %shift_right_arithmetic3A_505 = vector.broadcast %shift_right_arithmetic3A_504 : i32 to vector<16xi32>
      %shift_right_arithmetic3A_506 = arith.shrsi %get3A_503, %shift_right_arithmetic3A_505 : vector<16xi32>
      %and3A_507 = arith.constant 127 : i32
      %and3A_508 = vector.broadcast %and3A_507 : i32 to vector<16xi32>
      %and3A_509 = arith.andi %get3A_503, %and3A_508 : vector<16xi32>
      %gather3A_510 = tpu.vector_load_idx %arg12[%shift_right_arithmetic3A_506, %and3A_509] : memref<160x128xf32, #tpu.memory_space<vmem>>[vector<16xi32>, vector<16xi32>], vector<16xf32>,
      %swap3A_511 = arith.constant 0 : i32
      %swap3A_512 = arith.index_cast %swap3A_511 : i32 to index
      %swap3A_513 = arith.constant 48 : index
      %swap3A_514 = tpu.vector_load %arg13[%swap3A_512, %swap3A_513] {strides = array<i32>} : memref<8x128xf32, #tpu.memory_space<vmem>>, vector<16xf32>,
      tpu.vector_store %arg13[%swap3A_512, %swap3A_513], %gather3A_510 {strides = array<i32>} : memref<8x128xf32, #tpu.memory_space<vmem>>, vector<16xf32>,
      %get3A_515 = arith.constant 1 : i32
      %get3A_516 = arith.index_cast %get3A_515 : i32 to index
      %get3A_517 = arith.constant 0 : index
      %get3A_518 = tpu.vector_load %arg11[%get3A_516, %get3A_517] {strides = array<i32>} : memref<16x64xi32, #tpu.memory_space<vmem>>, vector<16xi32>,
      %shift_right_arithmetic3A_519 = arith.constant 7 : i32
      %shift_right_arithmetic3A_520 = vector.broadcast %shift_right_arithmetic3A_519 : i32 to vector<16xi32>
      %shift_right_arithmetic3A_521 = arith.shrsi %get3A_518, %shift_right_arithmetic3A_520 : vector<16xi32>
      %and3A_522 = arith.constant 127 : i32
      %and3A_523 = vector.broadcast %and3A_522 : i32 to vector<16xi32>
      %and3A_524 = arith.andi %get3A_518, %and3A_523 : vector<16xi32>
      %gather3A_525 = tpu.vector_load_idx %arg12[%shift_right_arithmetic3A_521, %and3A_524] : memref<160x128xf32, #tpu.memory_space<vmem>>[vector<16xi32>, vector<16xi32>], vector<16xf32>,
      %swap3A_526 = arith.constant 0 : i32
      %swap3A_527 = arith.index_cast %swap3A_526 : i32 to index
      %swap3A_528 = arith.constant 64 : index
      %swap3A_529 = tpu.vector_load %arg13[%swap3A_527, %swap3A_528] {strides = array<i32>} : memref<8x128xf32, #tpu.memory_space<vmem>>, vector<16xf32>,
      tpu.vector_store %arg13[%swap3A_527, %swap3A_528], %gather3A_525 {strides = array<i32>} : memref<8x128xf32, #tpu.memory_space<vmem>>, vector<16xf32>,
      %get3A_530 = arith.constant 1 : i32
      %get3A_531 = arith.index_cast %get3A_530 : i32 to index
      %get3A_532 = arith.constant 16 : index
      %get3A_533 = tpu.vector_load %arg11[%get3A_531, %get3A_532] {strides = array<i32>} : memref<16x64xi32, #tpu.memory_space<vmem>>, vector<16xi32>,
      %shift_right_arithmetic3A_534 = arith.constant 7 : i32
      %shift_right_arithmetic3A_535 = vector.broadcast %shift_right_arithmetic3A_534 : i32 to vector<16xi32>
      %shift_right_arithmetic3A_536 = arith.shrsi %get3A_533, %shift_right_arithmetic3A_535 : vector<16xi32>
      %and3A_537 = arith.constant 127 : i32
      %and3A_538 = vector.broadcast %and3A_537 : i32 to vector<16xi32>
      %and3A_539 = arith.andi %get3A_533, %and3A_538 : vector<16xi32>
      %gather3A_540 = tpu.vector_load_idx %arg12[%shift_right_arithmetic3A_536, %and3A_539] : memref<160x128xf32, #tpu.memory_space<vmem>>[vector<16xi32>, vector<16xi32>], vector<16xf32>,
      %swap3A_541 = arith.constant 0 : i32
      %swap3A_542 = arith.index_cast %swap3A_541 : i32 to index
      %swap3A_543 = arith.constant 80 : index
      %swap3A_544 = tpu.vector_load %arg13[%swap3A_542, %swap3A_543] {strides = array<i32>} : memref<8x128xf32, #tpu.memory_space<vmem>>, vector<16xf32>,
      tpu.vector_store %arg13[%swap3A_542, %swap3A_543], %gather3A_540 {strides = array<i32>} : memref<8x128xf32, #tpu.memory_space<vmem>>, vector<16xf32>,
      %get3A_545 = arith.constant 1 : i32
      %get3A_546 = arith.index_cast %get3A_545 : i32 to index
      %get3A_547 = arith.constant 32 : index
      %get3A_548 = tpu.vector_load %arg11[%get3A_546, %get3A_547] {strides = array<i32>} : memref<16x64xi32, #tpu.memory_space<vmem>>, vector<16xi32>,
      %shift_right_arithmetic3A_549 = arith.constant 7 : i32
      %shift_right_arithmetic3A_550 = vector.broadcast %shift_right_arithmetic3A_549 : i32 to vector<16xi32>
      %shift_right_arithmetic3A_551 = arith.shrsi %get3A_548, %shift_right_arithmetic3A_550 : vector<16xi32>
      %and3A_552 = arith.constant 127 : i32
      %and3A_553 = vector.broadcast %and3A_552 : i32 to vector<16xi32>
      %and3A_554 = arith.andi %get3A_548, %and3A_553 : vector<16xi32>
      %gather3A_555 = tpu.vector_load_idx %arg12[%shift_right_arithmetic3A_551, %and3A_554] : memref<160x128xf32, #tpu.memory_space<vmem>>[vector<16xi32>, vector<16xi32>], vector<16xf32>,
      %swap3A_556 = arith.constant 0 : i32
      %swap3A_557 = arith.index_cast %swap3A_556 : i32 to index
      %swap3A_558 = arith.constant 96 : index
      %swap3A_559 = tpu.vector_load %arg13[%swap3A_557, %swap3A_558] {strides = array<i32>} : memref<8x128xf32, #tpu.memory_space<vmem>>, vector<16xf32>,
      tpu.vector_store %arg13[%swap3A_557, %swap3A_558], %gather3A_555 {strides = array<i32>} : memref<8x128xf32, #tpu.memory_space<vmem>>, vector<16xf32>,
      %get3A_560 = arith.constant 1 : i32
      %get3A_561 = arith.index_cast %get3A_560 : i32 to index
      %get3A_562 = arith.constant 48 : index
      %get3A_563 = tpu.vector_load %arg11[%get3A_561, %get3A_562] {strides = array<i32>} : memref<16x64xi32, #tpu.memory_space<vmem>>, vector<16xi32>,
      %shift_right_arithmetic3A_564 = arith.constant 7 : i32
      %shift_right_arithmetic3A_565 = vector.broadcast %shift_right_arithmetic3A_564 : i32 to vector<16xi32>
      %shift_right_arithmetic3A_566 = arith.shrsi %get3A_563, %shift_right_arithmetic3A_565 : vector<16xi32>
      %and3A_567 = arith.constant 127 : i32
      %and3A_568 = vector.broadcast %and3A_567 : i32 to vector<16xi32>
      %and3A_569 = arith.andi %get3A_563, %and3A_568 : vector<16xi32>
      %gather3A_570 = tpu.vector_load_idx %arg12[%shift_right_arithmetic3A_566, %and3A_569] : memref<160x128xf32, #tpu.memory_space<vmem>>[vector<16xi32>, vector<16xi32>], vector<16xf32>,
      %swap3A_571 = arith.constant 0 : i32
      %swap3A_572 = arith.index_cast %swap3A_571 : i32 to index
      %swap3A_573 = arith.constant 112 : index
      %swap3A_574 = tpu.vector_load %arg13[%swap3A_572, %swap3A_573] {strides = array<i32>} : memref<8x128xf32, #tpu.memory_space<vmem>>, vector<16xf32>,
      tpu.vector_store %arg13[%swap3A_572, %swap3A_573], %gather3A_570 {strides = array<i32>} : memref<8x128xf32, #tpu.memory_space<vmem>>, vector<16xf32>,
      %get3A_575 = arith.constant 2 : i32
      %get3A_576 = arith.index_cast %get3A_575 : i32 to index
      %get3A_577 = arith.constant 0 : index
      %get3A_578 = tpu.vector_load %arg11[%get3A_576, %get3A_577] {strides = array<i32>} : memref<16x64xi32, #tpu.memory_space<vmem>>, vector<16xi32>,
      %shift_right_arithmetic3A_579 = arith.constant 7 : i32
      %shift_right_arithmetic3A_580 = vector.broadcast %shift_right_arithmetic3A_579 : i32 to vector<16xi32>
      %shift_right_arithmetic3A_581 = arith.shrsi %get3A_578, %shift_right_arithmetic3A_580 : vector<16xi32>
      %and3A_582 = arith.constant 127 : i32
      %and3A_583 = vector.broadcast %and3A_582 : i32 to vector<16xi32>
      %and3A_584 = arith.andi %get3A_578, %and3A_583 : vector<16xi32>
      %gather3A_585 = tpu.vector_load_idx %arg12[%shift_right_arithmetic3A_581, %and3A_584] : memref<160x128xf32, #tpu.memory_space<vmem>>[vector<16xi32>, vector<16xi32>], vector<16xf32>,
      %swap3A_586 = arith.constant 1 : i32
      %swap3A_587 = arith.index_cast %swap3A_586 : i32 to index
      %swap3A_588 = arith.constant 0 : index
      %swap3A_589 = tpu.vector_load %arg13[%swap3A_587, %swap3A_588] {strides = array<i32>} : memref<8x128xf32, #tpu.memory_space<vmem>>, vector<16xf32>,
      tpu.vector_store %arg13[%swap3A_587, %swap3A_588], %gather3A_585 {strides = array<i32>} : memref<8x128xf32, #tpu.memory_space<vmem>>, vector<16xf32>,
      %get3A_590 = arith.constant 2 : i32
      %get3A_591 = arith.index_cast %get3A_590 : i32 to index
      %get3A_592 = arith.constant 16 : index
      %get3A_593 = tpu.vector_load %arg11[%get3A_591, %get3A_592] {strides = array<i32>} : memref<16x64xi32, #tpu.memory_space<vmem>>, vector<16xi32>,
      %shift_right_arithmetic3A_594 = arith.constant 7 : i32
      %shift_right_arithmetic3A_595 = vector.broadcast %shift_right_arithmetic3A_594 : i32 to vector<16xi32>
      %shift_right_arithmetic3A_596 = arith.shrsi %get3A_593, %shift_right_arithmetic3A_595 : vector<16xi32>
      %and3A_597 = arith.constant 127 : i32
      %and3A_598 = vector.broadcast %and3A_597 : i32 to vector<16xi32>
      %and3A_599 = arith.andi %get3A_593, %and3A_598 : vector<16xi32>
      %gather3A_600 = tpu.vector_load_idx %arg12[%shift_right_arithmetic3A_596, %and3A_599] : memref<160x128xf32, #tpu.memory_space<vmem>>[vector<16xi32>, vector<16xi32>], vector<16xf32>,
      %swap3A_601 = arith.constant 1 : i32
      %swap3A_602 = arith.index_cast %swap3A_601 : i32 to index
      %swap3A_603 = arith.constant 16 : index
      %swap3A_604 = tpu.vector_load %arg13[%swap3A_602, %swap3A_603] {strides = array<i32>} : memref<8x128xf32, #tpu.memory_space<vmem>>, vector<16xf32>,
      tpu.vector_store %arg13[%swap3A_602, %swap3A_603], %gather3A_600 {strides = array<i32>} : memref<8x128xf32, #tpu.memory_space<vmem>>, vector<16xf32>,
      %get3A_605 = arith.constant 2 : i32
      %get3A_606 = arith.index_cast %get3A_605 : i32 to index
      %get3A_607 = arith.constant 32 : index
      %get3A_608 = tpu.vector_load %arg11[%get3A_606, %get3A_607] {strides = array<i32>} : memref<16x64xi32, #tpu.memory_space<vmem>>, vector<16xi32>,
      %shift_right_arithmetic3A_609 = arith.constant 7 : i32
      %shift_right_arithmetic3A_610 = vector.broadcast %shift_right_arithmetic3A_609 : i32 to vector<16xi32>
      %shift_right_arithmetic3A_611 = arith.shrsi %get3A_608, %shift_right_arithmetic3A_610 : vector<16xi32>
      %and3A_612 = arith.constant 127 : i32
      %and3A_613 = vector.broadcast %and3A_612 : i32 to vector<16xi32>
      %and3A_614 = arith.andi %get3A_608, %and3A_613 : vector<16xi32>
      %gather3A_615 = tpu.vector_load_idx %arg12[%shift_right_arithmetic3A_611, %and3A_614] : memref<160x128xf32, #tpu.memory_space<vmem>>[vector<16xi32>, vector<16xi32>], vector<16xf32>,
      %swap3A_616 = arith.constant 1 : i32
      %swap3A_617 = arith.index_cast %swap3A_616 : i32 to index
      %swap3A_618 = arith.constant 32 : index
      %swap3A_619 = tpu.vector_load %arg13[%swap3A_617, %swap3A_618] {strides = array<i32>} : memref<8x128xf32, #tpu.memory_space<vmem>>, vector<16xf32>,
      tpu.vector_store %arg13[%swap3A_617, %swap3A_618], %gather3A_615 {strides = array<i32>} : memref<8x128xf32, #tpu.memory_space<vmem>>, vector<16xf32>,
      %get3A_620 = arith.constant 2 : i32
      %get3A_621 = arith.index_cast %get3A_620 : i32 to index
      %get3A_622 = arith.constant 48 : index
      %get3A_623 = tpu.vector_load %arg11[%get3A_621, %get3A_622] {strides = array<i32>} : memref<16x64xi32, #tpu.memory_space<vmem>>, vector<16xi32>,
      %shift_right_arithmetic3A_624 = arith.constant 7 : i32
      %shift_right_arithmetic3A_625 = vector.broadcast %shift_right_arithmetic3A_624 : i32 to vector<16xi32>
      %shift_right_arithmetic3A_626 = arith.shrsi %get3A_623, %shift_right_arithmetic3A_625 : vector<16xi32>
      %and3A_627 = arith.constant 127 : i32
      %and3A_628 = vector.broadcast %and3A_627 : i32 to vector<16xi32>
      %and3A_629 = arith.andi %get3A_623, %and3A_628 : vector<16xi32>
      %gather3A_630 = tpu.vector_load_idx %arg12[%shift_right_arithmetic3A_626, %and3A_629] : memref<160x128xf32, #tpu.memory_space<vmem>>[vector<16xi32>, vector<16xi32>], vector<16xf32>,
      %swap3A_631 = arith.constant 1 : i32
      %swap3A_632 = arith.index_cast %swap3A_631 : i32 to index
      %swap3A_633 = arith.constant 48 : index
      %swap3A_634 = tpu.vector_load %arg13[%swap3A_632, %swap3A_633] {strides = array<i32>} : memref<8x128xf32, #tpu.memory_space<vmem>>, vector<16xf32>,
      tpu.vector_store %arg13[%swap3A_632, %swap3A_633], %gather3A_630 {strides = array<i32>} : memref<8x128xf32, #tpu.memory_space<vmem>>, vector<16xf32>,
      %get3A_635 = arith.constant 3 : i32
      %get3A_636 = arith.index_cast %get3A_635 : i32 to index
      %get3A_637 = arith.constant 0 : index
      %get3A_638 = tpu.vector_load %arg11[%get3A_636, %get3A_637] {strides = array<i32>} : memref<16x64xi32, #tpu.memory_space<vmem>>, vector<16xi32>,
      %shift_right_arithmetic3A_639 = arith.constant 7 : i32
      %shift_right_arithmetic3A_640 = vector.broadcast %shift_right_arithmetic3A_639 : i32 to vector<16xi32>
      %shift_right_arithmetic3A_641 = arith.shrsi %get3A_638, %shift_right_arithmetic3A_640 : vector<16xi32>
      %and3A_642 = arith.constant 127 : i32
      %and3A_643 = vector.broadcast %and3A_642 : i32 to vector<16xi32>
      %and3A_644 = arith.andi %get3A_638, %and3A_643 : vector<16xi32>
      %gather3A_645 = tpu.vector_load_idx %arg12[%shift_right_arithmetic3A_641, %and3A_644] : memref<160x128xf32, #tpu.memory_space<vmem>>[vector<16xi32>, vector<16xi32>], vector<16xf32>,
      %swap3A_646 = arith.constant 1 : i32
      %swap3A_647 = arith.index_cast %swap3A_646 : i32 to index
      %swap3A_648 = arith.constant 64 : index
      %swap3A_649 = tpu.vector_load %arg13[%swap3A_647, %swap3A_648] {strides = array<i32>} : memref<8x128xf32, #tpu.memory_space<vmem>>, vector<16xf32>,
      tpu.vector_store %arg13[%swap3A_647, %swap3A_648], %gather3A_645 {strides = array<i32>} : memref<8x128xf32, #tpu.memory_space<vmem>>, vector<16xf32>,
      %get3A_650 = arith.constant 3 : i32
      %get3A_651 = arith.index_cast %get3A_650 : i32 to index
      %get3A_652 = arith.constant 16 : index
      %get3A_653 = tpu.vector_load %arg11[%get3A_651, %get3A_652] {strides = array<i32>} : memref<16x64xi32, #tpu.memory_space<vmem>>, vector<16xi32>,
      %shift_right_arithmetic3A_654 = arith.constant 7 : i32
      %shift_right_arithmetic3A_655 = vector.broadcast %shift_right_arithmetic3A_654 : i32 to vector<16xi32>
      %shift_right_arithmetic3A_656 = arith.shrsi %get3A_653, %shift_right_arithmetic3A_655 : vector<16xi32>
      %and3A_657 = arith.constant 127 : i32
      %and3A_658 = vector.broadcast %and3A_657 : i32 to vector<16xi32>
      %and3A_659 = arith.andi %get3A_653, %and3A_658 : vector<16xi32>
      %gather3A_660 = tpu.vector_load_idx %arg12[%shift_right_arithmetic3A_656, %and3A_659] : memref<160x128xf32, #tpu.memory_space<vmem>>[vector<16xi32>, vector<16xi32>], vector<16xf32>,
      %swap3A_661 = arith.constant 1 : i32
      %swap3A_662 = arith.index_cast %swap3A_661 : i32 to index
      %swap3A_663 = arith.constant 80 : index
      %swap3A_664 = tpu.vector_load %arg13[%swap3A_662, %swap3A_663] {strides = array<i32>} : memref<8x128xf32, #tpu.memory_space<vmem>>, vector<16xf32>,
      tpu.vector_store %arg13[%swap3A_662, %swap3A_663], %gather3A_660 {strides = array<i32>} : memref<8x128xf32, #tpu.memory_space<vmem>>, vector<16xf32>,
      %get3A_665 = arith.constant 3 : i32
      %get3A_666 = arith.index_cast %get3A_665 : i32 to index
      %get3A_667 = arith.constant 32 : index
      %get3A_668 = tpu.vector_load %arg11[%get3A_666, %get3A_667] {strides = array<i32>} : memref<16x64xi32, #tpu.memory_space<vmem>>, vector<16xi32>,
      %shift_right_arithmetic3A_669 = arith.constant 7 : i32
      %shift_right_arithmetic3A_670 = vector.broadcast %shift_right_arithmetic3A_669 : i32 to vector<16xi32>
      %shift_right_arithmetic3A_671 = arith.shrsi %get3A_668, %shift_right_arithmetic3A_670 : vector<16xi32>
      %and3A_672 = arith.constant 127 : i32
      %and3A_673 = vector.broadcast %and3A_672 : i32 to vector<16xi32>
      %and3A_674 = arith.andi %get3A_668, %and3A_673 : vector<16xi32>
      %gather3A_675 = tpu.vector_load_idx %arg12[%shift_right_arithmetic3A_671, %and3A_674] : memref<160x128xf32, #tpu.memory_space<vmem>>[vector<16xi32>, vector<16xi32>], vector<16xf32>,
      %swap3A_676 = arith.constant 1 : i32
      %swap3A_677 = arith.index_cast %swap3A_676 : i32 to index
      %swap3A_678 = arith.constant 96 : index
      %swap3A_679 = tpu.vector_load %arg13[%swap3A_677, %swap3A_678] {strides = array<i32>} : memref<8x128xf32, #tpu.memory_space<vmem>>, vector<16xf32>,
      tpu.vector_store %arg13[%swap3A_677, %swap3A_678], %gather3A_675 {strides = array<i32>} : memref<8x128xf32, #tpu.memory_space<vmem>>, vector<16xf32>,
      %get3A_680 = arith.constant 3 : i32
      %get3A_681 = arith.index_cast %get3A_680 : i32 to index
      %get3A_682 = arith.constant 48 : index
      %get3A_683 = tpu.vector_load %arg11[%get3A_681, %get3A_682] {strides = array<i32>} : memref<16x64xi32, #tpu.memory_space<vmem>>, vector<16xi32>,
      %shift_right_arithmetic3A_684 = arith.constant 7 : i32
      %shift_right_arithmetic3A_685 = vector.broadcast %shift_right_arithmetic3A_684 : i32 to vector<16xi32>
      %shift_right_arithmetic3A_686 = arith.shrsi %get3A_683, %shift_right_arithmetic3A_685 : vector<16xi32>
      %and3A_687 = arith.constant 127 : i32
      %and3A_688 = vector.broadcast %and3A_687 : i32 to vector<16xi32>
      %and3A_689 = arith.andi %get3A_683, %and3A_688 : vector<16xi32>
      %gather3A_690 = tpu.vector_load_idx %arg12[%shift_right_arithmetic3A_686, %and3A_689] : memref<160x128xf32, #tpu.memory_space<vmem>>[vector<16xi32>, vector<16xi32>], vector<16xf32>,
      %swap3A_691 = arith.constant 1 : i32
      %swap3A_692 = arith.index_cast %swap3A_691 : i32 to index
      %swap3A_693 = arith.constant 112 : index
      %swap3A_694 = tpu.vector_load %arg13[%swap3A_692, %swap3A_693] {strides = array<i32>} : memref<8x128xf32, #tpu.memory_space<vmem>>, vector<16xf32>,
      tpu.vector_store %arg13[%swap3A_692, %swap3A_693], %gather3A_690 {strides = array<i32>} : memref<8x128xf32, #tpu.memory_space<vmem>>, vector<16xf32>,
      %get3A_695 = arith.constant 4 : i32
      %get3A_696 = arith.index_cast %get3A_695 : i32 to index
      %get3A_697 = arith.constant 0 : index
      %get3A_698 = tpu.vector_load %arg11[%get3A_696, %get3A_697] {strides = array<i32>} : memref<16x64xi32, #tpu.memory_space<vmem>>, vector<16xi32>,
      %shift_right_arithmetic3A_699 = arith.constant 7 : i32
      %shift_right_arithmetic3A_700 = vector.broadcast %shift_right_arithmetic3A_699 : i32 to vector<16xi32>
      %shift_right_arithmetic3A_701 = arith.shrsi %get3A_698, %shift_right_arithmetic3A_700 : vector<16xi32>
      %and3A_702 = arith.constant 127 : i32
      %and3A_703 = vector.broadcast %and3A_702 : i32 to vector<16xi32>
      %and3A_704 = arith.andi %get3A_698, %and3A_703 : vector<16xi32>
      %gather3A_705 = tpu.vector_load_idx %arg12[%shift_right_arithmetic3A_701, %and3A_704] : memref<160x128xf32, #tpu.memory_space<vmem>>[vector<16xi32>, vector<16xi32>], vector<16xf32>,
      %swap3A_706 = arith.constant 2 : i32
      %swap3A_707 = arith.index_cast %swap3A_706 : i32 to index
      %swap3A_708 = arith.constant 0 : index
      %swap3A_709 = tpu.vector_load %arg13[%swap3A_707, %swap3A_708] {strides = array<i32>} : memref<8x128xf32, #tpu.memory_space<vmem>>, vector<16xf32>,
      tpu.vector_store %arg13[%swap3A_707, %swap3A_708], %gather3A_705 {strides = array<i32>} : memref<8x128xf32, #tpu.memory_space<vmem>>, vector<16xf32>,
      %get3A_710 = arith.constant 4 : i32
      %get3A_711 = arith.index_cast %get3A_710 : i32 to index
      %get3A_712 = arith.constant 16 : index
      %get3A_713 = tpu.vector_load %arg11[%get3A_711, %get3A_712] {strides = array<i32>} : memref<16x64xi32, #tpu.memory_space<vmem>>, vector<16xi32>,
      %shift_right_arithmetic3A_714 = arith.constant 7 : i32
      %shift_right_arithmetic3A_715 = vector.broadcast %shift_right_arithmetic3A_714 : i32 to vector<16xi32>
      %shift_right_arithmetic3A_716 = arith.shrsi %get3A_713, %shift_right_arithmetic3A_715 : vector<16xi32>
      %and3A_717 = arith.constant 127 : i32
      %and3A_718 = vector.broadcast %and3A_717 : i32 to vector<16xi32>
      %and3A_719 = arith.andi %get3A_713, %and3A_718 : vector<16xi32>
      %gather3A_720 = tpu.vector_load_idx %arg12[%shift_right_arithmetic3A_716, %and3A_719] : memref<160x128xf32, #tpu.memory_space<vmem>>[vector<16xi32>, vector<16xi32>], vector<16xf32>,
      %swap3A_721 = arith.constant 2 : i32
      %swap3A_722 = arith.index_cast %swap3A_721 : i32 to index
      %swap3A_723 = arith.constant 16 : index
      %swap3A_724 = tpu.vector_load %arg13[%swap3A_722, %swap3A_723] {strides = array<i32>} : memref<8x128xf32, #tpu.memory_space<vmem>>, vector<16xf32>,
      tpu.vector_store %arg13[%swap3A_722, %swap3A_723], %gather3A_720 {strides = array<i32>} : memref<8x128xf32, #tpu.memory_space<vmem>>, vector<16xf32>,
      %get3A_725 = arith.constant 4 : i32
      %get3A_726 = arith.index_cast %get3A_725 : i32 to index
      %get3A_727 = arith.constant 32 : index
      %get3A_728 = tpu.vector_load %arg11[%get3A_726, %get3A_727] {strides = array<i32>} : memref<16x64xi32, #tpu.memory_space<vmem>>, vector<16xi32>,
      %shift_right_arithmetic3A_729 = arith.constant 7 : i32
      %shift_right_arithmetic3A_730 = vector.broadcast %shift_right_arithmetic3A_729 : i32 to vector<16xi32>
      %shift_right_arithmetic3A_731 = arith.shrsi %get3A_728, %shift_right_arithmetic3A_730 : vector<16xi32>
      %and3A_732 = arith.constant 127 : i32
      %and3A_733 = vector.broadcast %and3A_732 : i32 to vector<16xi32>
      %and3A_734 = arith.andi %get3A_728, %and3A_733 : vector<16xi32>
      %gather3A_735 = tpu.vector_load_idx %arg12[%shift_right_arithmetic3A_731, %and3A_734] : memref<160x128xf32, #tpu.memory_space<vmem>>[vector<16xi32>, vector<16xi32>], vector<16xf32>,
      %swap3A_736 = arith.constant 2 : i32
      %swap3A_737 = arith.index_cast %swap3A_736 : i32 to index
      %swap3A_738 = arith.constant 32 : index
      %swap3A_739 = tpu.vector_load %arg13[%swap3A_737, %swap3A_738] {strides = array<i32>} : memref<8x128xf32, #tpu.memory_space<vmem>>, vector<16xf32>,
      tpu.vector_store %arg13[%swap3A_737, %swap3A_738], %gather3A_735 {strides = array<i32>} : memref<8x128xf32, #tpu.memory_space<vmem>>, vector<16xf32>,
      %get3A_740 = arith.constant 4 : i32
      %get3A_741 = arith.index_cast %get3A_740 : i32 to index
      %get3A_742 = arith.constant 48 : index
      %get3A_743 = tpu.vector_load %arg11[%get3A_741, %get3A_742] {strides = array<i32>} : memref<16x64xi32, #tpu.memory_space<vmem>>, vector<16xi32>,
      %shift_right_arithmetic3A_744 = arith.constant 7 : i32
      %shift_right_arithmetic3A_745 = vector.broadcast %shift_right_arithmetic3A_744 : i32 to vector<16xi32>
      %shift_right_arithmetic3A_746 = arith.shrsi %get3A_743, %shift_right_arithmetic3A_745 : vector<16xi32>
      %and3A_747 = arith.constant 127 : i32
      %and3A_748 = vector.broadcast %and3A_747 : i32 to vector<16xi32>
      %and3A_749 = arith.andi %get3A_743, %and3A_748 : vector<16xi32>
      %gather3A_750 = tpu.vector_load_idx %arg12[%shift_right_arithmetic3A_746, %and3A_749] : memref<160x128xf32, #tpu.memory_space<vmem>>[vector<16xi32>, vector<16xi32>], vector<16xf32>,
      %swap3A_751 = arith.constant 2 : i32
      %swap3A_752 = arith.index_cast %swap3A_751 : i32 to index
      %swap3A_753 = arith.constant 48 : index
      %swap3A_754 = tpu.vector_load %arg13[%swap3A_752, %swap3A_753] {strides = array<i32>} : memref<8x128xf32, #tpu.memory_space<vmem>>, vector<16xf32>,
      tpu.vector_store %arg13[%swap3A_752, %swap3A_753], %gather3A_750 {strides = array<i32>} : memref<8x128xf32, #tpu.memory_space<vmem>>, vector<16xf32>,
      %get3A_755 = arith.constant 5 : i32
      %get3A_756 = arith.index_cast %get3A_755 : i32 to index
      %get3A_757 = arith.constant 0 : index
      %get3A_758 = tpu.vector_load %arg11[%get3A_756, %get3A_757] {strides = array<i32>} : memref<16x64xi32, #tpu.memory_space<vmem>>, vector<16xi32>,
      %shift_right_arithmetic3A_759 = arith.constant 7 : i32
      %shift_right_arithmetic3A_760 = vector.broadcast %shift_right_arithmetic3A_759 : i32 to vector<16xi32>
      %shift_right_arithmetic3A_761 = arith.shrsi %get3A_758, %shift_right_arithmetic3A_760 : vector<16xi32>
      %and3A_762 = arith.constant 127 : i32
      %and3A_763 = vector.broadcast %and3A_762 : i32 to vector<16xi32>
      %and3A_764 = arith.andi %get3A_758, %and3A_763 : vector<16xi32>
      %gather3A_765 = tpu.vector_load_idx %arg12[%shift_right_arithmetic3A_761, %and3A_764] : memref<160x128xf32, #tpu.memory_space<vmem>>[vector<16xi32>, vector<16xi32>], vector<16xf32>,
      %swap3A_766 = arith.constant 2 : i32
      %swap3A_767 = arith.index_cast %swap3A_766 : i32 to index
      %swap3A_768 = arith.constant 64 : index
      %swap3A_769 = tpu.vector_load %arg13[%swap3A_767, %swap3A_768] {strides = array<i32>} : memref<8x128xf32, #tpu.memory_space<vmem>>, vector<16xf32>,
      tpu.vector_store %arg13[%swap3A_767, %swap3A_768], %gather3A_765 {strides = array<i32>} : memref<8x128xf32, #tpu.memory_space<vmem>>, vector<16xf32>,
      %get3A_770 = arith.constant 5 : i32
      %get3A_771 = arith.index_cast %get3A_770 : i32 to index
      %get3A_772 = arith.constant 16 : index
      %get3A_773 = tpu.vector_load %arg11[%get3A_771, %get3A_772] {strides = array<i32>} : memref<16x64xi32, #tpu.memory_space<vmem>>, vector<16xi32>,
      %shift_right_arithmetic3A_774 = arith.constant 7 : i32
      %shift_right_arithmetic3A_775 = vector.broadcast %shift_right_arithmetic3A_774 : i32 to vector<16xi32>
      %shift_right_arithmetic3A_776 = arith.shrsi %get3A_773, %shift_right_arithmetic3A_775 : vector<16xi32>
      %and3A_777 = arith.constant 127 : i32
      %and3A_778 = vector.broadcast %and3A_777 : i32 to vector<16xi32>
      %and3A_779 = arith.andi %get3A_773, %and3A_778 : vector<16xi32>
      %gather3A_780 = tpu.vector_load_idx %arg12[%shift_right_arithmetic3A_776, %and3A_779] : memref<160x128xf32, #tpu.memory_space<vmem>>[vector<16xi32>, vector<16xi32>], vector<16xf32>,
      %swap3A_781 = arith.constant 2 : i32
      %swap3A_782 = arith.index_cast %swap3A_781 : i32 to index
      %swap3A_783 = arith.constant 80 : index
      %swap3A_784 = tpu.vector_load %arg13[%swap3A_782, %swap3A_783] {strides = array<i32>} : memref<8x128xf32, #tpu.memory_space<vmem>>, vector<16xf32>,
      tpu.vector_store %arg13[%swap3A_782, %swap3A_783], %gather3A_780 {strides = array<i32>} : memref<8x128xf32, #tpu.memory_space<vmem>>, vector<16xf32>,
      %get3A_785 = arith.constant 5 : i32
      %get3A_786 = arith.index_cast %get3A_785 : i32 to index
      %get3A_787 = arith.constant 32 : index
      %get3A_788 = tpu.vector_load %arg11[%get3A_786, %get3A_787] {strides = array<i32>} : memref<16x64xi32, #tpu.memory_space<vmem>>, vector<16xi32>,
      %shift_right_arithmetic3A_789 = arith.constant 7 : i32
      %shift_right_arithmetic3A_790 = vector.broadcast %shift_right_arithmetic3A_789 : i32 to vector<16xi32>
      %shift_right_arithmetic3A_791 = arith.shrsi %get3A_788, %shift_right_arithmetic3A_790 : vector<16xi32>
      %and3A_792 = arith.constant 127 : i32
      %and3A_793 = vector.broadcast %and3A_792 : i32 to vector<16xi32>
      %and3A_794 = arith.andi %get3A_788, %and3A_793 : vector<16xi32>
      %gather3A_795 = tpu.vector_load_idx %arg12[%shift_right_arithmetic3A_791, %and3A_794] : memref<160x128xf32, #tpu.memory_space<vmem>>[vector<16xi32>, vector<16xi32>], vector<16xf32>,
      %swap3A_796 = arith.constant 2 : i32
      %swap3A_797 = arith.index_cast %swap3A_796 : i32 to index
      %swap3A_798 = arith.constant 96 : index
      %swap3A_799 = tpu.vector_load %arg13[%swap3A_797, %swap3A_798] {strides = array<i32>} : memref<8x128xf32, #tpu.memory_space<vmem>>, vector<16xf32>,
      tpu.vector_store %arg13[%swap3A_797, %swap3A_798], %gather3A_795 {strides = array<i32>} : memref<8x128xf32, #tpu.memory_space<vmem>>, vector<16xf32>,
      %get3A_800 = arith.constant 5 : i32
      %get3A_801 = arith.index_cast %get3A_800 : i32 to index
      %get3A_802 = arith.constant 48 : index
      %get3A_803 = tpu.vector_load %arg11[%get3A_801, %get3A_802] {strides = array<i32>} : memref<16x64xi32, #tpu.memory_space<vmem>>, vector<16xi32>,
      %shift_right_arithmetic3A_804 = arith.constant 7 : i32
      %shift_right_arithmetic3A_805 = vector.broadcast %shift_right_arithmetic3A_804 : i32 to vector<16xi32>
      %shift_right_arithmetic3A_806 = arith.shrsi %get3A_803, %shift_right_arithmetic3A_805 : vector<16xi32>
      %and3A_807 = arith.constant 127 : i32
      %and3A_808 = vector.broadcast %and3A_807 : i32 to vector<16xi32>
      %and3A_809 = arith.andi %get3A_803, %and3A_808 : vector<16xi32>
      %gather3A_810 = tpu.vector_load_idx %arg12[%shift_right_arithmetic3A_806, %and3A_809] : memref<160x128xf32, #tpu.memory_space<vmem>>[vector<16xi32>, vector<16xi32>], vector<16xf32>,
      %swap3A_811 = arith.constant 2 : i32
      %swap3A_812 = arith.index_cast %swap3A_811 : i32 to index
      %swap3A_813 = arith.constant 112 : index
      %swap3A_814 = tpu.vector_load %arg13[%swap3A_812, %swap3A_813] {strides = array<i32>} : memref<8x128xf32, #tpu.memory_space<vmem>>, vector<16xf32>,
      tpu.vector_store %arg13[%swap3A_812, %swap3A_813], %gather3A_810 {strides = array<i32>} : memref<8x128xf32, #tpu.memory_space<vmem>>, vector<16xf32>,
      %get3A_815 = arith.constant 6 : i32
      %get3A_816 = arith.index_cast %get3A_815 : i32 to index
      %get3A_817 = arith.constant 0 : index
      %get3A_818 = tpu.vector_load %arg11[%get3A_816, %get3A_817] {strides = array<i32>} : memref<16x64xi32, #tpu.memory_space<vmem>>, vector<16xi32>,
      %shift_right_arithmetic3A_819 = arith.constant 7 : i32
      %shift_right_arithmetic3A_820 = vector.broadcast %shift_right_arithmetic3A_819 : i32 to vector<16xi32>
      %shift_right_arithmetic3A_821 = arith.shrsi %get3A_818, %shift_right_arithmetic3A_820 : vector<16xi32>
      %and3A_822 = arith.constant 127 : i32
      %and3A_823 = vector.broadcast %and3A_822 : i32 to vector<16xi32>
      %and3A_824 = arith.andi %get3A_818, %and3A_823 : vector<16xi32>
      %gather3A_825 = tpu.vector_load_idx %arg12[%shift_right_arithmetic3A_821, %and3A_824] : memref<160x128xf32, #tpu.memory_space<vmem>>[vector<16xi32>, vector<16xi32>], vector<16xf32>,
      %swap3A_826 = arith.constant 3 : i32
      %swap3A_827 = arith.index_cast %swap3A_826 : i32 to index
      %swap3A_828 = arith.constant 0 : index
      %swap3A_829 = tpu.vector_load %arg13[%swap3A_827, %swap3A_828] {strides = array<i32>} : memref<8x128xf32, #tpu.memory_space<vmem>>, vector<16xf32>,
      tpu.vector_store %arg13[%swap3A_827, %swap3A_828], %gather3A_825 {strides = array<i32>} : memref<8x128xf32, #tpu.memory_space<vmem>>, vector<16xf32>,
      %get3A_830 = arith.constant 6 : i32
      %get3A_831 = arith.index_cast %get3A_830 : i32 to index
      %get3A_832 = arith.constant 16 : index
      %get3A_833 = tpu.vector_load %arg11[%get3A_831, %get3A_832] {strides = array<i32>} : memref<16x64xi32, #tpu.memory_space<vmem>>, vector<16xi32>,
      %shift_right_arithmetic3A_834 = arith.constant 7 : i32
      %shift_right_arithmetic3A_835 = vector.broadcast %shift_right_arithmetic3A_834 : i32 to vector<16xi32>
      %shift_right_arithmetic3A_836 = arith.shrsi %get3A_833, %shift_right_arithmetic3A_835 : vector<16xi32>
      %and3A_837 = arith.constant 127 : i32
      %and3A_838 = vector.broadcast %and3A_837 : i32 to vector<16xi32>
      %and3A_839 = arith.andi %get3A_833, %and3A_838 : vector<16xi32>
      %gather3A_840 = tpu.vector_load_idx %arg12[%shift_right_arithmetic3A_836, %and3A_839] : memref<160x128xf32, #tpu.memory_space<vmem>>[vector<16xi32>, vector<16xi32>], vector<16xf32>,
      %swap3A_841 = arith.constant 3 : i32
      %swap3A_842 = arith.index_cast %swap3A_841 : i32 to index
      %swap3A_843 = arith.constant 16 : index
      %swap3A_844 = tpu.vector_load %arg13[%swap3A_842, %swap3A_843] {strides = array<i32>} : memref<8x128xf32, #tpu.memory_space<vmem>>, vector<16xf32>,
      tpu.vector_store %arg13[%swap3A_842, %swap3A_843], %gather3A_840 {strides = array<i32>} : memref<8x128xf32, #tpu.memory_space<vmem>>, vector<16xf32>,
      %get3A_845 = arith.constant 6 : i32
      %get3A_846 = arith.index_cast %get3A_845 : i32 to index
      %get3A_847 = arith.constant 32 : index
      %get3A_848 = tpu.vector_load %arg11[%get3A_846, %get3A_847] {strides = array<i32>} : memref<16x64xi32, #tpu.memory_space<vmem>>, vector<16xi32>,
      %shift_right_arithmetic3A_849 = arith.constant 7 : i32
      %shift_right_arithmetic3A_850 = vector.broadcast %shift_right_arithmetic3A_849 : i32 to vector<16xi32>
      %shift_right_arithmetic3A_851 = arith.shrsi %get3A_848, %shift_right_arithmetic3A_850 : vector<16xi32>
      %and3A_852 = arith.constant 127 : i32
      %and3A_853 = vector.broadcast %and3A_852 : i32 to vector<16xi32>
      %and3A_854 = arith.andi %get3A_848, %and3A_853 : vector<16xi32>
      %gather3A_855 = tpu.vector_load_idx %arg12[%shift_right_arithmetic3A_851, %and3A_854] : memref<160x128xf32, #tpu.memory_space<vmem>>[vector<16xi32>, vector<16xi32>], vector<16xf32>,
      %swap3A_856 = arith.constant 3 : i32
      %swap3A_857 = arith.index_cast %swap3A_856 : i32 to index
      %swap3A_858 = arith.constant 32 : index
      %swap3A_859 = tpu.vector_load %arg13[%swap3A_857, %swap3A_858] {strides = array<i32>} : memref<8x128xf32, #tpu.memory_space<vmem>>, vector<16xf32>,
      tpu.vector_store %arg13[%swap3A_857, %swap3A_858], %gather3A_855 {strides = array<i32>} : memref<8x128xf32, #tpu.memory_space<vmem>>, vector<16xf32>,
      %get3A_860 = arith.constant 6 : i32
      %get3A_861 = arith.index_cast %get3A_860 : i32 to index
      %get3A_862 = arith.constant 48 : index
      %get3A_863 = tpu.vector_load %arg11[%get3A_861, %get3A_862] {strides = array<i32>} : memref<16x64xi32, #tpu.memory_space<vmem>>, vector<16xi32>,
      %shift_right_arithmetic3A_864 = arith.constant 7 : i32
      %shift_right_arithmetic3A_865 = vector.broadcast %shift_right_arithmetic3A_864 : i32 to vector<16xi32>
      %shift_right_arithmetic3A_866 = arith.shrsi %get3A_863, %shift_right_arithmetic3A_865 : vector<16xi32>
      %and3A_867 = arith.constant 127 : i32
      %and3A_868 = vector.broadcast %and3A_867 : i32 to vector<16xi32>
      %and3A_869 = arith.andi %get3A_863, %and3A_868 : vector<16xi32>
      %gather3A_870 = tpu.vector_load_idx %arg12[%shift_right_arithmetic3A_866, %and3A_869] : memref<160x128xf32, #tpu.memory_space<vmem>>[vector<16xi32>, vector<16xi32>], vector<16xf32>,
      %swap3A_871 = arith.constant 3 : i32
      %swap3A_872 = arith.index_cast %swap3A_871 : i32 to index
      %swap3A_873 = arith.constant 48 : index
      %swap3A_874 = tpu.vector_load %arg13[%swap3A_872, %swap3A_873] {strides = array<i32>} : memref<8x128xf32, #tpu.memory_space<vmem>>, vector<16xf32>,
      tpu.vector_store %arg13[%swap3A_872, %swap3A_873], %gather3A_870 {strides = array<i32>} : memref<8x128xf32, #tpu.memory_space<vmem>>, vector<16xf32>,
      %get3A_875 = arith.constant 7 : i32
      %get3A_876 = arith.index_cast %get3A_875 : i32 to index
      %get3A_877 = arith.constant 0 : index
      %get3A_878 = tpu.vector_load %arg11[%get3A_876, %get3A_877] {strides = array<i32>} : memref<16x64xi32, #tpu.memory_space<vmem>>, vector<16xi32>,
      %shift_right_arithmetic3A_879 = arith.constant 7 : i32
      %shift_right_arithmetic3A_880 = vector.broadcast %shift_right_arithmetic3A_879 : i32 to vector<16xi32>
      %shift_right_arithmetic3A_881 = arith.shrsi %get3A_878, %shift_right_arithmetic3A_880 : vector<16xi32>
      %and3A_882 = arith.constant 127 : i32
      %and3A_883 = vector.broadcast %and3A_882 : i32 to vector<16xi32>
      %and3A_884 = arith.andi %get3A_878, %and3A_883 : vector<16xi32>
      %gather3A_885 = tpu.vector_load_idx %arg12[%shift_right_arithmetic3A_881, %and3A_884] : memref<160x128xf32, #tpu.memory_space<vmem>>[vector<16xi32>, vector<16xi32>], vector<16xf32>,
      %swap3A_886 = arith.constant 3 : i32
      %swap3A_887 = arith.index_cast %swap3A_886 : i32 to index
      %swap3A_888 = arith.constant 64 : index
      %swap3A_889 = tpu.vector_load %arg13[%swap3A_887, %swap3A_888] {strides = array<i32>} : memref<8x128xf32, #tpu.memory_space<vmem>>, vector<16xf32>,
      tpu.vector_store %arg13[%swap3A_887, %swap3A_888], %gather3A_885 {strides = array<i32>} : memref<8x128xf32, #tpu.memory_space<vmem>>, vector<16xf32>,
      %get3A_890 = arith.constant 7 : i32
      %get3A_891 = arith.index_cast %get3A_890 : i32 to index
      %get3A_892 = arith.constant 16 : index
      %get3A_893 = tpu.vector_load %arg11[%get3A_891, %get3A_892] {strides = array<i32>} : memref<16x64xi32, #tpu.memory_space<vmem>>, vector<16xi32>,
      %shift_right_arithmetic3A_894 = arith.constant 7 : i32
      %shift_right_arithmetic3A_895 = vector.broadcast %shift_right_arithmetic3A_894 : i32 to vector<16xi32>
      %shift_right_arithmetic3A_896 = arith.shrsi %get3A_893, %shift_right_arithmetic3A_895 : vector<16xi32>
      %and3A_897 = arith.constant 127 : i32
      %and3A_898 = vector.broadcast %and3A_897 : i32 to vector<16xi32>
      %and3A_899 = arith.andi %get3A_893, %and3A_898 : vector<16xi32>
      %gather3A_900 = tpu.vector_load_idx %arg12[%shift_right_arithmetic3A_896, %and3A_899] : memref<160x128xf32, #tpu.memory_space<vmem>>[vector<16xi32>, vector<16xi32>], vector<16xf32>,
      %swap3A_901 = arith.constant 3 : i32
      %swap3A_902 = arith.index_cast %swap3A_901 : i32 to index
      %swap3A_903 = arith.constant 80 : index
      %swap3A_904 = tpu.vector_load %arg13[%swap3A_902, %swap3A_903] {strides = array<i32>} : memref<8x128xf32, #tpu.memory_space<vmem>>, vector<16xf32>,
      tpu.vector_store %arg13[%swap3A_902, %swap3A_903], %gather3A_900 {strides = array<i32>} : memref<8x128xf32, #tpu.memory_space<vmem>>, vector<16xf32>,
      %get3A_905 = arith.constant 7 : i32
      %get3A_906 = arith.index_cast %get3A_905 : i32 to index
      %get3A_907 = arith.constant 32 : index
      %get3A_908 = tpu.vector_load %arg11[%get3A_906, %get3A_907] {strides = array<i32>} : memref<16x64xi32, #tpu.memory_space<vmem>>, vector<16xi32>,
      %shift_right_arithmetic3A_909 = arith.constant 7 : i32
      %shift_right_arithmetic3A_910 = vector.broadcast %shift_right_arithmetic3A_909 : i32 to vector<16xi32>
      %shift_right_arithmetic3A_911 = arith.shrsi %get3A_908, %shift_right_arithmetic3A_910 : vector<16xi32>
      %and3A_912 = arith.constant 127 : i32
      %and3A_913 = vector.broadcast %and3A_912 : i32 to vector<16xi32>
      %and3A_914 = arith.andi %get3A_908, %and3A_913 : vector<16xi32>
      %gather3A_915 = tpu.vector_load_idx %arg12[%shift_right_arithmetic3A_911, %and3A_914] : memref<160x128xf32, #tpu.memory_space<vmem>>[vector<16xi32>, vector<16xi32>], vector<16xf32>,
      %swap3A_916 = arith.constant 3 : i32
      %swap3A_917 = arith.index_cast %swap3A_916 : i32 to index
      %swap3A_918 = arith.constant 96 : index
      %swap3A_919 = tpu.vector_load %arg13[%swap3A_917, %swap3A_918] {strides = array<i32>} : memref<8x128xf32, #tpu.memory_space<vmem>>, vector<16xf32>,
      tpu.vector_store %arg13[%swap3A_917, %swap3A_918], %gather3A_915 {strides = array<i32>} : memref<8x128xf32, #tpu.memory_space<vmem>>, vector<16xf32>,
      %get3A_920 = arith.constant 7 : i32
      %get3A_921 = arith.index_cast %get3A_920 : i32 to index
      %get3A_922 = arith.constant 48 : index
      %get3A_923 = tpu.vector_load %arg11[%get3A_921, %get3A_922] {strides = array<i32>} : memref<16x64xi32, #tpu.memory_space<vmem>>, vector<16xi32>,
      %shift_right_arithmetic3A_924 = arith.constant 7 : i32
      %shift_right_arithmetic3A_925 = vector.broadcast %shift_right_arithmetic3A_924 : i32 to vector<16xi32>
      %shift_right_arithmetic3A_926 = arith.shrsi %get3A_923, %shift_right_arithmetic3A_925 : vector<16xi32>
      %and3A_927 = arith.constant 127 : i32
      %and3A_928 = vector.broadcast %and3A_927 : i32 to vector<16xi32>
      %and3A_929 = arith.andi %get3A_923, %and3A_928 : vector<16xi32>
      %gather3A_930 = tpu.vector_load_idx %arg12[%shift_right_arithmetic3A_926, %and3A_929] : memref<160x128xf32, #tpu.memory_space<vmem>>[vector<16xi32>, vector<16xi32>], vector<16xf32>,
      %swap3A_931 = arith.constant 3 : i32
      %swap3A_932 = arith.index_cast %swap3A_931 : i32 to index
      %swap3A_933 = arith.constant 112 : index
      %swap3A_934 = tpu.vector_load %arg13[%swap3A_932, %swap3A_933] {strides = array<i32>} : memref<8x128xf32, #tpu.memory_space<vmem>>, vector<16xf32>,
      tpu.vector_store %arg13[%swap3A_932, %swap3A_933], %gather3A_930 {strides = array<i32>} : memref<8x128xf32, #tpu.memory_space<vmem>>, vector<16xf32>,
      %get3A_935 = arith.constant 8 : i32
      %get3A_936 = arith.index_cast %get3A_935 : i32 to index
      %get3A_937 = arith.constant 0 : index
      %get3A_938 = tpu.vector_load %arg11[%get3A_936, %get3A_937] {strides = array<i32>} : memref<16x64xi32, #tpu.memory_space<vmem>>, vector<16xi32>,
      %shift_right_arithmetic3A_939 = arith.constant 7 : i32
      %shift_right_arithmetic3A_940 = vector.broadcast %shift_right_arithmetic3A_939 : i32 to vector<16xi32>
      %shift_right_arithmetic3A_941 = arith.shrsi %get3A_938, %shift_right_arithmetic3A_940 : vector<16xi32>
      %and3A_942 = arith.constant 127 : i32
      %and3A_943 = vector.broadcast %and3A_942 : i32 to vector<16xi32>
      %and3A_944 = arith.andi %get3A_938, %and3A_943 : vector<16xi32>
      %gather3A_945 = tpu.vector_load_idx %arg12[%shift_right_arithmetic3A_941, %and3A_944] : memref<160x128xf32, #tpu.memory_space<vmem>>[vector<16xi32>, vector<16xi32>], vector<16xf32>,
      %swap3A_946 = arith.constant 4 : i32
      %swap3A_947 = arith.index_cast %swap3A_946 : i32 to index
      %swap3A_948 = arith.constant 0 : index
      %swap3A_949 = tpu.vector_load %arg13[%swap3A_947, %swap3A_948] {strides = array<i32>} : memref<8x128xf32, #tpu.memory_space<vmem>>, vector<16xf32>,
      tpu.vector_store %arg13[%swap3A_947, %swap3A_948], %gather3A_945 {strides = array<i32>} : memref<8x128xf32, #tpu.memory_space<vmem>>, vector<16xf32>,
      %get3A_950 = arith.constant 8 : i32
      %get3A_951 = arith.index_cast %get3A_950 : i32 to index
      %get3A_952 = arith.constant 16 : index
      %get3A_953 = tpu.vector_load %arg11[%get3A_951, %get3A_952] {strides = array<i32>} : memref<16x64xi32, #tpu.memory_space<vmem>>, vector<16xi32>,
      %shift_right_arithmetic3A_954 = arith.constant 7 : i32
      %shift_right_arithmetic3A_955 = vector.broadcast %shift_right_arithmetic3A_954 : i32 to vector<16xi32>
      %shift_right_arithmetic3A_956 = arith.shrsi %get3A_953, %shift_right_arithmetic3A_955 : vector<16xi32>
      %and3A_957 = arith.constant 127 : i32
      %and3A_958 = vector.broadcast %and3A_957 : i32 to vector<16xi32>
      %and3A_959 = arith.andi %get3A_953, %and3A_958 : vector<16xi32>
      %gather3A_960 = tpu.vector_load_idx %arg12[%shift_right_arithmetic3A_956, %and3A_959] : memref<160x128xf32, #tpu.memory_space<vmem>>[vector<16xi32>, vector<16xi32>], vector<16xf32>,
      %swap3A_961 = arith.constant 4 : i32
      %swap3A_962 = arith.index_cast %swap3A_961 : i32 to index
      %swap3A_963 = arith.constant 16 : index
      %swap3A_964 = tpu.vector_load %arg13[%swap3A_962, %swap3A_963] {strides = array<i32>} : memref<8x128xf32, #tpu.memory_space<vmem>>, vector<16xf32>,
      tpu.vector_store %arg13[%swap3A_962, %swap3A_963], %gather3A_960 {strides = array<i32>} : memref<8x128xf32, #tpu.memory_space<vmem>>, vector<16xf32>,
      %get3A_965 = arith.constant 8 : i32
      %get3A_966 = arith.index_cast %get3A_965 : i32 to index
      %get3A_967 = arith.constant 32 : index
      %get3A_968 = tpu.vector_load %arg11[%get3A_966, %get3A_967] {strides = array<i32>} : memref<16x64xi32, #tpu.memory_space<vmem>>, vector<16xi32>,
      %shift_right_arithmetic3A_969 = arith.constant 7 : i32
      %shift_right_arithmetic3A_970 = vector.broadcast %shift_right_arithmetic3A_969 : i32 to vector<16xi32>
      %shift_right_arithmetic3A_971 = arith.shrsi %get3A_968, %shift_right_arithmetic3A_970 : vector<16xi32>
      %and3A_972 = arith.constant 127 : i32
      %and3A_973 = vector.broadcast %and3A_972 : i32 to vector<16xi32>
      %and3A_974 = arith.andi %get3A_968, %and3A_973 : vector<16xi32>
      %gather3A_975 = tpu.vector_load_idx %arg12[%shift_right_arithmetic3A_971, %and3A_974] : memref<160x128xf32, #tpu.memory_space<vmem>>[vector<16xi32>, vector<16xi32>], vector<16xf32>,
      %swap3A_976 = arith.constant 4 : i32
      %swap3A_977 = arith.index_cast %swap3A_976 : i32 to index
      %swap3A_978 = arith.constant 32 : index
      %swap3A_979 = tpu.vector_load %arg13[%swap3A_977, %swap3A_978] {strides = array<i32>} : memref<8x128xf32, #tpu.memory_space<vmem>>, vector<16xf32>,
      tpu.vector_store %arg13[%swap3A_977, %swap3A_978], %gather3A_975 {strides = array<i32>} : memref<8x128xf32, #tpu.memory_space<vmem>>, vector<16xf32>,
      %get3A_980 = arith.constant 8 : i32
      %get3A_981 = arith.index_cast %get3A_980 : i32 to index
      %get3A_982 = arith.constant 48 : index
      %get3A_983 = tpu.vector_load %arg11[%get3A_981, %get3A_982] {strides = array<i32>} : memref<16x64xi32, #tpu.memory_space<vmem>>, vector<16xi32>,
      %shift_right_arithmetic3A_984 = arith.constant 7 : i32
      %shift_right_arithmetic3A_985 = vector.broadcast %shift_right_arithmetic3A_984 : i32 to vector<16xi32>
      %shift_right_arithmetic3A_986 = arith.shrsi %get3A_983, %shift_right_arithmetic3A_985 : vector<16xi32>
      %and3A_987 = arith.constant 127 : i32
      %and3A_988 = vector.broadcast %and3A_987 : i32 to vector<16xi32>
      %and3A_989 = arith.andi %get3A_983, %and3A_988 : vector<16xi32>
      %gather3A_990 = tpu.vector_load_idx %arg12[%shift_right_arithmetic3A_986, %and3A_989] : memref<160x128xf32, #tpu.memory_space<vmem>>[vector<16xi32>, vector<16xi32>], vector<16xf32>,
      %swap3A_991 = arith.constant 4 : i32
      %swap3A_992 = arith.index_cast %swap3A_991 : i32 to index
      %swap3A_993 = arith.constant 48 : index
      %swap3A_994 = tpu.vector_load %arg13[%swap3A_992, %swap3A_993] {strides = array<i32>} : memref<8x128xf32, #tpu.memory_space<vmem>>, vector<16xf32>,
      tpu.vector_store %arg13[%swap3A_992, %swap3A_993], %gather3A_990 {strides = array<i32>} : memref<8x128xf32, #tpu.memory_space<vmem>>, vector<16xf32>,
      %get3A_995 = arith.constant 9 : i32
      %get3A_996 = arith.index_cast %get3A_995 : i32 to index
      %get3A_997 = arith.constant 0 : index
      %get3A_998 = tpu.vector_load %arg11[%get3A_996, %get3A_997] {strides = array<i32>} : memref<16x64xi32, #tpu.memory_space<vmem>>, vector<16xi32>,
      %shift_right_arithmetic3A_999 = arith.constant 7 : i32
      %shift_right_arithmetic3A_1000 = vector.broadcast %shift_right_arithmetic3A_999 : i32 to vector<16xi32>
      %shift_right_arithmetic3A_1001 = arith.shrsi %get3A_998, %shift_right_arithmetic3A_1000 : vector<16xi32>
      %and3A_1002 = arith.constant 127 : i32
      %and3A_1003 = vector.broadcast %and3A_1002 : i32 to vector<16xi32>
      %and3A_1004 = arith.andi %get3A_998, %and3A_1003 : vector<16xi32>
      %gather3A_1005 = tpu.vector_load_idx %arg12[%shift_right_arithmetic3A_1001, %and3A_1004] : memref<160x128xf32, #tpu.memory_space<vmem>>[vector<16xi32>, vector<16xi32>], vector<16xf32>,
      %swap3A_1006 = arith.constant 4 : i32
      %swap3A_1007 = arith.index_cast %swap3A_1006 : i32 to index
      %swap3A_1008 = arith.constant 64 : index
      %swap3A_1009 = tpu.vector_load %arg13[%swap3A_1007, %swap3A_1008] {strides = array<i32>} : memref<8x128xf32, #tpu.memory_space<vmem>>, vector<16xf32>,
      tpu.vector_store %arg13[%swap3A_1007, %swap3A_1008], %gather3A_1005 {strides = array<i32>} : memref<8x128xf32, #tpu.memory_space<vmem>>, vector<16xf32>,
      %get3A_1010 = arith.constant 9 : i32
      %get3A_1011 = arith.index_cast %get3A_1010 : i32 to index
      %get3A_1012 = arith.constant 16 : index
      %get3A_1013 = tpu.vector_load %arg11[%get3A_1011, %get3A_1012] {strides = array<i32>} : memref<16x64xi32, #tpu.memory_space<vmem>>, vector<16xi32>,
      %shift_right_arithmetic3A_1014 = arith.constant 7 : i32
      %shift_right_arithmetic3A_1015 = vector.broadcast %shift_right_arithmetic3A_1014 : i32 to vector<16xi32>
      %shift_right_arithmetic3A_1016 = arith.shrsi %get3A_1013, %shift_right_arithmetic3A_1015 : vector<16xi32>
      %and3A_1017 = arith.constant 127 : i32
      %and3A_1018 = vector.broadcast %and3A_1017 : i32 to vector<16xi32>
      %and3A_1019 = arith.andi %get3A_1013, %and3A_1018 : vector<16xi32>
      %gather3A_1020 = tpu.vector_load_idx %arg12[%shift_right_arithmetic3A_1016, %and3A_1019] : memref<160x128xf32, #tpu.memory_space<vmem>>[vector<16xi32>, vector<16xi32>], vector<16xf32>,
      %swap3A_1021 = arith.constant 4 : i32
      %swap3A_1022 = arith.index_cast %swap3A_1021 : i32 to index
      %swap3A_1023 = arith.constant 80 : index
      %swap3A_1024 = tpu.vector_load %arg13[%swap3A_1022, %swap3A_1023] {strides = array<i32>} : memref<8x128xf32, #tpu.memory_space<vmem>>, vector<16xf32>,
      tpu.vector_store %arg13[%swap3A_1022, %swap3A_1023], %gather3A_1020 {strides = array<i32>} : memref<8x128xf32, #tpu.memory_space<vmem>>, vector<16xf32>,
      %get3A_1025 = arith.constant 9 : i32
      %get3A_1026 = arith.index_cast %get3A_1025 : i32 to index
      %get3A_1027 = arith.constant 32 : index
      %get3A_1028 = tpu.vector_load %arg11[%get3A_1026, %get3A_1027] {strides = array<i32>} : memref<16x64xi32, #tpu.memory_space<vmem>>, vector<16xi32>,
      %shift_right_arithmetic3A_1029 = arith.constant 7 : i32
      %shift_right_arithmetic3A_1030 = vector.broadcast %shift_right_arithmetic3A_1029 : i32 to vector<16xi32>
      %shift_right_arithmetic3A_1031 = arith.shrsi %get3A_1028, %shift_right_arithmetic3A_1030 : vector<16xi32>
      %and3A_1032 = arith.constant 127 : i32
      %and3A_1033 = vector.broadcast %and3A_1032 : i32 to vector<16xi32>
      %and3A_1034 = arith.andi %get3A_1028, %and3A_1033 : vector<16xi32>
      %gather3A_1035 = tpu.vector_load_idx %arg12[%shift_right_arithmetic3A_1031, %and3A_1034] : memref<160x128xf32, #tpu.memory_space<vmem>>[vector<16xi32>, vector<16xi32>], vector<16xf32>,
      %swap3A_1036 = arith.constant 4 : i32
      %swap3A_1037 = arith.index_cast %swap3A_1036 : i32 to index
      %swap3A_1038 = arith.constant 96 : index
      %swap3A_1039 = tpu.vector_load %arg13[%swap3A_1037, %swap3A_1038] {strides = array<i32>} : memref<8x128xf32, #tpu.memory_space<vmem>>, vector<16xf32>,
      tpu.vector_store %arg13[%swap3A_1037, %swap3A_1038], %gather3A_1035 {strides = array<i32>} : memref<8x128xf32, #tpu.memory_space<vmem>>, vector<16xf32>,
      %get3A_1040 = arith.constant 9 : i32
      %get3A_1041 = arith.index_cast %get3A_1040 : i32 to index
      %get3A_1042 = arith.constant 48 : index
      %get3A_1043 = tpu.vector_load %arg11[%get3A_1041, %get3A_1042] {strides = array<i32>} : memref<16x64xi32, #tpu.memory_space<vmem>>, vector<16xi32>,
      %shift_right_arithmetic3A_1044 = arith.constant 7 : i32
      %shift_right_arithmetic3A_1045 = vector.broadcast %shift_right_arithmetic3A_1044 : i32 to vector<16xi32>
      %shift_right_arithmetic3A_1046 = arith.shrsi %get3A_1043, %shift_right_arithmetic3A_1045 : vector<16xi32>
      %and3A_1047 = arith.constant 127 : i32
      %and3A_1048 = vector.broadcast %and3A_1047 : i32 to vector<16xi32>
      %and3A_1049 = arith.andi %get3A_1043, %and3A_1048 : vector<16xi32>
      %gather3A_1050 = tpu.vector_load_idx %arg12[%shift_right_arithmetic3A_1046, %and3A_1049] : memref<160x128xf32, #tpu.memory_space<vmem>>[vector<16xi32>, vector<16xi32>], vector<16xf32>,
      %swap3A_1051 = arith.constant 4 : i32
      %swap3A_1052 = arith.index_cast %swap3A_1051 : i32 to index
      %swap3A_1053 = arith.constant 112 : index
      %swap3A_1054 = tpu.vector_load %arg13[%swap3A_1052, %swap3A_1053] {strides = array<i32>} : memref<8x128xf32, #tpu.memory_space<vmem>>, vector<16xf32>,
      tpu.vector_store %arg13[%swap3A_1052, %swap3A_1053], %gather3A_1050 {strides = array<i32>} : memref<8x128xf32, #tpu.memory_space<vmem>>, vector<16xf32>,
      %get3A_1055 = arith.constant 10 : i32
      %get3A_1056 = arith.index_cast %get3A_1055 : i32 to index
      %get3A_1057 = arith.constant 0 : index
      %get3A_1058 = tpu.vector_load %arg11[%get3A_1056, %get3A_1057] {strides = array<i32>} : memref<16x64xi32, #tpu.memory_space<vmem>>, vector<16xi32>,
      %shift_right_arithmetic3A_1059 = arith.constant 7 : i32
      %shift_right_arithmetic3A_1060 = vector.broadcast %shift_right_arithmetic3A_1059 : i32 to vector<16xi32>
      %shift_right_arithmetic3A_1061 = arith.shrsi %get3A_1058, %shift_right_arithmetic3A_1060 : vector<16xi32>
      %and3A_1062 = arith.constant 127 : i32
      %and3A_1063 = vector.broadcast %and3A_1062 : i32 to vector<16xi32>
      %and3A_1064 = arith.andi %get3A_1058, %and3A_1063 : vector<16xi32>
      %gather3A_1065 = tpu.vector_load_idx %arg12[%shift_right_arithmetic3A_1061, %and3A_1064] : memref<160x128xf32, #tpu.memory_space<vmem>>[vector<16xi32>, vector<16xi32>], vector<16xf32>,
      %swap3A_1066 = arith.constant 5 : i32
      %swap3A_1067 = arith.index_cast %swap3A_1066 : i32 to index
      %swap3A_1068 = arith.constant 0 : index
      %swap3A_1069 = tpu.vector_load %arg13[%swap3A_1067, %swap3A_1068] {strides = array<i32>} : memref<8x128xf32, #tpu.memory_space<vmem>>, vector<16xf32>,
      tpu.vector_store %arg13[%swap3A_1067, %swap3A_1068], %gather3A_1065 {strides = array<i32>} : memref<8x128xf32, #tpu.memory_space<vmem>>, vector<16xf32>,
      %get3A_1070 = arith.constant 10 : i32
      %get3A_1071 = arith.index_cast %get3A_1070 : i32 to index
      %get3A_1072 = arith.constant 16 : index
      %get3A_1073 = tpu.vector_load %arg11[%get3A_1071, %get3A_1072] {strides = array<i32>} : memref<16x64xi32, #tpu.memory_space<vmem>>, vector<16xi32>,
      %shift_right_arithmetic3A_1074 = arith.constant 7 : i32
      %shift_right_arithmetic3A_1075 = vector.broadcast %shift_right_arithmetic3A_1074 : i32 to vector<16xi32>
      %shift_right_arithmetic3A_1076 = arith.shrsi %get3A_1073, %shift_right_arithmetic3A_1075 : vector<16xi32>
      %and3A_1077 = arith.constant 127 : i32
      %and3A_1078 = vector.broadcast %and3A_1077 : i32 to vector<16xi32>
      %and3A_1079 = arith.andi %get3A_1073, %and3A_1078 : vector<16xi32>
      %gather3A_1080 = tpu.vector_load_idx %arg12[%shift_right_arithmetic3A_1076, %and3A_1079] : memref<160x128xf32, #tpu.memory_space<vmem>>[vector<16xi32>, vector<16xi32>], vector<16xf32>,
      %swap3A_1081 = arith.constant 5 : i32
      %swap3A_1082 = arith.index_cast %swap3A_1081 : i32 to index
      %swap3A_1083 = arith.constant 16 : index
      %swap3A_1084 = tpu.vector_load %arg13[%swap3A_1082, %swap3A_1083] {strides = array<i32>} : memref<8x128xf32, #tpu.memory_space<vmem>>, vector<16xf32>,
      tpu.vector_store %arg13[%swap3A_1082, %swap3A_1083], %gather3A_1080 {strides = array<i32>} : memref<8x128xf32, #tpu.memory_space<vmem>>, vector<16xf32>,
      %get3A_1085 = arith.constant 10 : i32
      %get3A_1086 = arith.index_cast %get3A_1085 : i32 to index
      %get3A_1087 = arith.constant 32 : index
      %get3A_1088 = tpu.vector_load %arg11[%get3A_1086, %get3A_1087] {strides = array<i32>} : memref<16x64xi32, #tpu.memory_space<vmem>>, vector<16xi32>,
      %shift_right_arithmetic3A_1089 = arith.constant 7 : i32
      %shift_right_arithmetic3A_1090 = vector.broadcast %shift_right_arithmetic3A_1089 : i32 to vector<16xi32>
      %shift_right_arithmetic3A_1091 = arith.shrsi %get3A_1088, %shift_right_arithmetic3A_1090 : vector<16xi32>
      %and3A_1092 = arith.constant 127 : i32
      %and3A_1093 = vector.broadcast %and3A_1092 : i32 to vector<16xi32>
      %and3A_1094 = arith.andi %get3A_1088, %and3A_1093 : vector<16xi32>
      %gather3A_1095 = tpu.vector_load_idx %arg12[%shift_right_arithmetic3A_1091, %and3A_1094] : memref<160x128xf32, #tpu.memory_space<vmem>>[vector<16xi32>, vector<16xi32>], vector<16xf32>,
      %swap3A_1096 = arith.constant 5 : i32
      %swap3A_1097 = arith.index_cast %swap3A_1096 : i32 to index
      %swap3A_1098 = arith.constant 32 : index
      %swap3A_1099 = tpu.vector_load %arg13[%swap3A_1097, %swap3A_1098] {strides = array<i32>} : memref<8x128xf32, #tpu.memory_space<vmem>>, vector<16xf32>,
      tpu.vector_store %arg13[%swap3A_1097, %swap3A_1098], %gather3A_1095 {strides = array<i32>} : memref<8x128xf32, #tpu.memory_space<vmem>>, vector<16xf32>,
      %get3A_1100 = arith.constant 10 : i32
      %get3A_1101 = arith.index_cast %get3A_1100 : i32 to index
      %get3A_1102 = arith.constant 48 : index
      %get3A_1103 = tpu.vector_load %arg11[%get3A_1101, %get3A_1102] {strides = array<i32>} : memref<16x64xi32, #tpu.memory_space<vmem>>, vector<16xi32>,
      %shift_right_arithmetic3A_1104 = arith.constant 7 : i32
      %shift_right_arithmetic3A_1105 = vector.broadcast %shift_right_arithmetic3A_1104 : i32 to vector<16xi32>
      %shift_right_arithmetic3A_1106 = arith.shrsi %get3A_1103, %shift_right_arithmetic3A_1105 : vector<16xi32>
      %and3A_1107 = arith.constant 127 : i32
      %and3A_1108 = vector.broadcast %and3A_1107 : i32 to vector<16xi32>
      %and3A_1109 = arith.andi %get3A_1103, %and3A_1108 : vector<16xi32>
      %gather3A_1110 = tpu.vector_load_idx %arg12[%shift_right_arithmetic3A_1106, %and3A_1109] : memref<160x128xf32, #tpu.memory_space<vmem>>[vector<16xi32>, vector<16xi32>], vector<16xf32>,
      %swap3A_1111 = arith.constant 5 : i32
      %swap3A_1112 = arith.index_cast %swap3A_1111 : i32 to index
      %swap3A_1113 = arith.constant 48 : index
      %swap3A_1114 = tpu.vector_load %arg13[%swap3A_1112, %swap3A_1113] {strides = array<i32>} : memref<8x128xf32, #tpu.memory_space<vmem>>, vector<16xf32>,
      tpu.vector_store %arg13[%swap3A_1112, %swap3A_1113], %gather3A_1110 {strides = array<i32>} : memref<8x128xf32, #tpu.memory_space<vmem>>, vector<16xf32>,
      %get3A_1115 = arith.constant 11 : i32
      %get3A_1116 = arith.index_cast %get3A_1115 : i32 to index
      %get3A_1117 = arith.constant 0 : index
      %get3A_1118 = tpu.vector_load %arg11[%get3A_1116, %get3A_1117] {strides = array<i32>} : memref<16x64xi32, #tpu.memory_space<vmem>>, vector<16xi32>,
      %shift_right_arithmetic3A_1119 = arith.constant 7 : i32
      %shift_right_arithmetic3A_1120 = vector.broadcast %shift_right_arithmetic3A_1119 : i32 to vector<16xi32>
      %shift_right_arithmetic3A_1121 = arith.shrsi %get3A_1118, %shift_right_arithmetic3A_1120 : vector<16xi32>
      %and3A_1122 = arith.constant 127 : i32
      %and3A_1123 = vector.broadcast %and3A_1122 : i32 to vector<16xi32>
      %and3A_1124 = arith.andi %get3A_1118, %and3A_1123 : vector<16xi32>
      %gather3A_1125 = tpu.vector_load_idx %arg12[%shift_right_arithmetic3A_1121, %and3A_1124] : memref<160x128xf32, #tpu.memory_space<vmem>>[vector<16xi32>, vector<16xi32>], vector<16xf32>,
      %swap3A_1126 = arith.constant 5 : i32
      %swap3A_1127 = arith.index_cast %swap3A_1126 : i32 to index
      %swap3A_1128 = arith.constant 64 : index
      %swap3A_1129 = tpu.vector_load %arg13[%swap3A_1127, %swap3A_1128] {strides = array<i32>} : memref<8x128xf32, #tpu.memory_space<vmem>>, vector<16xf32>,
      tpu.vector_store %arg13[%swap3A_1127, %swap3A_1128], %gather3A_1125 {strides = array<i32>} : memref<8x128xf32, #tpu.memory_space<vmem>>, vector<16xf32>,
      %get3A_1130 = arith.constant 11 : i32
      %get3A_1131 = arith.index_cast %get3A_1130 : i32 to index
      %get3A_1132 = arith.constant 16 : index
      %get3A_1133 = tpu.vector_load %arg11[%get3A_1131, %get3A_1132] {strides = array<i32>} : memref<16x64xi32, #tpu.memory_space<vmem>>, vector<16xi32>,
      %shift_right_arithmetic3A_1134 = arith.constant 7 : i32
      %shift_right_arithmetic3A_1135 = vector.broadcast %shift_right_arithmetic3A_1134 : i32 to vector<16xi32>
      %shift_right_arithmetic3A_1136 = arith.shrsi %get3A_1133, %shift_right_arithmetic3A_1135 : vector<16xi32>
      %and3A_1137 = arith.constant 127 : i32
      %and3A_1138 = vector.broadcast %and3A_1137 : i32 to vector<16xi32>
      %and3A_1139 = arith.andi %get3A_1133, %and3A_1138 : vector<16xi32>
      %gather3A_1140 = tpu.vector_load_idx %arg12[%shift_right_arithmetic3A_1136, %and3A_1139] : memref<160x128xf32, #tpu.memory_space<vmem>>[vector<16xi32>, vector<16xi32>], vector<16xf32>,
      %swap3A_1141 = arith.constant 5 : i32
      %swap3A_1142 = arith.index_cast %swap3A_1141 : i32 to index
      %swap3A_1143 = arith.constant 80 : index
      %swap3A_1144 = tpu.vector_load %arg13[%swap3A_1142, %swap3A_1143] {strides = array<i32>} : memref<8x128xf32, #tpu.memory_space<vmem>>, vector<16xf32>,
      tpu.vector_store %arg13[%swap3A_1142, %swap3A_1143], %gather3A_1140 {strides = array<i32>} : memref<8x128xf32, #tpu.memory_space<vmem>>, vector<16xf32>,
      %get3A_1145 = arith.constant 11 : i32
      %get3A_1146 = arith.index_cast %get3A_1145 : i32 to index
      %get3A_1147 = arith.constant 32 : index
      %get3A_1148 = tpu.vector_load %arg11[%get3A_1146, %get3A_1147] {strides = array<i32>} : memref<16x64xi32, #tpu.memory_space<vmem>>, vector<16xi32>,
      %shift_right_arithmetic3A_1149 = arith.constant 7 : i32
      %shift_right_arithmetic3A_1150 = vector.broadcast %shift_right_arithmetic3A_1149 : i32 to vector<16xi32>
      %shift_right_arithmetic3A_1151 = arith.shrsi %get3A_1148, %shift_right_arithmetic3A_1150 : vector<16xi32>
      %and3A_1152 = arith.constant 127 : i32
      %and3A_1153 = vector.broadcast %and3A_1152 : i32 to vector<16xi32>
      %and3A_1154 = arith.andi %get3A_1148, %and3A_1153 : vector<16xi32>
      %gather3A_1155 = tpu.vector_load_idx %arg12[%shift_right_arithmetic3A_1151, %and3A_1154] : memref<160x128xf32, #tpu.memory_space<vmem>>[vector<16xi32>, vector<16xi32>], vector<16xf32>,
      %swap3A_1156 = arith.constant 5 : i32
      %swap3A_1157 = arith.index_cast %swap3A_1156 : i32 to index
      %swap3A_1158 = arith.constant 96 : index
      %swap3A_1159 = tpu.vector_load %arg13[%swap3A_1157, %swap3A_1158] {strides = array<i32>} : memref<8x128xf32, #tpu.memory_space<vmem>>, vector<16xf32>,
      tpu.vector_store %arg13[%swap3A_1157, %swap3A_1158], %gather3A_1155 {strides = array<i32>} : memref<8x128xf32, #tpu.memory_space<vmem>>, vector<16xf32>,
      %get3A_1160 = arith.constant 11 : i32
      %get3A_1161 = arith.index_cast %get3A_1160 : i32 to index
      %get3A_1162 = arith.constant 48 : index
      %get3A_1163 = tpu.vector_load %arg11[%get3A_1161, %get3A_1162] {strides = array<i32>} : memref<16x64xi32, #tpu.memory_space<vmem>>, vector<16xi32>,
      %shift_right_arithmetic3A_1164 = arith.constant 7 : i32
      %shift_right_arithmetic3A_1165 = vector.broadcast %shift_right_arithmetic3A_1164 : i32 to vector<16xi32>
      %shift_right_arithmetic3A_1166 = arith.shrsi %get3A_1163, %shift_right_arithmetic3A_1165 : vector<16xi32>
      %and3A_1167 = arith.constant 127 : i32
      %and3A_1168 = vector.broadcast %and3A_1167 : i32 to vector<16xi32>
      %and3A_1169 = arith.andi %get3A_1163, %and3A_1168 : vector<16xi32>
      %gather3A_1170 = tpu.vector_load_idx %arg12[%shift_right_arithmetic3A_1166, %and3A_1169] : memref<160x128xf32, #tpu.memory_space<vmem>>[vector<16xi32>, vector<16xi32>], vector<16xf32>,
      %swap3A_1171 = arith.constant 5 : i32
      %swap3A_1172 = arith.index_cast %swap3A_1171 : i32 to index
      %swap3A_1173 = arith.constant 112 : index
      %swap3A_1174 = tpu.vector_load %arg13[%swap3A_1172, %swap3A_1173] {strides = array<i32>} : memref<8x128xf32, #tpu.memory_space<vmem>>, vector<16xf32>,
      tpu.vector_store %arg13[%swap3A_1172, %swap3A_1173], %gather3A_1170 {strides = array<i32>} : memref<8x128xf32, #tpu.memory_space<vmem>>, vector<16xf32>,
      %get3A_1175 = arith.constant 12 : i32
      %get3A_1176 = arith.index_cast %get3A_1175 : i32 to index
      %get3A_1177 = arith.constant 0 : index
      %get3A_1178 = tpu.vector_load %arg11[%get3A_1176, %get3A_1177] {strides = array<i32>} : memref<16x64xi32, #tpu.memory_space<vmem>>, vector<16xi32>,
      %shift_right_arithmetic3A_1179 = arith.constant 7 : i32
      %shift_right_arithmetic3A_1180 = vector.broadcast %shift_right_arithmetic3A_1179 : i32 to vector<16xi32>
      %shift_right_arithmetic3A_1181 = arith.shrsi %get3A_1178, %shift_right_arithmetic3A_1180 : vector<16xi32>
      %and3A_1182 = arith.constant 127 : i32
      %and3A_1183 = vector.broadcast %and3A_1182 : i32 to vector<16xi32>
      %and3A_1184 = arith.andi %get3A_1178, %and3A_1183 : vector<16xi32>
      %gather3A_1185 = tpu.vector_load_idx %arg12[%shift_right_arithmetic3A_1181, %and3A_1184] : memref<160x128xf32, #tpu.memory_space<vmem>>[vector<16xi32>, vector<16xi32>], vector<16xf32>,
      %swap3A_1186 = arith.constant 6 : i32
      %swap3A_1187 = arith.index_cast %swap3A_1186 : i32 to index
      %swap3A_1188 = arith.constant 0 : index
      %swap3A_1189 = tpu.vector_load %arg13[%swap3A_1187, %swap3A_1188] {strides = array<i32>} : memref<8x128xf32, #tpu.memory_space<vmem>>, vector<16xf32>,
      tpu.vector_store %arg13[%swap3A_1187, %swap3A_1188], %gather3A_1185 {strides = array<i32>} : memref<8x128xf32, #tpu.memory_space<vmem>>, vector<16xf32>,
      %get3A_1190 = arith.constant 12 : i32
      %get3A_1191 = arith.index_cast %get3A_1190 : i32 to index
      %get3A_1192 = arith.constant 16 : index
      %get3A_1193 = tpu.vector_load %arg11[%get3A_1191, %get3A_1192] {strides = array<i32>} : memref<16x64xi32, #tpu.memory_space<vmem>>, vector<16xi32>,
      %shift_right_arithmetic3A_1194 = arith.constant 7 : i32
      %shift_right_arithmetic3A_1195 = vector.broadcast %shift_right_arithmetic3A_1194 : i32 to vector<16xi32>
      %shift_right_arithmetic3A_1196 = arith.shrsi %get3A_1193, %shift_right_arithmetic3A_1195 : vector<16xi32>
      %and3A_1197 = arith.constant 127 : i32
      %and3A_1198 = vector.broadcast %and3A_1197 : i32 to vector<16xi32>
      %and3A_1199 = arith.andi %get3A_1193, %and3A_1198 : vector<16xi32>
      %gather3A_1200 = tpu.vector_load_idx %arg12[%shift_right_arithmetic3A_1196, %and3A_1199] : memref<160x128xf32, #tpu.memory_space<vmem>>[vector<16xi32>, vector<16xi32>], vector<16xf32>,
      %swap3A_1201 = arith.constant 6 : i32
      %swap3A_1202 = arith.index_cast %swap3A_1201 : i32 to index
      %swap3A_1203 = arith.constant 16 : index
      %swap3A_1204 = tpu.vector_load %arg13[%swap3A_1202, %swap3A_1203] {strides = array<i32>} : memref<8x128xf32, #tpu.memory_space<vmem>>, vector<16xf32>,
      tpu.vector_store %arg13[%swap3A_1202, %swap3A_1203], %gather3A_1200 {strides = array<i32>} : memref<8x128xf32, #tpu.memory_space<vmem>>, vector<16xf32>,
      %get3A_1205 = arith.constant 12 : i32
      %get3A_1206 = arith.index_cast %get3A_1205 : i32 to index
      %get3A_1207 = arith.constant 32 : index
      %get3A_1208 = tpu.vector_load %arg11[%get3A_1206, %get3A_1207] {strides = array<i32>} : memref<16x64xi32, #tpu.memory_space<vmem>>, vector<16xi32>,
      %shift_right_arithmetic3A_1209 = arith.constant 7 : i32
      %shift_right_arithmetic3A_1210 = vector.broadcast %shift_right_arithmetic3A_1209 : i32 to vector<16xi32>
      %shift_right_arithmetic3A_1211 = arith.shrsi %get3A_1208, %shift_right_arithmetic3A_1210 : vector<16xi32>
      %and3A_1212 = arith.constant 127 : i32
      %and3A_1213 = vector.broadcast %and3A_1212 : i32 to vector<16xi32>
      %and3A_1214 = arith.andi %get3A_1208, %and3A_1213 : vector<16xi32>
      %gather3A_1215 = tpu.vector_load_idx %arg12[%shift_right_arithmetic3A_1211, %and3A_1214] : memref<160x128xf32, #tpu.memory_space<vmem>>[vector<16xi32>, vector<16xi32>], vector<16xf32>,
      %swap3A_1216 = arith.constant 6 : i32
      %swap3A_1217 = arith.index_cast %swap3A_1216 : i32 to index
      %swap3A_1218 = arith.constant 32 : index
      %swap3A_1219 = tpu.vector_load %arg13[%swap3A_1217, %swap3A_1218] {strides = array<i32>} : memref<8x128xf32, #tpu.memory_space<vmem>>, vector<16xf32>,
      tpu.vector_store %arg13[%swap3A_1217, %swap3A_1218], %gather3A_1215 {strides = array<i32>} : memref<8x128xf32, #tpu.memory_space<vmem>>, vector<16xf32>,
      %get3A_1220 = arith.constant 12 : i32
      %get3A_1221 = arith.index_cast %get3A_1220 : i32 to index
      %get3A_1222 = arith.constant 48 : index
      %get3A_1223 = tpu.vector_load %arg11[%get3A_1221, %get3A_1222] {strides = array<i32>} : memref<16x64xi32, #tpu.memory_space<vmem>>, vector<16xi32>,
      %shift_right_arithmetic3A_1224 = arith.constant 7 : i32
      %shift_right_arithmetic3A_1225 = vector.broadcast %shift_right_arithmetic3A_1224 : i32 to vector<16xi32>
      %shift_right_arithmetic3A_1226 = arith.shrsi %get3A_1223, %shift_right_arithmetic3A_1225 : vector<16xi32>
      %and3A_1227 = arith.constant 127 : i32
      %and3A_1228 = vector.broadcast %and3A_1227 : i32 to vector<16xi32>
      %and3A_1229 = arith.andi %get3A_1223, %and3A_1228 : vector<16xi32>
      %gather3A_1230 = tpu.vector_load_idx %arg12[%shift_right_arithmetic3A_1226, %and3A_1229] : memref<160x128xf32, #tpu.memory_space<vmem>>[vector<16xi32>, vector<16xi32>], vector<16xf32>,
      %swap3A_1231 = arith.constant 6 : i32
      %swap3A_1232 = arith.index_cast %swap3A_1231 : i32 to index
      %swap3A_1233 = arith.constant 48 : index
      %swap3A_1234 = tpu.vector_load %arg13[%swap3A_1232, %swap3A_1233] {strides = array<i32>} : memref<8x128xf32, #tpu.memory_space<vmem>>, vector<16xf32>,
      tpu.vector_store %arg13[%swap3A_1232, %swap3A_1233], %gather3A_1230 {strides = array<i32>} : memref<8x128xf32, #tpu.memory_space<vmem>>, vector<16xf32>,
      %get3A_1235 = arith.constant 13 : i32
      %get3A_1236 = arith.index_cast %get3A_1235 : i32 to index
      %get3A_1237 = arith.constant 0 : index
      %get3A_1238 = tpu.vector_load %arg11[%get3A_1236, %get3A_1237] {strides = array<i32>} : memref<16x64xi32, #tpu.memory_space<vmem>>, vector<16xi32>,
      %shift_right_arithmetic3A_1239 = arith.constant 7 : i32
      %shift_right_arithmetic3A_1240 = vector.broadcast %shift_right_arithmetic3A_1239 : i32 to vector<16xi32>
      %shift_right_arithmetic3A_1241 = arith.shrsi %get3A_1238, %shift_right_arithmetic3A_1240 : vector<16xi32>
      %and3A_1242 = arith.constant 127 : i32
      %and3A_1243 = vector.broadcast %and3A_1242 : i32 to vector<16xi32>
      %and3A_1244 = arith.andi %get3A_1238, %and3A_1243 : vector<16xi32>
      %gather3A_1245 = tpu.vector_load_idx %arg12[%shift_right_arithmetic3A_1241, %and3A_1244] : memref<160x128xf32, #tpu.memory_space<vmem>>[vector<16xi32>, vector<16xi32>], vector<16xf32>,
      %swap3A_1246 = arith.constant 6 : i32
      %swap3A_1247 = arith.index_cast %swap3A_1246 : i32 to index
      %swap3A_1248 = arith.constant 64 : index
      %swap3A_1249 = tpu.vector_load %arg13[%swap3A_1247, %swap3A_1248] {strides = array<i32>} : memref<8x128xf32, #tpu.memory_space<vmem>>, vector<16xf32>,
      tpu.vector_store %arg13[%swap3A_1247, %swap3A_1248], %gather3A_1245 {strides = array<i32>} : memref<8x128xf32, #tpu.memory_space<vmem>>, vector<16xf32>,
      %get3A_1250 = arith.constant 13 : i32
      %get3A_1251 = arith.index_cast %get3A_1250 : i32 to index
      %get3A_1252 = arith.constant 16 : index
      %get3A_1253 = tpu.vector_load %arg11[%get3A_1251, %get3A_1252] {strides = array<i32>} : memref<16x64xi32, #tpu.memory_space<vmem>>, vector<16xi32>,
      %shift_right_arithmetic3A_1254 = arith.constant 7 : i32
      %shift_right_arithmetic3A_1255 = vector.broadcast %shift_right_arithmetic3A_1254 : i32 to vector<16xi32>
      %shift_right_arithmetic3A_1256 = arith.shrsi %get3A_1253, %shift_right_arithmetic3A_1255 : vector<16xi32>
      %and3A_1257 = arith.constant 127 : i32
      %and3A_1258 = vector.broadcast %and3A_1257 : i32 to vector<16xi32>
      %and3A_1259 = arith.andi %get3A_1253, %and3A_1258 : vector<16xi32>
      %gather3A_1260 = tpu.vector_load_idx %arg12[%shift_right_arithmetic3A_1256, %and3A_1259] : memref<160x128xf32, #tpu.memory_space<vmem>>[vector<16xi32>, vector<16xi32>], vector<16xf32>,
      %swap3A_1261 = arith.constant 6 : i32
      %swap3A_1262 = arith.index_cast %swap3A_1261 : i32 to index
      %swap3A_1263 = arith.constant 80 : index
      %swap3A_1264 = tpu.vector_load %arg13[%swap3A_1262, %swap3A_1263] {strides = array<i32>} : memref<8x128xf32, #tpu.memory_space<vmem>>, vector<16xf32>,
      tpu.vector_store %arg13[%swap3A_1262, %swap3A_1263], %gather3A_1260 {strides = array<i32>} : memref<8x128xf32, #tpu.memory_space<vmem>>, vector<16xf32>,
      %get3A_1265 = arith.constant 13 : i32
      %get3A_1266 = arith.index_cast %get3A_1265 : i32 to index
      %get3A_1267 = arith.constant 32 : index
      %get3A_1268 = tpu.vector_load %arg11[%get3A_1266, %get3A_1267] {strides = array<i32>} : memref<16x64xi32, #tpu.memory_space<vmem>>, vector<16xi32>,
      %shift_right_arithmetic3A_1269 = arith.constant 7 : i32
      %shift_right_arithmetic3A_1270 = vector.broadcast %shift_right_arithmetic3A_1269 : i32 to vector<16xi32>
      %shift_right_arithmetic3A_1271 = arith.shrsi %get3A_1268, %shift_right_arithmetic3A_1270 : vector<16xi32>
      %and3A_1272 = arith.constant 127 : i32
      %and3A_1273 = vector.broadcast %and3A_1272 : i32 to vector<16xi32>
      %and3A_1274 = arith.andi %get3A_1268, %and3A_1273 : vector<16xi32>
      %gather3A_1275 = tpu.vector_load_idx %arg12[%shift_right_arithmetic3A_1271, %and3A_1274] : memref<160x128xf32, #tpu.memory_space<vmem>>[vector<16xi32>, vector<16xi32>], vector<16xf32>,
      %swap3A_1276 = arith.constant 6 : i32
      %swap3A_1277 = arith.index_cast %swap3A_1276 : i32 to index
      %swap3A_1278 = arith.constant 96 : index
      %swap3A_1279 = tpu.vector_load %arg13[%swap3A_1277, %swap3A_1278] {strides = array<i32>} : memref<8x128xf32, #tpu.memory_space<vmem>>, vector<16xf32>,
      tpu.vector_store %arg13[%swap3A_1277, %swap3A_1278], %gather3A_1275 {strides = array<i32>} : memref<8x128xf32, #tpu.memory_space<vmem>>, vector<16xf32>,
      %get3A_1280 = arith.constant 13 : i32
      %get3A_1281 = arith.index_cast %get3A_1280 : i32 to index
      %get3A_1282 = arith.constant 48 : index
      %get3A_1283 = tpu.vector_load %arg11[%get3A_1281, %get3A_1282] {strides = array<i32>} : memref<16x64xi32, #tpu.memory_space<vmem>>, vector<16xi32>,
      %shift_right_arithmetic3A_1284 = arith.constant 7 : i32
      %shift_right_arithmetic3A_1285 = vector.broadcast %shift_right_arithmetic3A_1284 : i32 to vector<16xi32>
      %shift_right_arithmetic3A_1286 = arith.shrsi %get3A_1283, %shift_right_arithmetic3A_1285 : vector<16xi32>
      %and3A_1287 = arith.constant 127 : i32
      %and3A_1288 = vector.broadcast %and3A_1287 : i32 to vector<16xi32>
      %and3A_1289 = arith.andi %get3A_1283, %and3A_1288 : vector<16xi32>
      %gather3A_1290 = tpu.vector_load_idx %arg12[%shift_right_arithmetic3A_1286, %and3A_1289] : memref<160x128xf32, #tpu.memory_space<vmem>>[vector<16xi32>, vector<16xi32>], vector<16xf32>,
      %swap3A_1291 = arith.constant 6 : i32
      %swap3A_1292 = arith.index_cast %swap3A_1291 : i32 to index
      %swap3A_1293 = arith.constant 112 : index
      %swap3A_1294 = tpu.vector_load %arg13[%swap3A_1292, %swap3A_1293] {strides = array<i32>} : memref<8x128xf32, #tpu.memory_space<vmem>>, vector<16xf32>,
      tpu.vector_store %arg13[%swap3A_1292, %swap3A_1293], %gather3A_1290 {strides = array<i32>} : memref<8x128xf32, #tpu.memory_space<vmem>>, vector<16xf32>,
      %get3A_1295 = arith.constant 14 : i32
      %get3A_1296 = arith.index_cast %get3A_1295 : i32 to index
      %get3A_1297 = arith.constant 0 : index
      %get3A_1298 = tpu.vector_load %arg11[%get3A_1296, %get3A_1297] {strides = array<i32>} : memref<16x64xi32, #tpu.memory_space<vmem>>, vector<16xi32>,
      %shift_right_arithmetic3A_1299 = arith.constant 7 : i32
      %shift_right_arithmetic3A_1300 = vector.broadcast %shift_right_arithmetic3A_1299 : i32 to vector<16xi32>
      %shift_right_arithmetic3A_1301 = arith.shrsi %get3A_1298, %shift_right_arithmetic3A_1300 : vector<16xi32>
      %and3A_1302 = arith.constant 127 : i32
      %and3A_1303 = vector.broadcast %and3A_1302 : i32 to vector<16xi32>
      %and3A_1304 = arith.andi %get3A_1298, %and3A_1303 : vector<16xi32>
      %gather3A_1305 = tpu.vector_load_idx %arg12[%shift_right_arithmetic3A_1301, %and3A_1304] : memref<160x128xf32, #tpu.memory_space<vmem>>[vector<16xi32>, vector<16xi32>], vector<16xf32>,
      %swap3A_1306 = arith.constant 7 : i32
      %swap3A_1307 = arith.index_cast %swap3A_1306 : i32 to index
      %swap3A_1308 = arith.constant 0 : index
      %swap3A_1309 = tpu.vector_load %arg13[%swap3A_1307, %swap3A_1308] {strides = array<i32>} : memref<8x128xf32, #tpu.memory_space<vmem>>, vector<16xf32>,
      tpu.vector_store %arg13[%swap3A_1307, %swap3A_1308], %gather3A_1305 {strides = array<i32>} : memref<8x128xf32, #tpu.memory_space<vmem>>, vector<16xf32>,
      %get3A_1310 = arith.constant 14 : i32
      %get3A_1311 = arith.index_cast %get3A_1310 : i32 to index
      %get3A_1312 = arith.constant 16 : index
      %get3A_1313 = tpu.vector_load %arg11[%get3A_1311, %get3A_1312] {strides = array<i32>} : memref<16x64xi32, #tpu.memory_space<vmem>>, vector<16xi32>,
      %shift_right_arithmetic3A_1314 = arith.constant 7 : i32
      %shift_right_arithmetic3A_1315 = vector.broadcast %shift_right_arithmetic3A_1314 : i32 to vector<16xi32>
      %shift_right_arithmetic3A_1316 = arith.shrsi %get3A_1313, %shift_right_arithmetic3A_1315 : vector<16xi32>
      %and3A_1317 = arith.constant 127 : i32
      %and3A_1318 = vector.broadcast %and3A_1317 : i32 to vector<16xi32>
      %and3A_1319 = arith.andi %get3A_1313, %and3A_1318 : vector<16xi32>
      %gather3A_1320 = tpu.vector_load_idx %arg12[%shift_right_arithmetic3A_1316, %and3A_1319] : memref<160x128xf32, #tpu.memory_space<vmem>>[vector<16xi32>, vector<16xi32>], vector<16xf32>,
      %swap3A_1321 = arith.constant 7 : i32
      %swap3A_1322 = arith.index_cast %swap3A_1321 : i32 to index
      %swap3A_1323 = arith.constant 16 : index
      %swap3A_1324 = tpu.vector_load %arg13[%swap3A_1322, %swap3A_1323] {strides = array<i32>} : memref<8x128xf32, #tpu.memory_space<vmem>>, vector<16xf32>,
      tpu.vector_store %arg13[%swap3A_1322, %swap3A_1323], %gather3A_1320 {strides = array<i32>} : memref<8x128xf32, #tpu.memory_space<vmem>>, vector<16xf32>,
      %get3A_1325 = arith.constant 14 : i32
      %get3A_1326 = arith.index_cast %get3A_1325 : i32 to index
      %get3A_1327 = arith.constant 32 : index
      %get3A_1328 = tpu.vector_load %arg11[%get3A_1326, %get3A_1327] {strides = array<i32>} : memref<16x64xi32, #tpu.memory_space<vmem>>, vector<16xi32>,
      %shift_right_arithmetic3A_1329 = arith.constant 7 : i32
      %shift_right_arithmetic3A_1330 = vector.broadcast %shift_right_arithmetic3A_1329 : i32 to vector<16xi32>
      %shift_right_arithmetic3A_1331 = arith.shrsi %get3A_1328, %shift_right_arithmetic3A_1330 : vector<16xi32>
      %and3A_1332 = arith.constant 127 : i32
      %and3A_1333 = vector.broadcast %and3A_1332 : i32 to vector<16xi32>
      %and3A_1334 = arith.andi %get3A_1328, %and3A_1333 : vector<16xi32>
      %gather3A_1335 = tpu.vector_load_idx %arg12[%shift_right_arithmetic3A_1331, %and3A_1334] : memref<160x128xf32, #tpu.memory_space<vmem>>[vector<16xi32>, vector<16xi32>], vector<16xf32>,
      %swap3A_1336 = arith.constant 7 : i32
      %swap3A_1337 = arith.index_cast %swap3A_1336 : i32 to index
      %swap3A_1338 = arith.constant 32 : index
      %swap3A_1339 = tpu.vector_load %arg13[%swap3A_1337, %swap3A_1338] {strides = array<i32>} : memref<8x128xf32, #tpu.memory_space<vmem>>, vector<16xf32>,
      tpu.vector_store %arg13[%swap3A_1337, %swap3A_1338], %gather3A_1335 {strides = array<i32>} : memref<8x128xf32, #tpu.memory_space<vmem>>, vector<16xf32>,
      %get3A_1340 = arith.constant 14 : i32
      %get3A_1341 = arith.index_cast %get3A_1340 : i32 to index
      %get3A_1342 = arith.constant 48 : index
      %get3A_1343 = tpu.vector_load %arg11[%get3A_1341, %get3A_1342] {strides = array<i32>} : memref<16x64xi32, #tpu.memory_space<vmem>>, vector<16xi32>,
      %shift_right_arithmetic3A_1344 = arith.constant 7 : i32
      %shift_right_arithmetic3A_1345 = vector.broadcast %shift_right_arithmetic3A_1344 : i32 to vector<16xi32>
      %shift_right_arithmetic3A_1346 = arith.shrsi %get3A_1343, %shift_right_arithmetic3A_1345 : vector<16xi32>
      %and3A_1347 = arith.constant 127 : i32
      %and3A_1348 = vector.broadcast %and3A_1347 : i32 to vector<16xi32>
      %and3A_1349 = arith.andi %get3A_1343, %and3A_1348 : vector<16xi32>
      %gather3A_1350 = tpu.vector_load_idx %arg12[%shift_right_arithmetic3A_1346, %and3A_1349] : memref<160x128xf32, #tpu.memory_space<vmem>>[vector<16xi32>, vector<16xi32>], vector<16xf32>,
      %swap3A_1351 = arith.constant 7 : i32
      %swap3A_1352 = arith.index_cast %swap3A_1351 : i32 to index
      %swap3A_1353 = arith.constant 48 : index
      %swap3A_1354 = tpu.vector_load %arg13[%swap3A_1352, %swap3A_1353] {strides = array<i32>} : memref<8x128xf32, #tpu.memory_space<vmem>>, vector<16xf32>,
      tpu.vector_store %arg13[%swap3A_1352, %swap3A_1353], %gather3A_1350 {strides = array<i32>} : memref<8x128xf32, #tpu.memory_space<vmem>>, vector<16xf32>,
      %get3A_1355 = arith.constant 15 : i32
      %get3A_1356 = arith.index_cast %get3A_1355 : i32 to index
      %get3A_1357 = arith.constant 0 : index
      %get3A_1358 = tpu.vector_load %arg11[%get3A_1356, %get3A_1357] {strides = array<i32>} : memref<16x64xi32, #tpu.memory_space<vmem>>, vector<16xi32>,
      %shift_right_arithmetic3A_1359 = arith.constant 7 : i32
      %shift_right_arithmetic3A_1360 = vector.broadcast %shift_right_arithmetic3A_1359 : i32 to vector<16xi32>
      %shift_right_arithmetic3A_1361 = arith.shrsi %get3A_1358, %shift_right_arithmetic3A_1360 : vector<16xi32>
      %and3A_1362 = arith.constant 127 : i32
      %and3A_1363 = vector.broadcast %and3A_1362 : i32 to vector<16xi32>
      %and3A_1364 = arith.andi %get3A_1358, %and3A_1363 : vector<16xi32>
      %gather3A_1365 = tpu.vector_load_idx %arg12[%shift_right_arithmetic3A_1361, %and3A_1364] : memref<160x128xf32, #tpu.memory_space<vmem>>[vector<16xi32>, vector<16xi32>], vector<16xf32>,
      %swap3A_1366 = arith.constant 7 : i32
      %swap3A_1367 = arith.index_cast %swap3A_1366 : i32 to index
      %swap3A_1368 = arith.constant 64 : index
      %swap3A_1369 = tpu.vector_load %arg13[%swap3A_1367, %swap3A_1368] {strides = array<i32>} : memref<8x128xf32, #tpu.memory_space<vmem>>, vector<16xf32>,
      tpu.vector_store %arg13[%swap3A_1367, %swap3A_1368], %gather3A_1365 {strides = array<i32>} : memref<8x128xf32, #tpu.memory_space<vmem>>, vector<16xf32>,
      %get3A_1370 = arith.constant 15 : i32
      %get3A_1371 = arith.index_cast %get3A_1370 : i32 to index
      %get3A_1372 = arith.constant 16 : index
      %get3A_1373 = tpu.vector_load %arg11[%get3A_1371, %get3A_1372] {strides = array<i32>} : memref<16x64xi32, #tpu.memory_space<vmem>>, vector<16xi32>,
      %shift_right_arithmetic3A_1374 = arith.constant 7 : i32
      %shift_right_arithmetic3A_1375 = vector.broadcast %shift_right_arithmetic3A_1374 : i32 to vector<16xi32>
      %shift_right_arithmetic3A_1376 = arith.shrsi %get3A_1373, %shift_right_arithmetic3A_1375 : vector<16xi32>
      %and3A_1377 = arith.constant 127 : i32
      %and3A_1378 = vector.broadcast %and3A_1377 : i32 to vector<16xi32>
      %and3A_1379 = arith.andi %get3A_1373, %and3A_1378 : vector<16xi32>
      %gather3A_1380 = tpu.vector_load_idx %arg12[%shift_right_arithmetic3A_1376, %and3A_1379] : memref<160x128xf32, #tpu.memory_space<vmem>>[vector<16xi32>, vector<16xi32>], vector<16xf32>,
      %swap3A_1381 = arith.constant 7 : i32
      %swap3A_1382 = arith.index_cast %swap3A_1381 : i32 to index
      %swap3A_1383 = arith.constant 80 : index
      %swap3A_1384 = tpu.vector_load %arg13[%swap3A_1382, %swap3A_1383] {strides = array<i32>} : memref<8x128xf32, #tpu.memory_space<vmem>>, vector<16xf32>,
      tpu.vector_store %arg13[%swap3A_1382, %swap3A_1383], %gather3A_1380 {strides = array<i32>} : memref<8x128xf32, #tpu.memory_space<vmem>>, vector<16xf32>,
      %get3A_1385 = arith.constant 15 : i32
      %get3A_1386 = arith.index_cast %get3A_1385 : i32 to index
      %get3A_1387 = arith.constant 32 : index
      %get3A_1388 = tpu.vector_load %arg11[%get3A_1386, %get3A_1387] {strides = array<i32>} : memref<16x64xi32, #tpu.memory_space<vmem>>, vector<16xi32>,
      %shift_right_arithmetic3A_1389 = arith.constant 7 : i32
      %shift_right_arithmetic3A_1390 = vector.broadcast %shift_right_arithmetic3A_1389 : i32 to vector<16xi32>
      %shift_right_arithmetic3A_1391 = arith.shrsi %get3A_1388, %shift_right_arithmetic3A_1390 : vector<16xi32>
      %and3A_1392 = arith.constant 127 : i32
      %and3A_1393 = vector.broadcast %and3A_1392 : i32 to vector<16xi32>
      %and3A_1394 = arith.andi %get3A_1388, %and3A_1393 : vector<16xi32>
      %gather3A_1395 = tpu.vector_load_idx %arg12[%shift_right_arithmetic3A_1391, %and3A_1394] : memref<160x128xf32, #tpu.memory_space<vmem>>[vector<16xi32>, vector<16xi32>], vector<16xf32>,
      %swap3A_1396 = arith.constant 7 : i32
      %swap3A_1397 = arith.index_cast %swap3A_1396 : i32 to index
      %swap3A_1398 = arith.constant 96 : index
      %swap3A_1399 = tpu.vector_load %arg13[%swap3A_1397, %swap3A_1398] {strides = array<i32>} : memref<8x128xf32, #tpu.memory_space<vmem>>, vector<16xf32>,
      tpu.vector_store %arg13[%swap3A_1397, %swap3A_1398], %gather3A_1395 {strides = array<i32>} : memref<8x128xf32, #tpu.memory_space<vmem>>, vector<16xf32>,
      %get3A_1400 = arith.constant 15 : i32
      %get3A_1401 = arith.index_cast %get3A_1400 : i32 to index
      %get3A_1402 = arith.constant 48 : index
      %get3A_1403 = tpu.vector_load %arg11[%get3A_1401, %get3A_1402] {strides = array<i32>} : memref<16x64xi32, #tpu.memory_space<vmem>>, vector<16xi32>,
      %shift_right_arithmetic3A_1404 = arith.constant 7 : i32
      %shift_right_arithmetic3A_1405 = vector.broadcast %shift_right_arithmetic3A_1404 : i32 to vector<16xi32>
      %shift_right_arithmetic3A_1406 = arith.shrsi %get3A_1403, %shift_right_arithmetic3A_1405 : vector<16xi32>
      %and3A_1407 = arith.constant 127 : i32
      %and3A_1408 = vector.broadcast %and3A_1407 : i32 to vector<16xi32>
      %and3A_1409 = arith.andi %get3A_1403, %and3A_1408 : vector<16xi32>
      %gather3A_1410 = tpu.vector_load_idx %arg12[%shift_right_arithmetic3A_1406, %and3A_1409] : memref<160x128xf32, #tpu.memory_space<vmem>>[vector<16xi32>, vector<16xi32>], vector<16xf32>,
      %swap3A_1411 = arith.constant 7 : i32
      %swap3A_1412 = arith.index_cast %swap3A_1411 : i32 to index
      %swap3A_1413 = arith.constant 112 : index
      %swap3A_1414 = tpu.vector_load %arg13[%swap3A_1412, %swap3A_1413] {strides = array<i32>} : memref<8x128xf32, #tpu.memory_space<vmem>>, vector<16xf32>,
      tpu.vector_store %arg13[%swap3A_1412, %swap3A_1413], %gather3A_1410 {strides = array<i32>} : memref<8x128xf32, #tpu.memory_space<vmem>>, vector<16xf32>,
      "tpu.region"() ({
        %run_scoped3A_1415 = tpu.sem_alloc : memref<!tpu.dma_semaphore, #tpu.memory_space<semaphore_mem>>
        %dma_start3A = arith.constant 0 : i32
        %dma_start3A_1416 = arith.constant 0 : i32
        %dma_start3A_1417 = tpu.memref_slice %arg6[%arg0, %arg1, %dma_start3A, %dma_start3A_1416] : memref<2x6x8x128xf32, #tpu.memory_space<hbm>> -> memref<1x1x8x128xf32, #tpu.memory_space<hbm>>
        %dma_start3A_1418 = tpu.memref_squeeze %dma_start3A_1417 : memref<1x1x8x128xf32, #tpu.memory_space<hbm>> -> memref<8x128xf32, #tpu.memory_space<hbm>>
        %dma_start3A_1419 = arith.constant 0 : i32
        %dma_start3A_1420 = arith.constant 0 : i32
        %dma_start3A_1421 = tpu.memref_slice %arg6[%arg0, %arg1, %dma_start3A_1419, %dma_start3A_1420] : memref<2x6x8x128xf32, #tpu.memory_space<hbm>> -> memref<1x1x8x128xf32, #tpu.memory_space<hbm>>
        %dma_start3A_1422 = tpu.memref_squeeze %dma_start3A_1421 : memref<1x1x8x128xf32, #tpu.memory_space<hbm>> -> memref<8x128xf32, #tpu.memory_space<hbm>>
        tpu.enqueue_dma source(%arg13 : memref<8x128xf32, #tpu.memory_space<vmem>>) target(%dma_start3A_1422 : memref<8x128xf32, #tpu.memory_space<hbm>>) target_semaphore(%run_scoped3A_1415 : memref<!tpu.dma_semaphore, #tpu.memory_space<semaphore_mem>>)
        %dma_wait3A = arith.constant 0 : i32
        %dma_wait3A_1423 = arith.constant 0 : i32
        %dma_wait3A_1424 = tpu.memref_slice %arg6[%arg0, %arg1, %dma_wait3A, %dma_wait3A_1423] : memref<2x6x8x128xf32, #tpu.memory_space<hbm>> -> memref<1x1x8x128xf32, #tpu.memory_space<hbm>>
        %dma_wait3A_1425 = tpu.memref_squeeze %dma_wait3A_1424 : memref<1x1x8x128xf32, #tpu.memory_space<hbm>> -> memref<8x128xf32, #tpu.memory_space<hbm>>
        %dma_wait3A_1426 = arith.constant 0 : i32
        %dma_wait3A_1427 = arith.constant 0 : i32
        %dma_wait3A_1428 = tpu.memref_slice %arg6[%arg0, %arg1, %dma_wait3A_1426, %dma_wait3A_1427] : memref<2x6x8x128xf32, #tpu.memory_space<hbm>> -> memref<1x1x8x128xf32, #tpu.memory_space<hbm>>
        %dma_wait3A_1429 = tpu.memref_squeeze %dma_wait3A_1428 : memref<1x1x8x128xf32, #tpu.memory_space<hbm>> -> memref<8x128xf32, #tpu.memory_space<hbm>>
        tpu.wait_dma2 semaphore(%run_scoped3A_1415 : memref<!tpu.dma_semaphore, #tpu.memory_space<semaphore_mem>>) src(%arg13 : memref<8x128xf32, #tpu.memory_space<vmem>>) dst(%dma_wait3A_1429 : memref<8x128xf32, #tpu.memory_space<hbm>>)
        tpu.yield
      }) : () -> ()
    } else {
    }
    return
  }
}

module attributes {stable_mosaic.version = 14 : i64} {
  func.func @_map_kernel(%arg0: i32, %arg1: i32, %arg2: memref<1x2000x80xf32, #tpu.memory_space<vmem>>, %arg3: memref<1x2000x4xf32, #tpu.memory_space<vmem>>, %arg4: memref<1x2000x1xf32, #tpu.memory_space<vmem>>, %arg5: memref<2000x2xf32, #tpu.memory_space<vmem>>, %arg6: memref<1x16x128xf32, #tpu.memory_space<vmem>>, %arg7: memref<1x16x128xf32, #tpu.memory_space<vmem>>, %arg8: memref<1x4x16x128xf32, #tpu.memory_space<vmem>>) attributes {dimension_semantics = [#tpu.dimension_semantics<arbitrary>, #tpu.dimension_semantics<arbitrary>], iteration_bounds = array<i64: 2, 10>, scalar_prefetch = 0 : i64, scratch_operands = 0 : i64, tpu.core_type = #tpu.core_type<tc>, window_params = [{transform_indices = @transform_0, window_bounds = array<i64: 1, 2000, 80>}, {transform_indices = @transform_1, window_bounds = array<i64: 1, 2000, 4>}, {transform_indices = @transform_2, window_bounds = array<i64: 1, 2000, 1>}, {transform_indices = @transform_3, window_bounds = array<i64: 2000, 2>}, {transform_indices = @transform_4, window_bounds = array<i64: 1, 16, 128>}, {transform_indices = @transform_5, window_bounds = array<i64: 1, 16, 128>}, {transform_indices = @transform_6, window_bounds = array<i64: 1, 4, 16, 128>}]} {
    %get3A = arith.constant 0 : index
    %get3A_0 = arith.constant 0 : index
    %get3A_1 = arith.constant 0 : index
    %get3A_2 = vector.load %arg2[%get3A, %get3A_0, %get3A_1] : memref<1x2000x80xf32, #tpu.memory_space<vmem>>, vector<1x2000x80xf32>
    %get3A_3 = vector.shape_cast %get3A_2 : vector<1x2000x80xf32> to vector<2000x80xf32>
    %get3A_4 = arith.constant 0 : index
    %get3A_5 = arith.constant 0 : index
    %get3A_6 = arith.constant 0 : index
    %get3A_7 = vector.load %arg4[%get3A_4, %get3A_5, %get3A_6] : memref<1x2000x1xf32, #tpu.memory_space<vmem>>, vector<1x2000x1xf32>
    %get3A_8 = vector.shape_cast %get3A_7 : vector<1x2000x1xf32> to vector<2000x1xf32>
    %logistic3A = arith.negf %get3A_3 : vector<2000x80xf32>
    %logistic3A_9 = math.exp %logistic3A : vector<2000x80xf32>
    %logistic3A_10 = arith.constant 1.000000e+00 : f32
    %logistic3A_11 = vector.broadcast %logistic3A_10 : f32 to vector<2000x80xf32>
    %logistic3A_12 = arith.addf %logistic3A_11, %logistic3A_9 : vector<2000x80xf32>
    %logistic3A_13 = arith.divf %logistic3A_11, %logistic3A_12 : vector<2000x80xf32>
    %logistic3A_14 = arith.negf %get3A_8 : vector<2000x1xf32>
    %logistic3A_15 = math.exp %logistic3A_14 : vector<2000x1xf32>
    %logistic3A_16 = arith.constant 1.000000e+00 : f32
    %logistic3A_17 = vector.broadcast %logistic3A_16 : f32 to vector<2000x1xf32>
    %logistic3A_18 = arith.addf %logistic3A_17, %logistic3A_15 : vector<2000x1xf32>
    %logistic3A_19 = arith.divf %logistic3A_17, %logistic3A_18 : vector<2000x1xf32>
    %mul3A = vector.broadcast %logistic3A_19 : vector<2000x1xf32> to vector<2000x80xf32>
    %mul3A_20 = arith.mulf %logistic3A_13, %mul3A : vector<2000x80xf32>
    %reduce_max3A = arith.constant dense<0xFF800000> : vector<2000xf32>
    %reduce_max3A_21 = vector.multi_reduction <maximumf>, %mul3A_20, %reduce_max3A [1] : vector<2000x80xf32> to vector<2000xf32>
    %iota3A = tpu.iota {dimensions = array<i32: 1>} : vector<2000x80xi32>
    %broadcast_in_dim3A = vector.shape_cast %reduce_max3A_21 : vector<2000xf32> to vector<2000x1xf32>
    %eq3A = vector.broadcast %broadcast_in_dim3A : vector<2000x1xf32> to vector<2000x80xf32>
    %eq3A_22 = arith.cmpf oeq, %mul3A_20, %eq3A : vector<2000x80xf32>
    %jit3A = arith.constant 80 : i32
    %broadcast_in_dim3A_23 = vector.broadcast %jit3A : i32 to vector<2000x80xi32>
    %select_n3A = arith.select %eq3A_22, %iota3A, %broadcast_in_dim3A_23 : vector<2000x80xi1>, vector<2000x80xi32>
    %reduce_min3A = arith.constant dense<2147483647> : vector<2000xi32>
    %reduce_min3A_24 = vector.multi_reduction <minsi>, %select_n3A, %reduce_min3A [1] : vector<2000x80xi32> to vector<2000xi32>
    %broadcast_in_dim3A_25 = arith.constant 0.000000e+00 : f32
    %broadcast_in_dim3A_26 = vector.broadcast %broadcast_in_dim3A_25 : f32 to vector<48xf32>
    %concatenate3A = tpu.concatenate %reduce_max3A_21, %broadcast_in_dim3A_26 in 0 : vector<2000xf32>, vector<48xf32> -> vector<2048xf32>
    %reshape3A = vector.shape_cast %concatenate3A : vector<2048xf32> to vector<16x128xf32>
    %swap3A = arith.constant 0 : index
    %swap3A_27 = arith.constant 0 : index
    %swap3A_28 = arith.constant 0 : index
    %swap3A_29 = vector.load %arg6[%swap3A, %swap3A_27, %swap3A_28] : memref<1x16x128xf32, #tpu.memory_space<vmem>>, vector<1x16x128xf32>
    %swap3A_30 = vector.shape_cast %swap3A_29 : vector<1x16x128xf32> to vector<16x128xf32>
    %swap3A_31 = vector.shape_cast %reshape3A : vector<16x128xf32> to vector<1x16x128xf32>
    tpu.vector_store %arg6[%swap3A, %swap3A_27, %swap3A_28], %swap3A_31 {strides = array<i32>} : memref<1x16x128xf32, #tpu.memory_space<vmem>>, vector<1x16x128xf32>,
    %convert_element_type3A = arith.sitofp %reduce_min3A_24 : vector<2000xi32> to vector<2000xf32>
    %concatenate3A_32 = tpu.concatenate %convert_element_type3A, %broadcast_in_dim3A_26 in 0 : vector<2000xf32>, vector<48xf32> -> vector<2048xf32>
    %reshape3A_33 = vector.shape_cast %concatenate3A_32 : vector<2048xf32> to vector<16x128xf32>
    %swap3A_34 = arith.constant 0 : index
    %swap3A_35 = arith.constant 0 : index
    %swap3A_36 = arith.constant 0 : index
    %swap3A_37 = vector.load %arg7[%swap3A_34, %swap3A_35, %swap3A_36] : memref<1x16x128xf32, #tpu.memory_space<vmem>>, vector<1x16x128xf32>
    %swap3A_38 = vector.shape_cast %swap3A_37 : vector<1x16x128xf32> to vector<16x128xf32>
    %swap3A_39 = vector.shape_cast %reshape3A_33 : vector<16x128xf32> to vector<1x16x128xf32>
    tpu.vector_store %arg7[%swap3A_34, %swap3A_35, %swap3A_36], %swap3A_39 {strides = array<i32>} : memref<1x16x128xf32, #tpu.memory_space<vmem>>, vector<1x16x128xf32>,
    %get3A_40 = arith.constant 0 : index
    %get3A_41 = arith.constant 0 : index
    %get3A_42 = arith.constant 0 : index
    %get3A_43 = vector.load %arg3[%get3A_40, %get3A_41, %get3A_42] : memref<1x2000x4xf32, #tpu.memory_space<vmem>>, vector<1x2000x4xf32>
    %get3A_44 = vector.shape_cast %get3A_43 : vector<1x2000x4xf32> to vector<2000x4xf32>
    %get3A_45 = arith.constant 0 : index
    %get3A_46 = arith.constant 0 : index
    %get3A_47 = vector.load %arg5[%get3A_45, %get3A_46] : memref<2000x2xf32, #tpu.memory_space<vmem>>, vector<2000x1xf32>
    %get3A_48 = vector.shape_cast %get3A_47 : vector<2000x1xf32> to vector<2000xf32>
    %get3A_49 = arith.constant 0 : index
    %get3A_50 = arith.constant 1 : index
    %get3A_51 = vector.load %arg5[%get3A_49, %get3A_50] : memref<2000x2xf32, #tpu.memory_space<vmem>>, vector<2000x1xf32>
    %get3A_52 = vector.shape_cast %get3A_51 : vector<2000x1xf32> to vector<2000xf32>
    %slice3A = vector.extract_strided_slice %get3A_44 {offsets = [0, 0], sizes = [2000, 1], strides = [1, 1]} : vector<2000x4xf32> to vector<2000x1xf32>
    %squeeze3A = vector.shape_cast %slice3A : vector<2000x1xf32> to vector<2000xf32>
    %sub3A = arith.subf %get3A_48, %squeeze3A : vector<2000xf32>
    %slice3A_53 = vector.extract_strided_slice %get3A_44 {offsets = [0, 1], sizes = [2000, 1], strides = [1, 1]} : vector<2000x4xf32> to vector<2000x1xf32>
    %squeeze3A_54 = vector.shape_cast %slice3A_53 : vector<2000x1xf32> to vector<2000xf32>
    %sub3A_55 = arith.subf %get3A_52, %squeeze3A_54 : vector<2000xf32>
    %slice3A_56 = vector.extract_strided_slice %get3A_44 {offsets = [0, 2], sizes = [2000, 1], strides = [1, 1]} : vector<2000x4xf32> to vector<2000x1xf32>
    %squeeze3A_57 = vector.shape_cast %slice3A_56 : vector<2000x1xf32> to vector<2000xf32>
    %add3A = arith.addf %get3A_48, %squeeze3A_57 : vector<2000xf32>
    %slice3A_58 = vector.extract_strided_slice %get3A_44 {offsets = [0, 3], sizes = [2000, 1], strides = [1, 1]} : vector<2000x4xf32> to vector<2000x1xf32>
    %squeeze3A_59 = vector.shape_cast %slice3A_58 : vector<2000x1xf32> to vector<2000xf32>
    %add3A_60 = arith.addf %get3A_52, %squeeze3A_59 : vector<2000xf32>
    %stack3A = vector.shape_cast %sub3A : vector<2000xf32> to vector<1x2000xf32>
    %stack3A_61 = vector.shape_cast %sub3A_55 : vector<2000xf32> to vector<1x2000xf32>
    %stack3A_62 = vector.shape_cast %add3A : vector<2000xf32> to vector<1x2000xf32>
    %stack3A_63 = vector.shape_cast %add3A_60 : vector<2000xf32> to vector<1x2000xf32>
    %stack3A_64 = tpu.concatenate %stack3A, %stack3A_61, %stack3A_62, %stack3A_63 in 0 : vector<1x2000xf32>, vector<1x2000xf32>, vector<1x2000xf32>, vector<1x2000xf32> -> vector<4x2000xf32>
    %jit3A_65 = arith.constant 0 : i32
    %convert_element_type3A_66 = arith.sitofp %jit3A_65 : i32 to f32
    %pad3A = vector.broadcast %convert_element_type3A_66 : f32 to vector<4x48xf32>
    %pad3A_67 = tpu.concatenate %stack3A_64, %pad3A in 1 : vector<4x2000xf32>, vector<4x48xf32> -> vector<4x2048xf32>
    %reshape3A_68 = vector.shape_cast %pad3A_67 : vector<4x2048xf32> to vector<4x16x128xf32>
    %swap3A_69 = arith.constant 0 : index
    %swap3A_70 = arith.constant 0 : index
    %swap3A_71 = arith.constant 0 : index
    %swap3A_72 = arith.constant 0 : index
    %swap3A_73 = vector.load %arg8[%swap3A_69, %swap3A_70, %swap3A_71, %swap3A_72] : memref<1x4x16x128xf32, #tpu.memory_space<vmem>>, vector<1x4x16x128xf32>
    %swap3A_74 = vector.shape_cast %swap3A_73 : vector<1x4x16x128xf32> to vector<4x16x128xf32>
    %swap3A_75 = vector.shape_cast %reshape3A_68 : vector<4x16x128xf32> to vector<1x4x16x128xf32>
    tpu.vector_store %arg8[%swap3A_69, %swap3A_70, %swap3A_71, %swap3A_72], %swap3A_75 {strides = array<i32>} : memref<1x4x16x128xf32, #tpu.memory_space<vmem>>, vector<1x4x16x128xf32>,
    return
  }
  func.func @transform_0(%arg0: i32, %arg1: i32) -> (i32, i32, i32) {
    %c0_i32 = arith.constant 0 : i32
    %c0_i32_0 = arith.constant 0 : i32
    return %arg0, %arg1, %c0_i32 : i32, i32, i32
  }
  func.func @transform_1(%arg0: i32, %arg1: i32) -> (i32, i32, i32) {
    %c0_i32 = arith.constant 0 : i32
    %c0_i32_0 = arith.constant 0 : i32
    return %arg0, %arg1, %c0_i32 : i32, i32, i32
  }
  func.func @transform_2(%arg0: i32, %arg1: i32) -> (i32, i32, i32) {
    %c0_i32 = arith.constant 0 : i32
    %c0_i32_0 = arith.constant 0 : i32
    return %arg0, %arg1, %c0_i32 : i32, i32, i32
  }
  func.func @transform_3(%arg0: i32, %arg1: i32) -> (i32, i32) {
    %c0_i32 = arith.constant 0 : i32
    %c0_i32_0 = arith.constant 0 : i32
    return %arg1, %c0_i32 : i32, i32
  }
  func.func @transform_4(%arg0: i32, %arg1: i32) -> (i32, i32, i32) {
    %c0_i32 = arith.constant 0 : i32
    %c0_i32_0 = arith.constant 0 : i32
    return %arg0, %arg1, %c0_i32 : i32, i32, i32
  }
  func.func @transform_5(%arg0: i32, %arg1: i32) -> (i32, i32, i32) {
    %c0_i32 = arith.constant 0 : i32
    %c0_i32_0 = arith.constant 0 : i32
    return %arg0, %arg1, %c0_i32 : i32, i32, i32
  }
  func.func @transform_6(%arg0: i32, %arg1: i32) -> (i32, i32, i32, i32) {
    %c0_i32 = arith.constant 0 : i32
    %c0_i32_0 = arith.constant 0 : i32
    %c0_i32_1 = arith.constant 0 : i32
    return %arg0, %c0_i32, %arg1, %c0_i32_0 : i32, i32, i32, i32
  }
}

module attributes {stable_mosaic.version = 14 : i64} {
  func.func @_select_kernel(%arg0: i32, %arg1: memref<1x160x128xf32, #tpu.memory_space<vmem>>, %arg2: memref<1x160x128xi32, #tpu.memory_space<vmem>>) attributes {dimension_semantics = [#tpu.dimension_semantics<arbitrary>], iteration_bounds = array<i64: 2>, scalar_prefetch = 0 : i64, scratch_operands = 0 : i64, tpu.core_type = #tpu.core_type<tc>, window_params = [{transform_indices = @transform_0, window_bounds = array<i64: 1, 160, 128>}, {transform_indices = @transform_1, window_bounds = array<i64: 1, 160, 128>}]} {
    %get3A = arith.constant 0 : index
    %get3A_0 = arith.constant 0 : index
    %get3A_1 = arith.constant 0 : index
    %get3A_2 = vector.load %arg1[%get3A, %get3A_0, %get3A_1] : memref<1x160x128xf32, #tpu.memory_space<vmem>>, vector<1x160x128xf32>
    %get3A_3 = vector.shape_cast %get3A_2 : vector<1x160x128xf32> to vector<160x128xf32>
    %bitcast_convert_type3A = tpu.bitcast %get3A_3 : vector<160x128xf32> -> vector<160x128xi32>
    %scan3A = arith.constant 0 : i32
    %scan3A_4 = arith.constant 0 : i32
    %scan3A_5 = arith.constant 31 : i32
    %scan3A_6 = arith.addi %scan3A_4, %scan3A_5 : i32
    %scan3A_7 = arith.constant 1 : i32
    %scan3A_8 = scf.for %scan3A_56 = %scan3A_4 to %scan3A_6 step %scan3A_7 iter_args(%scan3A_57 = %scan3A) -> (i32)  : i32 {
      %sub3A_58 = arith.constant 30 : i32
      %sub3A_59 = arith.subi %sub3A_58, %scan3A_56 : i32
      %shift_left3A = arith.constant 1 : i32
      %shift_left3A_60 = arith.shli %shift_left3A, %sub3A_59 : i32
      %add3A_61 = arith.addi %scan3A_57, %shift_left3A_60 : i32
      %ge3A = vector.broadcast %add3A_61 : i32 to vector<160x128xi32>
      %ge3A_62 = arith.cmpi sge, %bitcast_convert_type3A, %ge3A : vector<160x128xi32>
      %convert_element_type3A_63 = arith.extui %ge3A_62 : vector<160x128xi1> to vector<160x128xi32>
      %reduce_sum3A_64 = vector.shape_cast %convert_element_type3A_63 : vector<160x128xi32> to vector<1x160x128xi32>
      %reduce_sum3A_65 = arith.constant dense<0> : vector<1xi32>
      %reduce_sum3A_66 = vector.multi_reduction <add>, %reduce_sum3A_64, %reduce_sum3A_65 [1, 2] : vector<1x160x128xi32> to vector<1xi32>
      %reduce_sum3A_67 = vector.shape_cast %reduce_sum3A_66 : vector<1xi32> to vector<1x1x1xi32>
      %reduce_sum3A_68 = vector.extract %reduce_sum3A_67[0, 0, 0] : i32 from vector<1x1x1xi32>
      %ge3A_69 = arith.constant 1000 : i32
      %ge3A_70 = arith.cmpi sge, %reduce_sum3A_68, %ge3A_69 : i32
      %select_n3A_71 = arith.select %ge3A_70, %add3A_61, %scan3A_57 : i32
      scf.yield %select_n3A_71 : i32
    }
    %scan3A_9 = arith.constant 31 : i32
    %gt3A = vector.broadcast %scan3A_8 : i32 to vector<160x128xi32>
    %gt3A_10 = arith.cmpi sgt, %bitcast_convert_type3A, %gt3A : vector<160x128xi32>
    %convert_element_type3A = arith.extui %gt3A_10 : vector<160x128xi1> to vector<160x128xi32>
    %reduce_sum3A = vector.shape_cast %convert_element_type3A : vector<160x128xi32> to vector<1x160x128xi32>
    %reduce_sum3A_11 = arith.constant dense<0> : vector<1xi32>
    %reduce_sum3A_12 = vector.multi_reduction <add>, %reduce_sum3A, %reduce_sum3A_11 [1, 2] : vector<1x160x128xi32> to vector<1xi32>
    %reduce_sum3A_13 = vector.shape_cast %reduce_sum3A_12 : vector<1xi32> to vector<1x1x1xi32>
    %reduce_sum3A_14 = vector.extract %reduce_sum3A_13[0, 0, 0] : i32 from vector<1x1x1xi32>
    %sub3A = arith.constant 1000 : i32
    %sub3A_15 = arith.subi %sub3A, %reduce_sum3A_14 : i32
    %eq3A = vector.broadcast %scan3A_8 : i32 to vector<160x128xi32>
    %eq3A_16 = arith.cmpi eq, %bitcast_convert_type3A, %eq3A : vector<160x128xi32>
    %iota3A = tpu.iota {dimensions = array<i32: 0>} : vector<160x160xi32>
    %iota3A_17 = tpu.iota {dimensions = array<i32: 1>} : vector<160x160xi32>
    %lt3A = arith.cmpi slt, %iota3A_17, %iota3A : vector<160x160xi32>
    %convert_element_type3A_18 = arith.extui %lt3A : vector<160x160xi1> to vector<160x160xi32>
    %convert_element_type3A_19 = arith.sitofp %convert_element_type3A_18 : vector<160x160xi32> to vector<160x160xf32>
    %iota3A_20 = tpu.iota {dimensions = array<i32: 0>} : vector<128x128xi32>
    %iota3A_21 = tpu.iota {dimensions = array<i32: 1>} : vector<128x128xi32>
    %lt3A_22 = arith.cmpi slt, %iota3A_20, %iota3A_21 : vector<128x128xi32>
    %convert_element_type3A_23 = arith.extui %lt3A_22 : vector<128x128xi1> to vector<128x128xi32>
    %convert_element_type3A_24 = arith.sitofp %convert_element_type3A_23 : vector<128x128xi32> to vector<128x128xf32>
    %convert_element_type3A_25 = arith.extui %eq3A_16 : vector<160x128xi1> to vector<160x128xi32>
    %convert_element_type3A_26 = arith.sitofp %convert_element_type3A_25 : vector<160x128xi32> to vector<160x128xf32>
    %broadcast_in_dim3A = arith.constant 1.000000e+00 : f32
    %broadcast_in_dim3A_27 = vector.broadcast %broadcast_in_dim3A : f32 to vector<128x1xf32>
    %dot_general3A = arith.constant dense<0.000000e+00> : vector<160x1xf32>
    %dot_general3A_28 = tpu.matmul %convert_element_type3A_26, %broadcast_in_dim3A_27, %dot_general3A {dimension_numbers = #tpu.dot_dimension_numbers<[1], [0], [0], [1], [0, 0, 1, 1], [], []>, transpose_lhs_hint = false} : vector<160x128xf32>, vector<128x1xf32>, vector<160x1xf32> -> vector<160x1xf32>
    %dot_general3A_29 = arith.constant dense<0.000000e+00> : vector<160x1xf32>
    %dot_general3A_30 = tpu.matmul %convert_element_type3A_19, %dot_general3A_28, %dot_general3A_29 {dimension_numbers = #tpu.dot_dimension_numbers<[1], [0], [0], [1], [0, 0, 1, 1], [], []>, transpose_lhs_hint = false} : vector<160x160xf32>, vector<160x1xf32>, vector<160x1xf32> -> vector<160x1xf32>
    %dot_general3A_31 = arith.constant dense<0.000000e+00> : vector<160x128xf32>
    %dot_general3A_32 = tpu.matmul %convert_element_type3A_26, %convert_element_type3A_24, %dot_general3A_31 {dimension_numbers = #tpu.dot_dimension_numbers<[1], [0], [0], [1], [0, 0, 1, 1], [], []>, transpose_lhs_hint = false} : vector<160x128xf32>, vector<128x128xf32>, vector<160x128xf32> -> vector<160x128xf32>
    %add3A = vector.broadcast %dot_general3A_30 : vector<160x1xf32> to vector<160x128xf32>
    %add3A_33 = arith.addf %add3A, %dot_general3A_32 : vector<160x128xf32>
    %convert_element_type3A_34 = arith.sitofp %sub3A_15 : i32 to f32
    %lt3A_35 = vector.broadcast %convert_element_type3A_34 : f32 to vector<160x128xf32>
    %lt3A_36 = arith.cmpf olt, %add3A_33, %lt3A_35 : vector<160x128xf32>
    %and3A = arith.andi %eq3A_16, %lt3A_36 : vector<160x128xi1>
    %or3A = arith.ori %gt3A_10, %and3A : vector<160x128xi1>
    %convert_element_type3A_37 = arith.extui %or3A : vector<160x128xi1> to vector<160x128xi32>
    %convert_element_type3A_38 = arith.sitofp %convert_element_type3A_37 : vector<160x128xi32> to vector<160x128xf32>
    %broadcast_in_dim3A_39 = arith.constant 1.000000e+00 : f32
    %broadcast_in_dim3A_40 = vector.broadcast %broadcast_in_dim3A_39 : f32 to vector<128x1xf32>
    %dot_general3A_41 = arith.constant dense<0.000000e+00> : vector<160x1xf32>
    %dot_general3A_42 = tpu.matmul %convert_element_type3A_38, %broadcast_in_dim3A_40, %dot_general3A_41 {dimension_numbers = #tpu.dot_dimension_numbers<[1], [0], [0], [1], [0, 0, 1, 1], [], []>, transpose_lhs_hint = false} : vector<160x128xf32>, vector<128x1xf32>, vector<160x1xf32> -> vector<160x1xf32>
    %dot_general3A_43 = arith.constant dense<0.000000e+00> : vector<160x1xf32>
    %dot_general3A_44 = tpu.matmul %convert_element_type3A_19, %dot_general3A_42, %dot_general3A_43 {dimension_numbers = #tpu.dot_dimension_numbers<[1], [0], [0], [1], [0, 0, 1, 1], [], []>, transpose_lhs_hint = false} : vector<160x160xf32>, vector<160x1xf32>, vector<160x1xf32> -> vector<160x1xf32>
    %dot_general3A_45 = arith.constant dense<0.000000e+00> : vector<160x128xf32>
    %dot_general3A_46 = tpu.matmul %convert_element_type3A_38, %convert_element_type3A_24, %dot_general3A_45 {dimension_numbers = #tpu.dot_dimension_numbers<[1], [0], [0], [1], [0, 0, 1, 1], [], []>, transpose_lhs_hint = false} : vector<160x128xf32>, vector<128x128xf32>, vector<160x128xf32> -> vector<160x128xf32>
    %add3A_47 = vector.broadcast %dot_general3A_44 : vector<160x1xf32> to vector<160x128xf32>
    %add3A_48 = arith.addf %add3A_47, %dot_general3A_46 : vector<160x128xf32>
    %convert_element_type3A_49 = arith.fptosi %add3A_48 : vector<160x128xf32> to vector<160x128xi32>
    %jit3A = arith.constant -1 : i32
    %broadcast_in_dim3A_50 = vector.broadcast %jit3A : i32 to vector<160x128xi32>
    %select_n3A = arith.select %or3A, %convert_element_type3A_49, %broadcast_in_dim3A_50 : vector<160x128xi1>, vector<160x128xi32>
    %swap3A = arith.constant 0 : index
    %swap3A_51 = arith.constant 0 : index
    %swap3A_52 = arith.constant 0 : index
    %swap3A_53 = vector.load %arg2[%swap3A, %swap3A_51, %swap3A_52] : memref<1x160x128xi32, #tpu.memory_space<vmem>>, vector<1x160x128xi32>
    %swap3A_54 = vector.shape_cast %swap3A_53 : vector<1x160x128xi32> to vector<160x128xi32>
    %swap3A_55 = vector.shape_cast %select_n3A : vector<160x128xi32> to vector<1x160x128xi32>
    tpu.vector_store %arg2[%swap3A, %swap3A_51, %swap3A_52], %swap3A_55 {strides = array<i32>} : memref<1x160x128xi32, #tpu.memory_space<vmem>>, vector<1x160x128xi32>,
    return
  }
  func.func @transform_0(%arg0: i32) -> (i32, i32, i32) {
    %c0_i32 = arith.constant 0 : i32
    %c0_i32_0 = arith.constant 0 : i32
    %c0_i32_1 = arith.constant 0 : i32
    return %arg0, %c0_i32, %c0_i32_0 : i32, i32, i32
  }
  func.func @transform_1(%arg0: i32) -> (i32, i32, i32) {
    %c0_i32 = arith.constant 0 : i32
    %c0_i32_0 = arith.constant 0 : i32
    %c0_i32_1 = arith.constant 0 : i32
    return %arg0, %c0_i32, %c0_i32_0 : i32, i32, i32
  }
}

module attributes {stable_mosaic.version = 14 : i64} {
  func.func @_nms_kernel(%arg0: i32, %arg1: memref<1x6x8x128xf32, #tpu.memory_space<vmem>>, %arg2: memref<1x100x6xf32, #tpu.memory_space<vmem>>) attributes {dimension_semantics = [#tpu.dimension_semantics<arbitrary>], iteration_bounds = array<i64: 2>, scalar_prefetch = 0 : i64, scratch_operands = 0 : i64, tpu.core_type = #tpu.core_type<tc>, window_params = [{transform_indices = @transform_0, window_bounds = array<i64: 1, 6, 8, 128>}, {transform_indices = @transform_1, window_bounds = array<i64: 1, 100, 6>}]} {
    %get3A = arith.constant 0 : index
    %get3A_0 = arith.constant 0 : index
    %get3A_1 = arith.constant 0 : index
    %get3A_2 = arith.constant 0 : index
    %get3A_3 = vector.load %arg1[%get3A, %get3A_0, %get3A_1, %get3A_2] : memref<1x6x8x128xf32, #tpu.memory_space<vmem>>, vector<1x1x8x128xf32>
    %get3A_4 = vector.shape_cast %get3A_3 : vector<1x1x8x128xf32> to vector<8x128xf32>
    %get3A_5 = arith.constant 0 : index
    %get3A_6 = arith.constant 1 : index
    %get3A_7 = arith.constant 0 : index
    %get3A_8 = arith.constant 0 : index
    %get3A_9 = vector.load %arg1[%get3A_5, %get3A_6, %get3A_7, %get3A_8] : memref<1x6x8x128xf32, #tpu.memory_space<vmem>>, vector<1x1x8x128xf32>
    %get3A_10 = vector.shape_cast %get3A_9 : vector<1x1x8x128xf32> to vector<8x128xf32>
    %get3A_11 = arith.constant 0 : index
    %get3A_12 = arith.constant 2 : index
    %get3A_13 = arith.constant 0 : index
    %get3A_14 = arith.constant 0 : index
    %get3A_15 = vector.load %arg1[%get3A_11, %get3A_12, %get3A_13, %get3A_14] : memref<1x6x8x128xf32, #tpu.memory_space<vmem>>, vector<1x1x8x128xf32>
    %get3A_16 = vector.shape_cast %get3A_15 : vector<1x1x8x128xf32> to vector<8x128xf32>
    %get3A_17 = arith.constant 0 : index
    %get3A_18 = arith.constant 3 : index
    %get3A_19 = arith.constant 0 : index
    %get3A_20 = arith.constant 0 : index
    %get3A_21 = vector.load %arg1[%get3A_17, %get3A_18, %get3A_19, %get3A_20] : memref<1x6x8x128xf32, #tpu.memory_space<vmem>>, vector<1x1x8x128xf32>
    %get3A_22 = vector.shape_cast %get3A_21 : vector<1x1x8x128xf32> to vector<8x128xf32>
    %get3A_23 = arith.constant 0 : index
    %get3A_24 = arith.constant 4 : index
    %get3A_25 = arith.constant 0 : index
    %get3A_26 = arith.constant 0 : index
    %get3A_27 = vector.load %arg1[%get3A_23, %get3A_24, %get3A_25, %get3A_26] : memref<1x6x8x128xf32, #tpu.memory_space<vmem>>, vector<1x1x8x128xf32>
    %get3A_28 = vector.shape_cast %get3A_27 : vector<1x1x8x128xf32> to vector<8x128xf32>
    %get3A_29 = arith.constant 0 : index
    %get3A_30 = arith.constant 5 : index
    %get3A_31 = arith.constant 0 : index
    %get3A_32 = arith.constant 0 : index
    %get3A_33 = vector.load %arg1[%get3A_29, %get3A_30, %get3A_31, %get3A_32] : memref<1x6x8x128xf32, #tpu.memory_space<vmem>>, vector<1x1x8x128xf32>
    %get3A_34 = vector.shape_cast %get3A_33 : vector<1x1x8x128xf32> to vector<8x128xf32>
    %iota3A = tpu.iota {dimensions = array<i32: 0>} : vector<8x128xi32>
    %mul3A = arith.constant 128 : i32
    %mul3A_35 = vector.broadcast %mul3A : i32 to vector<8x128xi32>
    %mul3A_36 = arith.muli %iota3A, %mul3A_35 : vector<8x128xi32>
    %iota3A_37 = tpu.iota {dimensions = array<i32: 1>} : vector<8x128xi32>
    %add3A = arith.addi %mul3A_36, %iota3A_37 : vector<8x128xi32>
    %lt3A = arith.constant 1000 : i32
    %lt3A_38 = vector.broadcast %lt3A : i32 to vector<8x128xi32>
    %lt3A_39 = arith.cmpi slt, %add3A, %lt3A_38 : vector<8x128xi32>
    %gt3A = arith.constant 5.000000e-02 : f32
    %gt3A_40 = vector.broadcast %gt3A : f32 to vector<8x128xf32>
    %gt3A_41 = arith.cmpf ogt, %get3A_28, %gt3A_40 : vector<8x128xf32>
    %and3A = arith.andi %lt3A_39, %gt3A_41 : vector<8x128xi1>
    %jit3A = arith.constant -1.000000e+09 : f32
    %broadcast_in_dim3A = vector.broadcast %jit3A : f32 to vector<8x128xf32>
    %select_n3A = arith.select %and3A, %get3A_28, %broadcast_in_dim3A : vector<8x128xi1>, vector<8x128xf32>
    %mul3A_42 = arith.constant 4.096000e+03 : f32
    %mul3A_43 = vector.broadcast %mul3A_42 : f32 to vector<8x128xf32>
    %mul3A_44 = arith.mulf %get3A_34, %mul3A_43 : vector<8x128xf32>
    %add3A_45 = arith.addf %get3A_4, %mul3A_44 : vector<8x128xf32>
    %add3A_46 = arith.addf %get3A_10, %mul3A_44 : vector<8x128xf32>
    %add3A_47 = arith.addf %get3A_16, %mul3A_44 : vector<8x128xf32>
    %add3A_48 = arith.addf %get3A_22, %mul3A_44 : vector<8x128xf32>
    %sub3A = arith.subf %add3A_47, %add3A_45 : vector<8x128xf32>
    %max3A = arith.constant 0.000000e+00 : f32
    %max3A_49 = vector.broadcast %max3A : f32 to vector<8x128xf32>
    %max3A_50 = arith.maximumf %sub3A, %max3A_49 : vector<8x128xf32>
    %sub3A_51 = arith.subf %add3A_48, %add3A_46 : vector<8x128xf32>
    %max3A_52 = arith.constant 0.000000e+00 : f32
    %max3A_53 = vector.broadcast %max3A_52 : f32 to vector<8x128xf32>
    %max3A_54 = arith.maximumf %sub3A_51, %max3A_53 : vector<8x128xf32>
    %mul3A_55 = arith.mulf %max3A_50, %max3A_54 : vector<8x128xf32>
    %iota3A_56 = tpu.iota {dimensions = array<i32: 1>} : vector<1x128xi32>
    %scan3A = arith.constant 0 : i32
    %scan3A_57 = arith.constant 100 : i32
    %scan3A_58 = arith.addi %scan3A, %scan3A_57 : i32
    %scan3A_59 = arith.constant 1 : i32
    %scan3A_60 = scf.for %scan3A_62 = %scan3A to %scan3A_58 step %scan3A_59 iter_args(%scan3A_63 = %select_n3A) -> (vector<8x128xf32>)  : i32 {
      %reduce_max3A = vector.shape_cast %scan3A_63 : vector<8x128xf32> to vector<1x8x128xf32>
      %reduce_max3A_64 = arith.constant dense<0xFF800000> : vector<1xf32>
      %reduce_max3A_65 = vector.multi_reduction <maximumf>, %reduce_max3A, %reduce_max3A_64 [1, 2] : vector<1x8x128xf32> to vector<1xf32>
      %reduce_max3A_66 = vector.shape_cast %reduce_max3A_65 : vector<1xf32> to vector<1x1x1xf32>
      %reduce_max3A_67 = vector.extract %reduce_max3A_66[0, 0, 0] : f32 from vector<1x1x1xf32>
      %eq3A = vector.broadcast %reduce_max3A_67 : f32 to vector<8x128xf32>
      %eq3A_68 = arith.cmpf oeq, %scan3A_63, %eq3A : vector<8x128xf32>
      %jit3A_69 = arith.constant 1073741824 : i32
      %broadcast_in_dim3A_70 = vector.broadcast %jit3A_69 : i32 to vector<8x128xi32>
      %select_n3A_71 = arith.select %eq3A_68, %add3A, %broadcast_in_dim3A_70 : vector<8x128xi1>, vector<8x128xi32>
      %reduce_min3A = vector.shape_cast %select_n3A_71 : vector<8x128xi32> to vector<1x8x128xi32>
      %reduce_min3A_72 = arith.constant dense<2147483647> : vector<1xi32>
      %reduce_min3A_73 = vector.multi_reduction <minsi>, %reduce_min3A, %reduce_min3A_72 [1, 2] : vector<1x8x128xi32> to vector<1xi32>
      %reduce_min3A_74 = vector.shape_cast %reduce_min3A_73 : vector<1xi32> to vector<1x1x1xi32>
      %reduce_min3A_75 = vector.extract %reduce_min3A_74[0, 0, 0] : i32 from vector<1x1x1xi32>
      %jit3A_76 = arith.constant 128 : i32
      %div3A = arith.divsi %reduce_min3A_75, %jit3A_76 : i32
      %sign3A = arith.constant 0 : i32
      %sign3A_77 = arith.cmpi sgt, %reduce_min3A_75, %sign3A : i32
      %sign3A_78 = arith.extui %sign3A_77 : i1 to i32
      %sign3A_79 = arith.constant 0 : i32
      %sign3A_80 = arith.cmpi slt, %reduce_min3A_75, %sign3A_79 : i32
      %sign3A_81 = arith.extui %sign3A_80 : i1 to i32
      %sign3A_82 = arith.subi %sign3A_78, %sign3A_81 : i32
      %sign3A_83 = arith.constant 0 : i32
      %sign3A_84 = arith.cmpi sgt, %jit3A_76, %sign3A_83 : i32
      %sign3A_85 = arith.extui %sign3A_84 : i1 to i32
      %sign3A_86 = arith.constant 0 : i32
      %sign3A_87 = arith.cmpi slt, %jit3A_76, %sign3A_86 : i32
      %sign3A_88 = arith.extui %sign3A_87 : i1 to i32
      %sign3A_89 = arith.subi %sign3A_85, %sign3A_88 : i32
      %ne3A = arith.cmpi ne, %sign3A_82, %sign3A_89 : i32
      %rem3A = arith.remsi %reduce_min3A_75, %jit3A_76 : i32
      %ne3A_90 = arith.constant 0 : i32
      %ne3A_91 = arith.cmpi ne, %rem3A, %ne3A_90 : i32
      %and3A_92 = arith.andi %ne3A, %ne3A_91 : i1
      %sub3A_93 = arith.constant 1 : i32
      %sub3A_94 = arith.subi %div3A, %sub3A_93 : i32
      %select_n3A_95 = arith.select %and3A_92, %sub3A_94, %div3A : i32
      %jit3A_96 = arith.constant 128 : i32
      %eq3A_97 = arith.constant 0 : i32
      %eq3A_98 = arith.cmpi eq, %jit3A_96, %eq3A_97 : i32
      %jit3A_99 = arith.constant 1 : i32
      %select_n3A_100 = arith.select %eq3A_98, %jit3A_99, %jit3A_96 : i32
      %rem3A_101 = arith.remsi %reduce_min3A_75, %select_n3A_100 : i32
      %ne3A_102 = arith.constant 0 : i32
      %ne3A_103 = arith.cmpi ne, %rem3A_101, %ne3A_102 : i32
      %lt3A_104 = arith.constant 0 : i32
      %lt3A_105 = arith.cmpi slt, %rem3A_101, %lt3A_104 : i32
      %lt3A_106 = arith.constant 0 : i32
      %lt3A_107 = arith.cmpi slt, %select_n3A_100, %lt3A_106 : i32
      %ne3A_108 = arith.xori %lt3A_105, %lt3A_107 : i1
      %and3A_109 = arith.andi %ne3A_108, %ne3A_103 : i1
      %add3A_110 = arith.addi %rem3A_101, %select_n3A_100 : i32
      %select_n3A_111 = arith.select %and3A_109, %add3A_110, %rem3A_101 : i32
      %get3A_112 = arith.constant 0 : index
      %get3A_113 = arith.constant 0 : index
      %get3A_114 = arith.index_cast %select_n3A_95 : i32 to index
      %get3A_115 = arith.constant 0 : index
      %get3A_116 = vector.load %arg1[%get3A_112, %get3A_113, %get3A_114, %get3A_115] : memref<1x6x8x128xf32, #tpu.memory_space<vmem>>, vector<1x1x1x128xf32>
      %get3A_117 = vector.shape_cast %get3A_116 : vector<1x1x1x128xf32> to vector<1x128xf32>
      %eq3A_118 = vector.broadcast %select_n3A_111 : i32 to vector<1x128xi32>
      %eq3A_119 = arith.cmpi eq, %iota3A_56, %eq3A_118 : vector<1x128xi32>
      %jit3A_120 = arith.constant 0.000000e+00 : f32
      %broadcast_in_dim3A_121 = vector.broadcast %jit3A_120 : f32 to vector<1x128xf32>
      %select_n3A_122 = arith.select %eq3A_119, %get3A_117, %broadcast_in_dim3A_121 : vector<1x128xi1>, vector<1x128xf32>
      %reduce_sum3A = vector.shape_cast %select_n3A_122 : vector<1x128xf32> to vector<1x1x128xf32>
      %reduce_sum3A_123 = arith.constant dense<0.000000e+00> : vector<1xf32>
      %reduce_sum3A_124 = vector.multi_reduction <add>, %reduce_sum3A, %reduce_sum3A_123 [1, 2] : vector<1x1x128xf32> to vector<1xf32>
      %reduce_sum3A_125 = vector.shape_cast %reduce_sum3A_124 : vector<1xf32> to vector<1x1x1xf32>
      %reduce_sum3A_126 = vector.extract %reduce_sum3A_125[0, 0, 0] : f32 from vector<1x1x1xf32>
      %get3A_127 = arith.constant 0 : index
      %get3A_128 = arith.constant 1 : index
      %get3A_129 = arith.index_cast %select_n3A_95 : i32 to index
      %get3A_130 = arith.constant 0 : index
      %get3A_131 = vector.load %arg1[%get3A_127, %get3A_128, %get3A_129, %get3A_130] : memref<1x6x8x128xf32, #tpu.memory_space<vmem>>, vector<1x1x1x128xf32>
      %get3A_132 = vector.shape_cast %get3A_131 : vector<1x1x1x128xf32> to vector<1x128xf32>
      %eq3A_133 = vector.broadcast %select_n3A_111 : i32 to vector<1x128xi32>
      %eq3A_134 = arith.cmpi eq, %iota3A_56, %eq3A_133 : vector<1x128xi32>
      %jit3A_135 = arith.constant 0.000000e+00 : f32
      %broadcast_in_dim3A_136 = vector.broadcast %jit3A_135 : f32 to vector<1x128xf32>
      %select_n3A_137 = arith.select %eq3A_134, %get3A_132, %broadcast_in_dim3A_136 : vector<1x128xi1>, vector<1x128xf32>
      %reduce_sum3A_138 = vector.shape_cast %select_n3A_137 : vector<1x128xf32> to vector<1x1x128xf32>
      %reduce_sum3A_139 = arith.constant dense<0.000000e+00> : vector<1xf32>
      %reduce_sum3A_140 = vector.multi_reduction <add>, %reduce_sum3A_138, %reduce_sum3A_139 [1, 2] : vector<1x1x128xf32> to vector<1xf32>
      %reduce_sum3A_141 = vector.shape_cast %reduce_sum3A_140 : vector<1xf32> to vector<1x1x1xf32>
      %reduce_sum3A_142 = vector.extract %reduce_sum3A_141[0, 0, 0] : f32 from vector<1x1x1xf32>
      %get3A_143 = arith.constant 0 : index
      %get3A_144 = arith.constant 2 : index
      %get3A_145 = arith.index_cast %select_n3A_95 : i32 to index
      %get3A_146 = arith.constant 0 : index
      %get3A_147 = vector.load %arg1[%get3A_143, %get3A_144, %get3A_145, %get3A_146] : memref<1x6x8x128xf32, #tpu.memory_space<vmem>>, vector<1x1x1x128xf32>
      %get3A_148 = vector.shape_cast %get3A_147 : vector<1x1x1x128xf32> to vector<1x128xf32>
      %eq3A_149 = vector.broadcast %select_n3A_111 : i32 to vector<1x128xi32>
      %eq3A_150 = arith.cmpi eq, %iota3A_56, %eq3A_149 : vector<1x128xi32>
      %jit3A_151 = arith.constant 0.000000e+00 : f32
      %broadcast_in_dim3A_152 = vector.broadcast %jit3A_151 : f32 to vector<1x128xf32>
      %select_n3A_153 = arith.select %eq3A_150, %get3A_148, %broadcast_in_dim3A_152 : vector<1x128xi1>, vector<1x128xf32>
      %reduce_sum3A_154 = vector.shape_cast %select_n3A_153 : vector<1x128xf32> to vector<1x1x128xf32>
      %reduce_sum3A_155 = arith.constant dense<0.000000e+00> : vector<1xf32>
      %reduce_sum3A_156 = vector.multi_reduction <add>, %reduce_sum3A_154, %reduce_sum3A_155 [1, 2] : vector<1x1x128xf32> to vector<1xf32>
      %reduce_sum3A_157 = vector.shape_cast %reduce_sum3A_156 : vector<1xf32> to vector<1x1x1xf32>
      %reduce_sum3A_158 = vector.extract %reduce_sum3A_157[0, 0, 0] : f32 from vector<1x1x1xf32>
      %get3A_159 = arith.constant 0 : index
      %get3A_160 = arith.constant 3 : index
      %get3A_161 = arith.index_cast %select_n3A_95 : i32 to index
      %get3A_162 = arith.constant 0 : index
      %get3A_163 = vector.load %arg1[%get3A_159, %get3A_160, %get3A_161, %get3A_162] : memref<1x6x8x128xf32, #tpu.memory_space<vmem>>, vector<1x1x1x128xf32>
      %get3A_164 = vector.shape_cast %get3A_163 : vector<1x1x1x128xf32> to vector<1x128xf32>
      %eq3A_165 = vector.broadcast %select_n3A_111 : i32 to vector<1x128xi32>
      %eq3A_166 = arith.cmpi eq, %iota3A_56, %eq3A_165 : vector<1x128xi32>
      %jit3A_167 = arith.constant 0.000000e+00 : f32
      %broadcast_in_dim3A_168 = vector.broadcast %jit3A_167 : f32 to vector<1x128xf32>
      %select_n3A_169 = arith.select %eq3A_166, %get3A_164, %broadcast_in_dim3A_168 : vector<1x128xi1>, vector<1x128xf32>
      %reduce_sum3A_170 = vector.shape_cast %select_n3A_169 : vector<1x128xf32> to vector<1x1x128xf32>
      %reduce_sum3A_171 = arith.constant dense<0.000000e+00> : vector<1xf32>
      %reduce_sum3A_172 = vector.multi_reduction <add>, %reduce_sum3A_170, %reduce_sum3A_171 [1, 2] : vector<1x1x128xf32> to vector<1xf32>
      %reduce_sum3A_173 = vector.shape_cast %reduce_sum3A_172 : vector<1xf32> to vector<1x1x1xf32>
      %reduce_sum3A_174 = vector.extract %reduce_sum3A_173[0, 0, 0] : f32 from vector<1x1x1xf32>
      %get3A_175 = arith.constant 0 : index
      %get3A_176 = arith.constant 5 : index
      %get3A_177 = arith.index_cast %select_n3A_95 : i32 to index
      %get3A_178 = arith.constant 0 : index
      %get3A_179 = vector.load %arg1[%get3A_175, %get3A_176, %get3A_177, %get3A_178] : memref<1x6x8x128xf32, #tpu.memory_space<vmem>>, vector<1x1x1x128xf32>
      %get3A_180 = vector.shape_cast %get3A_179 : vector<1x1x1x128xf32> to vector<1x128xf32>
      %eq3A_181 = vector.broadcast %select_n3A_111 : i32 to vector<1x128xi32>
      %eq3A_182 = arith.cmpi eq, %iota3A_56, %eq3A_181 : vector<1x128xi32>
      %jit3A_183 = arith.constant 0.000000e+00 : f32
      %broadcast_in_dim3A_184 = vector.broadcast %jit3A_183 : f32 to vector<1x128xf32>
      %select_n3A_185 = arith.select %eq3A_182, %get3A_180, %broadcast_in_dim3A_184 : vector<1x128xi1>, vector<1x128xf32>
      %reduce_sum3A_186 = vector.shape_cast %select_n3A_185 : vector<1x128xf32> to vector<1x1x128xf32>
      %reduce_sum3A_187 = arith.constant dense<0.000000e+00> : vector<1xf32>
      %reduce_sum3A_188 = vector.multi_reduction <add>, %reduce_sum3A_186, %reduce_sum3A_187 [1, 2] : vector<1x1x128xf32> to vector<1xf32>
      %reduce_sum3A_189 = vector.shape_cast %reduce_sum3A_188 : vector<1xf32> to vector<1x1x1xf32>
      %reduce_sum3A_190 = vector.extract %reduce_sum3A_189[0, 0, 0] : f32 from vector<1x1x1xf32>
      %broadcast_in_dim3A_191 = vector.broadcast %reduce_sum3A_126 : f32 to vector<1x1xf32>
      %broadcast_in_dim3A_192 = vector.broadcast %reduce_sum3A_142 : f32 to vector<1x1xf32>
      %broadcast_in_dim3A_193 = vector.broadcast %reduce_sum3A_158 : f32 to vector<1x1xf32>
      %broadcast_in_dim3A_194 = vector.broadcast %reduce_sum3A_174 : f32 to vector<1x1xf32>
      %broadcast_in_dim3A_195 = vector.broadcast %reduce_max3A_67 : f32 to vector<1x1xf32>
      %broadcast_in_dim3A_196 = vector.broadcast %reduce_sum3A_190 : f32 to vector<1x1xf32>
      %concatenate3A = tpu.concatenate %broadcast_in_dim3A_191, %broadcast_in_dim3A_192, %broadcast_in_dim3A_193, %broadcast_in_dim3A_194, %broadcast_in_dim3A_195, %broadcast_in_dim3A_196 in 1 : vector<1x1xf32>, vector<1x1xf32>, vector<1x1xf32>, vector<1x1xf32>, vector<1x1xf32>, vector<1x1xf32> -> vector<1x6xf32>
      %gt3A_197 = arith.constant -1.000000e+08 : f32
      %gt3A_198 = arith.cmpf ogt, %reduce_max3A_67, %gt3A_197 : f32
      %broadcast_in_dim3A_199 = arith.constant 0.000000e+00 : f32
      %broadcast_in_dim3A_200 = vector.broadcast %broadcast_in_dim3A_199 : f32 to vector<1x6xf32>
      %select_n3A_201 = arith.select %gt3A_198, %concatenate3A, %broadcast_in_dim3A_200 : vector<1x6xf32>
      %swap3A = arith.constant 0 : index
      %swap3A_202 = arith.index_cast %scan3A_62 : i32 to index
      %swap3A_203 = arith.constant 0 : index
      %swap3A_204 = vector.load %arg2[%swap3A, %swap3A_202, %swap3A_203] : memref<1x100x6xf32, #tpu.memory_space<vmem>>, vector<1x1x6xf32>
      %swap3A_205 = vector.shape_cast %swap3A_204 : vector<1x1x6xf32> to vector<1x6xf32>
      %swap3A_206 = vector.shape_cast %select_n3A_201 : vector<1x6xf32> to vector<1x1x6xf32>
      tpu.vector_store %arg2[%swap3A, %swap3A_202, %swap3A_203], %swap3A_206 {strides = array<i32>} : memref<1x100x6xf32, #tpu.memory_space<vmem>>, vector<1x1x6xf32>,
      %mul3A_207 = arith.constant 4.096000e+03 : f32
      %mul3A_208 = arith.mulf %reduce_sum3A_190, %mul3A_207 : f32
      %add3A_209 = arith.addf %reduce_sum3A_126, %mul3A_208 : f32
      %add3A_210 = arith.addf %reduce_sum3A_142, %mul3A_208 : f32
      %add3A_211 = arith.addf %reduce_sum3A_158, %mul3A_208 : f32
      %add3A_212 = arith.addf %reduce_sum3A_174, %mul3A_208 : f32
      %max3A_213 = vector.broadcast %add3A_209 : f32 to vector<8x128xf32>
      %max3A_214 = arith.maximumf %max3A_213, %add3A_45 : vector<8x128xf32>
      %max3A_215 = vector.broadcast %add3A_210 : f32 to vector<8x128xf32>
      %max3A_216 = arith.maximumf %max3A_215, %add3A_46 : vector<8x128xf32>
      %min3A = vector.broadcast %add3A_211 : f32 to vector<8x128xf32>
      %min3A_217 = arith.minimumf %min3A, %add3A_47 : vector<8x128xf32>
      %min3A_218 = vector.broadcast %add3A_212 : f32 to vector<8x128xf32>
      %min3A_219 = arith.minimumf %min3A_218, %add3A_48 : vector<8x128xf32>
      %sub3A_220 = arith.subf %min3A_217, %max3A_214 : vector<8x128xf32>
      %max3A_221 = arith.constant 0.000000e+00 : f32
      %max3A_222 = vector.broadcast %max3A_221 : f32 to vector<8x128xf32>
      %max3A_223 = arith.maximumf %sub3A_220, %max3A_222 : vector<8x128xf32>
      %sub3A_224 = arith.subf %min3A_219, %max3A_216 : vector<8x128xf32>
      %max3A_225 = arith.constant 0.000000e+00 : f32
      %max3A_226 = vector.broadcast %max3A_225 : f32 to vector<8x128xf32>
      %max3A_227 = arith.maximumf %sub3A_224, %max3A_226 : vector<8x128xf32>
      %mul3A_228 = arith.mulf %max3A_223, %max3A_227 : vector<8x128xf32>
      %sub3A_229 = arith.subf %add3A_211, %add3A_209 : f32
      %max3A_230 = arith.constant 0.000000e+00 : f32
      %max3A_231 = arith.maximumf %sub3A_229, %max3A_230 : f32
      %sub3A_232 = arith.subf %add3A_212, %add3A_210 : f32
      %max3A_233 = arith.constant 0.000000e+00 : f32
      %max3A_234 = arith.maximumf %sub3A_232, %max3A_233 : f32
      %mul3A_235 = arith.mulf %max3A_231, %max3A_234 : f32
      %add3A_236 = vector.broadcast %mul3A_235 : f32 to vector<8x128xf32>
      %add3A_237 = arith.addf %add3A_236, %mul3A_55 : vector<8x128xf32>
      %sub3A_238 = arith.subf %add3A_237, %mul3A_228 : vector<8x128xf32>
      %add3A_239 = arith.constant 9.99999971E-10 : f32
      %add3A_240 = vector.broadcast %add3A_239 : f32 to vector<8x128xf32>
      %add3A_241 = arith.addf %sub3A_238, %add3A_240 : vector<8x128xf32>
      %div3A_242 = arith.divf %mul3A_228, %add3A_241 : vector<8x128xf32>
      %gt3A_243 = arith.constant 6.000000e-01 : f32
      %gt3A_244 = vector.broadcast %gt3A_243 : f32 to vector<8x128xf32>
      %gt3A_245 = arith.cmpf ogt, %div3A_242, %gt3A_244 : vector<8x128xf32>
      %jit3A_246 = arith.constant -1.000000e+09 : f32
      %broadcast_in_dim3A_247 = vector.broadcast %jit3A_246 : f32 to vector<8x128xf32>
      %select_n3A_248 = arith.select %gt3A_245, %broadcast_in_dim3A_247, %scan3A_63 : vector<8x128xi1>, vector<8x128xf32>
      %eq3A_249 = vector.broadcast %reduce_min3A_75 : i32 to vector<8x128xi32>
      %eq3A_250 = arith.cmpi eq, %add3A, %eq3A_249 : vector<8x128xi32>
      %jit3A_251 = arith.constant -1.000000e+09 : f32
      %broadcast_in_dim3A_252 = vector.broadcast %jit3A_251 : f32 to vector<8x128xf32>
      %select_n3A_253 = arith.select %eq3A_250, %broadcast_in_dim3A_252, %select_n3A_248 : vector<8x128xi1>, vector<8x128xf32>
      scf.yield %select_n3A_253 : vector<8x128xf32>
    }
    %scan3A_61 = arith.constant 100 : i32
    return
  }
  func.func @transform_0(%arg0: i32) -> (i32, i32, i32, i32) {
    %c0_i32 = arith.constant 0 : i32
    %c0_i32_0 = arith.constant 0 : i32
    %c0_i32_1 = arith.constant 0 : i32
    %c0_i32_2 = arith.constant 0 : i32
    return %arg0, %c0_i32, %c0_i32_0, %c0_i32_1 : i32, i32, i32, i32
  }
  func.func @transform_1(%arg0: i32) -> (i32, i32, i32) {
    %c0_i32 = arith.constant 0 : i32
    %c0_i32_0 = arith.constant 0 : i32
    %c0_i32_1 = arith.constant 0 : i32
    return %arg0, %c0_i32, %c0_i32_0 : i32, i32, i32
  }
}

</mosaic_0001>

<sc_bundles>
// kernel: kernel.6.cloned.1.call-start
scs
__scs_entry_jumppad:
0x0: {  	(pc) =	sbr.rel $0x88, $3  }
0x1: {  	(tag) =	ssettag $0x0;
	lr =	simm.s32 $0x1  }
0x2: {  	[smem:$0x3F9D] =	sst lr;
	_ =	strace $0xD0000000  }
0x3: {  	_ = 	snop  }
0x4: {  	_ = 	snop  }
0x5: {  	_ = 	snop  }
0x6: {  	_ = 	snop  }
0x7: {  	_ = 	snop  }
__scs_overlays_trampoline_lowered:
0x8: {  	[smem:$0x3FAC] =	sst s0  }
0x9: {  	[smem:$0x3FAD] =	sst s1  }
0xa: {  	[smem:$0x3FAE] =	sst s2  }
0xb: {  	[smem:$0x3FAF] =	sst s3  }
0xc: {  	[smem:$0x3FB0] =	sst s4  }
0xd: {  	[smem:$0x3FB1] =	sst s5  }
0xe: {  	[smem:$0x3FB2] =	sst s6  }
0xf: {  	[smem:$0x3FB3] =	sst s7  }
0x10: {  	[smem:$0x3FB4] =	sst s8  }
0x11: {  	[smem:$0x3FB5] =	sst s9;
	s0 =	simm.s32 @!p0 $0x0  }
0x12: {  	s1 =	sld [smem:$0x3F9B];
	s0 =	simm.s32 @p0 $0x1  }
0x13: {  	[smem:$0x3FB6] =	sst s0;
	s0 =	simm.s32 @!p1 $0x0  }
0x14: {  	s2 =	sld [smem:$0x3F9A];
	s0 =	simm.s32 @p1 $0x1  }
0x15: {  	[smem:$0x3FB7] =	sst s0;
	s0 =	simm.s32 @!p2 $0x0  }
0x16: {  	s3 =	sld [smem:$0x3FDB];
	s0 =	simm.s32 @p2 $0x1  }
0x17: {  	s4 =	simm.s32 $0x1BF5;
	[smem:$0x3FB9] =	sst s0  }
0x18: {  	s0 =	sld [smem:$0x3F9C];
	_ =	swait.ge [sflag:s4], $0x0  }
0x19: {  	s7 =	sld [smem:$0x3F9D]  }
0x1a: {  	s8 =	sadd.s32 $0xFFFFE003, lr  }
0x1b: {  	s9 =	sadd.s32 $0xFFFFFEF7, lr;
	s5 =	simm.s32 $0xFFFFFFFF;
	p2 =	slt.u32 s8, $0xFFFFF086  }
0x1c: {  	p1 =	slt.u32 s9, $0xF7A;
	s5 =	simm.s32 @!p2 $0x0  }
0x1d: {  	s5 =	simm.s32 @p1 $0x1;
	p0 =	seq.s32 s7, s2  }
0x1e: {  	s7 =	smul.u32 @!p0 $0xF7A, s2;
	p2 =	seq.s32 @!p0 s5, $0x0  }
0x1f: {  	s9 =	smul.u32 $0xF7A, s1;
	s8 =	simm.s32 @!p0 $0x1BF5;
	p2 =	por !p2, p0  }
0x20: {  	[sflag:s8] =	ssyncset.s32 @!p0 $0xFFFFF086;
	s6 =	sadd.s32 @!p0 s3, s7;
	s7 =	simm.s32 @!p0 $0x108  }
0x21: {  	s3 =	sadd.s32 s3, s9;
	s6 =	sadd.s32 @!p0 $0x88, s6;
	s7 =	simm.s32 @p2 $0x1082  }
0x22: {  	[simem:s7], [sflag:s8] =	dma.local @!p0 [hbm:s6], $0xF7A  }
0x23: {  	s9 =	sor.u32 $0xD0000000, s2;
	s6 =	simm.s32 $0x108;
	_ =	swait.ge @!p0 [sflag:s8], $0x0  }
0x24: {  	s3 =	sadd.s32 $0x88, s3;
	s6 =	simm.s32 @!p1 $0x1082;
	[sflag:s4] =	ssyncset.s32 $0xFFFFF086  }
0x25: {  	[simem:s6], [sflag:s4] =	dma.local [hbm:s3], $0xF7A  }
0x26: {  	[smem:$0x3F9D] =	sst s1;
	(tag) =	ssettag s2;
	_ =	strace s9  }
0x27: {  	s1 =	sld [smem:$0x3FAD]  }
0x28: {  	s2 =	sld [smem:$0x3FAE]  }
0x29: {  	s4 =	sld [smem:$0x3FB0]  }
0x2a: {  	p0 =	seq.s32 s5, $0x0;
	s5 =	sld [smem:$0x3FB1]  }
0x2b: {  	s6 =	sld [smem:$0x3FB2]  }
0x2c: {  	s7 =	sld [smem:$0x3FB3]  }
0x2d: {  	s3 =	simm.s32 $0x108;
	s8 =	sld [smem:$0x3FB4]  }
0x2e: {  	s3 =	simm.s32 @!p0 $0x1082;
	s9 =	sld [smem:$0x3FB5]  }
0x2f: {  	lr =	sadd.s32 s0, s3;
	s0 =	sld [smem:$0x3FAC]  }
0x30: {  	s3 =	sld [smem:$0x3FAF]  }
0x31: {  	[smem:$0x3FB8] =	sst s10  }
0x32: {  	s10 =	sld [smem:$0x3FB6];
	_ =	sdelay $0x3  }
0x33: {  	p0 =	seq.s32 s10, $0x1;
	s10 =	sld [smem:$0x3FB8];
	_ =	sdelay $0x3  }
0x34: {  	[smem:$0x3FB8] =	sst s10  }
0x35: {  	s10 =	sld [smem:$0x3FB7];
	_ =	sdelay $0x3  }
0x36: {  	p1 =	seq.s32 s10, $0x1;
	s10 =	sld [smem:$0x3FB8];
	_ =	sdelay $0x3  }
0x37: {  	[smem:$0x3FB8] =	sst s10  }
0x38: {  	s10 =	sld [smem:$0x3FB9]  }
0x39: {  	_ = 	snop;
	(pc) =	sbr.ind lr, $3  }
0x3a: {  	_ = 	snop  }
0x3b: {  	_ = 	snop  }
0x3c: {  	p2 =	seq.s32 s10, $0x1;
	s10 =	sld [smem:$0x3FB8]  }
0x3d: {  	_ =	shalt  }
0x3e: {  	_ =	shalt  }
0x3f: {  	_ =	shalt  }
0x40: {  	_ =	shalt  }
0x41: {  	_ =	shalt  }
0x42: {  	_ =	shalt  }
0x43: {  	_ =	shalt  }
0x44: {  	_ =	shalt  }
0x45: {  	_ =	shalt  }
0x46: {  	_ =	shalt  }
0x47: {  	_ =	shalt  }
0x48: {  	_ =	shalt  }
0x49: {  	_ =	shalt  }
0x4a: {  	_ =	shalt  }
0x4b: {  	_ =	shalt  }
0x4c: {  	_ =	shalt  }
0x4d: {  	_ =	shalt  }
0x4e: {  	_ =	shalt  }
0x4f: {  	_ =	shalt  }
0x50: {  	_ =	shalt  }
0x51: {  	_ =	shalt  }
0x52: {  	_ =	shalt  }
0x53: {  	_ =	shalt  }
0x54: {  	_ =	shalt  }
0x55: {  	_ =	shalt  }
0x56: {  	_ =	shalt  }
0x57: {  	_ =	shalt  }
0x58: {  	_ =	shalt  }
0x59: {  	_ =	shalt  }
0x5a: {  	_ =	shalt  }
0x5b: {  	_ =	shalt  }
0x5c: {  	_ =	shalt  }
0x5d: {  	_ =	shalt  }
0x5e: {  	_ =	shalt  }
0x5f: {  	_ =	shalt  }
0x60: {  	_ =	shalt  }
0x61: {  	_ =	shalt  }
0x62: {  	_ =	shalt  }
0x63: {  	_ =	shalt  }
0x64: {  	_ =	shalt  }
0x65: {  	_ =	shalt  }
0x66: {  	_ =	shalt  }
0x67: {  	_ =	shalt  }
0x68: {  	_ =	shalt  }
0x69: {  	_ =	shalt  }
0x6a: {  	_ =	shalt  }
0x6b: {  	_ =	shalt  }
0x6c: {  	_ =	shalt  }
0x6d: {  	_ =	shalt  }
0x6e: {  	_ =	shalt  }
0x6f: {  	_ =	shalt  }
0x70: {  	_ =	shalt  }
0x71: {  	_ =	shalt  }
0x72: {  	_ =	shalt  }
0x73: {  	_ =	shalt  }
0x74: {  	_ =	shalt  }
0x75: {  	_ =	shalt  }
0x76: {  	_ =	shalt  }
0x77: {  	_ =	shalt  }
0x78: {  	_ =	shalt  }
0x79: {  	_ =	shalt  }
0x7a: {  	_ =	shalt  }
0x7b: {  	_ =	shalt  }
0x7c: {  	_ =	shalt  }
0x7d: {  	_ =	shalt  }
0x7e: {  	_ =	shalt  }
0x7f: {  	_ =	shalt  }
0x80: {  	_ =	shalt  }
0x81: {  	_ =	shalt  }
0x82: {  	_ =	shalt  }
0x83: {  	_ =	shalt  }
0x84: {  	_ =	shalt  }
0x85: {  	_ =	shalt  }
0x86: {  	_ =	shalt  }
0x87: {  	_ =	shalt  }
.Lfunc_end0:
.L_simem_size_0:
called_computation_lowered:
.L_overlay_start_0:
0x88: {  	s2 =	sld [smem:$0x3FD9]  }
0x89: {  	s3 =	sld [smem:$0x3FFE];
	_ =	sdelay $0x1  }
0x8a: {  	s1 =	srdreg.scid  }
0x8b: {  	s0 =	sand.u32 $0x1, s1  }
0x8c: {  	s16 =	sshll.u32 s0, $0xA;
	s2 =	sadd.s32 s3, s2  }
0x8d: {  	s2 =	sadd.s32 s2, s16  }
0x8e: {  	[smem:$0x3FC4] =	sst s2  }
0x8f: {  	_ = 	snop  }
0x90: {  	(tm) =	ssettm $0x1  }
0x91: {  	s17 =	sld [smem:$0x3FFB];
	_ =	sdelay $0x3  }
0x92: {  	_ =	strace s17  }
0x93: {  	s2 =	sld [smem:$0x3FFC];
	_ =	sdelay $0x3  }
0x94: {  	_ =	strace s2  }
0x95: {  	s2 =	sld [smem:$0x3FFD];
	_ =	sdelay $0x3  }
0x96: {  	_ =	strace s2  }
0x97: {  	_ =	strace $0x8FFFFFFF  }
0x98: {  	s18 =	sld [smem:$0x3FDB];
	_ =	sdelay $0x1  }
0x99: {  	s19 =	simm.s32 $_scs_section_size  }
0x9a: {  	s4 =	simm.s32 $_size__tile_overlayer_lowered;
	s5 =	simm.s32 $_tile_overlayer_lowered  }
0x9b: {  	s22 =	simm.s32 $0x1BFF;
	s21 =	sshll.u32 s5, $0x1;
	s2 =	sadd.s32 s19, s18  }
0x9c: {  	s6 =	simm.s32 $0x0;
	s20 =	sshll.u32 s4, $0x1;
	s4 =	sadd.s32 s21, s2  }
0x9d: {  	[timem:s6], [sflag:s22] =	dma.local [hbm:s4], s20  }
0x9e: {  	_ =	swait.ge [sflag:s22], s20  }
0x9f: {  	s3 =	ssub.s32 $0x0, s20;
	[sflag:s22] =	ssyncset.done $0x0  }
0xa0: {  	[sflag:s22] =	ssyncadd.s32 s3;
	_ =	sdelay $0x1  }
0xa1: {  	s23 =	simm.s32 $0x1B8B  }
0xa2: {  	_ =	swait.ge [sflag:s23], $0x1  }
0xa3: {  	[sflag:s23] =	ssyncset.done $0x0  }
0xa4: {  	s25 =	simm.s32 $0x1B8E;
	s24 =	sld [smem:$0x3FFE];
	[sflag:s23] =	ssyncadd.s32 $0xFFFFFFFF  }
0xa5: {  	s26 =	simm.s32 $execute0_lowered;
	[smem:$0x3FD2] =	sst s25  }
0xa6: {  	s4 =	sshll.u32 s26, $0x1;
	_ =	strace $0x80000046;
	[dreg:$0x1] =	wrdreg $0xFFFFFFFF  }
0xa7: {  	s28 =	simm.s32 $_size_execute0_lowered;
	s2 =	sadd.s32 s2, s4;
	[dreg:$0x0] =	wrdreg $0x0  }
0xa8: {  	s4 =	sshll.u32 s28, $0x1;
	[dreg:$0x2] =	wrdreg s2  }
0xa9: {  	[dreg:$0x3] =	wrdreg s4  }
0xaa: {  	[dreg:$0x4] =	wrdreg $0xC0  }
0xab: {  	_ =	task [dreg:s6], $0x5FFFF  }
0xac: {  	[dreg:$0x1] =	wrdreg $0xFFFFFFFF  }
0xad: {  	[dreg:$0x0] =	wrdreg $0x60  }
0xae: {  	[dreg:$0x2] =	wrdreg s24  }
0xaf: {  	[dreg:$0x3] =	wrdreg $0x70800  }
0xb0: {  	[dreg:$0x4] =	wrdreg $0x9  }
0xb1: {  	_ =	task.clear_ibuf [dreg:s6], $0x5FFFF;
	_ =	strace $0x90000046  }
0xb2: {  	s29 =	simm.s32 $0x9;
	_ =	strace $0x80000048  }
0xb3: {  	_ =	swait.ge [sflag:s29], $0x1  }
0xb4: {  	[sflag:s29] =	ssyncadd.s32 $0xFFFFFFFF  }
0xb5: {  	_ =	strace $0x90000048  }
0xb6: {  	_ =	sfence  }
0xb7: {  	s30 =	sld [smem:$0x0];
	_ =	sdelay $0x2  }
0xb8: {  	s31 =	sshll.u32 s1, $0xD;
	s1 =	sshrl.u32 s1, $0x2  }
0xb9: {  	s3 =	sand.u32 $0x4000, s31;
	s1 =	sadd.s32 s1, s30  }
0xba: {  	s0 =	sor.u32 s3, s0;
	s1 =	sshll.u32 s1, $0x11  }
0xbb: {  	s0 =	sor.u32 s1, s0  }
0xbc: {  	s0 =	sadd.s32 $0x8F2B, s0  }
0xbd: {  	[sflag:s0] =	ssyncadd.remote.s32 $0x1  }
0xbe: {  	_ =	sfence.sel $0xFFFF  }
0xbf: {  	[dreg:$0x0] =	wrdreg $0xFFFFFFFF;
	(pc) =	sbr.abs _section_cstart, $3  }
0xc0: {  	[dreg:$0x1] =	wrdreg $0xFFFFFFFF  }
0xc1: {  	_ =	task.clear_ibuf [dreg:s6], $0x2FFFF;
	_ =	strace $0x9FFFFFFF  }
0xc2: {  	(tm) =	ssettm $0x7FFFFFFF  }
0xc3: {  	_ =	shalt  }
tec
execute0_lowered:
.L_overlay_start_1:
0x0: {  	(tag) =	ssettag $0x1  }
0x1: {  	s0 =	rddreg [dreg:$0x0]  }
0x2: {  	s3 =	rddreg [dreg:$0x1]  }
0x3: {  	s1 =	srdreg.scid;
	s12 =	stileid.u32  }
0x4: {  	s25 =	simm.s32 $0x0;
	s2 =	sand.u32 $0x1, s1;
	s1 =	sshll.u32 s12, $0xB  }
0x5: {  	[smem:$0x7FF] =	sst s25;
	s4 =	smul.u32 $0x5000, s2;
	s30 =	sor.u32 $0x220, s1  }
0x6: {  	_ =	strace $0x80000047;
	[smem:$0x7AF] =	sst s30;
	s30 =	sor.u32 $0x240, s1  }
0x7: {  	s4 =	sadd.s32 s1, s4;
	[smem:$0x7B0] =	sst s30;
	s30 =	sor.u32 $0x250, s1  }
0x8: {  	s4 =	sshrl.u32 s4, $0x3;
	[smem:$0x7B1] =	sst s30;
	s30 =	sor.u32 $0x260, s1  }
0x9: {  	s4 =	sadd.s32 s4, s0;
	[smem:$0x7B2] =	sst s30;
	s30 =	sor.u32 $0x270, s1  }
0xa: {  	s28 =	sadd.s32 $0x8C00, s4;
	s4 =	sor.u32 $0x10, s1;
	[smem:$0x7B3] =	sst s30  }
0xb: {  	s30 =	sor.u32 $0x280, s1;
	[smem:$0x7A4] =	sst s4  }
0xc: {  	[smem:$0x7B4] =	sst s30;
	s30 =	sor.u32 $0x290, s1  }
0xd: {  	[smem:$0x7B5] =	sst s30;
	s30 =	sor.u32 $0x2A0, s1  }
0xe: {  	[smem:$0x7B6] =	sst s30;
	s30 =	sor.u32 $0x2B0, s1  }
0xf: {  	[smem:$0x7B7] =	sst s30;
	s30 =	sor.u32 $0x2C0, s1  }
0x10: {  	[smem:$0x7B8] =	sst s30;
	s30 =	sor.u32 $0x2D0, s1  }
0x11: {  	[smem:$0x7B9] =	sst s30;
	s30 =	sor.u32 $0x2E0, s1  }
0x12: {  	[smem:$0x7BA] =	sst s30;
	s30 =	sor.u32 $0x2F0, s1  }
0x13: {  	[smem:$0x7BB] =	sst s30;
	s30 =	sor.u32 $0x300, s1  }
0x14: {  	[smem:$0x7BC] =	sst s30;
	s30 =	sor.u32 $0x310, s1  }
0x15: {  	[smem:$0x7BD] =	sst s30;
	s30 =	sor.u32 $0x320, s1  }
0x16: {  	[smem:$0x7BE] =	sst s30;
	s30 =	sor.u32 $0x330, s1  }
0x17: {  	[smem:$0x7BF] =	sst s30;
	s30 =	sor.u32 $0x340, s1  }
0x18: {  	[smem:$0x7C0] =	sst s30;
	s30 =	sor.u32 $0x350, s1  }
0x19: {  	[smem:$0x7C1] =	sst s30;
	s30 =	sor.u32 $0x360, s1  }
0x1a: {  	[smem:$0x7C2] =	sst s30;
	s30 =	sor.u32 $0x370, s1  }
0x1b: {  	[smem:$0x7C3] =	sst s30;
	s30 =	sor.u32 $0x380, s1  }
0x1c: {  	[smem:$0x7C4] =	sst s30;
	s30 =	sor.u32 $0x390, s1  }
0x1d: {  	[smem:$0x7C5] =	sst s30;
	s30 =	sor.u32 $0x3A0, s1  }
0x1e: {  	[smem:$0x7C6] =	sst s30;
	s30 =	sor.u32 $0x3B0, s1  }
0x1f: {  	[smem:$0x7C7] =	sst s30;
	s30 =	sor.u32 $0x3C0, s1  }
0x20: {  	[smem:$0x7C8] =	sst s30;
	s30 =	sor.u32 $0x3D0, s1  }
0x21: {  	[smem:$0x7C9] =	sst s30;
	s30 =	sor.u32 $0x3E0, s1  }
0x22: {  	[smem:$0x7CA] =	sst s30;
	s30 =	sor.u32 $0x3F0, s1  }
0x23: {  	[smem:$0x7CB] =	sst s30;
	s30 =	sor.u32 $0x400, s1  }
0x24: {  	[smem:$0x7CC] =	sst s30;
	s30 =	sor.u32 $0x410, s1  }
0x25: {  	[smem:$0x7CD] =	sst s30;
	s30 =	sor.u32 $0x420, s1  }
0x26: {  	[smem:$0x7CE] =	sst s30;
	s30 =	sor.u32 $0x430, s1  }
0x27: {  	[smem:$0x7CF] =	sst s30;
	s30 =	sor.u32 $0x440, s1  }
0x28: {  	[smem:$0x7D0] =	sst s30;
	s30 =	sor.u32 $0x450, s1  }
0x29: {  	[smem:$0x7D1] =	sst s30;
	s30 =	sor.u32 $0x460, s1  }
0x2a: {  	[smem:$0x7D2] =	sst s30;
	s30 =	sor.u32 $0x470, s1  }
0x2b: {  	[smem:$0x7D3] =	sst s30;
	s30 =	sor.u32 $0x480, s1  }
0x2c: {  	[smem:$0x7D4] =	sst s30;
	s30 =	sor.u32 $0x490, s1  }
0x2d: {  	[smem:$0x7D5] =	sst s30;
	s30 =	sor.u32 $0x4A0, s1  }
0x2e: {  	s5 =	smul.u32 $0x1800, s2;
	[smem:$0x7D6] =	sst s30;
	s30 =	sor.u32 $0x4B0, s1  }
0x2f: {  	s7 =	sshll.u32 s12, $0xA;
	[dreg:$0x17] =	wrdreg s30;
	s30 =	sor.u32 $0x4C0, s1  }
0x30: {  	s6 =	smul.u32 $0xA00, s2;
	s5 =	sadd.s32 s7, s5;
	[dreg:$0x19] =	wrdreg s30  }
0x31: {  	s10 =	sadd.s32 $0x1400, s0;
	s5 =	sshrl.u32 s5, $0x3;
	s30 =	sld [smem:$0x7A4]  }
0x32: {  	s6 =	sadd.s32 s6, s0;
	s0 =	sadd.s32 s5, s0;
	s5 =	sor.u32 $0x20, s1  }
0x33: {  	v0 =	vlaneseq.u32;
	s8 =	ssub.s32 $0x2, s2;
	[smem:$0x7A5] =	sst s5  }
0x34: {  	s9 =	sshrl.u32 s8, $0x1;
	v1 =	vor.u32 s30, v0;
	s30 =	sld [smem:$0x7A5]  }
0x35: {  	s26 =	ssub.s32 s8, s9;
	s8 =	sor.u32 $0x30, s1  }
0x36: {  	[smem:$0x7A6] =	sst s8  }
0x37: {  	[tilespmem:$0x1F980] =	vst v1;
	v1 =	vor.u32 s30, v0;
	s30 =	sld [smem:$0x7A6];
	_ =	sdelay $0x1  }
0x38: {  	s9 =	sor.u32 $0x40, s1  }
0x39: {  	[smem:$0x7A7] =	sst s9;
	[tilespmem:$0x1F990] =	vst v1;
	v1 =	vor.u32 s30, v0;
	s30 =	sor.u32 $0x4D0, s1  }
0x3a: {  	[smem:$0x7D7] =	sst s30;
	s30 =	sor.u32 $0x4E0, s1  }
0x3b: {  	[dreg:$0x18] =	wrdreg s30;
	s30 =	sor.u32 $0x4F0, s1  }
0x3c: {  	[dreg:$0x1b] =	wrdreg s30  }
0x3d: {  	s30 =	sld [smem:$0x7A7]  }
0x3e: {  	s11 =	sor.u32 $0x50, s1  }
0x3f: {  	[smem:$0x7A8] =	sst s11  }
0x40: {  	[tilespmem:$0x1F9A0] =	vst v1;
	v1 =	vor.u32 s30, v0;
	s30 =	sld [smem:$0x7A8]  }
0x41: {  	s13 =	sor.u32 $0x60, s1  }
0x42: {  	[smem:$0x7A9] =	sst s13  }
0x43: {  	[tilespmem:$0x1F9B0] =	vst v1;
	v1 =	vor.u32 s30, v0;
	s30 =	sld [smem:$0x7A9]  }
0x44: {  	s14 =	sor.u32 $0x70, s1  }
0x45: {  	s15 =	sor.u32 $0x80, s1;
	[smem:$0x7AA] =	sst s14  }
0x46: {  	[smem:$0x7AB] =	sst s15;
	[tilespmem:$0x1F9C0] =	vst v1;
	v1 =	vor.u32 s30, v0;
	s30 =	sor.u32 $0x500, s1  }
0x47: {  	[smem:$0x7D8] =	sst s30;
	s30 =	sor.u32 $0x510, s1  }
0x48: {  	[dreg:$0x1a] =	wrdreg s30;
	s30 =	sor.u32 $0x520, s1  }
0x49: {  	s18 =	sshll.u32 s12, $0x7;
	p0 =	sgt.s32 s12, $0x2;
	[dreg:$0x1d] =	wrdreg s30  }
0x4a: {  	s21 =	sshll.u32 s12, $0x9;
	s16 =	sor.u32 $0x90, s1;
	s30 =	sld [smem:$0x7AA]  }
0x4b: {  	s17 =	sand.u32 $0x2000, s7;
	s19 =	sor.u32 $0xA0, s1;
	[smem:$0x7AC] =	sst s16  }
0x4c: {  	s20 =	sor.u32 $0xB0, s1;
	p2 =	seq.s32 @p0 s12, $0x3;
	[smem:$0x7AD] =	sst s19  }
0x4d: {  	s22 =	smul.u32 $0x14000, s2;
	p1 =	por p2, !p0;
	[tilespmem:$0x1F9D0] =	vst v1;
	v1 =	vor.u32 s30, v0;
	s30 =	sld [smem:$0x7AB]  }
0x4e: {  	s2 =	smul.u32 $0x2800, s2;
	[smem:$0x7AE] =	sst s20;
	p1 =	seq.s32 @!p1 s12, $0x4  }
0x4f: {  	s7 =	sadd.s32 $0x6400, s6;
	s6 =	sadd.s32 $0x7800, s6;
	p3 =	por @p0 !p1, p2  }
0x50: {  	p1 =	seq.s32 @!p0 s12, $0x0;
	s9 =	sadd.s32 s10, s2;
	[tilespmem:$0x1F9E0] =	vst v1;
	v1 =	vor.u32 s30, v0;
	s30 =	sld [smem:$0x7AC]  }
0x51: {  	p2 =	por !p2, !p0;
	p3 =	por !p3, !p0;
	p4 =	por p1, p0  }
0x52: {  	[dreg:$0x16] =	wrdreg s0;
	s0 =	sadd.s32 s17, s3;
	s7 =	smov.u32 @p3 s6  }
0x53: {  	p3 =	seq.s32 @!p4 s12, $0x1;
	s4 =	sand.u32 $0x380, s18;
	[tilespmem:$0x1F9F0] =	vst v1;
	v1 =	vor.u32 s30, v0;
	s30 =	sor.u32 $0x530, s1  }
0x54: {  	s5 =	sadd.s32 s4, s0;
	[smem:$0x7D9] =	sst s30;
	s30 =	sor.u32 $0x540, s1  }
0x55: {  	s0 =	sshrl.u32 s22, $0x3;
	[dreg:$0x1c] =	wrdreg s30;
	s30 =	sor.u32 $0x550, s1  }
0x56: {  	p3 =	por @!p0 !p3, p1;
	s0 =	sadd.s32 s10, s0;
	[smem:$0x7DA] =	sst s30  }
0x57: {  	s2 =	sadd.s32 $0x1E00, s0;
	s6 =	sadd.s32 $0x1400, s0;
	s30 =	sld [smem:$0x7AD]  }
0x58: {  	s0 =	sadd.s32 $0xA00, s0;
	s2 =	smov.u32 @p2 s7;
	p2 =	por !p3, p0  }
0x59: {  	[dreg:$0x15] =	wrdreg s26;
	p1 =	por !p1, p0;
	s6 =	smov.u32 @p2 s0  }
0x5a: {  	s23 =	sshll.u32 s12, $0x6;
	s9 =	smov.u32 @p1 s6;
	[tilespmem:$0x1FA00] =	vst v1;
	v1 =	vor.u32 s30, v0;
	s30 =	sld [smem:$0x7AE]  }
0x5b: {  	[dreg:$0x3] =	wrdreg s28;
	p1 =	sgt.u32 s12, $0x5;
	s9 =	smov.u32 @p0 s2  }
0x5c: {  	p0 =	sgt.u32 s12, $0x9;
	s12 =	sadd.s32 $0x80, s3;
	[dreg:$0x4] =	wrdreg s9  }
0x5d: {  	s0 =	sor.u32 $0xC0, s1;
	[dreg:$0x6] =	wrdreg s12;
	[tilespmem:$0x1FA10] =	vst v1;
	v1 =	vor.u32 s30, v0  }
0x5e: {  	s12 =	sld [smem:$0x7D7];
	[tilespmem:$0x1FA20] =	vst v1;
	v1 =	vor.u32 s0, v0;
	s0 =	sor.u32 $0x560, s1  }
0x5f: {  	s8 =	sor.u32 $0xD0, s1;
	[smem:$0x7DB] =	sst s0;
	s0 =	sor.u32 $0x570, s1  }
0x60: {  	[tilespmem:$0x1FA30] =	vst v1;
	v1 =	vor.u32 s8, v0;
	s8 =	sor.u32 $0x5B0, s1;
	[dreg:$0x1e] =	wrdreg s0  }
0x61: {  	s2 =	sor.u32 $0xE0, s1;
	s0 =	sor.u32 $0x580, s1;
	[smem:$0x7DD] =	sst s8  }
0x62: {  	[tilespmem:$0x1FA40] =	vst v1;
	v1 =	vor.u32 s2, v0;
	s2 =	sor.u32 $0x670, s1;
	[dreg:$0x1f] =	wrdreg s0  }
0x63: {  	s8 =	sor.u32 $0x680, s1;
	[smem:$0x7E9] =	sst s2  }
0x64: {  	s6 =	sor.u32 $0xF0, s1;
	[smem:$0x7EA] =	sst s8  }
0x65: {  	[tilespmem:$0x1FA50] =	vst v1;
	v1 =	vor.u32 s6, v0;
	s6 =	sor.u32 $0x590, s1;
	s2 =	sld [smem:$0x7B6]  }
0x66: {  	s8 =	sor.u32 $0x740, s1;
	[smem:$0x7DC] =	sst s6  }
0x67: {  	s11 =	sor.u32 $0x100, s1;
	[smem:$0x7F3] =	sst s8  }
0x68: {  	s9 =	sor.u32 $0x110, s1;
	[tilespmem:$0x1FA60] =	vst v1;
	v1 =	vor.u32 s11, v0;
	s11 =	sor.u32 $0x5E0, s1;
	s8 =	sld [smem:$0x7BF]  }
0x69: {  	[tilespmem:$0x1FA70] =	vst v1;
	v1 =	vor.u32 s9, v0;
	s9 =	sor.u32 $0x5C0, s1;
	[smem:$0x7E0] =	sst s11  }
0x6a: {  	s11 =	sor.u32 $0x6B0, s1;
	[smem:$0x7DE] =	sst s9  }
0x6b: {  	s10 =	sor.u32 $0x120, s1;
	[smem:$0x7ED] =	sst s11  }
0x6c: {  	[tilespmem:$0x1FA80] =	vst v1;
	v1 =	vor.u32 s10, v0;
	s10 =	sor.u32 $0x5D0, s1;
	s11 =	sld [smem:$0x7B7]  }
0x6d: {  	s14 =	sor.u32 $0x130, s1;
	s9 =	sor.u32 $0x690, s1;
	[smem:$0x7DF] =	sst s10  }
0x6e: {  	[tilespmem:$0x1FA90] =	vst v1;
	v1 =	vor.u32 s14, v0;
	s14 =	sor.u32 $0x600, s1;
	[smem:$0x7EB] =	sst s9  }
0x6f: {  	s10 =	sor.u32 $0x6A0, s1;
	[smem:$0x7E2] =	sst s14  }
0x70: {  	[smem:$0x7EC] =	sst s10  }
0x71: {  	s15 =	sor.u32 $0x140, s1;
	s9 =	sor.u32 $0x750, s1;
	s14 =	sld [smem:$0x7B0]  }
0x72: {  	[tilespmem:$0x1FAA0] =	vst v1;
	v1 =	vor.u32 s15, v0;
	s15 =	sor.u32 $0x610, s1;
	[smem:$0x7F4] =	sst s9  }
0x73: {  	s10 =	sor.u32 $0x760, s1;
	[smem:$0x7E3] =	sst s15  }
0x74: {  	s13 =	sor.u32 $0x150, s1;
	s9 =	sor.u32 $0x7D0, s1;
	[smem:$0x7F5] =	sst s10  }
0x75: {  	[tilespmem:$0x1FAB0] =	vst v1;
	v1 =	vor.u32 s13, v0;
	s13 =	sor.u32 $0x5F0, s1;
	[smem:$0x7FC] =	sst s9  }
0x76: {  	[smem:$0x7E1] =	sst s13  }
0x77: {  	s15 =	sor.u32 $0x6F0, s1;
	s13 =	sld [smem:$0x7AF]  }
0x78: {  	s17 =	sor.u32 $0x160, s1;
	s10 =	sor.u32 $0x7E0, s1;
	[smem:$0x7EE] =	sst s15  }
0x79: {  	[tilespmem:$0x1FAC0] =	vst v1;
	v1 =	vor.u32 s17, v0;
	s17 =	sor.u32 $0x630, s1;
	[smem:$0x7FD] =	sst s10  }
0x7a: {  	[smem:$0x7E5] =	sst s17  }
0x7b: {  	s18 =	sor.u32 $0x170, s1;
	s15 =	sor.u32 $0x770, s1;
	s17 =	sld [smem:$0x7B1]  }
0x7c: {  	s26 =	sand.u32 $0x40, s23;
	[tilespmem:$0x1FAD0] =	vst v1;
	v1 =	vor.u32 s18, v0;
	s18 =	sor.u32 $0x640, s1;
	[smem:$0x7F6] =	sst s15  }
0x7d: {  	s16 =	sor.u32 $0x180, s1;
	s4 =	sor.u32 s21, s26;
	[smem:$0x7E6] =	sst s18  }
0x7e: {  	s20 =	sor.u32 $0x190, s1;
	s15 =	sor.u32 $0x280, s4;
	s18 =	sld [smem:$0x7B2]  }
0x7f: {  	[tilespmem:$0x1FAE0] =	vst v1;
	v1 =	vor.u32 s16, v0;
	s16 =	sor.u32 $0x620, s1;
	s9 =	sadd.s32 s15, s3;
	s15 =	sld [smem:$0x7CB]  }
0x80: {  	s24 =	sand.u32 $0x1C00, s21;
	[tilespmem:$0x1FAF0] =	vst v1;
	[smem:$0x7E4] =	sst s16;
	v1 =	vor.u32 s20, v0;
	s20 =	sor.u32 $0x650, s1  }
0x81: {  	s21 =	sor.u32 $0x1A0, s1;
	s16 =	sor.u32 $0x700, s1;
	[smem:$0x7E7] =	sst s20  }
0x82: {  	[tilespmem:$0x1FB00] =	vst v1;
	v1 =	vor.u32 s21, v0;
	s21 =	sor.u32 $0x660, s1;
	[smem:$0x7EF] =	sst s16  }
0x83: {  	s19 =	sor.u32 $0x1B0, s1;
	[smem:$0x7E8] =	sst s21  }
0x84: {  	s20 =	sor.u32 $0x710, s1;
	[tilespmem:$0x1FB10] =	vst v1;
	v1 =	vor.u32 s19, v0;
	s19 =	sld [smem:$0x7B3]  }
0x85: {  	s16 =	sor.u32 $0x780, s1;
	[smem:$0x7F0] =	sst s20  }
0x86: {  	[smem:$0x7F7] =	sst s16  }
0x87: {  	s20 =	sld [smem:$0x7BC]  }
0x88: {  	s21 =	sor.u32 $0x720, s1;
	s16 =	sld [smem:$0x7C2]  }
0x89: {  	s23 =	sor.u32 $0x1C0, s1;
	[smem:$0x7F1] =	sst s21  }
0x8a: {  	s28 =	sadd.s32 s24, s3;
	s24 =	sor.u32 $0x1D0, s1;
	[tilespmem:$0x1FB20] =	vst v1;
	v1 =	vor.u32 s23, v0;
	s23 =	sld [smem:$0x7B4]  }
0x8b: {  	s21 =	sor.u32 $0x7A0, s1;
	[tilespmem:$0x1FB30] =	vst v1;
	v1 =	vor.u32 s24, v0;
	s24 =	sld [smem:$0x7B5]  }
0x8c: {  	s22 =	sor.u32 $0x1E0, s1;
	[smem:$0x7F9] =	sst s21  }
0x8d: {  	s21 =	sld [smem:$0x7C5];
	[tilespmem:$0x1FB40] =	vst v1;
	v1 =	vor.u32 s22, v0;
	s22 =	sor.u32 $0x730, s1  }
0x8e: {  	[smem:$0x7F2] =	sst s22;
	s22 =	sor.u32 $0x7B0, s1  }
0x8f: {  	s7 =	sadd.s32 s26, s28;
	s26 =	sor.u32 $0x1F0, s1;
	[smem:$0x7FA] =	sst s22  }
0x90: {  	s28 =	sor.u32 $0x200, s1;
	[tilespmem:$0x1FB50] =	vst v1;
	v1 =	vor.u32 s26, v0;
	s26 =	sor.u32 $0x6C0, s1;
	s22 =	sld [smem:$0x7C6]  }
0x91: {  	s29 =	sor.u32 $0x210, s1;
	[tilespmem:$0x1FB60] =	vst v1;
	v1 =	vor.u32 s28, v0;
	s28 =	sor.u32 $0x6D0, s1;
	v44 =	vor.u32 s26, v0;
	s26 =	sld [smem:$0x7EE]  }
0x92: {  	[tilespmem:$0x1FB70] =	vst v1;
	v1 =	vor.u32 s29, v0;
	v45 =	vor.u32 s28, v0;
	s28 =	sld [smem:$0x7EF]  }
0x93: {  	s31 =	sor.u32 $0x230, s1;
	[tilespmem:$0x1FB80] =	vst v1;
	v1 =	vor.u32 s13, v0;
	s13 =	sld [smem:$0x7B8]  }
0x94: {  	[tilespmem:$0x1FB90] =	vst v1;
	v1 =	vor.u32 s31, v0;
	v47 =	vor.u32 s26, v0;
	s26 =	sld [smem:$0x7F0]  }
0x95: {  	[tilespmem:$0x1FBA0] =	vst v1;
	v1 =	vor.u32 s14, v0;
	s14 =	sld [smem:$0x7B9]  }
0x96: {  	v48 =	vor.u32 s28, v0;
	s28 =	sld [smem:$0x7F1];
	[tilespmem:$0x1FBB0] =	vst v1;
	v1 =	vor.u32 s17, v0;
	s17 =	sor.u32 $0x790, s1  }
0x97: {  	[smem:$0x7F8] =	sst s17  }
0x98: {  	[tilespmem:$0x1FBC0] =	vst v1;
	v1 =	vor.u32 s18, v0;
	s18 =	sld [smem:$0x7BA]  }
0x99: {  	s17 =	sld [smem:$0x7C3]  }
0x9a: {  	v49 =	vor.u32 s26, v0;
	s26 =	sld [smem:$0x7F2]  }
0x9b: {  	[tilespmem:$0x1FBD0] =	vst v1;
	v1 =	vor.u32 s19, v0;
	s19 =	sld [smem:$0x7BB]  }
0x9c: {  	v50 =	vor.u32 s28, v0;
	s28 =	sld [smem:$0x7F3];
	[tilespmem:$0x1FBE0] =	vst v1;
	v1 =	vor.u32 s23, v0;
	s23 =	sor.u32 $0x7C0, s1  }
0x9d: {  	[tilespmem:$0x1FBF0] =	vst v1;
	v1 =	vor.u32 s24, v0;
	[smem:$0x7FB] =	sst s23  }
0x9e: {  	s24 =	sld [smem:$0x7BD];
	[tilespmem:$0x1FC00] =	vst v1;
	v1 =	vor.u32 s2, v0  }
0x9f: {  	s23 =	sld [smem:$0x7C7];
	[tilespmem:$0x1FC10] =	vst v1;
	v1 =	vor.u32 s11, v0  }
0xa0: {  	v51 =	vor.u32 s26, v0;
	s26 =	sld [smem:$0x7F4];
	[tilespmem:$0x1FC20] =	vst v1;
	v1 =	vor.u32 s13, v0  }
0xa1: {  	s2 =	sld [smem:$0x7BE];
	[tilespmem:$0x1FC30] =	vst v1;
	v1 =	vor.u32 s14, v0  }
0xa2: {  	v52 =	vor.u32 s28, v0;
	s28 =	sld [smem:$0x7F5];
	[tilespmem:$0x1FC40] =	vst v1;
	v1 =	vor.u32 s18, v0  }
0xa3: {  	s13 =	sld [smem:$0x7C0];
	[tilespmem:$0x1FC50] =	vst v1;
	v1 =	vor.u32 s19, v0  }
0xa4: {  	v53 =	vor.u32 s26, v0;
	s26 =	sld [smem:$0x7F6];
	[tilespmem:$0x1FC60] =	vst v1;
	v1 =	vor.u32 s20, v0  }
0xa5: {  	s14 =	sld [smem:$0x7C1];
	[tilespmem:$0x1FC70] =	vst v1;
	v1 =	vor.u32 s24, v0  }
0xa6: {  	v54 =	vor.u32 s28, v0;
	s28 =	sld [smem:$0x7F7];
	[tilespmem:$0x1FC80] =	vst v1;
	v1 =	vor.u32 s2, v0  }
0xa7: {  	s18 =	sld [smem:$0x7C4];
	[tilespmem:$0x1FC90] =	vst v1;
	v1 =	vor.u32 s8, v0  }
0xa8: {  	s11 =	sor.u32 $0x200, s4;
	v55 =	vor.u32 s26, v0;
	s26 =	sld [smem:$0x7F8];
	[tilespmem:$0x1FCA0] =	vst v1;
	v1 =	vor.u32 s13, v0  }
0xa9: {  	s19 =	sor.u32 $0x300, s4;
	s20 =	sor.u32 $0x380, s4;
	s4 =	sld [smem:$0x7C9];
	[tilespmem:$0x1FCB0] =	vst v1;
	v1 =	vor.u32 s14, v0  }
0xaa: {  	s10 =	sadd.s32 s19, s3;
	s19 =	sld [smem:$0x7CF];
	[tilespmem:$0x1FCC0] =	vst v1;
	v1 =	vor.u32 s1, v0  }
0xab: {  	v56 =	vor.u32 s28, v0;
	s28 =	sld [smem:$0x7F9];
	[tilespmem:$0x1FCD0] =	vst v1;
	v1 =	vor.u32 s16, v0  }
0xac: {  	s24 =	rddreg [dreg:$0x16];
	[tilespmem:$0x1FCE0] =	vst v1;
	v1 =	vor.u32 s17, v0  }
0xad: {  	s2 =	sld [smem:$0x7C8];
	[tilespmem:$0x1FCF0] =	vst v1;
	v1 =	vor.u32 s18, v0  }
0xae: {  	s0 =	sadd.s32 $0xA000, s24;
	s24 =	sld [smem:$0x7D4];
	[tilespmem:$0x1FD00] =	vst v1;
	v1 =	vor.u32 s21, v0  }
0xaf: {  	v57 =	vor.u32 s26, v0;
	s26 =	sld [smem:$0x7FA];
	[tilespmem:$0x1FD10] =	vst v1;
	v1 =	vor.u32 s22, v0  }
0xb0: {  	s13 =	sld [smem:$0x7CA];
	[tilespmem:$0x1FD20] =	vst v1;
	v1 =	vor.u32 s23, v0  }
0xb1: {  	[dreg:$0x5] =	wrdreg s0;
	[tilespmem:$0x1FD30] =	vst v1;
	v1 =	vor.u32 s2, v0  }
0xb2: {  	s16 =	sld [smem:$0x7CC];
	[tilespmem:$0x1FD40] =	vst v1;
	v1 =	vor.u32 s4, v0  }
0xb3: {  	s17 =	sld [smem:$0x7CD];
	[tilespmem:$0x1FD50] =	vst v1;
	v1 =	vor.u32 s13, v0  }
0xb4: {  	s18 =	sld [smem:$0x7CE];
	[tilespmem:$0x1FD60] =	vst v1;
	v1 =	vor.u32 s15, v0  }
0xb5: {  	s8 =	sadd.s32 s11, s3;
	s11 =	sadd.s32 s20, s3;
	s20 =	sld [smem:$0x7D0];
	[tilespmem:$0x1FD70] =	vst v1;
	v1 =	vor.u32 s16, v0  }
0xb6: {  	v58 =	vor.u32 s28, v0;
	s28 =	sld [smem:$0x7FB];
	[tilespmem:$0x1FD80] =	vst v1;
	v1 =	vor.u32 s17, v0  }
0xb7: {  	s21 =	sld [smem:$0x7D1];
	[tilespmem:$0x1FD90] =	vst v1;
	v1 =	vor.u32 s18, v0  }
0xb8: {  	s22 =	sld [smem:$0x7D2];
	[tilespmem:$0x1FDA0] =	vst v1;
	v1 =	vor.u32 s19, v0  }
0xb9: {  	s23 =	sld [smem:$0x7D3];
	[tilespmem:$0x1FDB0] =	vst v1;
	v1 =	vor.u32 s20, v0  }
0xba: {  	s14 =	rddreg [dreg:$0x15];
	[tilespmem:$0x1FDC0] =	vst v1;
	v1 =	vor.u32 s21, v0  }
0xbb: {  	s2 =	sld [smem:$0x7D5];
	[tilespmem:$0x1FDD0] =	vst v1;
	v1 =	vor.u32 s22, v0  }
0xbc: {  	s4 =	sld [smem:$0x7D6];
	[tilespmem:$0x1FDE0] =	vst v1;
	v1 =	vor.u32 s23, v0  }
0xbd: {  	v59 =	vor.u32 s26, v0;
	s26 =	sld [smem:$0x7FC];
	[tilespmem:$0x1FDF0] =	vst v1;
	v1 =	vor.u32 s24, v0  }
0xbe: {  	v60 =	vor.u32 s28, v0;
	s28 =	sld [smem:$0x7FD];
	[tilespmem:$0x1FE00] =	vst v1;
	v1 =	vor.u32 s2, v0  }
0xbf: {  	s2 =	rddreg [dreg:$0x17];
	[tilespmem:$0x1FE10] =	vst v1;
	v1 =	vor.u32 s4, v0  }
0xc0: {  	s4 =	rddreg [dreg:$0x19];
	[tilespmem:$0x1FE20] =	vst v1;
	v1 =	vor.u32 s2, v0;
	s2 =	sadd.s32 $0x100, s3  }
0xc1: {  	[dreg:$0x7] =	wrdreg s2  }
0xc2: {  	[tilespmem:$0x1FE30] =	vst v1;
	v1 =	vor.u32 s4, v0;
	s4 =	sadd.s32 $0x180, s3;
	s2 =	rddreg [dreg:$0x18]  }
0xc3: {  	[dreg:$0x8] =	wrdreg s4  }
0xc4: {  	[tilespmem:$0x1FE40] =	vst v1;
	v1 =	vor.u32 s12, v0;
	s12 =	sadd.s32 $0x200, s3;
	s4 =	rddreg [dreg:$0x1b]  }
0xc5: {  	[dreg:$0x9] =	wrdreg s12  }
0xc6: {  	[tilespmem:$0x1FE50] =	vst v1;
	v1 =	vor.u32 s2, v0;
	s12 =	sld [smem:$0x7D8];
	s2 =	sadd.s32 $0x280, s3  }
0xc7: {  	[dreg:$0xa] =	wrdreg s2  }
0xc8: {  	[tilespmem:$0x1FE60] =	vst v1;
	v1 =	vor.u32 s4, v0;
	s4 =	sadd.s32 $0x300, s3;
	s2 =	rddreg [dreg:$0x1a]  }
0xc9: {  	[dreg:$0xb] =	wrdreg s4  }
0xca: {  	[tilespmem:$0x1FE70] =	vst v1;
	s4 =	rddreg [dreg:$0x1d];
	v1 =	vor.u32 s12, v0;
	s12 =	sadd.s32 $0x380, s3  }
0xcb: {  	[dreg:$0xc] =	wrdreg s12  }
0xcc: {  	[tilespmem:$0x1FE80] =	vst v1;
	v1 =	vor.u32 s2, v0;
	s12 =	sld [smem:$0x7D9];
	s2 =	sadd.s32 $0x2000, s3  }
0xcd: {  	[dreg:$0xd] =	wrdreg s2  }
0xce: {  	[tilespmem:$0x1FE90] =	vst v1;
	v1 =	vor.u32 s4, v0;
	s4 =	sadd.s32 $0x2080, s3;
	s2 =	rddreg [dreg:$0x1c]  }
0xcf: {  	[dreg:$0xe] =	wrdreg s4  }
0xd0: {  	[tilespmem:$0x1FEA0] =	vst v1;
	s4 =	sld [smem:$0x7DA];
	v1 =	vor.u32 s12, v0;
	s12 =	sadd.s32 $0x2100, s3  }
0xd1: {  	[dreg:$0xf] =	wrdreg s12  }
0xd2: {  	[tilespmem:$0x1FEB0] =	vst v1;
	v1 =	vor.u32 s2, v0;
	s12 =	sld [smem:$0x7DB];
	s2 =	sadd.s32 $0x2180, s3  }
0xd3: {  	[dreg:$0x10] =	wrdreg s2  }
0xd4: {  	[tilespmem:$0x1FEC0] =	vst v1;
	v1 =	vor.u32 s4, v0;
	s4 =	sadd.s32 $0x2200, s3;
	s2 =	rddreg [dreg:$0x1e]  }
0xd5: {  	[dreg:$0x11] =	wrdreg s4  }
0xd6: {  	[tilespmem:$0x1FED0] =	vst v1;
	s4 =	rddreg [dreg:$0x1f];
	v1 =	vor.u32 s12, v0;
	s12 =	sadd.s32 $0x2280, s3  }
0xd7: {  	[dreg:$0x12] =	wrdreg s12  }
0xd8: {  	[tilespmem:$0x1FEE0] =	vst v1;
	v1 =	vor.u32 s2, v0;
	s12 =	sld [smem:$0x7DC];
	s2 =	sadd.s32 $0x2300, s3  }
0xd9: {  	[dreg:$0x13] =	wrdreg s2  }
0xda: {  	s2 =	sld [smem:$0x7DF]  }
0xdb: {  	[tilespmem:$0x1FEF0] =	vst v1;
	v1 =	vor.u32 s4, v0;
	s4 =	sadd.s32 $0x2380, s3;
	s3 =	sld [smem:$0x7E0]  }
0xdc: {  	s6 =	sor.u32 $0x5A0, s1;
	[tilespmem:$0x1FF00] =	vst v1;
	[dreg:$0x14] =	wrdreg s4;
	v1 =	vor.u32 s12, v0  }
0xdd: {  	[tilespmem:$0x1FF10] =	vst v1;
	v1 =	vor.u32 s6, v0;
	s6 =	sld [smem:$0x7DD]  }
0xde: {  	s12 =	sld [smem:$0x7DE]  }
0xdf: {  	s4 =	sld [smem:$0x7E1]  }
0xe0: {  	[tilespmem:$0x1FF20] =	vst v1;
	v1 =	vor.u32 s6, v0;
	s6 =	sld [smem:$0x7E2]  }
0xe1: {  	[tilespmem:$0x1FF30] =	vst v1;
	v1 =	vor.u32 s12, v0;
	s12 =	sld [smem:$0x7E3]  }
0xe2: {  	[tilespmem:$0x1FF40] =	vst v1;
	v1 =	vor.u32 s2, v0;
	s2 =	sld [smem:$0x7E4]  }
0xe3: {  	[tilespmem:$0x1FF50] =	vst v1;
	v1 =	vor.u32 s3, v0;
	s3 =	sld [smem:$0x7E5]  }
0xe4: {  	s30 =	simm.s32 $0x800;
	s31 =	sor.u32 $0x6E0, s1;
	[tilespmem:$0x1FF60] =	vst v1;
	v1 =	vor.u32 s4, v0;
	s4 =	sld [smem:$0x7E6]  }
0xe5: {  	s29 =	simm.s32 $0x1;
	v46 =	vor.u32 s31, v0;
	s31 =	simm.s32 $0x1400;
	[tilespmem:$0x1FF70] =	vst v1;
	v1 =	vor.u32 s6, v0;
	s6 =	sld [smem:$0x7E7]  }
0xe6: {  	s0 =	simm.s32 $0x1200;
	s1 =	sor.u32 $0x7F0, s1;
	[tilespmem:$0x1FF80] =	vst v1;
	v1 =	vor.u32 s12, v0;
	s12 =	sld [smem:$0x7E8]  }
0xe7: {  	v63 =	vor.u32 s1, v0;
	s1 =	simm.s32 $0x0;
	v61 =	vor.u32 s26, v0;
	s26 =	simm.s32 $0x1C80;
	[tilespmem:$0x1FF90] =	vst v1;
	v1 =	vor.u32 s2, v0;
	s2 =	sld [smem:$0x7E9]  }
0xe8: {  	s13 =	smax.u32 s14, $0x1;
	s14 =	sadd.s32 $0x80, s7;
	[tilespmem:$0x1FFA0] =	vst v1;
	v1 =	vor.u32 s3, v0;
	s3 =	sld [smem:$0x7EA]  }
0xe9: {  	s15 =	sadd.s32 $0x100, s7;
	s16 =	sadd.s32 $0x180, s7;
	[tilespmem:$0x1FFB0] =	vst v1;
	v1 =	vor.u32 s4, v0;
	s4 =	sld [smem:$0x7EB]  }
.Ltmp0:
0xea: {  	s17 =	sadd.s32 $0x2000, s7;
	[tilespmem:$0x1FFC0] =	vst v1;
	v1 =	vor.u32 s6, v0;
	s6 =	sld [smem:$0x7EC];
	(pc) =	sbr.rel .LBB2_1-.Ltmp0, $4  }
0xeb: {  	s18 =	sadd.s32 $0x2080, s7;
	s19 =	sadd.s32 $0x2100, s7;
	[tilespmem:$0x1FFD0] =	vst v1;
	v1 =	vor.u32 s12, v0;
	s12 =	sld [smem:$0x7ED]  }
0xec: {  	v62 =	vor.u32 s28, v0;
	s20 =	sadd.s32 $0x2180, s7;
	s21 =	sadd.s32 $0x2200, s7;
	s22 =	sadd.s32 $0x2280, s7  }
0xed: {  	s23 =	sadd.s32 $0x2300, s7;
	s24 =	sadd.s32 $0x2380, s7;
	v40 =	vor.u32 s3, v0;
	s3 =	simm.s32 $0x1180;
	[tilespmem:$0x1FFE0] =	vst v1;
	v1 =	vor.u32 s2, v0;
	v41 =	vor.u32 s4, v0  }
0xee: {  	s4 =	simm.s32 $0x1300;
	[tilespmem:$0x1FFF0] =	vst v1;
	v42 =	vor.u32 s6, v0;
	s6 =	simm.s32 $0x1380;
	v43 =	vor.u32 s12, v0;
	s12 =	simm.s32 $0x1280;
	v0 =	vimm.s32 $0x0  }
.LBB2_7:
0xef: {  	s1 =	sadd.s32 $0x1, s1  }
0xf0: {  	p2 =	sne.s32 s1, s13  }
.Ltmp1:
0xf1: {  	_ = 	snop;
	(pc) =	sbr.rel @!p2 .LBB2_8-.Ltmp1, $1  }
0xf2: {  	_ =	sdelay $0x3  }
.LBB2_1:
0xf3: {  	s28 =	simm.s32 $0x40;
	s2 =	simm.s32 $0x0  }
.LBB2_2:
0xf4: {  	p2 =	sne.s32 s28, $0xFC0;
	[tilespmem:s2+$0x800] =	vst v0;
	s2 =	smov.u32 s28;
	s28 =	sadd.s32 $0x40, s28  }
.Ltmp2:
0xf5: {  	(pc) =	sbr.rel @p2 .LBB2_2-.Ltmp2, $2  }
0xf6: {  	_ =	sdelay $0x2  }
0xf7: {  	s2 =	sshra.s32 s2, $0x2  }
.Ltmp3:
0xf8: {  	(pc) =	sbr.rel @p0 .LBB2_5-.Ltmp3, $2  }
0xf9: {  	_ =	sdelay $0x2  }
0xfa: {  	[tilespmem:s2+$0x800] =	vst v0  }
0xfb: {  	s2 =	rddreg [dreg:$0x3]  }
0xfc: {  	[tilespmem:s25], [sflag:$0x1] =	stream.linear.gather [hbm4b:s2+s25], $0x800, $0x38;
	[tilespmem:$0x7480] =	vst v63  }
0xfd: {  	_ =	swait.ge [sflag:s29], $0x800  }
0xfe: {  	[sflag:s29] =	ssyncset.done $0x0  }
0xff: {  	[sflag:s29] =	ssyncadd.s32 $0xFFFFF800  }
0x100: {  	v1 =	vld [tilespmem:$0x0];
	_ =	sdelay $0x4  }
0x101: {  	vm0 =	vgt.s32 v1, $0xFFFFFFFF  }
0x102: {  	v2 =	vld [tilespmem:$0x1FCD0];
	_ =	sdelay $0x4  }
0x103: {  	[tilespmem:v1+s30+$0x0] =	vst.idx.msk vm0, v2  }
0x104: {  	v1 =	vld [tilespmem:$0x10];
	_ =	sdelay $0x4  }
0x105: {  	vm9 =	vgt.s32 v1, $0xFFFFFFFF  }
0x106: {  	v2 =	vld [tilespmem:$0x1F980];
	_ =	sdelay $0x4  }
0x107: {  	[tilespmem:v1+s30+$0x0] =	vst.idx.msk vm9, v2  }
0x108: {  	v1 =	vld [tilespmem:$0x20];
	_ =	sdelay $0x4  }
0x109: {  	vm10 =	vgt.s32 v1, $0xFFFFFFFF  }
0x10a: {  	v2 =	vld [tilespmem:$0x1F990];
	_ =	sdelay $0x4  }
0x10b: {  	[tilespmem:v1+s30+$0x0] =	vst.idx.msk vm10, v2  }
0x10c: {  	v1 =	vld [tilespmem:$0x30];
	_ =	sdelay $0x4  }
0x10d: {  	vm11 =	vgt.s32 v1, $0xFFFFFFFF  }
0x10e: {  	v2 =	vld [tilespmem:$0x1F9A0];
	_ =	sdelay $0x4  }
0x10f: {  	[tilespmem:v1+s30+$0x0] =	vst.idx.msk vm11, v2  }
0x110: {  	v1 =	vld [tilespmem:$0x40];
	_ =	sdelay $0x4  }
0x111: {  	vm12 =	vgt.s32 v1, $0xFFFFFFFF  }
0x112: {  	v2 =	vld [tilespmem:$0x1F9B0];
	_ =	sdelay $0x4  }
0x113: {  	[tilespmem:v1+s30+$0x0] =	vst.idx.msk vm12, v2  }
0x114: {  	v1 =	vld [tilespmem:$0x50];
	_ =	sdelay $0x4  }
0x115: {  	vm13 =	vgt.s32 v1, $0xFFFFFFFF  }
0x116: {  	v2 =	vld [tilespmem:$0x1F9C0];
	_ =	sdelay $0x4  }
0x117: {  	[tilespmem:v1+s30+$0x0] =	vst.idx.msk vm13, v2  }
0x118: {  	v1 =	vld [tilespmem:$0x60];
	_ =	sdelay $0x4  }
0x119: {  	vm14 =	vgt.s32 v1, $0xFFFFFFFF  }
0x11a: {  	v2 =	vld [tilespmem:$0x1F9D0];
	_ =	sdelay $0x4  }
0x11b: {  	[tilespmem:v1+s30+$0x0] =	vst.idx.msk vm14, v2  }
0x11c: {  	v1 =	vld [tilespmem:$0x70];
	_ =	sdelay $0x4  }
0x11d: {  	vm15 =	vgt.s32 v1, $0xFFFFFFFF  }
0x11e: {  	v2 =	vld [tilespmem:$0x1F9E0];
	_ =	sdelay $0x4  }
0x11f: {  	[tilespmem:v1+s30+$0x0] =	vst.idx.msk vm15, v2  }
0x120: {  	v1 =	vld [tilespmem:$0x80];
	_ =	sdelay $0x4  }
0x121: {  	vm4 =	vgt.s32 v1, $0xFFFFFFFF  }
0x122: {  	v2 =	vld [tilespmem:$0x1F9F0];
	_ =	sdelay $0x4  }
0x123: {  	[tilespmem:v1+s30+$0x0] =	vst.idx.msk vm4, v2  }
0x124: {  	v1 =	vld [tilespmem:$0x90];
	_ =	sdelay $0x4  }
0x125: {  	vm5 =	vgt.s32 v1, $0xFFFFFFFF  }
0x126: {  	v2 =	vld [tilespmem:$0x1FA00];
	_ =	sdelay $0x4  }
0x127: {  	[tilespmem:v1+s30+$0x0] =	vst.idx.msk vm5, v2  }
0x128: {  	v1 =	vld [tilespmem:$0xA0];
	_ =	sdelay $0x4  }
0x129: {  	vm6 =	vgt.s32 v1, $0xFFFFFFFF  }
0x12a: {  	v2 =	vld [tilespmem:$0x1FA10];
	_ =	sdelay $0x4  }
0x12b: {  	[tilespmem:v1+s30+$0x0] =	vst.idx.msk vm6, v2  }
0x12c: {  	v1 =	vld [tilespmem:$0xB0];
	_ =	sdelay $0x4  }
0x12d: {  	vm7 =	vgt.s32 v1, $0xFFFFFFFF  }
0x12e: {  	v2 =	vld [tilespmem:$0x1FA20];
	_ =	sdelay $0x4  }
0x12f: {  	[tilespmem:v1+s30+$0x0] =	vst.idx.msk vm7, v2  }
0x130: {  	v1 =	vld [tilespmem:$0xC0];
	_ =	sdelay $0x4  }
0x131: {  	vm8 =	vgt.s32 v1, $0xFFFFFFFF  }
0x132: {  	v2 =	vld [tilespmem:$0x1FA30];
	_ =	sdelay $0x4  }
0x133: {  	[tilespmem:v1+s30+$0x0] =	vst.idx.msk vm8, v2  }
0x134: {  	v1 =	vld [tilespmem:$0xD0];
	_ =	sdelay $0x4  }
0x135: {  	vm9 =	vgt.s32 v1, $0xFFFFFFFF  }
0x136: {  	v2 =	vld [tilespmem:$0x1FA40];
	_ =	sdelay $0x4  }
0x137: {  	[tilespmem:v1+s30+$0x0] =	vst.idx.msk vm9, v2  }
0x138: {  	v1 =	vld [tilespmem:$0xE0];
	_ =	sdelay $0x4  }
0x139: {  	vm10 =	vgt.s32 v1, $0xFFFFFFFF  }
0x13a: {  	v2 =	vld [tilespmem:$0x1FA50];
	_ =	sdelay $0x4  }
0x13b: {  	[tilespmem:v1+s30+$0x0] =	vst.idx.msk vm10, v2  }
0x13c: {  	v1 =	vld [tilespmem:$0xF0];
	_ =	sdelay $0x4  }
0x13d: {  	vm11 =	vgt.s32 v1, $0xFFFFFFFF  }
0x13e: {  	v2 =	vld [tilespmem:$0x1FA60];
	_ =	sdelay $0x4  }
0x13f: {  	[tilespmem:v1+s30+$0x0] =	vst.idx.msk vm11, v2  }
0x140: {  	v1 =	vld [tilespmem:$0x100];
	_ =	sdelay $0x4  }
0x141: {  	vm12 =	vgt.s32 v1, $0xFFFFFFFF  }
0x142: {  	v2 =	vld [tilespmem:$0x1FA70];
	_ =	sdelay $0x4  }
0x143: {  	[tilespmem:v1+s30+$0x0] =	vst.idx.msk vm12, v2  }
0x144: {  	v1 =	vld [tilespmem:$0x110];
	_ =	sdelay $0x4  }
0x145: {  	vm13 =	vgt.s32 v1, $0xFFFFFFFF  }
0x146: {  	v2 =	vld [tilespmem:$0x1FA80];
	_ =	sdelay $0x4  }
0x147: {  	[tilespmem:v1+s30+$0x0] =	vst.idx.msk vm13, v2  }
0x148: {  	v1 =	vld [tilespmem:$0x120];
	_ =	sdelay $0x4  }
0x149: {  	vm14 =	vgt.s32 v1, $0xFFFFFFFF  }
0x14a: {  	v2 =	vld [tilespmem:$0x1FA90];
	_ =	sdelay $0x4  }
0x14b: {  	[tilespmem:v1+s30+$0x0] =	vst.idx.msk vm14, v2  }
0x14c: {  	v1 =	vld [tilespmem:$0x130];
	_ =	sdelay $0x4  }
0x14d: {  	vm15 =	vgt.s32 v1, $0xFFFFFFFF  }
0x14e: {  	v2 =	vld [tilespmem:$0x1FAA0];
	_ =	sdelay $0x4  }
0x14f: {  	[tilespmem:v1+s30+$0x0] =	vst.idx.msk vm15, v2  }
0x150: {  	v1 =	vld [tilespmem:$0x140];
	_ =	sdelay $0x4  }
0x151: {  	vm4 =	vgt.s32 v1, $0xFFFFFFFF  }
0x152: {  	v2 =	vld [tilespmem:$0x1FAB0];
	_ =	sdelay $0x4  }
0x153: {  	[tilespmem:v1+s30+$0x0] =	vst.idx.msk vm4, v2  }
0x154: {  	v1 =	vld [tilespmem:$0x150];
	_ =	sdelay $0x4  }
0x155: {  	vm5 =	vgt.s32 v1, $0xFFFFFFFF  }
0x156: {  	v2 =	vld [tilespmem:$0x1FAC0];
	_ =	sdelay $0x4  }
0x157: {  	[tilespmem:v1+s30+$0x0] =	vst.idx.msk vm5, v2  }
0x158: {  	v1 =	vld [tilespmem:$0x160];
	_ =	sdelay $0x4  }
0x159: {  	vm6 =	vgt.s32 v1, $0xFFFFFFFF  }
0x15a: {  	v2 =	vld [tilespmem:$0x1FAD0];
	_ =	sdelay $0x4  }
0x15b: {  	[tilespmem:v1+s30+$0x0] =	vst.idx.msk vm6, v2  }
0x15c: {  	v1 =	vld [tilespmem:$0x170];
	_ =	sdelay $0x4  }
0x15d: {  	vm7 =	vgt.s32 v1, $0xFFFFFFFF  }
0x15e: {  	v2 =	vld [tilespmem:$0x1FAE0];
	_ =	sdelay $0x4  }
0x15f: {  	[tilespmem:v1+s30+$0x0] =	vst.idx.msk vm7, v2  }
0x160: {  	v1 =	vld [tilespmem:$0x180];
	_ =	sdelay $0x4  }
0x161: {  	vm8 =	vgt.s32 v1, $0xFFFFFFFF  }
0x162: {  	v2 =	vld [tilespmem:$0x1FAF0];
	_ =	sdelay $0x4  }
0x163: {  	[tilespmem:v1+s30+$0x0] =	vst.idx.msk vm8, v2  }
0x164: {  	v1 =	vld [tilespmem:$0x190];
	_ =	sdelay $0x4  }
0x165: {  	vm9 =	vgt.s32 v1, $0xFFFFFFFF  }
0x166: {  	v2 =	vld [tilespmem:$0x1FB00];
	_ =	sdelay $0x4  }
0x167: {  	[tilespmem:v1+s30+$0x0] =	vst.idx.msk vm9, v2  }
0x168: {  	v1 =	vld [tilespmem:$0x1A0];
	_ =	sdelay $0x4  }
0x169: {  	vm10 =	vgt.s32 v1, $0xFFFFFFFF  }
0x16a: {  	v2 =	vld [tilespmem:$0x1FB10];
	_ =	sdelay $0x4  }
0x16b: {  	[tilespmem:v1+s30+$0x0] =	vst.idx.msk vm10, v2  }
0x16c: {  	v1 =	vld [tilespmem:$0x1B0];
	_ =	sdelay $0x4  }
0x16d: {  	vm11 =	vgt.s32 v1, $0xFFFFFFFF  }
0x16e: {  	v2 =	vld [tilespmem:$0x1FB20];
	_ =	sdelay $0x4  }
0x16f: {  	[tilespmem:v1+s30+$0x0] =	vst.idx.msk vm11, v2  }
0x170: {  	v1 =	vld [tilespmem:$0x1C0];
	_ =	sdelay $0x4  }
0x171: {  	vm12 =	vgt.s32 v1, $0xFFFFFFFF  }
0x172: {  	v2 =	vld [tilespmem:$0x1FB30];
	_ =	sdelay $0x4  }
0x173: {  	[tilespmem:v1+s30+$0x0] =	vst.idx.msk vm12, v2  }
0x174: {  	v1 =	vld [tilespmem:$0x1D0];
	_ =	sdelay $0x4  }
0x175: {  	vm13 =	vgt.s32 v1, $0xFFFFFFFF  }
0x176: {  	v2 =	vld [tilespmem:$0x1FB40];
	_ =	sdelay $0x4  }
0x177: {  	[tilespmem:v1+s30+$0x0] =	vst.idx.msk vm13, v2  }
0x178: {  	v1 =	vld [tilespmem:$0x1E0];
	_ =	sdelay $0x4  }
0x179: {  	vm14 =	vgt.s32 v1, $0xFFFFFFFF  }
0x17a: {  	v2 =	vld [tilespmem:$0x1FB50];
	_ =	sdelay $0x4  }
0x17b: {  	[tilespmem:v1+s30+$0x0] =	vst.idx.msk vm14, v2  }
0x17c: {  	v1 =	vld [tilespmem:$0x1F0];
	_ =	sdelay $0x4  }
0x17d: {  	vm15 =	vgt.s32 v1, $0xFFFFFFFF  }
0x17e: {  	v2 =	vld [tilespmem:$0x1FB60];
	_ =	sdelay $0x4  }
0x17f: {  	[tilespmem:v1+s30+$0x0] =	vst.idx.msk vm15, v2  }
0x180: {  	v1 =	vld [tilespmem:$0x200];
	_ =	sdelay $0x4  }
0x181: {  	vm4 =	vgt.s32 v1, $0xFFFFFFFF  }
0x182: {  	v2 =	vld [tilespmem:$0x1FB70];
	_ =	sdelay $0x4  }
0x183: {  	[tilespmem:v1+s30+$0x0] =	vst.idx.msk vm4, v2  }
0x184: {  	v1 =	vld [tilespmem:$0x210];
	_ =	sdelay $0x4  }
0x185: {  	vm5 =	vgt.s32 v1, $0xFFFFFFFF  }
0x186: {  	v2 =	vld [tilespmem:$0x1FB80];
	_ =	sdelay $0x4  }
0x187: {  	[tilespmem:v1+s30+$0x0] =	vst.idx.msk vm5, v2  }
0x188: {  	v1 =	vld [tilespmem:$0x220];
	_ =	sdelay $0x4  }
0x189: {  	vm6 =	vgt.s32 v1, $0xFFFFFFFF  }
0x18a: {  	v2 =	vld [tilespmem:$0x1FB90];
	_ =	sdelay $0x4  }
0x18b: {  	[tilespmem:v1+s30+$0x0] =	vst.idx.msk vm6, v2  }
0x18c: {  	v1 =	vld [tilespmem:$0x230];
	_ =	sdelay $0x4  }
0x18d: {  	vm7 =	vgt.s32 v1, $0xFFFFFFFF  }
0x18e: {  	v2 =	vld [tilespmem:$0x1FBA0];
	_ =	sdelay $0x4  }
0x18f: {  	[tilespmem:v1+s30+$0x0] =	vst.idx.msk vm7, v2  }
0x190: {  	v1 =	vld [tilespmem:$0x240];
	_ =	sdelay $0x4  }
0x191: {  	vm8 =	vgt.s32 v1, $0xFFFFFFFF  }
0x192: {  	v2 =	vld [tilespmem:$0x1FBB0];
	_ =	sdelay $0x4  }
0x193: {  	[tilespmem:v1+s30+$0x0] =	vst.idx.msk vm8, v2  }
0x194: {  	v1 =	vld [tilespmem:$0x250];
	_ =	sdelay $0x4  }
0x195: {  	vm9 =	vgt.s32 v1, $0xFFFFFFFF  }
0x196: {  	v2 =	vld [tilespmem:$0x1FBC0];
	_ =	sdelay $0x4  }
0x197: {  	[tilespmem:v1+s30+$0x0] =	vst.idx.msk vm9, v2  }
0x198: {  	v1 =	vld [tilespmem:$0x260];
	_ =	sdelay $0x4  }
0x199: {  	vm10 =	vgt.s32 v1, $0xFFFFFFFF  }
0x19a: {  	v2 =	vld [tilespmem:$0x1FBD0];
	_ =	sdelay $0x4  }
0x19b: {  	[tilespmem:v1+s30+$0x0] =	vst.idx.msk vm10, v2  }
0x19c: {  	v1 =	vld [tilespmem:$0x270];
	_ =	sdelay $0x4  }
0x19d: {  	vm11 =	vgt.s32 v1, $0xFFFFFFFF  }
0x19e: {  	v2 =	vld [tilespmem:$0x1FBE0];
	_ =	sdelay $0x4  }
0x19f: {  	[tilespmem:v1+s30+$0x0] =	vst.idx.msk vm11, v2  }
0x1a0: {  	v1 =	vld [tilespmem:$0x280];
	_ =	sdelay $0x4  }
0x1a1: {  	vm12 =	vgt.s32 v1, $0xFFFFFFFF  }
0x1a2: {  	v2 =	vld [tilespmem:$0x1FBF0];
	_ =	sdelay $0x4  }
0x1a3: {  	[tilespmem:v1+s30+$0x0] =	vst.idx.msk vm12, v2  }
0x1a4: {  	v1 =	vld [tilespmem:$0x290];
	_ =	sdelay $0x4  }
0x1a5: {  	vm13 =	vgt.s32 v1, $0xFFFFFFFF  }
0x1a6: {  	v2 =	vld [tilespmem:$0x1FC00];
	_ =	sdelay $0x4  }
0x1a7: {  	[tilespmem:v1+s30+$0x0] =	vst.idx.msk vm13, v2  }
0x1a8: {  	v1 =	vld [tilespmem:$0x2A0];
	_ =	sdelay $0x4  }
0x1a9: {  	vm14 =	vgt.s32 v1, $0xFFFFFFFF  }
0x1aa: {  	v2 =	vld [tilespmem:$0x1FC10];
	_ =	sdelay $0x4  }
0x1ab: {  	[tilespmem:v1+s30+$0x0] =	vst.idx.msk vm14, v2  }
0x1ac: {  	v1 =	vld [tilespmem:$0x2B0];
	_ =	sdelay $0x4  }
0x1ad: {  	vm15 =	vgt.s32 v1, $0xFFFFFFFF  }
0x1ae: {  	v2 =	vld [tilespmem:$0x1FC20];
	_ =	sdelay $0x4  }
0x1af: {  	[tilespmem:v1+s30+$0x0] =	vst.idx.msk vm15, v2  }
0x1b0: {  	v1 =	vld [tilespmem:$0x2C0];
	_ =	sdelay $0x4  }
0x1b1: {  	vm4 =	vgt.s32 v1, $0xFFFFFFFF  }
0x1b2: {  	v2 =	vld [tilespmem:$0x1FC30];
	_ =	sdelay $0x4  }
0x1b3: {  	[tilespmem:v1+s30+$0x0] =	vst.idx.msk vm4, v2  }
0x1b4: {  	v1 =	vld [tilespmem:$0x2D0];
	_ =	sdelay $0x4  }
0x1b5: {  	vm5 =	vgt.s32 v1, $0xFFFFFFFF  }
0x1b6: {  	v2 =	vld [tilespmem:$0x1FC40];
	_ =	sdelay $0x4  }
0x1b7: {  	[tilespmem:v1+s30+$0x0] =	vst.idx.msk vm5, v2  }
0x1b8: {  	v1 =	vld [tilespmem:$0x2E0];
	_ =	sdelay $0x4  }
0x1b9: {  	vm6 =	vgt.s32 v1, $0xFFFFFFFF  }
0x1ba: {  	v2 =	vld [tilespmem:$0x1FC50];
	_ =	sdelay $0x4  }
0x1bb: {  	[tilespmem:v1+s30+$0x0] =	vst.idx.msk vm6, v2  }
0x1bc: {  	v1 =	vld [tilespmem:$0x2F0];
	_ =	sdelay $0x4  }
0x1bd: {  	vm7 =	vgt.s32 v1, $0xFFFFFFFF  }
0x1be: {  	v2 =	vld [tilespmem:$0x1FC60];
	_ =	sdelay $0x4  }
0x1bf: {  	[tilespmem:v1+s30+$0x0] =	vst.idx.msk vm7, v2  }
0x1c0: {  	v1 =	vld [tilespmem:$0x300];
	_ =	sdelay $0x4  }
0x1c1: {  	vm8 =	vgt.s32 v1, $0xFFFFFFFF  }
0x1c2: {  	v2 =	vld [tilespmem:$0x1FC70];
	_ =	sdelay $0x4  }
0x1c3: {  	[tilespmem:v1+s30+$0x0] =	vst.idx.msk vm8, v2  }
0x1c4: {  	v1 =	vld [tilespmem:$0x310];
	_ =	sdelay $0x4  }
0x1c5: {  	vm9 =	vgt.s32 v1, $0xFFFFFFFF  }
0x1c6: {  	v2 =	vld [tilespmem:$0x1FC80];
	_ =	sdelay $0x4  }
0x1c7: {  	[tilespmem:v1+s30+$0x0] =	vst.idx.msk vm9, v2  }
0x1c8: {  	v1 =	vld [tilespmem:$0x320];
	_ =	sdelay $0x4  }
0x1c9: {  	vm10 =	vgt.s32 v1, $0xFFFFFFFF  }
0x1ca: {  	v2 =	vld [tilespmem:$0x1FC90];
	_ =	sdelay $0x4  }
0x1cb: {  	[tilespmem:v1+s30+$0x0] =	vst.idx.msk vm10, v2  }
0x1cc: {  	v1 =	vld [tilespmem:$0x330];
	_ =	sdelay $0x4  }
0x1cd: {  	vm11 =	vgt.s32 v1, $0xFFFFFFFF  }
0x1ce: {  	v2 =	vld [tilespmem:$0x1FCA0];
	_ =	sdelay $0x4  }
0x1cf: {  	[tilespmem:v1+s30+$0x0] =	vst.idx.msk vm11, v2  }
0x1d0: {  	v1 =	vld [tilespmem:$0x340];
	_ =	sdelay $0x4  }
0x1d1: {  	vm12 =	vgt.s32 v1, $0xFFFFFFFF  }
0x1d2: {  	v2 =	vld [tilespmem:$0x1FCB0];
	_ =	sdelay $0x4  }
0x1d3: {  	[tilespmem:v1+s30+$0x0] =	vst.idx.msk vm12, v2  }
0x1d4: {  	v1 =	vld [tilespmem:$0x350];
	_ =	sdelay $0x4  }
0x1d5: {  	vm13 =	vgt.s32 v1, $0xFFFFFFFF  }
0x1d6: {  	v2 =	vld [tilespmem:$0x1FCC0];
	_ =	sdelay $0x4  }
0x1d7: {  	[tilespmem:v1+s30+$0x0] =	vst.idx.msk vm13, v2  }
0x1d8: {  	v1 =	vld [tilespmem:$0x360];
	_ =	sdelay $0x4  }
0x1d9: {  	vm14 =	vgt.s32 v1, $0xFFFFFFFF  }
0x1da: {  	v2 =	vld [tilespmem:$0x1FCE0];
	_ =	sdelay $0x4  }
0x1db: {  	[tilespmem:v1+s30+$0x0] =	vst.idx.msk vm14, v2  }
0x1dc: {  	v1 =	vld [tilespmem:$0x370];
	_ =	sdelay $0x4  }
0x1dd: {  	vm15 =	vgt.s32 v1, $0xFFFFFFFF  }
0x1de: {  	v2 =	vld [tilespmem:$0x1FCF0];
	_ =	sdelay $0x4  }
0x1df: {  	[tilespmem:v1+s30+$0x0] =	vst.idx.msk vm15, v2  }
0x1e0: {  	v1 =	vld [tilespmem:$0x380];
	_ =	sdelay $0x4  }
0x1e1: {  	vm4 =	vgt.s32 v1, $0xFFFFFFFF  }
0x1e2: {  	v2 =	vld [tilespmem:$0x1FD00];
	_ =	sdelay $0x4  }
0x1e3: {  	[tilespmem:v1+s30+$0x0] =	vst.idx.msk vm4, v2  }
0x1e4: {  	v1 =	vld [tilespmem:$0x390];
	_ =	sdelay $0x4  }
0x1e5: {  	vm5 =	vgt.s32 v1, $0xFFFFFFFF  }
0x1e6: {  	v2 =	vld [tilespmem:$0x1FD10];
	_ =	sdelay $0x4  }
0x1e7: {  	[tilespmem:v1+s30+$0x0] =	vst.idx.msk vm5, v2  }
0x1e8: {  	v1 =	vld [tilespmem:$0x3A0];
	_ =	sdelay $0x4  }
0x1e9: {  	vm6 =	vgt.s32 v1, $0xFFFFFFFF  }
0x1ea: {  	v2 =	vld [tilespmem:$0x1FD20];
	_ =	sdelay $0x4  }
0x1eb: {  	[tilespmem:v1+s30+$0x0] =	vst.idx.msk vm6, v2  }
0x1ec: {  	v1 =	vld [tilespmem:$0x3B0];
	_ =	sdelay $0x4  }
0x1ed: {  	vm7 =	vgt.s32 v1, $0xFFFFFFFF  }
0x1ee: {  	v2 =	vld [tilespmem:$0x1FD30];
	_ =	sdelay $0x4  }
0x1ef: {  	[tilespmem:v1+s30+$0x0] =	vst.idx.msk vm7, v2  }
0x1f0: {  	v1 =	vld [tilespmem:$0x3C0];
	_ =	sdelay $0x4  }
0x1f1: {  	vm8 =	vgt.s32 v1, $0xFFFFFFFF  }
0x1f2: {  	v2 =	vld [tilespmem:$0x1FD40];
	_ =	sdelay $0x4  }
0x1f3: {  	[tilespmem:v1+s30+$0x0] =	vst.idx.msk vm8, v2  }
0x1f4: {  	v1 =	vld [tilespmem:$0x3D0];
	_ =	sdelay $0x4  }
0x1f5: {  	vm9 =	vgt.s32 v1, $0xFFFFFFFF  }
0x1f6: {  	v2 =	vld [tilespmem:$0x1FD50];
	_ =	sdelay $0x4  }
0x1f7: {  	[tilespmem:v1+s30+$0x0] =	vst.idx.msk vm9, v2  }
0x1f8: {  	v1 =	vld [tilespmem:$0x3E0];
	_ =	sdelay $0x4  }
0x1f9: {  	vm10 =	vgt.s32 v1, $0xFFFFFFFF  }
0x1fa: {  	v2 =	vld [tilespmem:$0x1FD60];
	_ =	sdelay $0x4  }
0x1fb: {  	[tilespmem:v1+s30+$0x0] =	vst.idx.msk vm10, v2  }
0x1fc: {  	v1 =	vld [tilespmem:$0x3F0];
	_ =	sdelay $0x4  }
0x1fd: {  	vm11 =	vgt.s32 v1, $0xFFFFFFFF  }
0x1fe: {  	v2 =	vld [tilespmem:$0x1FD70];
	_ =	sdelay $0x4  }
0x1ff: {  	[tilespmem:v1+s30+$0x0] =	vst.idx.msk vm11, v2  }
0x200: {  	v1 =	vld [tilespmem:$0x400];
	_ =	sdelay $0x4  }
0x201: {  	vm12 =	vgt.s32 v1, $0xFFFFFFFF  }
0x202: {  	v2 =	vld [tilespmem:$0x1FD80];
	_ =	sdelay $0x4  }
0x203: {  	[tilespmem:v1+s30+$0x0] =	vst.idx.msk vm12, v2  }
0x204: {  	v1 =	vld [tilespmem:$0x410];
	_ =	sdelay $0x4  }
0x205: {  	vm13 =	vgt.s32 v1, $0xFFFFFFFF  }
0x206: {  	v2 =	vld [tilespmem:$0x1FD90];
	_ =	sdelay $0x4  }
0x207: {  	[tilespmem:v1+s30+$0x0] =	vst.idx.msk vm13, v2  }
0x208: {  	v1 =	vld [tilespmem:$0x420];
	_ =	sdelay $0x4  }
0x209: {  	vm14 =	vgt.s32 v1, $0xFFFFFFFF  }
0x20a: {  	v2 =	vld [tilespmem:$0x1FDA0];
	_ =	sdelay $0x4  }
0x20b: {  	[tilespmem:v1+s30+$0x0] =	vst.idx.msk vm14, v2  }
0x20c: {  	v1 =	vld [tilespmem:$0x430];
	_ =	sdelay $0x4  }
0x20d: {  	vm15 =	vgt.s32 v1, $0xFFFFFFFF  }
0x20e: {  	v2 =	vld [tilespmem:$0x1FDB0];
	_ =	sdelay $0x4  }
0x20f: {  	[tilespmem:v1+s30+$0x0] =	vst.idx.msk vm15, v2  }
0x210: {  	v1 =	vld [tilespmem:$0x440];
	_ =	sdelay $0x4  }
0x211: {  	vm4 =	vgt.s32 v1, $0xFFFFFFFF  }
0x212: {  	v2 =	vld [tilespmem:$0x1FDC0];
	_ =	sdelay $0x4  }
0x213: {  	[tilespmem:v1+s30+$0x0] =	vst.idx.msk vm4, v2  }
0x214: {  	v1 =	vld [tilespmem:$0x450];
	_ =	sdelay $0x4  }
0x215: {  	vm5 =	vgt.s32 v1, $0xFFFFFFFF  }
0x216: {  	v2 =	vld [tilespmem:$0x1FDD0];
	_ =	sdelay $0x4  }
0x217: {  	[tilespmem:v1+s30+$0x0] =	vst.idx.msk vm5, v2  }
0x218: {  	v1 =	vld [tilespmem:$0x460];
	_ =	sdelay $0x4  }
0x219: {  	vm6 =	vgt.s32 v1, $0xFFFFFFFF  }
0x21a: {  	v2 =	vld [tilespmem:$0x1FDE0];
	_ =	sdelay $0x4  }
0x21b: {  	[tilespmem:v1+s30+$0x0] =	vst.idx.msk vm6, v2  }
0x21c: {  	v1 =	vld [tilespmem:$0x470];
	_ =	sdelay $0x4  }
0x21d: {  	vm7 =	vgt.s32 v1, $0xFFFFFFFF  }
0x21e: {  	v2 =	vld [tilespmem:$0x1FDF0];
	_ =	sdelay $0x4  }
0x21f: {  	[tilespmem:v1+s30+$0x0] =	vst.idx.msk vm7, v2  }
0x220: {  	v1 =	vld [tilespmem:$0x480];
	_ =	sdelay $0x4  }
0x221: {  	vm8 =	vgt.s32 v1, $0xFFFFFFFF  }
0x222: {  	v2 =	vld [tilespmem:$0x1FE00];
	_ =	sdelay $0x4  }
0x223: {  	[tilespmem:v1+s30+$0x0] =	vst.idx.msk vm8, v2  }
0x224: {  	v1 =	vld [tilespmem:$0x490];
	_ =	sdelay $0x4  }
0x225: {  	vm9 =	vgt.s32 v1, $0xFFFFFFFF  }
0x226: {  	v2 =	vld [tilespmem:$0x1FE10];
	_ =	sdelay $0x4  }
0x227: {  	[tilespmem:v1+s30+$0x0] =	vst.idx.msk vm9, v2  }
0x228: {  	v1 =	vld [tilespmem:$0x4A0];
	_ =	sdelay $0x4  }
0x229: {  	vm10 =	vgt.s32 v1, $0xFFFFFFFF  }
0x22a: {  	v2 =	vld [tilespmem:$0x1FE20];
	_ =	sdelay $0x4  }
0x22b: {  	[tilespmem:v1+s30+$0x0] =	vst.idx.msk vm10, v2  }
0x22c: {  	v1 =	vld [tilespmem:$0x4B0];
	_ =	sdelay $0x4  }
0x22d: {  	vm11 =	vgt.s32 v1, $0xFFFFFFFF  }
0x22e: {  	v2 =	vld [tilespmem:$0x1FE30];
	_ =	sdelay $0x4  }
0x22f: {  	[tilespmem:v1+s30+$0x0] =	vst.idx.msk vm11, v2  }
0x230: {  	v1 =	vld [tilespmem:$0x4C0];
	_ =	sdelay $0x4  }
0x231: {  	vm12 =	vgt.s32 v1, $0xFFFFFFFF  }
0x232: {  	v2 =	vld [tilespmem:$0x1FE40];
	_ =	sdelay $0x4  }
0x233: {  	[tilespmem:v1+s30+$0x0] =	vst.idx.msk vm12, v2  }
0x234: {  	v1 =	vld [tilespmem:$0x4D0];
	_ =	sdelay $0x4  }
0x235: {  	vm13 =	vgt.s32 v1, $0xFFFFFFFF  }
0x236: {  	v2 =	vld [tilespmem:$0x1FE50];
	_ =	sdelay $0x4  }
0x237: {  	[tilespmem:v1+s30+$0x0] =	vst.idx.msk vm13, v2  }
0x238: {  	v1 =	vld [tilespmem:$0x4E0];
	_ =	sdelay $0x4  }
0x239: {  	vm14 =	vgt.s32 v1, $0xFFFFFFFF  }
0x23a: {  	v2 =	vld [tilespmem:$0x1FE60];
	_ =	sdelay $0x4  }
0x23b: {  	[tilespmem:v1+s30+$0x0] =	vst.idx.msk vm14, v2  }
0x23c: {  	v1 =	vld [tilespmem:$0x4F0];
	_ =	sdelay $0x4  }
0x23d: {  	vm15 =	vgt.s32 v1, $0xFFFFFFFF  }
0x23e: {  	v2 =	vld [tilespmem:$0x1FE70];
	_ =	sdelay $0x4  }
0x23f: {  	[tilespmem:v1+s30+$0x0] =	vst.idx.msk vm15, v2  }
0x240: {  	v1 =	vld [tilespmem:$0x500];
	_ =	sdelay $0x4  }
0x241: {  	vm4 =	vgt.s32 v1, $0xFFFFFFFF  }
0x242: {  	v2 =	vld [tilespmem:$0x1FE80];
	_ =	sdelay $0x4  }
0x243: {  	[tilespmem:v1+s30+$0x0] =	vst.idx.msk vm4, v2  }
0x244: {  	v1 =	vld [tilespmem:$0x510];
	_ =	sdelay $0x4  }
0x245: {  	vm5 =	vgt.s32 v1, $0xFFFFFFFF  }
0x246: {  	v2 =	vld [tilespmem:$0x1FE90];
	_ =	sdelay $0x4  }
0x247: {  	[tilespmem:v1+s30+$0x0] =	vst.idx.msk vm5, v2  }
0x248: {  	v1 =	vld [tilespmem:$0x520];
	_ =	sdelay $0x4  }
0x249: {  	vm6 =	vgt.s32 v1, $0xFFFFFFFF  }
0x24a: {  	v2 =	vld [tilespmem:$0x1FEA0];
	_ =	sdelay $0x4  }
0x24b: {  	[tilespmem:v1+s30+$0x0] =	vst.idx.msk vm6, v2  }
0x24c: {  	v1 =	vld [tilespmem:$0x530];
	_ =	sdelay $0x4  }
0x24d: {  	vm7 =	vgt.s32 v1, $0xFFFFFFFF  }
0x24e: {  	v2 =	vld [tilespmem:$0x1FEB0];
	_ =	sdelay $0x4  }
0x24f: {  	[tilespmem:v1+s30+$0x0] =	vst.idx.msk vm7, v2  }
0x250: {  	v1 =	vld [tilespmem:$0x540];
	_ =	sdelay $0x4  }
0x251: {  	vm8 =	vgt.s32 v1, $0xFFFFFFFF  }
0x252: {  	v2 =	vld [tilespmem:$0x1FEC0];
	_ =	sdelay $0x4  }
0x253: {  	[tilespmem:v1+s30+$0x0] =	vst.idx.msk vm8, v2  }
0x254: {  	v1 =	vld [tilespmem:$0x550];
	_ =	sdelay $0x4  }
0x255: {  	vm9 =	vgt.s32 v1, $0xFFFFFFFF  }
0x256: {  	v2 =	vld [tilespmem:$0x1FED0];
	_ =	sdelay $0x4  }
0x257: {  	[tilespmem:v1+s30+$0x0] =	vst.idx.msk vm9, v2  }
0x258: {  	v1 =	vld [tilespmem:$0x560];
	_ =	sdelay $0x4  }
0x259: {  	vm10 =	vgt.s32 v1, $0xFFFFFFFF  }
0x25a: {  	v2 =	vld [tilespmem:$0x1FEE0];
	_ =	sdelay $0x4  }
0x25b: {  	[tilespmem:v1+s30+$0x0] =	vst.idx.msk vm10, v2  }
0x25c: {  	v1 =	vld [tilespmem:$0x570];
	_ =	sdelay $0x4  }
0x25d: {  	vm11 =	vgt.s32 v1, $0xFFFFFFFF  }
0x25e: {  	v2 =	vld [tilespmem:$0x1FEF0];
	_ =	sdelay $0x4  }
0x25f: {  	[tilespmem:v1+s30+$0x0] =	vst.idx.msk vm11, v2  }
0x260: {  	v1 =	vld [tilespmem:$0x580];
	_ =	sdelay $0x4  }
0x261: {  	vm12 =	vgt.s32 v1, $0xFFFFFFFF  }
0x262: {  	v2 =	vld [tilespmem:$0x1FF00];
	_ =	sdelay $0x4  }
0x263: {  	[tilespmem:v1+s30+$0x0] =	vst.idx.msk vm12, v2  }
0x264: {  	v1 =	vld [tilespmem:$0x590];
	_ =	sdelay $0x4  }
0x265: {  	vm13 =	vgt.s32 v1, $0xFFFFFFFF  }
0x266: {  	v2 =	vld [tilespmem:$0x1FF10];
	_ =	sdelay $0x4  }
0x267: {  	[tilespmem:v1+s30+$0x0] =	vst.idx.msk vm13, v2  }
0x268: {  	v1 =	vld [tilespmem:$0x5A0];
	_ =	sdelay $0x4  }
0x269: {  	vm14 =	vgt.s32 v1, $0xFFFFFFFF  }
0x26a: {  	v2 =	vld [tilespmem:$0x1FF20];
	_ =	sdelay $0x4  }
0x26b: {  	[tilespmem:v1+s30+$0x0] =	vst.idx.msk vm14, v2  }
0x26c: {  	v1 =	vld [tilespmem:$0x5B0];
	_ =	sdelay $0x4  }
0x26d: {  	vm15 =	vgt.s32 v1, $0xFFFFFFFF  }
0x26e: {  	v2 =	vld [tilespmem:$0x1FF30];
	_ =	sdelay $0x4  }
0x26f: {  	[tilespmem:v1+s30+$0x0] =	vst.idx.msk vm15, v2  }
0x270: {  	v1 =	vld [tilespmem:$0x5C0];
	_ =	sdelay $0x4  }
0x271: {  	vm4 =	vgt.s32 v1, $0xFFFFFFFF  }
0x272: {  	v2 =	vld [tilespmem:$0x1FF40];
	_ =	sdelay $0x4  }
0x273: {  	[tilespmem:v1+s30+$0x0] =	vst.idx.msk vm4, v2  }
0x274: {  	v1 =	vld [tilespmem:$0x5D0];
	_ =	sdelay $0x4  }
0x275: {  	vm5 =	vgt.s32 v1, $0xFFFFFFFF  }
0x276: {  	v2 =	vld [tilespmem:$0x1FF50];
	_ =	sdelay $0x4  }
0x277: {  	[tilespmem:v1+s30+$0x0] =	vst.idx.msk vm5, v2  }
0x278: {  	v1 =	vld [tilespmem:$0x5E0];
	_ =	sdelay $0x4  }
0x279: {  	vm6 =	vgt.s32 v1, $0xFFFFFFFF  }
0x27a: {  	v2 =	vld [tilespmem:$0x1FF60];
	_ =	sdelay $0x4  }
0x27b: {  	[tilespmem:v1+s30+$0x0] =	vst.idx.msk vm6, v2  }
0x27c: {  	v1 =	vld [tilespmem:$0x5F0];
	_ =	sdelay $0x4  }
0x27d: {  	vm7 =	vgt.s32 v1, $0xFFFFFFFF  }
0x27e: {  	v2 =	vld [tilespmem:$0x1FF70];
	_ =	sdelay $0x4  }
0x27f: {  	[tilespmem:v1+s30+$0x0] =	vst.idx.msk vm7, v2  }
0x280: {  	v1 =	vld [tilespmem:$0x600];
	_ =	sdelay $0x4  }
0x281: {  	vm8 =	vgt.s32 v1, $0xFFFFFFFF  }
0x282: {  	v2 =	vld [tilespmem:$0x1FF80];
	_ =	sdelay $0x4  }
0x283: {  	[tilespmem:v1+s30+$0x0] =	vst.idx.msk vm8, v2  }
0x284: {  	v1 =	vld [tilespmem:$0x610];
	_ =	sdelay $0x4  }
0x285: {  	vm9 =	vgt.s32 v1, $0xFFFFFFFF  }
0x286: {  	v2 =	vld [tilespmem:$0x1FF90];
	_ =	sdelay $0x4  }
0x287: {  	[tilespmem:v1+s30+$0x0] =	vst.idx.msk vm9, v2  }
0x288: {  	v1 =	vld [tilespmem:$0x620];
	_ =	sdelay $0x4  }
0x289: {  	vm10 =	vgt.s32 v1, $0xFFFFFFFF  }
0x28a: {  	v2 =	vld [tilespmem:$0x1FFA0];
	_ =	sdelay $0x4  }
0x28b: {  	[tilespmem:v1+s30+$0x0] =	vst.idx.msk vm10, v2  }
0x28c: {  	v1 =	vld [tilespmem:$0x630];
	_ =	sdelay $0x4  }
0x28d: {  	vm11 =	vgt.s32 v1, $0xFFFFFFFF  }
0x28e: {  	v2 =	vld [tilespmem:$0x1FFB0];
	_ =	sdelay $0x4  }
0x28f: {  	[tilespmem:v1+s30+$0x0] =	vst.idx.msk vm11, v2  }
0x290: {  	v1 =	vld [tilespmem:$0x640];
	_ =	sdelay $0x4  }
0x291: {  	vm12 =	vgt.s32 v1, $0xFFFFFFFF  }
0x292: {  	v2 =	vld [tilespmem:$0x1FFC0];
	_ =	sdelay $0x4  }
0x293: {  	[tilespmem:v1+s30+$0x0] =	vst.idx.msk vm12, v2  }
0x294: {  	v1 =	vld [tilespmem:$0x650];
	_ =	sdelay $0x4  }
0x295: {  	vm13 =	vgt.s32 v1, $0xFFFFFFFF  }
0x296: {  	v2 =	vld [tilespmem:$0x1FFD0];
	_ =	sdelay $0x4  }
0x297: {  	[tilespmem:v1+s30+$0x0] =	vst.idx.msk vm13, v2  }
0x298: {  	v1 =	vld [tilespmem:$0x660];
	_ =	sdelay $0x4  }
0x299: {  	vm14 =	vgt.s32 v1, $0xFFFFFFFF  }
0x29a: {  	v2 =	vld [tilespmem:$0x1FFE0];
	_ =	sdelay $0x4  }
0x29b: {  	[tilespmem:v1+s30+$0x0] =	vst.idx.msk vm14, v2  }
0x29c: {  	v1 =	vld [tilespmem:$0x670];
	_ =	sdelay $0x4  }
0x29d: {  	vm15 =	vgt.s32 v1, $0xFFFFFFFF  }
0x29e: {  	v2 =	vld [tilespmem:$0x1FFF0];
	_ =	sdelay $0x4  }
0x29f: {  	[tilespmem:v1+s30+$0x0] =	vst.idx.msk vm15, v2  }
0x2a0: {  	v1 =	vld [tilespmem:$0x680];
	_ =	sdelay $0x4  }
0x2a1: {  	vm4 =	vgt.s32 v1, $0xFFFFFFFF;
	_ =	sdelay $0x5  }
0x2a2: {  	[tilespmem:v1+s30+$0x0] =	vst.idx.msk vm4, v40  }
0x2a3: {  	v1 =	vld [tilespmem:$0x690];
	_ =	sdelay $0x4  }
0x2a4: {  	vm5 =	vgt.s32 v1, $0xFFFFFFFF;
	_ =	sdelay $0x5  }
0x2a5: {  	[tilespmem:v1+s30+$0x0] =	vst.idx.msk vm5, v41  }
0x2a6: {  	v1 =	vld [tilespmem:$0x6A0];
	_ =	sdelay $0x4  }
0x2a7: {  	vm6 =	vgt.s32 v1, $0xFFFFFFFF;
	_ =	sdelay $0x5  }
0x2a8: {  	[tilespmem:v1+s30+$0x0] =	vst.idx.msk vm6, v42  }
0x2a9: {  	v1 =	vld [tilespmem:$0x6B0];
	_ =	sdelay $0x4  }
0x2aa: {  	vm7 =	vgt.s32 v1, $0xFFFFFFFF;
	_ =	sdelay $0x5  }
0x2ab: {  	[tilespmem:v1+s30+$0x0] =	vst.idx.msk vm7, v43  }
0x2ac: {  	v1 =	vld [tilespmem:$0x6C0];
	_ =	sdelay $0x4  }
0x2ad: {  	vm8 =	vgt.s32 v1, $0xFFFFFFFF;
	_ =	sdelay $0x5  }
0x2ae: {  	[tilespmem:v1+s30+$0x0] =	vst.idx.msk vm8, v44  }
0x2af: {  	v1 =	vld [tilespmem:$0x6D0];
	_ =	sdelay $0x4  }
0x2b0: {  	vm9 =	vgt.s32 v1, $0xFFFFFFFF;
	_ =	sdelay $0x5  }
0x2b1: {  	[tilespmem:v1+s30+$0x0] =	vst.idx.msk vm9, v45  }
0x2b2: {  	v1 =	vld [tilespmem:$0x6E0];
	_ =	sdelay $0x4  }
0x2b3: {  	vm10 =	vgt.s32 v1, $0xFFFFFFFF;
	_ =	sdelay $0x5  }
0x2b4: {  	[tilespmem:v1+s30+$0x0] =	vst.idx.msk vm10, v46  }
0x2b5: {  	v1 =	vld [tilespmem:$0x6F0];
	_ =	sdelay $0x4  }
0x2b6: {  	vm11 =	vgt.s32 v1, $0xFFFFFFFF;
	_ =	sdelay $0x5  }
0x2b7: {  	[tilespmem:v1+s30+$0x0] =	vst.idx.msk vm11, v47  }
0x2b8: {  	v1 =	vld [tilespmem:$0x700];
	_ =	sdelay $0x4  }
0x2b9: {  	vm12 =	vgt.s32 v1, $0xFFFFFFFF;
	_ =	sdelay $0x5  }
0x2ba: {  	[tilespmem:v1+s30+$0x0] =	vst.idx.msk vm12, v48  }
0x2bb: {  	v1 =	vld [tilespmem:$0x710];
	_ =	sdelay $0x4  }
0x2bc: {  	vm13 =	vgt.s32 v1, $0xFFFFFFFF;
	_ =	sdelay $0x5  }
0x2bd: {  	[tilespmem:v1+s30+$0x0] =	vst.idx.msk vm13, v49  }
0x2be: {  	v1 =	vld [tilespmem:$0x720];
	_ =	sdelay $0x4  }
0x2bf: {  	vm14 =	vgt.s32 v1, $0xFFFFFFFF;
	_ =	sdelay $0x5  }
0x2c0: {  	[tilespmem:v1+s30+$0x0] =	vst.idx.msk vm14, v50  }
0x2c1: {  	v1 =	vld [tilespmem:$0x730];
	_ =	sdelay $0x4  }
0x2c2: {  	vm15 =	vgt.s32 v1, $0xFFFFFFFF;
	_ =	sdelay $0x5  }
0x2c3: {  	[tilespmem:v1+s30+$0x0] =	vst.idx.msk vm15, v51  }
0x2c4: {  	v1 =	vld [tilespmem:$0x740];
	_ =	sdelay $0x4  }
0x2c5: {  	vm4 =	vgt.s32 v1, $0xFFFFFFFF;
	_ =	sdelay $0x5  }
0x2c6: {  	[tilespmem:v1+s30+$0x0] =	vst.idx.msk vm4, v52  }
0x2c7: {  	v1 =	vld [tilespmem:$0x750];
	_ =	sdelay $0x4  }
0x2c8: {  	vm5 =	vgt.s32 v1, $0xFFFFFFFF;
	_ =	sdelay $0x5  }
0x2c9: {  	[tilespmem:v1+s30+$0x0] =	vst.idx.msk vm5, v53  }
0x2ca: {  	v1 =	vld [tilespmem:$0x760];
	_ =	sdelay $0x4  }
0x2cb: {  	vm6 =	vgt.s32 v1, $0xFFFFFFFF;
	_ =	sdelay $0x5  }
0x2cc: {  	[tilespmem:v1+s30+$0x0] =	vst.idx.msk vm6, v54  }
0x2cd: {  	v1 =	vld [tilespmem:$0x770];
	_ =	sdelay $0x4  }
0x2ce: {  	vm7 =	vgt.s32 v1, $0xFFFFFFFF;
	_ =	sdelay $0x5  }
0x2cf: {  	[tilespmem:v1+s30+$0x0] =	vst.idx.msk vm7, v55  }
0x2d0: {  	v1 =	vld [tilespmem:$0x780];
	_ =	sdelay $0x4  }
0x2d1: {  	vm8 =	vgt.s32 v1, $0xFFFFFFFF;
	_ =	sdelay $0x5  }
0x2d2: {  	[tilespmem:v1+s30+$0x0] =	vst.idx.msk vm8, v56  }
0x2d3: {  	v1 =	vld [tilespmem:$0x790];
	_ =	sdelay $0x4  }
0x2d4: {  	vm9 =	vgt.s32 v1, $0xFFFFFFFF;
	_ =	sdelay $0x5  }
0x2d5: {  	[tilespmem:v1+s30+$0x0] =	vst.idx.msk vm9, v57  }
0x2d6: {  	v1 =	vld [tilespmem:$0x7A0];
	_ =	sdelay $0x4  }
0x2d7: {  	vm10 =	vgt.s32 v1, $0xFFFFFFFF;
	_ =	sdelay $0x5  }
0x2d8: {  	[tilespmem:v1+s30+$0x0] =	vst.idx.msk vm10, v58  }
0x2d9: {  	v1 =	vld [tilespmem:$0x7B0];
	_ =	sdelay $0x4  }
0x2da: {  	vm11 =	vgt.s32 v1, $0xFFFFFFFF;
	_ =	sdelay $0x5  }
0x2db: {  	[tilespmem:v1+s30+$0x0] =	vst.idx.msk vm11, v59  }
0x2dc: {  	v1 =	vld [tilespmem:$0x7C0];
	_ =	sdelay $0x4  }
0x2dd: {  	vm12 =	vgt.s32 v1, $0xFFFFFFFF;
	_ =	sdelay $0x5  }
0x2de: {  	[tilespmem:v1+s30+$0x0] =	vst.idx.msk vm12, v60  }
0x2df: {  	v1 =	vld [tilespmem:$0x7D0];
	_ =	sdelay $0x4  }
0x2e0: {  	vm13 =	vgt.s32 v1, $0xFFFFFFFF;
	_ =	sdelay $0x5  }
0x2e1: {  	[tilespmem:v1+s30+$0x0] =	vst.idx.msk vm13, v61  }
0x2e2: {  	v1 =	vld [tilespmem:$0x7E0];
	_ =	sdelay $0x4  }
0x2e3: {  	vm14 =	vgt.s32 v1, $0xFFFFFFFF;
	_ =	sdelay $0x5  }
0x2e4: {  	[tilespmem:v1+s30+$0x0] =	vst.idx.msk vm14, v62  }
0x2e5: {  	v1 =	vld [tilespmem:$0x7F0];
	_ =	sdelay $0x4  }
0x2e6: {  	vm15 =	vgt.s32 v1, $0xFFFFFFFF;
	_ =	sdelay $0x5  }
0x2e7: {  	[tilespmem:v1+s30+$0x0] =	vst.idx.msk vm15, v63  }
.LBB2_5:
0x2e8: {  	s2 =	simm.s32 $0x80;
	s28 =	simm.s32 $0x400  }
0x2e9: {  	[spmem:s5] =	stream.strided.scatter [tilespmem:s30], [sflag:$0x1], $0x400, s28, s2, $0x38;
	[tilespmem:$0x7480] =	vst v63  }
0x2ea: {  	_ =	swait.ge [sflag:s29], $0x400  }
0x2eb: {  	[sflag:s29] =	ssyncset.done $0x0  }
0x2ec: {  	[sflag:s29] =	ssyncadd.s32 $0xFFFFFC00  }
0x2ed: {  	s28 =	simm.s32 $0xC00;
	[bflag:$0x0] =	sbarrier.arrive $0xFFFF  }
0x2ee: {  	[tilespmem:s28], [sflag:$0x1] =	stream.linear.gather [spmem:s7], $0x40, $0x38;
	[tilespmem:$0x7480] =	vst v63  }
0x2ef: {  	_ =	swait.ge [sflag:s29], $0x40  }
0x2f0: {  	[sflag:s29] =	ssyncset.done $0x0  }
0x2f1: {  	s28 =	simm.s32 $0xC80;
	[sflag:s29] =	ssyncadd.s32 $0xFFFFFFC0  }
0x2f2: {  	[tilespmem:s28], [sflag:$0x1] =	stream.linear.gather [spmem:s14], $0x40, $0x38;
	[tilespmem:$0x7480] =	vst v63  }
0x2f3: {  	_ =	swait.ge [sflag:s29], $0x40  }
0x2f4: {  	[sflag:s29] =	ssyncset.done $0x0  }
0x2f5: {  	s28 =	simm.s32 $0xD00;
	[sflag:s29] =	ssyncadd.s32 $0xFFFFFFC0  }
0x2f6: {  	[tilespmem:s28], [sflag:$0x1] =	stream.linear.gather [spmem:s15], $0x40, $0x38;
	[tilespmem:$0x7480] =	vst v63  }
0x2f7: {  	_ =	swait.ge [sflag:s29], $0x40  }
0x2f8: {  	[sflag:s29] =	ssyncset.done $0x0  }
0x2f9: {  	s28 =	simm.s32 $0xD80;
	[sflag:s29] =	ssyncadd.s32 $0xFFFFFFC0  }
0x2fa: {  	[tilespmem:s28], [sflag:$0x1] =	stream.linear.gather [spmem:s16], $0x40, $0x38;
	[tilespmem:$0x7480] =	vst v63  }
0x2fb: {  	_ =	swait.ge [sflag:s29], $0x40  }
0x2fc: {  	[sflag:s29] =	ssyncset.done $0x0  }
0x2fd: {  	s28 =	simm.s32 $0xE00;
	[sflag:s29] =	ssyncadd.s32 $0xFFFFFFC0  }
0x2fe: {  	[tilespmem:s28], [sflag:$0x1] =	stream.linear.gather [spmem:s8], $0x40, $0x38;
	[tilespmem:$0x7480] =	vst v63  }
0x2ff: {  	_ =	swait.ge [sflag:s29], $0x40  }
0x300: {  	[sflag:s29] =	ssyncset.done $0x0  }
0x301: {  	s28 =	simm.s32 $0xE80;
	[sflag:s29] =	ssyncadd.s32 $0xFFFFFFC0  }
0x302: {  	[tilespmem:s28], [sflag:$0x1] =	stream.linear.gather [spmem:s9], $0x40, $0x38;
	[tilespmem:$0x7480] =	vst v63  }
0x303: {  	_ =	swait.ge [sflag:s29], $0x40  }
0x304: {  	[sflag:s29] =	ssyncset.done $0x0  }
0x305: {  	s28 =	simm.s32 $0xF00;
	[sflag:s29] =	ssyncadd.s32 $0xFFFFFFC0  }
0x306: {  	[tilespmem:s28], [sflag:$0x1] =	stream.linear.gather [spmem:s10], $0x40, $0x38;
	[tilespmem:$0x7480] =	vst v63  }
0x307: {  	_ =	swait.ge [sflag:s29], $0x40  }
0x308: {  	[sflag:s29] =	ssyncset.done $0x0  }
0x309: {  	s28 =	simm.s32 $0xF80;
	[sflag:s29] =	ssyncadd.s32 $0xFFFFFFC0  }
0x30a: {  	[tilespmem:s28], [sflag:$0x1] =	stream.linear.gather [spmem:s11], $0x40, $0x38;
	[tilespmem:$0x7480] =	vst v63  }
0x30b: {  	_ =	swait.ge [sflag:s29], $0x40  }
0x30c: {  	[sflag:s29] =	ssyncset.done $0x0  }
0x30d: {  	s28 =	simm.s32 $0x1000;
	[sflag:s29] =	ssyncadd.s32 $0xFFFFFFC0  }
0x30e: {  	[tilespmem:s28], [sflag:$0x1] =	stream.linear.gather [spmem:s17], $0x40, $0x38;
	[tilespmem:$0x7480] =	vst v63  }
0x30f: {  	_ =	swait.ge [sflag:s29], $0x40  }
0x310: {  	[sflag:s29] =	ssyncset.done $0x0  }
0x311: {  	s28 =	simm.s32 $0x1080;
	[sflag:s29] =	ssyncadd.s32 $0xFFFFFFC0  }
0x312: {  	[tilespmem:s28], [sflag:$0x1] =	stream.linear.gather [spmem:s18], $0x40, $0x38;
	[tilespmem:$0x7480] =	vst v63  }
0x313: {  	_ =	swait.ge [sflag:s29], $0x40  }
0x314: {  	[sflag:s29] =	ssyncset.done $0x0  }
0x315: {  	s28 =	simm.s32 $0x1100;
	[sflag:s29] =	ssyncadd.s32 $0xFFFFFFC0  }
0x316: {  	[tilespmem:s28], [sflag:$0x1] =	stream.linear.gather [spmem:s19], $0x40, $0x38;
	[tilespmem:$0x7480] =	vst v63  }
0x317: {  	_ =	swait.ge [sflag:s29], $0x40  }
0x318: {  	[sflag:s29] =	ssyncset.done $0x0  }
0x319: {  	[sflag:s29] =	ssyncadd.s32 $0xFFFFFFC0  }
0x31a: {  	[tilespmem:s3], [sflag:$0x1] =	stream.linear.gather [spmem:s20], $0x40, $0x38;
	[tilespmem:$0x7480] =	vst v63  }
0x31b: {  	_ =	swait.ge [sflag:s29], $0x40  }
0x31c: {  	[sflag:s29] =	ssyncset.done $0x0  }
0x31d: {  	[sflag:s29] =	ssyncadd.s32 $0xFFFFFFC0  }
0x31e: {  	[tilespmem:s0], [sflag:$0x1] =	stream.linear.gather [spmem:s21], $0x40, $0x38;
	[tilespmem:$0x7480] =	vst v63  }
0x31f: {  	_ =	swait.ge [sflag:s29], $0x40  }
0x320: {  	[sflag:s29] =	ssyncset.done $0x0  }
0x321: {  	[sflag:s29] =	ssyncadd.s32 $0xFFFFFFC0  }
0x322: {  	[tilespmem:s12], [sflag:$0x1] =	stream.linear.gather [spmem:s22], $0x40, $0x38;
	[tilespmem:$0x7480] =	vst v63  }
0x323: {  	_ =	swait.ge [sflag:s29], $0x40  }
0x324: {  	[sflag:s29] =	ssyncset.done $0x0  }
0x325: {  	[sflag:s29] =	ssyncadd.s32 $0xFFFFFFC0  }
0x326: {  	[tilespmem:s4], [sflag:$0x1] =	stream.linear.gather [spmem:s23], $0x40, $0x38;
	[tilespmem:$0x7480] =	vst v63  }
0x327: {  	_ =	swait.ge [sflag:s29], $0x40  }
0x328: {  	[sflag:s29] =	ssyncset.done $0x0  }
0x329: {  	[sflag:s29] =	ssyncadd.s32 $0xFFFFFFC0  }
0x32a: {  	[tilespmem:s6], [sflag:$0x1] =	stream.linear.gather [spmem:s24], $0x40, $0x38;
	[tilespmem:$0x7480] =	vst v63  }
0x32b: {  	_ =	swait.ge [sflag:s29], $0x40  }
0x32c: {  	[sflag:s29] =	ssyncset.done $0x0  }
0x32d: {  	[sflag:s29] =	ssyncadd.s32 $0xFFFFFFC0  }
0x32e: {  	v1 =	vld [tilespmem:$0xC00]  }
0x32f: {  	v2 =	vld [tilespmem:$0xC80]  }
0x330: {  	v3 =	vld [tilespmem:$0xD00]  }
0x331: {  	v4 =	vld [tilespmem:$0xD80]  }
0x332: {  	v5 =	vld [tilespmem:$0xE00]  }
0x333: {  	v6 =	vld [tilespmem:$0xE80]  }
0x334: {  	v7 =	vld [tilespmem:$0xF00]  }
0x335: {  	v8 =	vld [tilespmem:$0xF80]  }
0x336: {  	v9 =	vld [tilespmem:$0x1000]  }
0x337: {  	v10 =	vld [tilespmem:$0x1080]  }
0x338: {  	v11 =	vld [tilespmem:$0x1100]  }
0x339: {  	v12 =	vld [tilespmem:$0x1180]  }
0x33a: {  	v13 =	vld [tilespmem:$0x1200]  }
0x33b: {  	v14 =	vld [tilespmem:$0x1280]  }
0x33c: {  	v15 =	vld [tilespmem:$0x1300]  }
0x33d: {  	v16 =	vld [tilespmem:$0x1380]  }
0x33e: {  	v17 =	vld [tilespmem:$0xC10]  }
0x33f: {  	v18 =	vld [tilespmem:$0xC90]  }
0x340: {  	v19 =	vld [tilespmem:$0xD10]  }
0x341: {  	v20 =	vld [tilespmem:$0xD90]  }
0x342: {  	v21 =	vld [tilespmem:$0xE10]  }
0x343: {  	v22 =	vld [tilespmem:$0xE90]  }
0x344: {  	v23 =	vld [tilespmem:$0xF10]  }
0x345: {  	v24 =	vld [tilespmem:$0xF90]  }
0x346: {  	v25 =	vld [tilespmem:$0x1010]  }
0x347: {  	v26 =	vld [tilespmem:$0x1090]  }
0x348: {  	v27 =	vld [tilespmem:$0x1110]  }
0x349: {  	v28 =	vld [tilespmem:$0x1190]  }
0x34a: {  	v29 =	vld [tilespmem:$0x1210]  }
0x34b: {  	v30 =	vld [tilespmem:$0x1290]  }
0x34c: {  	v31 =	vld [tilespmem:$0x1310]  }
0x34d: {  	v32 =	vld [tilespmem:$0x1390]  }
0x34e: {  	v33 =	vld [tilespmem:$0xC20]  }
0x34f: {  	v34 =	vld [tilespmem:$0xCA0]  }
0x350: {  	v35 =	vld [tilespmem:$0xD20]  }
0x351: {  	v36 =	vld [tilespmem:$0xDA0]  }
0x352: {  	v37 =	vld [tilespmem:$0xE20]  }
0x353: {  	v38 =	vld [tilespmem:$0xEA0]  }
0x354: {  	v39 =	vld [tilespmem:$0xF20]  }
0x355: {  	v1 =	vadd.s32 v1, v2;
	v2 =	vld [tilespmem:$0xFA0]  }
0x356: {  	v33 =	vadd.s32 v33, v34;
	v34 =	vld [tilespmem:$0xEB0];
	v1 =	vadd.s32 v3, v1  }
0x357: {  	v3 =	vld [tilespmem:$0x1020];
	v1 =	vadd.s32 v4, v1  }
0x358: {  	v4 =	vld [tilespmem:$0x10A0];
	v1 =	vadd.s32 v5, v1  }
0x359: {  	v5 =	vld [tilespmem:$0x1120];
	v1 =	vadd.s32 v6, v1  }
0x35a: {  	v6 =	vld [tilespmem:$0x11A0];
	v1 =	vadd.s32 v7, v1  }
0x35b: {  	v7 =	vld [tilespmem:$0x1220];
	v1 =	vadd.s32 v8, v1  }
0x35c: {  	v8 =	vld [tilespmem:$0x12A0];
	v1 =	vadd.s32 v9, v1  }
0x35d: {  	v9 =	vld [tilespmem:$0x1320];
	v1 =	vadd.s32 v10, v1  }
0x35e: {  	v1 =	vadd.s32 v11, v1;
	v11 =	vld [tilespmem:$0xC30]  }
0x35f: {  	v1 =	vadd.s32 v12, v1;
	v12 =	vld [tilespmem:$0xCB0]  }
0x360: {  	v1 =	vadd.s32 v13, v1;
	v13 =	vld [tilespmem:$0xD30]  }
0x361: {  	v1 =	vadd.s32 v14, v1;
	v14 =	vld [tilespmem:$0xDB0]  }
0x362: {  	v1 =	vadd.s32 v15, v1;
	v15 =	vadd.s32 v17, v18;
	v17 =	vld [tilespmem:$0xE30]  }
0x363: {  	v10 =	vld [tilespmem:$0x13A0];
	v1 =	vadd.s32 v16, v1;
	v15 =	vadd.s32 v19, v15  }
0x364: {  	v16 =	vadd.s32 v35, v33;
	v35 =	vld [tilespmem:$0xF30];
	v15 =	vadd.s32 v20, v15;
	v11 =	vadd.s32 v11, v12  }
0x365: {  	v16 =	vadd.s32 v36, v16;
	v15 =	vadd.s32 v21, v15;
	v11 =	vadd.s32 v13, v11;
	v21 =	vld [tilespmem:$0xFB0]  }
0x366: {  	v16 =	vadd.s32 v37, v16;
	v15 =	vadd.s32 v22, v15;
	v11 =	vadd.s32 v14, v11;
	v22 =	vld [tilespmem:$0x1030]  }
0x367: {  	v16 =	vadd.s32 v38, v16;
	v15 =	vadd.s32 v23, v15;
	v11 =	vadd.s32 v17, v11;
	v23 =	vld [tilespmem:$0x10B0]  }
0x368: {  	v16 =	vadd.s32 v39, v16;
	v15 =	vadd.s32 v24, v15;
	v11 =	vadd.s32 v34, v11;
	v24 =	vld [tilespmem:$0x1130]  }
0x369: {  	v33 =	vld [tilespmem:$0x11B0];
	v2 =	vadd.s32 v2, v16;
	v15 =	vadd.s32 v25, v15;
	v11 =	vadd.s32 v35, v11  }
0x36a: {  	v34 =	vld [tilespmem:$0x1230];
	v2 =	vadd.s32 v3, v2;
	v15 =	vadd.s32 v26, v15;
	v3 =	vadd.s32 v21, v11  }
0x36b: {  	v36 =	vld [tilespmem:$0x12B0];
	v2 =	vadd.s32 v4, v2;
	v35 =	vadd.s32 v27, v15;
	v3 =	vadd.s32 v22, v3  }
0x36c: {  	[tilespmem:$0x1440] =	vst v0;
	v37 =	vld [tilespmem:$0x1330];
	v2 =	vadd.s32 v5, v2;
	v13 =	vadd.s32 v28, v35;
	v3 =	vadd.s32 v23, v3  }
0x36d: {  	[tilespmem:$0x1450] =	vst v0;
	v38 =	vld [tilespmem:$0x13B0];
	v2 =	vadd.s32 v6, v2;
	v13 =	vadd.s32 v29, v13;
	v3 =	vadd.s32 v24, v3  }
0x36e: {  	[tilespmem:$0x1460] =	vst v0;
	v2 =	vadd.s32 v7, v2;
	v13 =	vadd.s32 v30, v13;
	v3 =	vadd.s32 v33, v3  }
0x36f: {  	[tilespmem:$0x1470] =	vst v0;
	v2 =	vadd.s32 v8, v2;
	v39 =	vadd.s32 v31, v13;
	v3 =	vadd.s32 v34, v3  }
0x370: {  	[tilespmem:$0x1400] =	vst v1;
	v2 =	vadd.s32 v9, v2;
	v1 =	vadd.s32 v32, v39;
	v3 =	vadd.s32 v36, v3  }
0x371: {  	[tilespmem:$0x1410] =	vst v1;
	v1 =	vadd.s32 v10, v2;
	v2 =	vadd.s32 v37, v3  }
0x372: {  	[tilespmem:$0x1420] =	vst v1;
	v1 =	vadd.s32 v38, v2  }
0x373: {  	[tilespmem:$0x1430] =	vst v1  }
0x374: {  	[bflag:$0x0] =	sbarrier.arrive $0xFFFF  }
0x375: {  	[spmem:s5] =	stream.linear.scatter [tilespmem:s31], [sflag:$0x1], $0x80, $0x38;
	[tilespmem:$0x7480] =	vst v63  }
.Ltmp4:
0x376: {  	_ =	swait.ge [sflag:s29], $0x80;
	(pc) =	sbr.rel @p1 .LBB2_7-.Ltmp4, $3  }
0x377: {  	[sflag:s29] =	ssyncset.done $0x0  }
0x378: {  	[sflag:s29] =	ssyncadd.s32 $0xFFFFFF80  }
0x379: {  	[bflag:$0x0] =	sbarrier.arrive $0xFFFF;
	_ =	sdelay $0x1  }
0x37a: {  	s2 =	rddreg [dreg:$0x1];
	s28 =	simm.s32 $0x1480  }
0x37b: {  	[tilespmem:s28], [sflag:$0x1] =	stream.linear.gather [spmem:s2], $0x40, $0x38;
	[tilespmem:$0x7480] =	vst v63  }
0x37c: {  	_ =	swait.ge [sflag:s29], $0x40  }
0x37d: {  	[sflag:s29] =	ssyncset.done $0x0  }
0x37e: {  	s28 =	simm.s32 $0x1500;
	s2 =	rddreg [dreg:$0x6];
	[sflag:s29] =	ssyncadd.s32 $0xFFFFFFC0  }
0x37f: {  	[tilespmem:s28], [sflag:$0x1] =	stream.linear.gather [spmem:s2], $0x40, $0x38;
	[tilespmem:$0x7480] =	vst v63  }
0x380: {  	_ =	swait.ge [sflag:s29], $0x40  }
0x381: {  	[sflag:s29] =	ssyncset.done $0x0  }
0x382: {  	s28 =	simm.s32 $0x1580;
	s2 =	rddreg [dreg:$0x7];
	[sflag:s29] =	ssyncadd.s32 $0xFFFFFFC0  }
0x383: {  	[tilespmem:s28], [sflag:$0x1] =	stream.linear.gather [spmem:s2], $0x40, $0x38;
	[tilespmem:$0x7480] =	vst v63  }
0x384: {  	_ =	swait.ge [sflag:s29], $0x40  }
0x385: {  	[sflag:s29] =	ssyncset.done $0x0  }
0x386: {  	s28 =	simm.s32 $0x1600;
	s2 =	rddreg [dreg:$0x8];
	[sflag:s29] =	ssyncadd.s32 $0xFFFFFFC0  }
0x387: {  	[tilespmem:s28], [sflag:$0x1] =	stream.linear.gather [spmem:s2], $0x40, $0x38;
	[tilespmem:$0x7480] =	vst v63  }
0x388: {  	_ =	swait.ge [sflag:s29], $0x40  }
0x389: {  	[sflag:s29] =	ssyncset.done $0x0  }
0x38a: {  	s28 =	simm.s32 $0x1680;
	s2 =	rddreg [dreg:$0x9];
	[sflag:s29] =	ssyncadd.s32 $0xFFFFFFC0  }
0x38b: {  	[tilespmem:s28], [sflag:$0x1] =	stream.linear.gather [spmem:s2], $0x40, $0x38;
	[tilespmem:$0x7480] =	vst v63  }
0x38c: {  	_ =	swait.ge [sflag:s29], $0x40  }
0x38d: {  	[sflag:s29] =	ssyncset.done $0x0  }
0x38e: {  	s28 =	simm.s32 $0x1700;
	s2 =	rddreg [dreg:$0xa];
	[sflag:s29] =	ssyncadd.s32 $0xFFFFFFC0  }
0x38f: {  	[tilespmem:s28], [sflag:$0x1] =	stream.linear.gather [spmem:s2], $0x40, $0x38;
	[tilespmem:$0x7480] =	vst v63  }
0x390: {  	_ =	swait.ge [sflag:s29], $0x40  }
0x391: {  	[sflag:s29] =	ssyncset.done $0x0  }
0x392: {  	s28 =	simm.s32 $0x1780;
	s2 =	rddreg [dreg:$0xb];
	[sflag:s29] =	ssyncadd.s32 $0xFFFFFFC0  }
0x393: {  	[tilespmem:s28], [sflag:$0x1] =	stream.linear.gather [spmem:s2], $0x40, $0x38;
	[tilespmem:$0x7480] =	vst v63  }
0x394: {  	_ =	swait.ge [sflag:s29], $0x40  }
0x395: {  	[sflag:s29] =	ssyncset.done $0x0  }
0x396: {  	s28 =	simm.s32 $0x1800;
	s2 =	rddreg [dreg:$0xc];
	[sflag:s29] =	ssyncadd.s32 $0xFFFFFFC0  }
0x397: {  	[tilespmem:s28], [sflag:$0x1] =	stream.linear.gather [spmem:s2], $0x40, $0x38;
	[tilespmem:$0x7480] =	vst v63  }
0x398: {  	_ =	swait.ge [sflag:s29], $0x40  }
0x399: {  	[sflag:s29] =	ssyncset.done $0x0  }
0x39a: {  	s28 =	simm.s32 $0x1880;
	s2 =	rddreg [dreg:$0xd];
	[sflag:s29] =	ssyncadd.s32 $0xFFFFFFC0  }
0x39b: {  	[tilespmem:s28], [sflag:$0x1] =	stream.linear.gather [spmem:s2], $0x40, $0x38;
	[tilespmem:$0x7480] =	vst v63  }
0x39c: {  	_ =	swait.ge [sflag:s29], $0x40  }
0x39d: {  	[sflag:s29] =	ssyncset.done $0x0  }
0x39e: {  	s28 =	simm.s32 $0x1900;
	s2 =	rddreg [dreg:$0xe];
	[sflag:s29] =	ssyncadd.s32 $0xFFFFFFC0  }
0x39f: {  	[tilespmem:s28], [sflag:$0x1] =	stream.linear.gather [spmem:s2], $0x40, $0x38;
	[tilespmem:$0x7480] =	vst v63  }
0x3a0: {  	_ =	swait.ge [sflag:s29], $0x40  }
0x3a1: {  	[sflag:s29] =	ssyncset.done $0x0  }
0x3a2: {  	s28 =	simm.s32 $0x1980;
	s2 =	rddreg [dreg:$0xf];
	[sflag:s29] =	ssyncadd.s32 $0xFFFFFFC0  }
0x3a3: {  	[tilespmem:s28], [sflag:$0x1] =	stream.linear.gather [spmem:s2], $0x40, $0x38;
	[tilespmem:$0x7480] =	vst v63  }
0x3a4: {  	_ =	swait.ge [sflag:s29], $0x40  }
0x3a5: {  	[sflag:s29] =	ssyncset.done $0x0  }
0x3a6: {  	s28 =	simm.s32 $0x1A00;
	s2 =	rddreg [dreg:$0x10];
	[sflag:s29] =	ssyncadd.s32 $0xFFFFFFC0  }
0x3a7: {  	[tilespmem:s28], [sflag:$0x1] =	stream.linear.gather [spmem:s2], $0x40, $0x38;
	[tilespmem:$0x7480] =	vst v63  }
0x3a8: {  	_ =	swait.ge [sflag:s29], $0x40  }
0x3a9: {  	[sflag:s29] =	ssyncset.done $0x0  }
0x3aa: {  	s28 =	simm.s32 $0x1A80;
	s2 =	rddreg [dreg:$0x11];
	[sflag:s29] =	ssyncadd.s32 $0xFFFFFFC0  }
0x3ab: {  	[tilespmem:s28], [sflag:$0x1] =	stream.linear.gather [spmem:s2], $0x40, $0x38;
	[tilespmem:$0x7480] =	vst v63  }
0x3ac: {  	_ =	swait.ge [sflag:s29], $0x40  }
0x3ad: {  	[sflag:s29] =	ssyncset.done $0x0  }
0x3ae: {  	s28 =	simm.s32 $0x1B00;
	s2 =	rddreg [dreg:$0x12];
	[sflag:s29] =	ssyncadd.s32 $0xFFFFFFC0  }
0x3af: {  	[tilespmem:s28], [sflag:$0x1] =	stream.linear.gather [spmem:s2], $0x40, $0x38;
	[tilespmem:$0x7480] =	vst v63  }
0x3b0: {  	_ =	swait.ge [sflag:s29], $0x40  }
0x3b1: {  	[sflag:s29] =	ssyncset.done $0x0  }
0x3b2: {  	s28 =	simm.s32 $0x1B80;
	s2 =	rddreg [dreg:$0x13];
	[sflag:s29] =	ssyncadd.s32 $0xFFFFFFC0  }
0x3b3: {  	[tilespmem:s28], [sflag:$0x1] =	stream.linear.gather [spmem:s2], $0x40, $0x38;
	[tilespmem:$0x7480] =	vst v63  }
0x3b4: {  	_ =	swait.ge [sflag:s29], $0x40  }
0x3b5: {  	[sflag:s29] =	ssyncset.done $0x0  }
0x3b6: {  	s28 =	simm.s32 $0x1C00;
	s2 =	rddreg [dreg:$0x14];
	[sflag:s29] =	ssyncadd.s32 $0xFFFFFFC0  }
0x3b7: {  	[tilespmem:s28], [sflag:$0x1] =	stream.linear.gather [spmem:s2], $0x40, $0x38;
	[tilespmem:$0x7480] =	vst v63  }
0x3b8: {  	_ =	swait.ge [sflag:s29], $0x40  }
0x3b9: {  	[sflag:s29] =	ssyncset.done $0x0  }
0x3ba: {  	s28 =	rddreg [dreg:$0x4];
	[sflag:s29] =	ssyncadd.s32 $0xFFFFFFC0  }
0x3bb: {  	[tilespmem:s26], [sflag:$0x1] =	stream.linear.gather [hbm4b:s28+s25], $0x5000, $0x38;
	[tilespmem:$0x7480] =	vst v63  }
0x3bc: {  	_ =	swait.ge [sflag:s29], $0x5000  }
0x3bd: {  	[sflag:s29] =	ssyncset.done $0x0  }
0x3be: {  	[sflag:s29] =	ssyncadd.s32 $0xFFFFB000  }
0x3bf: {  	v1 =	vld [tilespmem:$0x1480];
	_ =	sdelay $0x5  }
0x3c0: {  	v2 =	vld [tilespmem:$0x1490];
	_ =	sdelay $0x1  }
0x3c1: {  	v1 =	vld.idx.msk [tilespmem:v1+s26+$0x0], $0xffff;
	_ =	sdelay $0x3  }
0x3c2: {  	v3 =	vld [tilespmem:$0x14A0]  }
0x3c3: {  	[tilespmem:$0x6C80] =	vst v1  }
0x3c4: {  	v1 =	vld.idx.msk [tilespmem:v2+s26+$0x0], $0xffff;
	_ =	sdelay $0x3  }
0x3c5: {  	v2 =	vld [tilespmem:$0x14B0]  }
0x3c6: {  	[tilespmem:$0x6C90] =	vst v1  }
0x3c7: {  	v1 =	vld.idx.msk [tilespmem:v3+s26+$0x0], $0xffff;
	_ =	sdelay $0x3  }
0x3c8: {  	v3 =	vld [tilespmem:$0x1500]  }
0x3c9: {  	[tilespmem:$0x6CA0] =	vst v1  }
0x3ca: {  	v1 =	vld.idx.msk [tilespmem:v2+s26+$0x0], $0xffff;
	_ =	sdelay $0x3  }
0x3cb: {  	v2 =	vld [tilespmem:$0x1510]  }
0x3cc: {  	[tilespmem:$0x6CB0] =	vst v1  }
0x3cd: {  	v1 =	vld.idx.msk [tilespmem:v3+s26+$0x0], $0xffff;
	_ =	sdelay $0x3  }
0x3ce: {  	v3 =	vld [tilespmem:$0x1520]  }
0x3cf: {  	[tilespmem:$0x6CC0] =	vst v1  }
0x3d0: {  	v1 =	vld.idx.msk [tilespmem:v2+s26+$0x0], $0xffff;
	_ =	sdelay $0x3  }
0x3d1: {  	v2 =	vld [tilespmem:$0x1530]  }
0x3d2: {  	[tilespmem:$0x6CD0] =	vst v1  }
0x3d3: {  	v1 =	vld.idx.msk [tilespmem:v3+s26+$0x0], $0xffff;
	_ =	sdelay $0x3  }
0x3d4: {  	v3 =	vld [tilespmem:$0x1580]  }
0x3d5: {  	[tilespmem:$0x6CE0] =	vst v1  }
0x3d6: {  	v1 =	vld.idx.msk [tilespmem:v2+s26+$0x0], $0xffff;
	_ =	sdelay $0x3  }
0x3d7: {  	v2 =	vld [tilespmem:$0x1590]  }
0x3d8: {  	[tilespmem:$0x6CF0] =	vst v1  }
0x3d9: {  	v1 =	vld.idx.msk [tilespmem:v3+s26+$0x0], $0xffff;
	_ =	sdelay $0x3  }
0x3da: {  	v3 =	vld [tilespmem:$0x15A0]  }
0x3db: {  	[tilespmem:$0x6D00] =	vst v1  }
0x3dc: {  	v1 =	vld.idx.msk [tilespmem:v2+s26+$0x0], $0xffff;
	_ =	sdelay $0x3  }
0x3dd: {  	v2 =	vld [tilespmem:$0x15B0]  }
0x3de: {  	[tilespmem:$0x6D10] =	vst v1  }
0x3df: {  	v1 =	vld.idx.msk [tilespmem:v3+s26+$0x0], $0xffff;
	_ =	sdelay $0x3  }
0x3e0: {  	v3 =	vld [tilespmem:$0x1600]  }
0x3e1: {  	[tilespmem:$0x6D20] =	vst v1  }
0x3e2: {  	v1 =	vld.idx.msk [tilespmem:v2+s26+$0x0], $0xffff;
	_ =	sdelay $0x3  }
0x3e3: {  	v2 =	vld [tilespmem:$0x1610]  }
0x3e4: {  	[tilespmem:$0x6D30] =	vst v1  }
0x3e5: {  	v1 =	vld.idx.msk [tilespmem:v3+s26+$0x0], $0xffff;
	_ =	sdelay $0x3  }
0x3e6: {  	v3 =	vld [tilespmem:$0x1620]  }
0x3e7: {  	[tilespmem:$0x6D40] =	vst v1  }
0x3e8: {  	v1 =	vld.idx.msk [tilespmem:v2+s26+$0x0], $0xffff;
	_ =	sdelay $0x3  }
0x3e9: {  	v2 =	vld [tilespmem:$0x1630]  }
0x3ea: {  	[tilespmem:$0x6D50] =	vst v1  }
0x3eb: {  	v1 =	vld.idx.msk [tilespmem:v3+s26+$0x0], $0xffff;
	_ =	sdelay $0x3  }
0x3ec: {  	v3 =	vld [tilespmem:$0x1680]  }
0x3ed: {  	[tilespmem:$0x6D60] =	vst v1  }
0x3ee: {  	v1 =	vld.idx.msk [tilespmem:v2+s26+$0x0], $0xffff;
	_ =	sdelay $0x3  }
0x3ef: {  	v2 =	vld [tilespmem:$0x1690]  }
0x3f0: {  	[tilespmem:$0x6D70] =	vst v1  }
0x3f1: {  	v1 =	vld.idx.msk [tilespmem:v3+s26+$0x0], $0xffff;
	_ =	sdelay $0x3  }
0x3f2: {  	v3 =	vld [tilespmem:$0x16A0]  }
0x3f3: {  	[tilespmem:$0x6D80] =	vst v1  }
0x3f4: {  	v1 =	vld.idx.msk [tilespmem:v2+s26+$0x0], $0xffff;
	_ =	sdelay $0x3  }
0x3f5: {  	v2 =	vld [tilespmem:$0x16B0]  }
0x3f6: {  	[tilespmem:$0x6D90] =	vst v1  }
0x3f7: {  	v1 =	vld.idx.msk [tilespmem:v3+s26+$0x0], $0xffff;
	_ =	sdelay $0x3  }
0x3f8: {  	v3 =	vld [tilespmem:$0x1700]  }
0x3f9: {  	[tilespmem:$0x6DA0] =	vst v1  }
0x3fa: {  	v1 =	vld.idx.msk [tilespmem:v2+s26+$0x0], $0xffff;
	_ =	sdelay $0x3  }
0x3fb: {  	v2 =	vld [tilespmem:$0x1710]  }
0x3fc: {  	[tilespmem:$0x6DB0] =	vst v1  }
0x3fd: {  	v1 =	vld.idx.msk [tilespmem:v3+s26+$0x0], $0xffff;
	_ =	sdelay $0x3  }
0x3fe: {  	v3 =	vld [tilespmem:$0x1720]  }
0x3ff: {  	[tilespmem:$0x6DC0] =	vst v1  }
0x400: {  	v1 =	vld.idx.msk [tilespmem:v2+s26+$0x0], $0xffff;
	_ =	sdelay $0x3  }
0x401: {  	v2 =	vld [tilespmem:$0x1730]  }
0x402: {  	[tilespmem:$0x6DD0] =	vst v1  }
0x403: {  	v1 =	vld.idx.msk [tilespmem:v3+s26+$0x0], $0xffff;
	_ =	sdelay $0x3  }
0x404: {  	v3 =	vld [tilespmem:$0x1780]  }
0x405: {  	[tilespmem:$0x6DE0] =	vst v1  }
0x406: {  	v1 =	vld.idx.msk [tilespmem:v2+s26+$0x0], $0xffff;
	_ =	sdelay $0x3  }
0x407: {  	v2 =	vld [tilespmem:$0x1790]  }
0x408: {  	[tilespmem:$0x6DF0] =	vst v1  }
0x409: {  	v1 =	vld.idx.msk [tilespmem:v3+s26+$0x0], $0xffff;
	_ =	sdelay $0x3  }
0x40a: {  	v3 =	vld [tilespmem:$0x17A0]  }
0x40b: {  	[tilespmem:$0x6E00] =	vst v1  }
0x40c: {  	v1 =	vld.idx.msk [tilespmem:v2+s26+$0x0], $0xffff;
	_ =	sdelay $0x3  }
0x40d: {  	v2 =	vld [tilespmem:$0x17B0]  }
0x40e: {  	[tilespmem:$0x6E10] =	vst v1  }
0x40f: {  	v1 =	vld.idx.msk [tilespmem:v3+s26+$0x0], $0xffff;
	_ =	sdelay $0x3  }
0x410: {  	v3 =	vld [tilespmem:$0x1800]  }
0x411: {  	[tilespmem:$0x6E20] =	vst v1  }
0x412: {  	v1 =	vld.idx.msk [tilespmem:v2+s26+$0x0], $0xffff;
	_ =	sdelay $0x3  }
0x413: {  	v2 =	vld [tilespmem:$0x1810]  }
0x414: {  	[tilespmem:$0x6E30] =	vst v1  }
0x415: {  	v1 =	vld.idx.msk [tilespmem:v3+s26+$0x0], $0xffff;
	_ =	sdelay $0x3  }
0x416: {  	v3 =	vld [tilespmem:$0x1820]  }
0x417: {  	[tilespmem:$0x6E40] =	vst v1  }
0x418: {  	v1 =	vld.idx.msk [tilespmem:v2+s26+$0x0], $0xffff;
	_ =	sdelay $0x3  }
0x419: {  	v2 =	vld [tilespmem:$0x1830]  }
0x41a: {  	[tilespmem:$0x6E50] =	vst v1  }
0x41b: {  	v1 =	vld.idx.msk [tilespmem:v3+s26+$0x0], $0xffff;
	_ =	sdelay $0x3  }
0x41c: {  	v3 =	vld [tilespmem:$0x1880]  }
0x41d: {  	[tilespmem:$0x6E60] =	vst v1  }
0x41e: {  	v1 =	vld.idx.msk [tilespmem:v2+s26+$0x0], $0xffff;
	_ =	sdelay $0x3  }
0x41f: {  	v2 =	vld [tilespmem:$0x1890]  }
0x420: {  	[tilespmem:$0x6E70] =	vst v1  }
0x421: {  	v1 =	vld.idx.msk [tilespmem:v3+s26+$0x0], $0xffff;
	_ =	sdelay $0x3  }
0x422: {  	v3 =	vld [tilespmem:$0x18A0]  }
0x423: {  	[tilespmem:$0x6E80] =	vst v1  }
0x424: {  	v1 =	vld.idx.msk [tilespmem:v2+s26+$0x0], $0xffff;
	_ =	sdelay $0x3  }
0x425: {  	v2 =	vld [tilespmem:$0x18B0]  }
0x426: {  	[tilespmem:$0x6E90] =	vst v1  }
0x427: {  	v1 =	vld.idx.msk [tilespmem:v3+s26+$0x0], $0xffff;
	_ =	sdelay $0x3  }
0x428: {  	v3 =	vld [tilespmem:$0x1900]  }
0x429: {  	[tilespmem:$0x6EA0] =	vst v1  }
0x42a: {  	v1 =	vld.idx.msk [tilespmem:v2+s26+$0x0], $0xffff;
	_ =	sdelay $0x3  }
0x42b: {  	v2 =	vld [tilespmem:$0x1910]  }
0x42c: {  	[tilespmem:$0x6EB0] =	vst v1  }
0x42d: {  	v1 =	vld.idx.msk [tilespmem:v3+s26+$0x0], $0xffff;
	_ =	sdelay $0x3  }
0x42e: {  	v3 =	vld [tilespmem:$0x1920]  }
0x42f: {  	[tilespmem:$0x6EC0] =	vst v1  }
0x430: {  	v1 =	vld.idx.msk [tilespmem:v2+s26+$0x0], $0xffff;
	_ =	sdelay $0x3  }
0x431: {  	v2 =	vld [tilespmem:$0x1930]  }
0x432: {  	[tilespmem:$0x6ED0] =	vst v1  }
0x433: {  	v1 =	vld.idx.msk [tilespmem:v3+s26+$0x0], $0xffff;
	_ =	sdelay $0x3  }
0x434: {  	v3 =	vld [tilespmem:$0x1980]  }
0x435: {  	[tilespmem:$0x6EE0] =	vst v1  }
0x436: {  	v1 =	vld.idx.msk [tilespmem:v2+s26+$0x0], $0xffff;
	_ =	sdelay $0x3  }
0x437: {  	v2 =	vld [tilespmem:$0x1990]  }
0x438: {  	[tilespmem:$0x6EF0] =	vst v1  }
0x439: {  	v1 =	vld.idx.msk [tilespmem:v3+s26+$0x0], $0xffff;
	_ =	sdelay $0x3  }
0x43a: {  	v3 =	vld [tilespmem:$0x19A0]  }
0x43b: {  	[tilespmem:$0x6F00] =	vst v1  }
0x43c: {  	v1 =	vld.idx.msk [tilespmem:v2+s26+$0x0], $0xffff;
	_ =	sdelay $0x3  }
0x43d: {  	v2 =	vld [tilespmem:$0x19B0]  }
0x43e: {  	[tilespmem:$0x6F10] =	vst v1  }
0x43f: {  	v1 =	vld.idx.msk [tilespmem:v3+s26+$0x0], $0xffff;
	_ =	sdelay $0x3  }
0x440: {  	v3 =	vld [tilespmem:$0x1A00]  }
0x441: {  	[tilespmem:$0x6F20] =	vst v1  }
0x442: {  	v1 =	vld.idx.msk [tilespmem:v2+s26+$0x0], $0xffff;
	_ =	sdelay $0x3  }
0x443: {  	v2 =	vld [tilespmem:$0x1A10]  }
0x444: {  	[tilespmem:$0x6F30] =	vst v1  }
0x445: {  	v1 =	vld.idx.msk [tilespmem:v3+s26+$0x0], $0xffff;
	_ =	sdelay $0x3  }
0x446: {  	v3 =	vld [tilespmem:$0x1A20]  }
0x447: {  	[tilespmem:$0x6F40] =	vst v1  }
0x448: {  	v1 =	vld.idx.msk [tilespmem:v2+s26+$0x0], $0xffff;
	_ =	sdelay $0x3  }
0x449: {  	v2 =	vld [tilespmem:$0x1A30]  }
0x44a: {  	[tilespmem:$0x6F50] =	vst v1  }
0x44b: {  	v1 =	vld.idx.msk [tilespmem:v3+s26+$0x0], $0xffff;
	_ =	sdelay $0x3  }
0x44c: {  	v3 =	vld [tilespmem:$0x1A80]  }
0x44d: {  	[tilespmem:$0x6F60] =	vst v1  }
0x44e: {  	v1 =	vld.idx.msk [tilespmem:v2+s26+$0x0], $0xffff;
	_ =	sdelay $0x3  }
0x44f: {  	v2 =	vld [tilespmem:$0x1A90]  }
0x450: {  	[tilespmem:$0x6F70] =	vst v1  }
0x451: {  	v1 =	vld.idx.msk [tilespmem:v3+s26+$0x0], $0xffff;
	_ =	sdelay $0x3  }
0x452: {  	v3 =	vld [tilespmem:$0x1AA0]  }
0x453: {  	[tilespmem:$0x6F80] =	vst v1  }
0x454: {  	v1 =	vld.idx.msk [tilespmem:v2+s26+$0x0], $0xffff;
	_ =	sdelay $0x3  }
0x455: {  	v2 =	vld [tilespmem:$0x1AB0]  }
0x456: {  	[tilespmem:$0x6F90] =	vst v1  }
0x457: {  	v1 =	vld.idx.msk [tilespmem:v3+s26+$0x0], $0xffff;
	_ =	sdelay $0x3  }
0x458: {  	v3 =	vld [tilespmem:$0x1B00]  }
0x459: {  	[tilespmem:$0x6FA0] =	vst v1  }
0x45a: {  	v1 =	vld.idx.msk [tilespmem:v2+s26+$0x0], $0xffff;
	_ =	sdelay $0x3  }
0x45b: {  	v2 =	vld [tilespmem:$0x1B10]  }
0x45c: {  	[tilespmem:$0x6FB0] =	vst v1  }
0x45d: {  	v1 =	vld.idx.msk [tilespmem:v3+s26+$0x0], $0xffff;
	_ =	sdelay $0x3  }
0x45e: {  	v3 =	vld [tilespmem:$0x1B20]  }
0x45f: {  	[tilespmem:$0x6FC0] =	vst v1  }
0x460: {  	v1 =	vld.idx.msk [tilespmem:v2+s26+$0x0], $0xffff;
	_ =	sdelay $0x3  }
0x461: {  	v2 =	vld [tilespmem:$0x1B30]  }
0x462: {  	[tilespmem:$0x6FD0] =	vst v1  }
0x463: {  	v1 =	vld.idx.msk [tilespmem:v3+s26+$0x0], $0xffff;
	_ =	sdelay $0x3  }
0x464: {  	v3 =	vld [tilespmem:$0x1B80]  }
0x465: {  	[tilespmem:$0x6FE0] =	vst v1  }
0x466: {  	v1 =	vld.idx.msk [tilespmem:v2+s26+$0x0], $0xffff;
	_ =	sdelay $0x3  }
0x467: {  	v2 =	vld [tilespmem:$0x1B90]  }
0x468: {  	[tilespmem:$0x6FF0] =	vst v1  }
0x469: {  	v1 =	vld.idx.msk [tilespmem:v3+s26+$0x0], $0xffff;
	_ =	sdelay $0x3  }
0x46a: {  	v3 =	vld [tilespmem:$0x1BA0]  }
0x46b: {  	[tilespmem:$0x7000] =	vst v1  }
0x46c: {  	v1 =	vld.idx.msk [tilespmem:v2+s26+$0x0], $0xffff;
	_ =	sdelay $0x3  }
0x46d: {  	v2 =	vld [tilespmem:$0x1BB0]  }
0x46e: {  	[tilespmem:$0x7010] =	vst v1  }
0x46f: {  	v1 =	vld.idx.msk [tilespmem:v3+s26+$0x0], $0xffff;
	_ =	sdelay $0x3  }
0x470: {  	v3 =	vld [tilespmem:$0x1C00]  }
0x471: {  	[tilespmem:$0x7020] =	vst v1  }
0x472: {  	v1 =	vld.idx.msk [tilespmem:v2+s26+$0x0], $0xffff;
	_ =	sdelay $0x3  }
0x473: {  	v2 =	vld [tilespmem:$0x1C10]  }
0x474: {  	[tilespmem:$0x7030] =	vst v1  }
0x475: {  	v1 =	vld.idx.msk [tilespmem:v3+s26+$0x0], $0xffff;
	_ =	sdelay $0x3  }
0x476: {  	v3 =	vld [tilespmem:$0x1C20]  }
0x477: {  	[tilespmem:$0x7040] =	vst v1  }
0x478: {  	v1 =	vld.idx.msk [tilespmem:v2+s26+$0x0], $0xffff;
	_ =	sdelay $0x3  }
0x479: {  	v2 =	vld [tilespmem:$0x1C30]  }
0x47a: {  	[tilespmem:$0x7050] =	vst v1  }
0x47b: {  	v1 =	vld.idx.msk [tilespmem:v3+s26+$0x0], $0xffff;
	_ =	sdelay $0x4  }
0x47c: {  	[tilespmem:$0x7060] =	vst v1  }
0x47d: {  	v1 =	vld.idx.msk [tilespmem:v2+s26+$0x0], $0xffff;
	_ =	sdelay $0x4  }
.Ltmp5:
0x47e: {  	s28 =	simm.s32 $0x6C80;
	s2 =	rddreg [dreg:$0x5];
	[tilespmem:$0x7070] =	vst v1;
	(pc) =	sbr.rel .LBB2_7-.Ltmp5, $4  }
0x47f: {  	[hbm4b:s2+s25] =	stream.linear.scatter [tilespmem:s28], [sflag:$0x1], $0x400, $0x38;
	[tilespmem:$0x7480] =	vst v63  }
0x480: {  	_ =	swait.ge [sflag:s29], $0x400  }
0x481: {  	[sflag:s29] =	ssyncset.done $0x0  }
0x482: {  	[sflag:s29] =	ssyncadd.s32 $0xFFFFFC00  }
.LBB2_8:
0x483: {  	_ =	sfence.sel $0x180000  }
0x484: {  	[bflag:$0x0] =	sbarrier.arrive $0xFFFF  }
0x485: {  	_ =	strace $0x90000047  }
0x486: {  	s0 =	stileid.u32;
	[bflag:$0x2] =	sbarrier.arrive $0xFFFF  }
0x487: {  	p0 =	sne.s32 s0, $0x0;
	s0 =	rddreg [dreg:$0x2]  }
0x488: {  	s0 =	sadd.s32 @!p0 $0x100000, s0  }
0x489: {  	[sflag:s0] =	ssyncadd.tile.s32 @!p0 $0x1;
	_ =	shalt  }
.Lfunc_end2:
_tile_overlayer_lowered:
.L_overlay_start_2:
0x48a: {  	(tag) =	ssettag $0x2  }
0x48b: {  	s0 =	rddreg [dreg:$0x0];
	s2 =	stileid.u32  }
0x48c: {  	s1 =	rddreg [dreg:$0x1];
	p0 =	sne.s32 s2, $0x0  }
0x48d: {  	s3 =	rddreg [dreg:$0x2];
	[bflag:$0x3] =	sbarrier.arrive $0xFFFF;
	s2 =	simm.s32 @!p0 $0x1C01  }
0x48e: {  	[timem:s3], [sflag:s2] =	dma.local @!p0 [hbm:s0], s1  }
0x48f: {  	s0 =	simm.s32 @!p0 $0x1  }
0x490: {  	_ =	swait.ge @!p0 [sflag:s0], s1  }
0x491: {  	s1 =	ssub.s32 @!p0 $0x0, s1;
	[sflag:s0] =	ssyncset.done @!p0 $0x0  }
0x492: {  	[sflag:s0] =	ssyncadd.s32 @!p0 s1  }
0x493: {  	[bflag:$0x3] =	sbarrier.arrive $0xFFFF  }
0x494: {  	_ =	shalt  }

</sc_bundles>
